<compile_context>
chip_gen: v7x
topology: tpu7x:2x2x1
jax: 0.10.2.dev20260603
libtpu: 0.0.44.dev20260713+nightly
codegen_flags: <defaults>
</compile_context>

<pallas_src>
import functools

import jax
import jax.numpy as jnp
from jax import lax
from jax.experimental import pallas as pl
from jax.experimental.pallas import tpu as pltpu
from jax.experimental.pallas import tpu_sc as plsc

VOCAB1 = 100001
D = 64
DP = 128
B, L = 4096, 50
LP = 56
NP = B * LP
NC, NS = 2, 16
NW = NC * NS
PER_W = NP // NW
IR_PER_W = PER_W // DP
CH = 256
GPC = CH // DP
NCH = PER_W // CH


def _gather_grid(table_hbm, idx_hbm, out_hbm, idx_v, rows_v, g0, g1, w0, w1):
    wid = lax.axis_index("s") * NC + lax.axis_index("c")
    base = wid * PER_W
    irbase = wid * IR_PER_W
    gsem = (g0, g1)
    wsem = (w0, w1)

    pltpu.sync_copy(idx_hbm.at[pl.ds(irbase, IR_PER_W)], idx_v)

    def start_gathers(j, b):
        return [
            pltpu.async_copy(
                table_hbm.at[idx_v.at[j * GPC + k]],
                rows_v.at[b].at[pl.ds(k * DP, DP)],
                gsem[b],
            )
            for k in range(GPC)
        ]

    def start_writeback(j, b):
        return pltpu.async_copy(
            rows_v.at[b],
            out_hbm.at[pl.ds(base + j * CH, CH)],
            wsem[b],
        )

    gh = [None] * NCH
    wh = [None] * NCH
    gh[0] = start_gathers(0, 0)
    for j in range(NCH):
        b = j % 2
        for h in gh[j]:
            h.wait()
        wh[j] = start_writeback(j, b)
        if j + 1 < NCH:
            if j >= 1:
                wh[j - 1].wait()
            gh[j + 1] = start_gathers(j + 1, 1 - b)
    wh[NCH - 2].wait()
    wh[NCH - 1].wait()


def kernel(indices, vectors):
    table = jnp.pad(vectors, ((0, 0), (0, DP - D)))
    idx = jnp.pad(indices.astype(jnp.int32), ((0, 0), (0, LP - L)))
    idx = idx.reshape(NP // DP, DP)
    mesh = plsc.VectorSubcoreMesh(core_axis_name="c", subcore_axis_name="s")
    run = functools.partial(
        pl.kernel,
        mesh=mesh,
        out_type=jax.ShapeDtypeStruct((NP, DP), jnp.float32),
        scratch_types=[
            pltpu.VMEM((IR_PER_W, DP), jnp.int32),
            pltpu.VMEM((2, CH, DP), jnp.float32),
            pltpu.SemaphoreType.DMA,
            pltpu.SemaphoreType.DMA,
            pltpu.SemaphoreType.DMA,
            pltpu.SemaphoreType.DMA,
        ],
    )(_gather_grid)
    out = run(table, idx)
    return out.reshape(B, LP, DP)[:, :L, :D]

# --- scband reference (transcript-rebuilt; emitter-appended) ---
"""Pipeline reference for scband-word-vectors-18330920419354 (READ-ONLY COPY).

The authoritative reference and input builder live on the scoring server;
editing this copy changes nothing except your own understanding.
"""

import jax, jax.numpy as jnp
import numpy as np

VOCAB = 100000  # words
D = 64          # embed dim
B, L = 4096, 50


def setup_inputs(seed: int = 0) -> dict:
    key = jax.random.key(seed)
    k_tab, k_unk, k_idx = jax.random.split(key, 3)
    # word vectors table (vocab rows)
    table = jax.random.normal(k_tab, (VOCAB, D), dtype=jnp.float32)
    # UNK vector: randn, normalized (as in __init__)
    unk = jax.random.normal(k_unk, (D,), dtype=jnp.float32)
    unk = unk / jnp.linalg.norm(unk)
    vectors = jnp.concatenate([table, unk[None, :]], axis=0)  # [VOCAB+1, D]
    # pre-resolved word indices (indices_of output); values in [0, VOCAB] where VOCAB==unk_index
    indices = jax.random.randint(k_idx, (B, L), 0, VOCAB + 1, dtype=jnp.int64)
    return {"indices": indices, "vectors": vectors}


def reference(indices, vectors):
    # embed_words: self.vectors[indices]
    return jnp.take(vectors, indices, axis=0)

if __name__ == "__main__":
    import jax
    _d = setup_inputs()
    print(jax.jit(kernel)(*tuple(_d.values())))

</pallas_src>

<mosaic_0001>
#map = affine_map<(d0, d1) -> (0, 0)>
module attributes {stable_mosaic.version = 14 : i64} {
  func.func @_gather_grid(%arg0: i32, %arg1: i32, %arg2: memref<100001x128xf32, #tpu.memory_space<hbm>>, %arg3: memref<1792x128xi32, #tpu.memory_space<hbm>>, %arg4: memref<229376x128xf32, #tpu.memory_space<hbm>>, %arg5: memref<56x128xi32, #tpu.memory_space<vmem>>, %arg6: memref<2x256x128xf32, #tpu.memory_space<vmem>>, %arg7: memref<!tpu.dma_semaphore, #tpu.memory_space<semaphore_mem>>, %arg8: memref<!tpu.dma_semaphore, #tpu.memory_space<semaphore_mem>>, %arg9: memref<!tpu.dma_semaphore, #tpu.memory_space<semaphore_mem>>, %arg10: memref<!tpu.dma_semaphore, #tpu.memory_space<semaphore_mem>>) attributes {dimension_semantics = [#tpu.dimension_semantics<core_parallel>, #tpu.dimension_semantics<subcore_parallel>], iteration_bounds = array<i64: 2, 16>, scalar_prefetch = 0 : i64, scratch_operands = 6 : i64, tpu.core_type = #tpu.core_type<sc_vector_subcore>, window_params = [{transform_indices = #map}, {transform_indices = #map}, {transform_indices = #map}]} {
    %mul3A = arith.constant 2 : i32
    %mul3A_0 = arith.muli %arg1, %mul3A : i32
    %add3A = arith.addi %mul3A_0, %arg0 : i32
    %mul3A_1 = arith.constant 7168 : i32
    %mul3A_2 = arith.muli %add3A, %mul3A_1 : i32
    %mul3A_3 = arith.constant 56 : i32
    %mul3A_4 = arith.muli %add3A, %mul3A_3 : i32
    "tpu.region"() ({
      %run_scoped3A = tpu.sem_alloc : memref<!tpu.dma_semaphore, #tpu.memory_space<semaphore_mem>>
      %dma_start3A_2467 = arith.constant 0 : i32
      %dma_start3A_2468 = tpu.memref_slice %arg3[%mul3A_4, %dma_start3A_2467] : memref<1792x128xi32, #tpu.memory_space<hbm>> -> memref<56x128xi32, #tpu.memory_space<hbm>>
      %dma_start3A_2469 = arith.constant 0 : i32
      %dma_start3A_2470 = tpu.memref_slice %arg3[%mul3A_4, %dma_start3A_2469] : memref<1792x128xi32, #tpu.memory_space<hbm>> -> memref<56x128xi32, #tpu.memory_space<hbm>>
      tpu.enqueue_dma source(%dma_start3A_2470 : memref<56x128xi32, #tpu.memory_space<hbm>>) target(%arg5 : memref<56x128xi32, #tpu.memory_space<vmem>>) target_semaphore(%run_scoped3A : memref<!tpu.dma_semaphore, #tpu.memory_space<semaphore_mem>>)
      %dma_wait3A_2471 = arith.constant 0 : i32
      %dma_wait3A_2472 = tpu.memref_slice %arg3[%mul3A_4, %dma_wait3A_2471] : memref<1792x128xi32, #tpu.memory_space<hbm>> -> memref<56x128xi32, #tpu.memory_space<hbm>>
      %dma_wait3A_2473 = arith.constant 0 : i32
      %dma_wait3A_2474 = tpu.memref_slice %arg3[%mul3A_4, %dma_wait3A_2473] : memref<1792x128xi32, #tpu.memory_space<hbm>> -> memref<56x128xi32, #tpu.memory_space<hbm>>
      tpu.wait_dma2 semaphore(%run_scoped3A : memref<!tpu.dma_semaphore, #tpu.memory_space<semaphore_mem>>) src(%dma_wait3A_2474 : memref<56x128xi32, #tpu.memory_space<hbm>>) dst(%arg5 : memref<56x128xi32, #tpu.memory_space<vmem>>)
      tpu.yield
    }) : () -> ()
    %dma_start3A = arith.constant 0 : i32
    %dma_start3A_5 = arith.constant 0 : i32
    %dma_start3A_6 = arith.constant 0 : i32
    %dma_start3A_7 = arith.constant 0 : i32
    %dma_start3A_8 = tpu.memref_slice %arg6[%dma_start3A_5, %dma_start3A_6, %dma_start3A_7] : memref<2x256x128xf32, #tpu.memory_space<vmem>> -> memref<1x256x128xf32, #tpu.memory_space<vmem>>
    %dma_start3A_9 = tpu.memref_squeeze %dma_start3A_8 : memref<1x256x128xf32, #tpu.memory_space<vmem>> -> memref<256x128xf32, #tpu.memory_space<vmem>>
    %dma_start3A_10 = arith.constant 0 : i32
    %dma_start3A_11 = arith.constant 0 : i32
    %dma_start3A_12 = tpu.memref_slice %dma_start3A_9[%dma_start3A_10, %dma_start3A_11] : memref<256x128xf32, #tpu.memory_space<vmem>> -> memref<128x128xf32, #tpu.memory_space<vmem>>
    %dma_start3A_13 = arith.constant 0 : i32
    %dma_start3A_14 = tpu.memref_slice %arg5[%dma_start3A, %dma_start3A_13] : memref<56x128xi32, #tpu.memory_space<vmem>> -> memref<1x128xi32, #tpu.memory_space<vmem>>
    %dma_start3A_15 = tpu.memref_squeeze %dma_start3A_14 : memref<1x128xi32, #tpu.memory_space<vmem>> -> memref<128xi32, #tpu.memory_space<vmem>>
    %dma_start3A_16 = arith.constant 0 : i32
    %dma_start3A_17 = arith.constant 0 : i32
    %dma_start3A_18 = tpu.memref_slice %arg2[%dma_start3A_16, %dma_start3A_17] : memref<100001x128xf32, #tpu.memory_space<hbm>> -> memref<100001x128xf32, #tpu.memory_space<hbm>>
    tpu.enqueue_indirect_dma source(%dma_start3A_18 : memref<100001x128xf32, #tpu.memory_space<hbm>>) target(%dma_start3A_12 : memref<128x128xf32, #tpu.memory_space<vmem>>) offsets(%dma_start3A_15 : memref<128xi32, #tpu.memory_space<vmem>>) semaphore(%arg7 : memref<!tpu.dma_semaphore, #tpu.memory_space<semaphore_mem>>)
    %dma_start3A_19 = arith.constant 1 : i32
    %dma_start3A_20 = arith.constant 0 : i32
    %dma_start3A_21 = arith.constant 0 : i32
    %dma_start3A_22 = arith.constant 0 : i32
    %dma_start3A_23 = tpu.memref_slice %arg6[%dma_start3A_20, %dma_start3A_21, %dma_start3A_22] : memref<2x256x128xf32, #tpu.memory_space<vmem>> -> memref<1x256x128xf32, #tpu.memory_space<vmem>>
    %dma_start3A_24 = tpu.memref_squeeze %dma_start3A_23 : memref<1x256x128xf32, #tpu.memory_space<vmem>> -> memref<256x128xf32, #tpu.memory_space<vmem>>
    %dma_start3A_25 = arith.constant 128 : i32
    %dma_start3A_26 = arith.constant 0 : i32
    %dma_start3A_27 = tpu.memref_slice %dma_start3A_24[%dma_start3A_25, %dma_start3A_26] : memref<256x128xf32, #tpu.memory_space<vmem>> -> memref<128x128xf32, #tpu.memory_space<vmem>>
    %dma_start3A_28 = arith.constant 0 : i32
    %dma_start3A_29 = tpu.memref_slice %arg5[%dma_start3A_19, %dma_start3A_28] : memref<56x128xi32, #tpu.memory_space<vmem>> -> memref<1x128xi32, #tpu.memory_space<vmem>>
    %dma_start3A_30 = tpu.memref_squeeze %dma_start3A_29 : memref<1x128xi32, #tpu.memory_space<vmem>> -> memref<128xi32, #tpu.memory_space<vmem>>
    %dma_start3A_31 = arith.constant 0 : i32
    %dma_start3A_32 = arith.constant 0 : i32
    %dma_start3A_33 = tpu.memref_slice %arg2[%dma_start3A_31, %dma_start3A_32] : memref<100001x128xf32, #tpu.memory_space<hbm>> -> memref<100001x128xf32, #tpu.memory_space<hbm>>
    tpu.enqueue_indirect_dma source(%dma_start3A_33 : memref<100001x128xf32, #tpu.memory_space<hbm>>) target(%dma_start3A_27 : memref<128x128xf32, #tpu.memory_space<vmem>>) offsets(%dma_start3A_30 : memref<128xi32, #tpu.memory_space<vmem>>) semaphore(%arg7 : memref<!tpu.dma_semaphore, #tpu.memory_space<semaphore_mem>>)
    %dma_wait3A = arith.constant 0 : i32
    %dma_wait3A_34 = arith.constant 0 : i32
    %dma_wait3A_35 = arith.constant 0 : i32
    %dma_wait3A_36 = arith.constant 0 : i32
    %dma_wait3A_37 = tpu.memref_slice %arg6[%dma_wait3A_34, %dma_wait3A_35, %dma_wait3A_36] : memref<2x256x128xf32, #tpu.memory_space<vmem>> -> memref<1x256x128xf32, #tpu.memory_space<vmem>>
    %dma_wait3A_38 = tpu.memref_squeeze %dma_wait3A_37 : memref<1x256x128xf32, #tpu.memory_space<vmem>> -> memref<256x128xf32, #tpu.memory_space<vmem>>
    %dma_wait3A_39 = arith.constant 0 : i32
    %dma_wait3A_40 = arith.constant 0 : i32
    %dma_wait3A_41 = tpu.memref_slice %dma_wait3A_38[%dma_wait3A_39, %dma_wait3A_40] : memref<256x128xf32, #tpu.memory_space<vmem>> -> memref<128x128xf32, #tpu.memory_space<vmem>>
    %dma_wait3A_42 = arith.constant 0 : i32
    %dma_wait3A_43 = tpu.memref_slice %arg5[%dma_wait3A, %dma_wait3A_42] : memref<56x128xi32, #tpu.memory_space<vmem>> -> memref<1x128xi32, #tpu.memory_space<vmem>>
    %dma_wait3A_44 = tpu.memref_squeeze %dma_wait3A_43 : memref<1x128xi32, #tpu.memory_space<vmem>> -> memref<128xi32, #tpu.memory_space<vmem>>
    %dma_wait3A_45 = arith.constant 0 : i32
    %dma_wait3A_46 = arith.constant 0 : i32
    %dma_wait3A_47 = tpu.memref_slice %arg2[%dma_wait3A_45, %dma_wait3A_46] : memref<100001x128xf32, #tpu.memory_space<hbm>> -> memref<100001x128xf32, #tpu.memory_space<hbm>>
    tpu.wait_indirect_dma semaphore(%arg7 : memref<!tpu.dma_semaphore, #tpu.memory_space<semaphore_mem>>) src(%dma_wait3A_47 : memref<100001x128xf32, #tpu.memory_space<hbm>>) dst(%dma_wait3A_41 : memref<128x128xf32, #tpu.memory_space<vmem>>)
    %dma_wait3A_48 = arith.constant 1 : i32
    %dma_wait3A_49 = arith.constant 0 : i32
    %dma_wait3A_50 = arith.constant 0 : i32
    %dma_wait3A_51 = arith.constant 0 : i32
    %dma_wait3A_52 = tpu.memref_slice %arg6[%dma_wait3A_49, %dma_wait3A_50, %dma_wait3A_51] : memref<2x256x128xf32, #tpu.memory_space<vmem>> -> memref<1x256x128xf32, #tpu.memory_space<vmem>>
    %dma_wait3A_53 = tpu.memref_squeeze %dma_wait3A_52 : memref<1x256x128xf32, #tpu.memory_space<vmem>> -> memref<256x128xf32, #tpu.memory_space<vmem>>
    %dma_wait3A_54 = arith.constant 128 : i32
    %dma_wait3A_55 = arith.constant 0 : i32
    %dma_wait3A_56 = tpu.memref_slice %dma_wait3A_53[%dma_wait3A_54, %dma_wait3A_55] : memref<256x128xf32, #tpu.memory_space<vmem>> -> memref<128x128xf32, #tpu.memory_space<vmem>>
    %dma_wait3A_57 = arith.constant 0 : i32
    %dma_wait3A_58 = tpu.memref_slice %arg5[%dma_wait3A_48, %dma_wait3A_57] : memref<56x128xi32, #tpu.memory_space<vmem>> -> memref<1x128xi32, #tpu.memory_space<vmem>>
    %dma_wait3A_59 = tpu.memref_squeeze %dma_wait3A_58 : memref<1x128xi32, #tpu.memory_space<vmem>> -> memref<128xi32, #tpu.memory_space<vmem>>
    %dma_wait3A_60 = arith.constant 0 : i32
    %dma_wait3A_61 = arith.constant 0 : i32
    %dma_wait3A_62 = tpu.memref_slice %arg2[%dma_wait3A_60, %dma_wait3A_61] : memref<100001x128xf32, #tpu.memory_space<hbm>> -> memref<100001x128xf32, #tpu.memory_space<hbm>>
    tpu.wait_indirect_dma semaphore(%arg7 : memref<!tpu.dma_semaphore, #tpu.memory_space<semaphore_mem>>) src(%dma_wait3A_62 : memref<100001x128xf32, #tpu.memory_space<hbm>>) dst(%dma_wait3A_56 : memref<128x128xf32, #tpu.memory_space<vmem>>)
    %add3A_63 = arith.constant 0 : i32
    %add3A_64 = arith.addi %mul3A_2, %add3A_63 : i32
    %dma_start3A_65 = arith.constant 0 : i32
    %dma_start3A_66 = arith.constant 0 : i32
    %dma_start3A_67 = arith.constant 0 : i32
    %dma_start3A_68 = tpu.memref_slice %arg6[%dma_start3A_65, %dma_start3A_66, %dma_start3A_67] : memref<2x256x128xf32, #tpu.memory_space<vmem>> -> memref<1x256x128xf32, #tpu.memory_space<vmem>>
    %dma_start3A_69 = tpu.memref_squeeze %dma_start3A_68 : memref<1x256x128xf32, #tpu.memory_space<vmem>> -> memref<256x128xf32, #tpu.memory_space<vmem>>
    %dma_start3A_70 = arith.constant 0 : i32
    %dma_start3A_71 = tpu.memref_slice %arg4[%add3A_64, %dma_start3A_70] : memref<229376x128xf32, #tpu.memory_space<hbm>> -> memref<256x128xf32, #tpu.memory_space<hbm>>
    %dma_start3A_72 = arith.constant 0 : i32
    %dma_start3A_73 = tpu.memref_slice %arg4[%add3A_64, %dma_start3A_72] : memref<229376x128xf32, #tpu.memory_space<hbm>> -> memref<256x128xf32, #tpu.memory_space<hbm>>
    %dma_start3A_74 = arith.constant 0 : i32
    %dma_start3A_75 = arith.constant 0 : i32
    %dma_start3A_76 = tpu.memref_slice %arg6[%dma_start3A_65, %dma_start3A_74, %dma_start3A_75] : memref<2x256x128xf32, #tpu.memory_space<vmem>> -> memref<1x256x128xf32, #tpu.memory_space<vmem>>
    %dma_start3A_77 = tpu.memref_squeeze %dma_start3A_76 : memref<1x256x128xf32, #tpu.memory_space<vmem>> -> memref<256x128xf32, #tpu.memory_space<vmem>>
    tpu.enqueue_dma source(%dma_start3A_77 : memref<256x128xf32, #tpu.memory_space<vmem>>) target(%dma_start3A_73 : memref<256x128xf32, #tpu.memory_space<hbm>>) target_semaphore(%arg9 : memref<!tpu.dma_semaphore, #tpu.memory_space<semaphore_mem>>)
    %dma_start3A_78 = arith.constant 2 : i32
    %dma_start3A_79 = arith.constant 1 : i32
    %dma_start3A_80 = arith.constant 0 : i32
    %dma_start3A_81 = arith.constant 0 : i32
    %dma_start3A_82 = tpu.memref_slice %arg6[%dma_start3A_79, %dma_start3A_80, %dma_start3A_81] : memref<2x256x128xf32, #tpu.memory_space<vmem>> -> memref<1x256x128xf32, #tpu.memory_space<vmem>>
    %dma_start3A_83 = tpu.memref_squeeze %dma_start3A_82 : memref<1x256x128xf32, #tpu.memory_space<vmem>> -> memref<256x128xf32, #tpu.memory_space<vmem>>
    %dma_start3A_84 = arith.constant 0 : i32
    %dma_start3A_85 = arith.constant 0 : i32
    %dma_start3A_86 = tpu.memref_slice %dma_start3A_83[%dma_start3A_84, %dma_start3A_85] : memref<256x128xf32, #tpu.memory_space<vmem>> -> memref<128x128xf32, #tpu.memory_space<vmem>>
    %dma_start3A_87 = arith.constant 0 : i32
    %dma_start3A_88 = tpu.memref_slice %arg5[%dma_start3A_78, %dma_start3A_87] : memref<56x128xi32, #tpu.memory_space<vmem>> -> memref<1x128xi32, #tpu.memory_space<vmem>>
    %dma_start3A_89 = tpu.memref_squeeze %dma_start3A_88 : memref<1x128xi32, #tpu.memory_space<vmem>> -> memref<128xi32, #tpu.memory_space<vmem>>
    %dma_start3A_90 = arith.constant 0 : i32
    %dma_start3A_91 = arith.constant 0 : i32
    %dma_start3A_92 = tpu.memref_slice %arg2[%dma_start3A_90, %dma_start3A_91] : memref<100001x128xf32, #tpu.memory_space<hbm>> -> memref<100001x128xf32, #tpu.memory_space<hbm>>
    tpu.enqueue_indirect_dma source(%dma_start3A_92 : memref<100001x128xf32, #tpu.memory_space<hbm>>) target(%dma_start3A_86 : memref<128x128xf32, #tpu.memory_space<vmem>>) offsets(%dma_start3A_89 : memref<128xi32, #tpu.memory_space<vmem>>) semaphore(%arg8 : memref<!tpu.dma_semaphore, #tpu.memory_space<semaphore_mem>>)
    %dma_start3A_93 = arith.constant 3 : i32
    %dma_start3A_94 = arith.constant 1 : i32
    %dma_start3A_95 = arith.constant 0 : i32
    %dma_start3A_96 = arith.constant 0 : i32
    %dma_start3A_97 = tpu.memref_slice %arg6[%dma_start3A_94, %dma_start3A_95, %dma_start3A_96] : memref<2x256x128xf32, #tpu.memory_space<vmem>> -> memref<1x256x128xf32, #tpu.memory_space<vmem>>
    %dma_start3A_98 = tpu.memref_squeeze %dma_start3A_97 : memref<1x256x128xf32, #tpu.memory_space<vmem>> -> memref<256x128xf32, #tpu.memory_space<vmem>>
    %dma_start3A_99 = arith.constant 128 : i32
    %dma_start3A_100 = arith.constant 0 : i32
    %dma_start3A_101 = tpu.memref_slice %dma_start3A_98[%dma_start3A_99, %dma_start3A_100] : memref<256x128xf32, #tpu.memory_space<vmem>> -> memref<128x128xf32, #tpu.memory_space<vmem>>
    %dma_start3A_102 = arith.constant 0 : i32
    %dma_start3A_103 = tpu.memref_slice %arg5[%dma_start3A_93, %dma_start3A_102] : memref<56x128xi32, #tpu.memory_space<vmem>> -> memref<1x128xi32, #tpu.memory_space<vmem>>
    %dma_start3A_104 = tpu.memref_squeeze %dma_start3A_103 : memref<1x128xi32, #tpu.memory_space<vmem>> -> memref<128xi32, #tpu.memory_space<vmem>>
    %dma_start3A_105 = arith.constant 0 : i32
    %dma_start3A_106 = arith.constant 0 : i32
    %dma_start3A_107 = tpu.memref_slice %arg2[%dma_start3A_105, %dma_start3A_106] : memref<100001x128xf32, #tpu.memory_space<hbm>> -> memref<100001x128xf32, #tpu.memory_space<hbm>>
    tpu.enqueue_indirect_dma source(%dma_start3A_107 : memref<100001x128xf32, #tpu.memory_space<hbm>>) target(%dma_start3A_101 : memref<128x128xf32, #tpu.memory_space<vmem>>) offsets(%dma_start3A_104 : memref<128xi32, #tpu.memory_space<vmem>>) semaphore(%arg8 : memref<!tpu.dma_semaphore, #tpu.memory_space<semaphore_mem>>)
    %dma_wait3A_108 = arith.constant 2 : i32
    %dma_wait3A_109 = arith.constant 1 : i32
    %dma_wait3A_110 = arith.constant 0 : i32
    %dma_wait3A_111 = arith.constant 0 : i32
    %dma_wait3A_112 = tpu.memref_slice %arg6[%dma_wait3A_109, %dma_wait3A_110, %dma_wait3A_111] : memref<2x256x128xf32, #tpu.memory_space<vmem>> -> memref<1x256x128xf32, #tpu.memory_space<vmem>>
    %dma_wait3A_113 = tpu.memref_squeeze %dma_wait3A_112 : memref<1x256x128xf32, #tpu.memory_space<vmem>> -> memref<256x128xf32, #tpu.memory_space<vmem>>
    %dma_wait3A_114 = arith.constant 0 : i32
    %dma_wait3A_115 = arith.constant 0 : i32
    %dma_wait3A_116 = tpu.memref_slice %dma_wait3A_113[%dma_wait3A_114, %dma_wait3A_115] : memref<256x128xf32, #tpu.memory_space<vmem>> -> memref<128x128xf32, #tpu.memory_space<vmem>>
    %dma_wait3A_117 = arith.constant 0 : i32
    %dma_wait3A_118 = tpu.memref_slice %arg5[%dma_wait3A_108, %dma_wait3A_117] : memref<56x128xi32, #tpu.memory_space<vmem>> -> memref<1x128xi32, #tpu.memory_space<vmem>>
    %dma_wait3A_119 = tpu.memref_squeeze %dma_wait3A_118 : memref<1x128xi32, #tpu.memory_space<vmem>> -> memref<128xi32, #tpu.memory_space<vmem>>
    %dma_wait3A_120 = arith.constant 0 : i32
    %dma_wait3A_121 = arith.constant 0 : i32
    %dma_wait3A_122 = tpu.memref_slice %arg2[%dma_wait3A_120, %dma_wait3A_121] : memref<100001x128xf32, #tpu.memory_space<hbm>> -> memref<100001x128xf32, #tpu.memory_space<hbm>>
    tpu.wait_indirect_dma semaphore(%arg8 : memref<!tpu.dma_semaphore, #tpu.memory_space<semaphore_mem>>) src(%dma_wait3A_122 : memref<100001x128xf32, #tpu.memory_space<hbm>>) dst(%dma_wait3A_116 : memref<128x128xf32, #tpu.memory_space<vmem>>)
    %dma_wait3A_123 = arith.constant 3 : i32
    %dma_wait3A_124 = arith.constant 1 : i32
    %dma_wait3A_125 = arith.constant 0 : i32
    %dma_wait3A_126 = arith.constant 0 : i32
    %dma_wait3A_127 = tpu.memref_slice %arg6[%dma_wait3A_124, %dma_wait3A_125, %dma_wait3A_126] : memref<2x256x128xf32, #tpu.memory_space<vmem>> -> memref<1x256x128xf32, #tpu.memory_space<vmem>>
    %dma_wait3A_128 = tpu.memref_squeeze %dma_wait3A_127 : memref<1x256x128xf32, #tpu.memory_space<vmem>> -> memref<256x128xf32, #tpu.memory_space<vmem>>
    %dma_wait3A_129 = arith.constant 128 : i32
    %dma_wait3A_130 = arith.constant 0 : i32
    %dma_wait3A_131 = tpu.memref_slice %dma_wait3A_128[%dma_wait3A_129, %dma_wait3A_130] : memref<256x128xf32, #tpu.memory_space<vmem>> -> memref<128x128xf32, #tpu.memory_space<vmem>>
    %dma_wait3A_132 = arith.constant 0 : i32
    %dma_wait3A_133 = tpu.memref_slice %arg5[%dma_wait3A_123, %dma_wait3A_132] : memref<56x128xi32, #tpu.memory_space<vmem>> -> memref<1x128xi32, #tpu.memory_space<vmem>>
    %dma_wait3A_134 = tpu.memref_squeeze %dma_wait3A_133 : memref<1x128xi32, #tpu.memory_space<vmem>> -> memref<128xi32, #tpu.memory_space<vmem>>
    %dma_wait3A_135 = arith.constant 0 : i32
    %dma_wait3A_136 = arith.constant 0 : i32
    %dma_wait3A_137 = tpu.memref_slice %arg2[%dma_wait3A_135, %dma_wait3A_136] : memref<100001x128xf32, #tpu.memory_space<hbm>> -> memref<100001x128xf32, #tpu.memory_space<hbm>>
    tpu.wait_indirect_dma semaphore(%arg8 : memref<!tpu.dma_semaphore, #tpu.memory_space<semaphore_mem>>) src(%dma_wait3A_137 : memref<100001x128xf32, #tpu.memory_space<hbm>>) dst(%dma_wait3A_131 : memref<128x128xf32, #tpu.memory_space<vmem>>)
    %add3A_138 = arith.constant 256 : i32
    %add3A_139 = arith.addi %mul3A_2, %add3A_138 : i32
    %dma_start3A_140 = arith.constant 1 : i32
    %dma_start3A_141 = arith.constant 0 : i32
    %dma_start3A_142 = arith.constant 0 : i32
    %dma_start3A_143 = tpu.memref_slice %arg6[%dma_start3A_140, %dma_start3A_141, %dma_start3A_142] : memref<2x256x128xf32, #tpu.memory_space<vmem>> -> memref<1x256x128xf32, #tpu.memory_space<vmem>>
    %dma_start3A_144 = tpu.memref_squeeze %dma_start3A_143 : memref<1x256x128xf32, #tpu.memory_space<vmem>> -> memref<256x128xf32, #tpu.memory_space<vmem>>
    %dma_start3A_145 = arith.constant 0 : i32
    %dma_start3A_146 = tpu.memref_slice %arg4[%add3A_139, %dma_start3A_145] : memref<229376x128xf32, #tpu.memory_space<hbm>> -> memref<256x128xf32, #tpu.memory_space<hbm>>
    %dma_start3A_147 = arith.constant 0 : i32
    %dma_start3A_148 = tpu.memref_slice %arg4[%add3A_139, %dma_start3A_147] : memref<229376x128xf32, #tpu.memory_space<hbm>> -> memref<256x128xf32, #tpu.memory_space<hbm>>
    %dma_start3A_149 = arith.constant 0 : i32
    %dma_start3A_150 = arith.constant 0 : i32
    %dma_start3A_151 = tpu.memref_slice %arg6[%dma_start3A_140, %dma_start3A_149, %dma_start3A_150] : memref<2x256x128xf32, #tpu.memory_space<vmem>> -> memref<1x256x128xf32, #tpu.memory_space<vmem>>
    %dma_start3A_152 = tpu.memref_squeeze %dma_start3A_151 : memref<1x256x128xf32, #tpu.memory_space<vmem>> -> memref<256x128xf32, #tpu.memory_space<vmem>>
    tpu.enqueue_dma source(%dma_start3A_152 : memref<256x128xf32, #tpu.memory_space<vmem>>) target(%dma_start3A_148 : memref<256x128xf32, #tpu.memory_space<hbm>>) target_semaphore(%arg10 : memref<!tpu.dma_semaphore, #tpu.memory_space<semaphore_mem>>)
    %dma_wait3A_153 = arith.constant 0 : i32
    %dma_wait3A_154 = arith.constant 0 : i32
    %dma_wait3A_155 = arith.constant 0 : i32
    %dma_wait3A_156 = tpu.memref_slice %arg6[%dma_wait3A_153, %dma_wait3A_154, %dma_wait3A_155] : memref<2x256x128xf32, #tpu.memory_space<vmem>> -> memref<1x256x128xf32, #tpu.memory_space<vmem>>
    %dma_wait3A_157 = tpu.memref_squeeze %dma_wait3A_156 : memref<1x256x128xf32, #tpu.memory_space<vmem>> -> memref<256x128xf32, #tpu.memory_space<vmem>>
    %dma_wait3A_158 = arith.constant 0 : i32
    %dma_wait3A_159 = tpu.memref_slice %arg4[%add3A_64, %dma_wait3A_158] : memref<229376x128xf32, #tpu.memory_space<hbm>> -> memref<256x128xf32, #tpu.memory_space<hbm>>
    %dma_wait3A_160 = arith.constant 0 : i32
    %dma_wait3A_161 = tpu.memref_slice %arg4[%add3A_64, %dma_wait3A_160] : memref<229376x128xf32, #tpu.memory_space<hbm>> -> memref<256x128xf32, #tpu.memory_space<hbm>>
    %dma_wait3A_162 = arith.constant 0 : i32
    %dma_wait3A_163 = arith.constant 0 : i32
    %dma_wait3A_164 = tpu.memref_slice %arg6[%dma_wait3A_153, %dma_wait3A_162, %dma_wait3A_163] : memref<2x256x128xf32, #tpu.memory_space<vmem>> -> memref<1x256x128xf32, #tpu.memory_space<vmem>>
    %dma_wait3A_165 = tpu.memref_squeeze %dma_wait3A_164 : memref<1x256x128xf32, #tpu.memory_space<vmem>> -> memref<256x128xf32, #tpu.memory_space<vmem>>
    tpu.wait_dma2 semaphore(%arg9 : memref<!tpu.dma_semaphore, #tpu.memory_space<semaphore_mem>>) src(%dma_wait3A_165 : memref<256x128xf32, #tpu.memory_space<vmem>>) dst(%dma_wait3A_161 : memref<256x128xf32, #tpu.memory_space<hbm>>)
    %dma_start3A_166 = arith.constant 4 : i32
    %dma_start3A_167 = arith.constant 0 : i32
    %dma_start3A_168 = arith.constant 0 : i32
    %dma_start3A_169 = arith.constant 0 : i32
    %dma_start3A_170 = tpu.memref_slice %arg6[%dma_start3A_167, %dma_start3A_168, %dma_start3A_169] : memref<2x256x128xf32, #tpu.memory_space<vmem>> -> memref<1x256x128xf32, #tpu.memory_space<vmem>>
    %dma_start3A_171 = tpu.memref_squeeze %dma_start3A_170 : memref<1x256x128xf32, #tpu.memory_space<vmem>> -> memref<256x128xf32, #tpu.memory_space<vmem>>
    %dma_start3A_172 = arith.constant 0 : i32
    %dma_start3A_173 = arith.constant 0 : i32
    %dma_start3A_174 = tpu.memref_slice %dma_start3A_171[%dma_start3A_172, %dma_start3A_173] : memref<256x128xf32, #tpu.memory_space<vmem>> -> memref<128x128xf32, #tpu.memory_space<vmem>>
    %dma_start3A_175 = arith.constant 0 : i32
    %dma_start3A_176 = tpu.memref_slice %arg5[%dma_start3A_166, %dma_start3A_175] : memref<56x128xi32, #tpu.memory_space<vmem>> -> memref<1x128xi32, #tpu.memory_space<vmem>>
    %dma_start3A_177 = tpu.memref_squeeze %dma_start3A_176 : memref<1x128xi32, #tpu.memory_space<vmem>> -> memref<128xi32, #tpu.memory_space<vmem>>
    %dma_start3A_178 = arith.constant 0 : i32
    %dma_start3A_179 = arith.constant 0 : i32
    %dma_start3A_180 = tpu.memref_slice %arg2[%dma_start3A_178, %dma_start3A_179] : memref<100001x128xf32, #tpu.memory_space<hbm>> -> memref<100001x128xf32, #tpu.memory_space<hbm>>
    tpu.enqueue_indirect_dma source(%dma_start3A_180 : memref<100001x128xf32, #tpu.memory_space<hbm>>) target(%dma_start3A_174 : memref<128x128xf32, #tpu.memory_space<vmem>>) offsets(%dma_start3A_177 : memref<128xi32, #tpu.memory_space<vmem>>) semaphore(%arg7 : memref<!tpu.dma_semaphore, #tpu.memory_space<semaphore_mem>>)
    %dma_start3A_181 = arith.constant 5 : i32
    %dma_start3A_182 = arith.constant 0 : i32
    %dma_start3A_183 = arith.constant 0 : i32
    %dma_start3A_184 = arith.constant 0 : i32
    %dma_start3A_185 = tpu.memref_slice %arg6[%dma_start3A_182, %dma_start3A_183, %dma_start3A_184] : memref<2x256x128xf32, #tpu.memory_space<vmem>> -> memref<1x256x128xf32, #tpu.memory_space<vmem>>
    %dma_start3A_186 = tpu.memref_squeeze %dma_start3A_185 : memref<1x256x128xf32, #tpu.memory_space<vmem>> -> memref<256x128xf32, #tpu.memory_space<vmem>>
    %dma_start3A_187 = arith.constant 128 : i32
    %dma_start3A_188 = arith.constant 0 : i32
    %dma_start3A_189 = tpu.memref_slice %dma_start3A_186[%dma_start3A_187, %dma_start3A_188] : memref<256x128xf32, #tpu.memory_space<vmem>> -> memref<128x128xf32, #tpu.memory_space<vmem>>
    %dma_start3A_190 = arith.constant 0 : i32
    %dma_start3A_191 = tpu.memref_slice %arg5[%dma_start3A_181, %dma_start3A_190] : memref<56x128xi32, #tpu.memory_space<vmem>> -> memref<1x128xi32, #tpu.memory_space<vmem>>
    %dma_start3A_192 = tpu.memref_squeeze %dma_start3A_191 : memref<1x128xi32, #tpu.memory_space<vmem>> -> memref<128xi32, #tpu.memory_space<vmem>>
    %dma_start3A_193 = arith.constant 0 : i32
    %dma_start3A_194 = arith.constant 0 : i32
    %dma_start3A_195 = tpu.memref_slice %arg2[%dma_start3A_193, %dma_start3A_194] : memref<100001x128xf32, #tpu.memory_space<hbm>> -> memref<100001x128xf32, #tpu.memory_space<hbm>>
    tpu.enqueue_indirect_dma source(%dma_start3A_195 : memref<100001x128xf32, #tpu.memory_space<hbm>>) target(%dma_start3A_189 : memref<128x128xf32, #tpu.memory_space<vmem>>) offsets(%dma_start3A_192 : memref<128xi32, #tpu.memory_space<vmem>>) semaphore(%arg7 : memref<!tpu.dma_semaphore, #tpu.memory_space<semaphore_mem>>)
    %dma_wait3A_196 = arith.constant 4 : i32
    %dma_wait3A_197 = arith.constant 0 : i32
    %dma_wait3A_198 = arith.constant 0 : i32
    %dma_wait3A_199 = arith.constant 0 : i32
    %dma_wait3A_200 = tpu.memref_slice %arg6[%dma_wait3A_197, %dma_wait3A_198, %dma_wait3A_199] : memref<2x256x128xf32, #tpu.memory_space<vmem>> -> memref<1x256x128xf32, #tpu.memory_space<vmem>>
    %dma_wait3A_201 = tpu.memref_squeeze %dma_wait3A_200 : memref<1x256x128xf32, #tpu.memory_space<vmem>> -> memref<256x128xf32, #tpu.memory_space<vmem>>
    %dma_wait3A_202 = arith.constant 0 : i32
    %dma_wait3A_203 = arith.constant 0 : i32
    %dma_wait3A_204 = tpu.memref_slice %dma_wait3A_201[%dma_wait3A_202, %dma_wait3A_203] : memref<256x128xf32, #tpu.memory_space<vmem>> -> memref<128x128xf32, #tpu.memory_space<vmem>>
    %dma_wait3A_205 = arith.constant 0 : i32
    %dma_wait3A_206 = tpu.memref_slice %arg5[%dma_wait3A_196, %dma_wait3A_205] : memref<56x128xi32, #tpu.memory_space<vmem>> -> memref<1x128xi32, #tpu.memory_space<vmem>>
    %dma_wait3A_207 = tpu.memref_squeeze %dma_wait3A_206 : memref<1x128xi32, #tpu.memory_space<vmem>> -> memref<128xi32, #tpu.memory_space<vmem>>
    %dma_wait3A_208 = arith.constant 0 : i32
    %dma_wait3A_209 = arith.constant 0 : i32
    %dma_wait3A_210 = tpu.memref_slice %arg2[%dma_wait3A_208, %dma_wait3A_209] : memref<100001x128xf32, #tpu.memory_space<hbm>> -> memref<100001x128xf32, #tpu.memory_space<hbm>>
    tpu.wait_indirect_dma semaphore(%arg7 : memref<!tpu.dma_semaphore, #tpu.memory_space<semaphore_mem>>) src(%dma_wait3A_210 : memref<100001x128xf32, #tpu.memory_space<hbm>>) dst(%dma_wait3A_204 : memref<128x128xf32, #tpu.memory_space<vmem>>)
    %dma_wait3A_211 = arith.constant 5 : i32
    %dma_wait3A_212 = arith.constant 0 : i32
    %dma_wait3A_213 = arith.constant 0 : i32
    %dma_wait3A_214 = arith.constant 0 : i32
    %dma_wait3A_215 = tpu.memref_slice %arg6[%dma_wait3A_212, %dma_wait3A_213, %dma_wait3A_214] : memref<2x256x128xf32, #tpu.memory_space<vmem>> -> memref<1x256x128xf32, #tpu.memory_space<vmem>>
    %dma_wait3A_216 = tpu.memref_squeeze %dma_wait3A_215 : memref<1x256x128xf32, #tpu.memory_space<vmem>> -> memref<256x128xf32, #tpu.memory_space<vmem>>
    %dma_wait3A_217 = arith.constant 128 : i32
    %dma_wait3A_218 = arith.constant 0 : i32
    %dma_wait3A_219 = tpu.memref_slice %dma_wait3A_216[%dma_wait3A_217, %dma_wait3A_218] : memref<256x128xf32, #tpu.memory_space<vmem>> -> memref<128x128xf32, #tpu.memory_space<vmem>>
    %dma_wait3A_220 = arith.constant 0 : i32
    %dma_wait3A_221 = tpu.memref_slice %arg5[%dma_wait3A_211, %dma_wait3A_220] : memref<56x128xi32, #tpu.memory_space<vmem>> -> memref<1x128xi32, #tpu.memory_space<vmem>>
    %dma_wait3A_222 = tpu.memref_squeeze %dma_wait3A_221 : memref<1x128xi32, #tpu.memory_space<vmem>> -> memref<128xi32, #tpu.memory_space<vmem>>
    %dma_wait3A_223 = arith.constant 0 : i32
    %dma_wait3A_224 = arith.constant 0 : i32
    %dma_wait3A_225 = tpu.memref_slice %arg2[%dma_wait3A_223, %dma_wait3A_224] : memref<100001x128xf32, #tpu.memory_space<hbm>> -> memref<100001x128xf32, #tpu.memory_space<hbm>>
    tpu.wait_indirect_dma semaphore(%arg7 : memref<!tpu.dma_semaphore, #tpu.memory_space<semaphore_mem>>) src(%dma_wait3A_225 : memref<100001x128xf32, #tpu.memory_space<hbm>>) dst(%dma_wait3A_219 : memref<128x128xf32, #tpu.memory_space<vmem>>)
    %add3A_226 = arith.constant 512 : i32
    %add3A_227 = arith.addi %mul3A_2, %add3A_226 : i32
    %dma_start3A_228 = arith.constant 0 : i32
    %dma_start3A_229 = arith.constant 0 : i32
    %dma_start3A_230 = arith.constant 0 : i32
    %dma_start3A_231 = tpu.memref_slice %arg6[%dma_start3A_228, %dma_start3A_229, %dma_start3A_230] : memref<2x256x128xf32, #tpu.memory_space<vmem>> -> memref<1x256x128xf32, #tpu.memory_space<vmem>>
    %dma_start3A_232 = tpu.memref_squeeze %dma_start3A_231 : memref<1x256x128xf32, #tpu.memory_space<vmem>> -> memref<256x128xf32, #tpu.memory_space<vmem>>
    %dma_start3A_233 = arith.constant 0 : i32
    %dma_start3A_234 = tpu.memref_slice %arg4[%add3A_227, %dma_start3A_233] : memref<229376x128xf32, #tpu.memory_space<hbm>> -> memref<256x128xf32, #tpu.memory_space<hbm>>
    %dma_start3A_235 = arith.constant 0 : i32
    %dma_start3A_236 = tpu.memref_slice %arg4[%add3A_227, %dma_start3A_235] : memref<229376x128xf32, #tpu.memory_space<hbm>> -> memref<256x128xf32, #tpu.memory_space<hbm>>
    %dma_start3A_237 = arith.constant 0 : i32
    %dma_start3A_238 = arith.constant 0 : i32
    %dma_start3A_239 = tpu.memref_slice %arg6[%dma_start3A_228, %dma_start3A_237, %dma_start3A_238] : memref<2x256x128xf32, #tpu.memory_space<vmem>> -> memref<1x256x128xf32, #tpu.memory_space<vmem>>
    %dma_start3A_240 = tpu.memref_squeeze %dma_start3A_239 : memref<1x256x128xf32, #tpu.memory_space<vmem>> -> memref<256x128xf32, #tpu.memory_space<vmem>>
    tpu.enqueue_dma source(%dma_start3A_240 : memref<256x128xf32, #tpu.memory_space<vmem>>) target(%dma_start3A_236 : memref<256x128xf32, #tpu.memory_space<hbm>>) target_semaphore(%arg9 : memref<!tpu.dma_semaphore, #tpu.memory_space<semaphore_mem>>)
    %dma_wait3A_241 = arith.constant 1 : i32
    %dma_wait3A_242 = arith.constant 0 : i32
    %dma_wait3A_243 = arith.constant 0 : i32
    %dma_wait3A_244 = tpu.memref_slice %arg6[%dma_wait3A_241, %dma_wait3A_242, %dma_wait3A_243] : memref<2x256x128xf32, #tpu.memory_space<vmem>> -> memref<1x256x128xf32, #tpu.memory_space<vmem>>
    %dma_wait3A_245 = tpu.memref_squeeze %dma_wait3A_244 : memref<1x256x128xf32, #tpu.memory_space<vmem>> -> memref<256x128xf32, #tpu.memory_space<vmem>>
    %dma_wait3A_246 = arith.constant 0 : i32
    %dma_wait3A_247 = tpu.memref_slice %arg4[%add3A_139, %dma_wait3A_246] : memref<229376x128xf32, #tpu.memory_space<hbm>> -> memref<256x128xf32, #tpu.memory_space<hbm>>
    %dma_wait3A_248 = arith.constant 0 : i32
    %dma_wait3A_249 = tpu.memref_slice %arg4[%add3A_139, %dma_wait3A_248] : memref<229376x128xf32, #tpu.memory_space<hbm>> -> memref<256x128xf32, #tpu.memory_space<hbm>>
    %dma_wait3A_250 = arith.constant 0 : i32
    %dma_wait3A_251 = arith.constant 0 : i32
    %dma_wait3A_252 = tpu.memref_slice %arg6[%dma_wait3A_241, %dma_wait3A_250, %dma_wait3A_251] : memref<2x256x128xf32, #tpu.memory_space<vmem>> -> memref<1x256x128xf32, #tpu.memory_space<vmem>>
    %dma_wait3A_253 = tpu.memref_squeeze %dma_wait3A_252 : memref<1x256x128xf32, #tpu.memory_space<vmem>> -> memref<256x128xf32, #tpu.memory_space<vmem>>
    tpu.wait_dma2 semaphore(%arg10 : memref<!tpu.dma_semaphore, #tpu.memory_space<semaphore_mem>>) src(%dma_wait3A_253 : memref<256x128xf32, #tpu.memory_space<vmem>>) dst(%dma_wait3A_249 : memref<256x128xf32, #tpu.memory_space<hbm>>)
    %dma_start3A_254 = arith.constant 6 : i32
    %dma_start3A_255 = arith.constant 1 : i32
    %dma_start3A_256 = arith.constant 0 : i32
    %dma_start3A_257 = arith.constant 0 : i32
    %dma_start3A_258 = tpu.memref_slice %arg6[%dma_start3A_255, %dma_start3A_256, %dma_start3A_257] : memref<2x256x128xf32, #tpu.memory_space<vmem>> -> memref<1x256x128xf32, #tpu.memory_space<vmem>>
    %dma_start3A_259 = tpu.memref_squeeze %dma_start3A_258 : memref<1x256x128xf32, #tpu.memory_space<vmem>> -> memref<256x128xf32, #tpu.memory_space<vmem>>
    %dma_start3A_260 = arith.constant 0 : i32
    %dma_start3A_261 = arith.constant 0 : i32
    %dma_start3A_262 = tpu.memref_slice %dma_start3A_259[%dma_start3A_260, %dma_start3A_261] : memref<256x128xf32, #tpu.memory_space<vmem>> -> memref<128x128xf32, #tpu.memory_space<vmem>>
    %dma_start3A_263 = arith.constant 0 : i32
    %dma_start3A_264 = tpu.memref_slice %arg5[%dma_start3A_254, %dma_start3A_263] : memref<56x128xi32, #tpu.memory_space<vmem>> -> memref<1x128xi32, #tpu.memory_space<vmem>>
    %dma_start3A_265 = tpu.memref_squeeze %dma_start3A_264 : memref<1x128xi32, #tpu.memory_space<vmem>> -> memref<128xi32, #tpu.memory_space<vmem>>
    %dma_start3A_266 = arith.constant 0 : i32
    %dma_start3A_267 = arith.constant 0 : i32
    %dma_start3A_268 = tpu.memref_slice %arg2[%dma_start3A_266, %dma_start3A_267] : memref<100001x128xf32, #tpu.memory_space<hbm>> -> memref<100001x128xf32, #tpu.memory_space<hbm>>
    tpu.enqueue_indirect_dma source(%dma_start3A_268 : memref<100001x128xf32, #tpu.memory_space<hbm>>) target(%dma_start3A_262 : memref<128x128xf32, #tpu.memory_space<vmem>>) offsets(%dma_start3A_265 : memref<128xi32, #tpu.memory_space<vmem>>) semaphore(%arg8 : memref<!tpu.dma_semaphore, #tpu.memory_space<semaphore_mem>>)
    %dma_start3A_269 = arith.constant 7 : i32
    %dma_start3A_270 = arith.constant 1 : i32
    %dma_start3A_271 = arith.constant 0 : i32
    %dma_start3A_272 = arith.constant 0 : i32
    %dma_start3A_273 = tpu.memref_slice %arg6[%dma_start3A_270, %dma_start3A_271, %dma_start3A_272] : memref<2x256x128xf32, #tpu.memory_space<vmem>> -> memref<1x256x128xf32, #tpu.memory_space<vmem>>
    %dma_start3A_274 = tpu.memref_squeeze %dma_start3A_273 : memref<1x256x128xf32, #tpu.memory_space<vmem>> -> memref<256x128xf32, #tpu.memory_space<vmem>>
    %dma_start3A_275 = arith.constant 128 : i32
    %dma_start3A_276 = arith.constant 0 : i32
    %dma_start3A_277 = tpu.memref_slice %dma_start3A_274[%dma_start3A_275, %dma_start3A_276] : memref<256x128xf32, #tpu.memory_space<vmem>> -> memref<128x128xf32, #tpu.memory_space<vmem>>
    %dma_start3A_278 = arith.constant 0 : i32
    %dma_start3A_279 = tpu.memref_slice %arg5[%dma_start3A_269, %dma_start3A_278] : memref<56x128xi32, #tpu.memory_space<vmem>> -> memref<1x128xi32, #tpu.memory_space<vmem>>
    %dma_start3A_280 = tpu.memref_squeeze %dma_start3A_279 : memref<1x128xi32, #tpu.memory_space<vmem>> -> memref<128xi32, #tpu.memory_space<vmem>>
    %dma_start3A_281 = arith.constant 0 : i32
    %dma_start3A_282 = arith.constant 0 : i32
    %dma_start3A_283 = tpu.memref_slice %arg2[%dma_start3A_281, %dma_start3A_282] : memref<100001x128xf32, #tpu.memory_space<hbm>> -> memref<100001x128xf32, #tpu.memory_space<hbm>>
    tpu.enqueue_indirect_dma source(%dma_start3A_283 : memref<100001x128xf32, #tpu.memory_space<hbm>>) target(%dma_start3A_277 : memref<128x128xf32, #tpu.memory_space<vmem>>) offsets(%dma_start3A_280 : memref<128xi32, #tpu.memory_space<vmem>>) semaphore(%arg8 : memref<!tpu.dma_semaphore, #tpu.memory_space<semaphore_mem>>)
    %dma_wait3A_284 = arith.constant 6 : i32
    %dma_wait3A_285 = arith.constant 1 : i32
    %dma_wait3A_286 = arith.constant 0 : i32
    %dma_wait3A_287 = arith.constant 0 : i32
    %dma_wait3A_288 = tpu.memref_slice %arg6[%dma_wait3A_285, %dma_wait3A_286, %dma_wait3A_287] : memref<2x256x128xf32, #tpu.memory_space<vmem>> -> memref<1x256x128xf32, #tpu.memory_space<vmem>>
    %dma_wait3A_289 = tpu.memref_squeeze %dma_wait3A_288 : memref<1x256x128xf32, #tpu.memory_space<vmem>> -> memref<256x128xf32, #tpu.memory_space<vmem>>
    %dma_wait3A_290 = arith.constant 0 : i32
    %dma_wait3A_291 = arith.constant 0 : i32
    %dma_wait3A_292 = tpu.memref_slice %dma_wait3A_289[%dma_wait3A_290, %dma_wait3A_291] : memref<256x128xf32, #tpu.memory_space<vmem>> -> memref<128x128xf32, #tpu.memory_space<vmem>>
    %dma_wait3A_293 = arith.constant 0 : i32
    %dma_wait3A_294 = tpu.memref_slice %arg5[%dma_wait3A_284, %dma_wait3A_293] : memref<56x128xi32, #tpu.memory_space<vmem>> -> memref<1x128xi32, #tpu.memory_space<vmem>>
    %dma_wait3A_295 = tpu.memref_squeeze %dma_wait3A_294 : memref<1x128xi32, #tpu.memory_space<vmem>> -> memref<128xi32, #tpu.memory_space<vmem>>
    %dma_wait3A_296 = arith.constant 0 : i32
    %dma_wait3A_297 = arith.constant 0 : i32
    %dma_wait3A_298 = tpu.memref_slice %arg2[%dma_wait3A_296, %dma_wait3A_297] : memref<100001x128xf32, #tpu.memory_space<hbm>> -> memref<100001x128xf32, #tpu.memory_space<hbm>>
    tpu.wait_indirect_dma semaphore(%arg8 : memref<!tpu.dma_semaphore, #tpu.memory_space<semaphore_mem>>) src(%dma_wait3A_298 : memref<100001x128xf32, #tpu.memory_space<hbm>>) dst(%dma_wait3A_292 : memref<128x128xf32, #tpu.memory_space<vmem>>)
    %dma_wait3A_299 = arith.constant 7 : i32
    %dma_wait3A_300 = arith.constant 1 : i32
    %dma_wait3A_301 = arith.constant 0 : i32
    %dma_wait3A_302 = arith.constant 0 : i32
    %dma_wait3A_303 = tpu.memref_slice %arg6[%dma_wait3A_300, %dma_wait3A_301, %dma_wait3A_302] : memref<2x256x128xf32, #tpu.memory_space<vmem>> -> memref<1x256x128xf32, #tpu.memory_space<vmem>>
    %dma_wait3A_304 = tpu.memref_squeeze %dma_wait3A_303 : memref<1x256x128xf32, #tpu.memory_space<vmem>> -> memref<256x128xf32, #tpu.memory_space<vmem>>
    %dma_wait3A_305 = arith.constant 128 : i32
    %dma_wait3A_306 = arith.constant 0 : i32
    %dma_wait3A_307 = tpu.memref_slice %dma_wait3A_304[%dma_wait3A_305, %dma_wait3A_306] : memref<256x128xf32, #tpu.memory_space<vmem>> -> memref<128x128xf32, #tpu.memory_space<vmem>>
    %dma_wait3A_308 = arith.constant 0 : i32
    %dma_wait3A_309 = tpu.memref_slice %arg5[%dma_wait3A_299, %dma_wait3A_308] : memref<56x128xi32, #tpu.memory_space<vmem>> -> memref<1x128xi32, #tpu.memory_space<vmem>>
    %dma_wait3A_310 = tpu.memref_squeeze %dma_wait3A_309 : memref<1x128xi32, #tpu.memory_space<vmem>> -> memref<128xi32, #tpu.memory_space<vmem>>
    %dma_wait3A_311 = arith.constant 0 : i32
    %dma_wait3A_312 = arith.constant 0 : i32
    %dma_wait3A_313 = tpu.memref_slice %arg2[%dma_wait3A_311, %dma_wait3A_312] : memref<100001x128xf32, #tpu.memory_space<hbm>> -> memref<100001x128xf32, #tpu.memory_space<hbm>>
    tpu.wait_indirect_dma semaphore(%arg8 : memref<!tpu.dma_semaphore, #tpu.memory_space<semaphore_mem>>) src(%dma_wait3A_313 : memref<100001x128xf32, #tpu.memory_space<hbm>>) dst(%dma_wait3A_307 : memref<128x128xf32, #tpu.memory_space<vmem>>)
    %add3A_314 = arith.constant 768 : i32
    %add3A_315 = arith.addi %mul3A_2, %add3A_314 : i32
    %dma_start3A_316 = arith.constant 1 : i32
    %dma_start3A_317 = arith.constant 0 : i32
    %dma_start3A_318 = arith.constant 0 : i32
    %dma_start3A_319 = tpu.memref_slice %arg6[%dma_start3A_316, %dma_start3A_317, %dma_start3A_318] : memref<2x256x128xf32, #tpu.memory_space<vmem>> -> memref<1x256x128xf32, #tpu.memory_space<vmem>>
    %dma_start3A_320 = tpu.memref_squeeze %dma_start3A_319 : memref<1x256x128xf32, #tpu.memory_space<vmem>> -> memref<256x128xf32, #tpu.memory_space<vmem>>
    %dma_start3A_321 = arith.constant 0 : i32
    %dma_start3A_322 = tpu.memref_slice %arg4[%add3A_315, %dma_start3A_321] : memref<229376x128xf32, #tpu.memory_space<hbm>> -> memref<256x128xf32, #tpu.memory_space<hbm>>
    %dma_start3A_323 = arith.constant 0 : i32
    %dma_start3A_324 = tpu.memref_slice %arg4[%add3A_315, %dma_start3A_323] : memref<229376x128xf32, #tpu.memory_space<hbm>> -> memref<256x128xf32, #tpu.memory_space<hbm>>
    %dma_start3A_325 = arith.constant 0 : i32
    %dma_start3A_326 = arith.constant 0 : i32
    %dma_start3A_327 = tpu.memref_slice %arg6[%dma_start3A_316, %dma_start3A_325, %dma_start3A_326] : memref<2x256x128xf32, #tpu.memory_space<vmem>> -> memref<1x256x128xf32, #tpu.memory_space<vmem>>
    %dma_start3A_328 = tpu.memref_squeeze %dma_start3A_327 : memref<1x256x128xf32, #tpu.memory_space<vmem>> -> memref<256x128xf32, #tpu.memory_space<vmem>>
    tpu.enqueue_dma source(%dma_start3A_328 : memref<256x128xf32, #tpu.memory_space<vmem>>) target(%dma_start3A_324 : memref<256x128xf32, #tpu.memory_space<hbm>>) target_semaphore(%arg10 : memref<!tpu.dma_semaphore, #tpu.memory_space<semaphore_mem>>)
    %dma_wait3A_329 = arith.constant 0 : i32
    %dma_wait3A_330 = arith.constant 0 : i32
    %dma_wait3A_331 = arith.constant 0 : i32
    %dma_wait3A_332 = tpu.memref_slice %arg6[%dma_wait3A_329, %dma_wait3A_330, %dma_wait3A_331] : memref<2x256x128xf32, #tpu.memory_space<vmem>> -> memref<1x256x128xf32, #tpu.memory_space<vmem>>
    %dma_wait3A_333 = tpu.memref_squeeze %dma_wait3A_332 : memref<1x256x128xf32, #tpu.memory_space<vmem>> -> memref<256x128xf32, #tpu.memory_space<vmem>>
    %dma_wait3A_334 = arith.constant 0 : i32
    %dma_wait3A_335 = tpu.memref_slice %arg4[%add3A_227, %dma_wait3A_334] : memref<229376x128xf32, #tpu.memory_space<hbm>> -> memref<256x128xf32, #tpu.memory_space<hbm>>
    %dma_wait3A_336 = arith.constant 0 : i32
    %dma_wait3A_337 = tpu.memref_slice %arg4[%add3A_227, %dma_wait3A_336] : memref<229376x128xf32, #tpu.memory_space<hbm>> -> memref<256x128xf32, #tpu.memory_space<hbm>>
    %dma_wait3A_338 = arith.constant 0 : i32
    %dma_wait3A_339 = arith.constant 0 : i32
    %dma_wait3A_340 = tpu.memref_slice %arg6[%dma_wait3A_329, %dma_wait3A_338, %dma_wait3A_339] : memref<2x256x128xf32, #tpu.memory_space<vmem>> -> memref<1x256x128xf32, #tpu.memory_space<vmem>>
    %dma_wait3A_341 = tpu.memref_squeeze %dma_wait3A_340 : memref<1x256x128xf32, #tpu.memory_space<vmem>> -> memref<256x128xf32, #tpu.memory_space<vmem>>
    tpu.wait_dma2 semaphore(%arg9 : memref<!tpu.dma_semaphore, #tpu.memory_space<semaphore_mem>>) src(%dma_wait3A_341 : memref<256x128xf32, #tpu.memory_space<vmem>>) dst(%dma_wait3A_337 : memref<256x128xf32, #tpu.memory_space<hbm>>)
    %dma_start3A_342 = arith.constant 8 : i32
    %dma_start3A_343 = arith.constant 0 : i32
    %dma_start3A_344 = arith.constant 0 : i32
    %dma_start3A_345 = arith.constant 0 : i32
    %dma_start3A_346 = tpu.memref_slice %arg6[%dma_start3A_343, %dma_start3A_344, %dma_start3A_345] : memref<2x256x128xf32, #tpu.memory_space<vmem>> -> memref<1x256x128xf32, #tpu.memory_space<vmem>>
    %dma_start3A_347 = tpu.memref_squeeze %dma_start3A_346 : memref<1x256x128xf32, #tpu.memory_space<vmem>> -> memref<256x128xf32, #tpu.memory_space<vmem>>
    %dma_start3A_348 = arith.constant 0 : i32
    %dma_start3A_349 = arith.constant 0 : i32
    %dma_start3A_350 = tpu.memref_slice %dma_start3A_347[%dma_start3A_348, %dma_start3A_349] : memref<256x128xf32, #tpu.memory_space<vmem>> -> memref<128x128xf32, #tpu.memory_space<vmem>>
    %dma_start3A_351 = arith.constant 0 : i32
    %dma_start3A_352 = tpu.memref_slice %arg5[%dma_start3A_342, %dma_start3A_351] : memref<56x128xi32, #tpu.memory_space<vmem>> -> memref<1x128xi32, #tpu.memory_space<vmem>>
    %dma_start3A_353 = tpu.memref_squeeze %dma_start3A_352 : memref<1x128xi32, #tpu.memory_space<vmem>> -> memref<128xi32, #tpu.memory_space<vmem>>
    %dma_start3A_354 = arith.constant 0 : i32
    %dma_start3A_355 = arith.constant 0 : i32
    %dma_start3A_356 = tpu.memref_slice %arg2[%dma_start3A_354, %dma_start3A_355] : memref<100001x128xf32, #tpu.memory_space<hbm>> -> memref<100001x128xf32, #tpu.memory_space<hbm>>
    tpu.enqueue_indirect_dma source(%dma_start3A_356 : memref<100001x128xf32, #tpu.memory_space<hbm>>) target(%dma_start3A_350 : memref<128x128xf32, #tpu.memory_space<vmem>>) offsets(%dma_start3A_353 : memref<128xi32, #tpu.memory_space<vmem>>) semaphore(%arg7 : memref<!tpu.dma_semaphore, #tpu.memory_space<semaphore_mem>>)
    %dma_start3A_357 = arith.constant 9 : i32
    %dma_start3A_358 = arith.constant 0 : i32
    %dma_start3A_359 = arith.constant 0 : i32
    %dma_start3A_360 = arith.constant 0 : i32
    %dma_start3A_361 = tpu.memref_slice %arg6[%dma_start3A_358, %dma_start3A_359, %dma_start3A_360] : memref<2x256x128xf32, #tpu.memory_space<vmem>> -> memref<1x256x128xf32, #tpu.memory_space<vmem>>
    %dma_start3A_362 = tpu.memref_squeeze %dma_start3A_361 : memref<1x256x128xf32, #tpu.memory_space<vmem>> -> memref<256x128xf32, #tpu.memory_space<vmem>>
    %dma_start3A_363 = arith.constant 128 : i32
    %dma_start3A_364 = arith.constant 0 : i32
    %dma_start3A_365 = tpu.memref_slice %dma_start3A_362[%dma_start3A_363, %dma_start3A_364] : memref<256x128xf32, #tpu.memory_space<vmem>> -> memref<128x128xf32, #tpu.memory_space<vmem>>
    %dma_start3A_366 = arith.constant 0 : i32
    %dma_start3A_367 = tpu.memref_slice %arg5[%dma_start3A_357, %dma_start3A_366] : memref<56x128xi32, #tpu.memory_space<vmem>> -> memref<1x128xi32, #tpu.memory_space<vmem>>
    %dma_start3A_368 = tpu.memref_squeeze %dma_start3A_367 : memref<1x128xi32, #tpu.memory_space<vmem>> -> memref<128xi32, #tpu.memory_space<vmem>>
    %dma_start3A_369 = arith.constant 0 : i32
    %dma_start3A_370 = arith.constant 0 : i32
    %dma_start3A_371 = tpu.memref_slice %arg2[%dma_start3A_369, %dma_start3A_370] : memref<100001x128xf32, #tpu.memory_space<hbm>> -> memref<100001x128xf32, #tpu.memory_space<hbm>>
    tpu.enqueue_indirect_dma source(%dma_start3A_371 : memref<100001x128xf32, #tpu.memory_space<hbm>>) target(%dma_start3A_365 : memref<128x128xf32, #tpu.memory_space<vmem>>) offsets(%dma_start3A_368 : memref<128xi32, #tpu.memory_space<vmem>>) semaphore(%arg7 : memref<!tpu.dma_semaphore, #tpu.memory_space<semaphore_mem>>)
    %dma_wait3A_372 = arith.constant 8 : i32
    %dma_wait3A_373 = arith.constant 0 : i32
    %dma_wait3A_374 = arith.constant 0 : i32
    %dma_wait3A_375 = arith.constant 0 : i32
    %dma_wait3A_376 = tpu.memref_slice %arg6[%dma_wait3A_373, %dma_wait3A_374, %dma_wait3A_375] : memref<2x256x128xf32, #tpu.memory_space<vmem>> -> memref<1x256x128xf32, #tpu.memory_space<vmem>>
    %dma_wait3A_377 = tpu.memref_squeeze %dma_wait3A_376 : memref<1x256x128xf32, #tpu.memory_space<vmem>> -> memref<256x128xf32, #tpu.memory_space<vmem>>
    %dma_wait3A_378 = arith.constant 0 : i32
    %dma_wait3A_379 = arith.constant 0 : i32
    %dma_wait3A_380 = tpu.memref_slice %dma_wait3A_377[%dma_wait3A_378, %dma_wait3A_379] : memref<256x128xf32, #tpu.memory_space<vmem>> -> memref<128x128xf32, #tpu.memory_space<vmem>>
    %dma_wait3A_381 = arith.constant 0 : i32
    %dma_wait3A_382 = tpu.memref_slice %arg5[%dma_wait3A_372, %dma_wait3A_381] : memref<56x128xi32, #tpu.memory_space<vmem>> -> memref<1x128xi32, #tpu.memory_space<vmem>>
    %dma_wait3A_383 = tpu.memref_squeeze %dma_wait3A_382 : memref<1x128xi32, #tpu.memory_space<vmem>> -> memref<128xi32, #tpu.memory_space<vmem>>
    %dma_wait3A_384 = arith.constant 0 : i32
    %dma_wait3A_385 = arith.constant 0 : i32
    %dma_wait3A_386 = tpu.memref_slice %arg2[%dma_wait3A_384, %dma_wait3A_385] : memref<100001x128xf32, #tpu.memory_space<hbm>> -> memref<100001x128xf32, #tpu.memory_space<hbm>>
    tpu.wait_indirect_dma semaphore(%arg7 : memref<!tpu.dma_semaphore, #tpu.memory_space<semaphore_mem>>) src(%dma_wait3A_386 : memref<100001x128xf32, #tpu.memory_space<hbm>>) dst(%dma_wait3A_380 : memref<128x128xf32, #tpu.memory_space<vmem>>)
    %dma_wait3A_387 = arith.constant 9 : i32
    %dma_wait3A_388 = arith.constant 0 : i32
    %dma_wait3A_389 = arith.constant 0 : i32
    %dma_wait3A_390 = arith.constant 0 : i32
    %dma_wait3A_391 = tpu.memref_slice %arg6[%dma_wait3A_388, %dma_wait3A_389, %dma_wait3A_390] : memref<2x256x128xf32, #tpu.memory_space<vmem>> -> memref<1x256x128xf32, #tpu.memory_space<vmem>>
    %dma_wait3A_392 = tpu.memref_squeeze %dma_wait3A_391 : memref<1x256x128xf32, #tpu.memory_space<vmem>> -> memref<256x128xf32, #tpu.memory_space<vmem>>
    %dma_wait3A_393 = arith.constant 128 : i32
    %dma_wait3A_394 = arith.constant 0 : i32
    %dma_wait3A_395 = tpu.memref_slice %dma_wait3A_392[%dma_wait3A_393, %dma_wait3A_394] : memref<256x128xf32, #tpu.memory_space<vmem>> -> memref<128x128xf32, #tpu.memory_space<vmem>>
    %dma_wait3A_396 = arith.constant 0 : i32
    %dma_wait3A_397 = tpu.memref_slice %arg5[%dma_wait3A_387, %dma_wait3A_396] : memref<56x128xi32, #tpu.memory_space<vmem>> -> memref<1x128xi32, #tpu.memory_space<vmem>>
    %dma_wait3A_398 = tpu.memref_squeeze %dma_wait3A_397 : memref<1x128xi32, #tpu.memory_space<vmem>> -> memref<128xi32, #tpu.memory_space<vmem>>
    %dma_wait3A_399 = arith.constant 0 : i32
    %dma_wait3A_400 = arith.constant 0 : i32
    %dma_wait3A_401 = tpu.memref_slice %arg2[%dma_wait3A_399, %dma_wait3A_400] : memref<100001x128xf32, #tpu.memory_space<hbm>> -> memref<100001x128xf32, #tpu.memory_space<hbm>>
    tpu.wait_indirect_dma semaphore(%arg7 : memref<!tpu.dma_semaphore, #tpu.memory_space<semaphore_mem>>) src(%dma_wait3A_401 : memref<100001x128xf32, #tpu.memory_space<hbm>>) dst(%dma_wait3A_395 : memref<128x128xf32, #tpu.memory_space<vmem>>)
    %add3A_402 = arith.constant 1024 : i32
    %add3A_403 = arith.addi %mul3A_2, %add3A_402 : i32
    %dma_start3A_404 = arith.constant 0 : i32
    %dma_start3A_405 = arith.constant 0 : i32
    %dma_start3A_406 = arith.constant 0 : i32
    %dma_start3A_407 = tpu.memref_slice %arg6[%dma_start3A_404, %dma_start3A_405, %dma_start3A_406] : memref<2x256x128xf32, #tpu.memory_space<vmem>> -> memref<1x256x128xf32, #tpu.memory_space<vmem>>
    %dma_start3A_408 = tpu.memref_squeeze %dma_start3A_407 : memref<1x256x128xf32, #tpu.memory_space<vmem>> -> memref<256x128xf32, #tpu.memory_space<vmem>>
    %dma_start3A_409 = arith.constant 0 : i32
    %dma_start3A_410 = tpu.memref_slice %arg4[%add3A_403, %dma_start3A_409] : memref<229376x128xf32, #tpu.memory_space<hbm>> -> memref<256x128xf32, #tpu.memory_space<hbm>>
    %dma_start3A_411 = arith.constant 0 : i32
    %dma_start3A_412 = tpu.memref_slice %arg4[%add3A_403, %dma_start3A_411] : memref<229376x128xf32, #tpu.memory_space<hbm>> -> memref<256x128xf32, #tpu.memory_space<hbm>>
    %dma_start3A_413 = arith.constant 0 : i32
    %dma_start3A_414 = arith.constant 0 : i32
    %dma_start3A_415 = tpu.memref_slice %arg6[%dma_start3A_404, %dma_start3A_413, %dma_start3A_414] : memref<2x256x128xf32, #tpu.memory_space<vmem>> -> memref<1x256x128xf32, #tpu.memory_space<vmem>>
    %dma_start3A_416 = tpu.memref_squeeze %dma_start3A_415 : memref<1x256x128xf32, #tpu.memory_space<vmem>> -> memref<256x128xf32, #tpu.memory_space<vmem>>
    tpu.enqueue_dma source(%dma_start3A_416 : memref<256x128xf32, #tpu.memory_space<vmem>>) target(%dma_start3A_412 : memref<256x128xf32, #tpu.memory_space<hbm>>) target_semaphore(%arg9 : memref<!tpu.dma_semaphore, #tpu.memory_space<semaphore_mem>>)
    %dma_wait3A_417 = arith.constant 1 : i32
    %dma_wait3A_418 = arith.constant 0 : i32
    %dma_wait3A_419 = arith.constant 0 : i32
    %dma_wait3A_420 = tpu.memref_slice %arg6[%dma_wait3A_417, %dma_wait3A_418, %dma_wait3A_419] : memref<2x256x128xf32, #tpu.memory_space<vmem>> -> memref<1x256x128xf32, #tpu.memory_space<vmem>>
    %dma_wait3A_421 = tpu.memref_squeeze %dma_wait3A_420 : memref<1x256x128xf32, #tpu.memory_space<vmem>> -> memref<256x128xf32, #tpu.memory_space<vmem>>
    %dma_wait3A_422 = arith.constant 0 : i32
    %dma_wait3A_423 = tpu.memref_slice %arg4[%add3A_315, %dma_wait3A_422] : memref<229376x128xf32, #tpu.memory_space<hbm>> -> memref<256x128xf32, #tpu.memory_space<hbm>>
    %dma_wait3A_424 = arith.constant 0 : i32
    %dma_wait3A_425 = tpu.memref_slice %arg4[%add3A_315, %dma_wait3A_424] : memref<229376x128xf32, #tpu.memory_space<hbm>> -> memref<256x128xf32, #tpu.memory_space<hbm>>
    %dma_wait3A_426 = arith.constant 0 : i32
    %dma_wait3A_427 = arith.constant 0 : i32
    %dma_wait3A_428 = tpu.memref_slice %arg6[%dma_wait3A_417, %dma_wait3A_426, %dma_wait3A_427] : memref<2x256x128xf32, #tpu.memory_space<vmem>> -> memref<1x256x128xf32, #tpu.memory_space<vmem>>
    %dma_wait3A_429 = tpu.memref_squeeze %dma_wait3A_428 : memref<1x256x128xf32, #tpu.memory_space<vmem>> -> memref<256x128xf32, #tpu.memory_space<vmem>>
    tpu.wait_dma2 semaphore(%arg10 : memref<!tpu.dma_semaphore, #tpu.memory_space<semaphore_mem>>) src(%dma_wait3A_429 : memref<256x128xf32, #tpu.memory_space<vmem>>) dst(%dma_wait3A_425 : memref<256x128xf32, #tpu.memory_space<hbm>>)
    %dma_start3A_430 = arith.constant 10 : i32
    %dma_start3A_431 = arith.constant 1 : i32
    %dma_start3A_432 = arith.constant 0 : i32
    %dma_start3A_433 = arith.constant 0 : i32
    %dma_start3A_434 = tpu.memref_slice %arg6[%dma_start3A_431, %dma_start3A_432, %dma_start3A_433] : memref<2x256x128xf32, #tpu.memory_space<vmem>> -> memref<1x256x128xf32, #tpu.memory_space<vmem>>
    %dma_start3A_435 = tpu.memref_squeeze %dma_start3A_434 : memref<1x256x128xf32, #tpu.memory_space<vmem>> -> memref<256x128xf32, #tpu.memory_space<vmem>>
    %dma_start3A_436 = arith.constant 0 : i32
    %dma_start3A_437 = arith.constant 0 : i32
    %dma_start3A_438 = tpu.memref_slice %dma_start3A_435[%dma_start3A_436, %dma_start3A_437] : memref<256x128xf32, #tpu.memory_space<vmem>> -> memref<128x128xf32, #tpu.memory_space<vmem>>
    %dma_start3A_439 = arith.constant 0 : i32
    %dma_start3A_440 = tpu.memref_slice %arg5[%dma_start3A_430, %dma_start3A_439] : memref<56x128xi32, #tpu.memory_space<vmem>> -> memref<1x128xi32, #tpu.memory_space<vmem>>
    %dma_start3A_441 = tpu.memref_squeeze %dma_start3A_440 : memref<1x128xi32, #tpu.memory_space<vmem>> -> memref<128xi32, #tpu.memory_space<vmem>>
    %dma_start3A_442 = arith.constant 0 : i32
    %dma_start3A_443 = arith.constant 0 : i32
    %dma_start3A_444 = tpu.memref_slice %arg2[%dma_start3A_442, %dma_start3A_443] : memref<100001x128xf32, #tpu.memory_space<hbm>> -> memref<100001x128xf32, #tpu.memory_space<hbm>>
    tpu.enqueue_indirect_dma source(%dma_start3A_444 : memref<100001x128xf32, #tpu.memory_space<hbm>>) target(%dma_start3A_438 : memref<128x128xf32, #tpu.memory_space<vmem>>) offsets(%dma_start3A_441 : memref<128xi32, #tpu.memory_space<vmem>>) semaphore(%arg8 : memref<!tpu.dma_semaphore, #tpu.memory_space<semaphore_mem>>)
    %dma_start3A_445 = arith.constant 11 : i32
    %dma_start3A_446 = arith.constant 1 : i32
    %dma_start3A_447 = arith.constant 0 : i32
    %dma_start3A_448 = arith.constant 0 : i32
    %dma_start3A_449 = tpu.memref_slice %arg6[%dma_start3A_446, %dma_start3A_447, %dma_start3A_448] : memref<2x256x128xf32, #tpu.memory_space<vmem>> -> memref<1x256x128xf32, #tpu.memory_space<vmem>>
    %dma_start3A_450 = tpu.memref_squeeze %dma_start3A_449 : memref<1x256x128xf32, #tpu.memory_space<vmem>> -> memref<256x128xf32, #tpu.memory_space<vmem>>
    %dma_start3A_451 = arith.constant 128 : i32
    %dma_start3A_452 = arith.constant 0 : i32
    %dma_start3A_453 = tpu.memref_slice %dma_start3A_450[%dma_start3A_451, %dma_start3A_452] : memref<256x128xf32, #tpu.memory_space<vmem>> -> memref<128x128xf32, #tpu.memory_space<vmem>>
    %dma_start3A_454 = arith.constant 0 : i32
    %dma_start3A_455 = tpu.memref_slice %arg5[%dma_start3A_445, %dma_start3A_454] : memref<56x128xi32, #tpu.memory_space<vmem>> -> memref<1x128xi32, #tpu.memory_space<vmem>>
    %dma_start3A_456 = tpu.memref_squeeze %dma_start3A_455 : memref<1x128xi32, #tpu.memory_space<vmem>> -> memref<128xi32, #tpu.memory_space<vmem>>
    %dma_start3A_457 = arith.constant 0 : i32
    %dma_start3A_458 = arith.constant 0 : i32
    %dma_start3A_459 = tpu.memref_slice %arg2[%dma_start3A_457, %dma_start3A_458] : memref<100001x128xf32, #tpu.memory_space<hbm>> -> memref<100001x128xf32, #tpu.memory_space<hbm>>
    tpu.enqueue_indirect_dma source(%dma_start3A_459 : memref<100001x128xf32, #tpu.memory_space<hbm>>) target(%dma_start3A_453 : memref<128x128xf32, #tpu.memory_space<vmem>>) offsets(%dma_start3A_456 : memref<128xi32, #tpu.memory_space<vmem>>) semaphore(%arg8 : memref<!tpu.dma_semaphore, #tpu.memory_space<semaphore_mem>>)
    %dma_wait3A_460 = arith.constant 10 : i32
    %dma_wait3A_461 = arith.constant 1 : i32
    %dma_wait3A_462 = arith.constant 0 : i32
    %dma_wait3A_463 = arith.constant 0 : i32
    %dma_wait3A_464 = tpu.memref_slice %arg6[%dma_wait3A_461, %dma_wait3A_462, %dma_wait3A_463] : memref<2x256x128xf32, #tpu.memory_space<vmem>> -> memref<1x256x128xf32, #tpu.memory_space<vmem>>
    %dma_wait3A_465 = tpu.memref_squeeze %dma_wait3A_464 : memref<1x256x128xf32, #tpu.memory_space<vmem>> -> memref<256x128xf32, #tpu.memory_space<vmem>>
    %dma_wait3A_466 = arith.constant 0 : i32
    %dma_wait3A_467 = arith.constant 0 : i32
    %dma_wait3A_468 = tpu.memref_slice %dma_wait3A_465[%dma_wait3A_466, %dma_wait3A_467] : memref<256x128xf32, #tpu.memory_space<vmem>> -> memref<128x128xf32, #tpu.memory_space<vmem>>
    %dma_wait3A_469 = arith.constant 0 : i32
    %dma_wait3A_470 = tpu.memref_slice %arg5[%dma_wait3A_460, %dma_wait3A_469] : memref<56x128xi32, #tpu.memory_space<vmem>> -> memref<1x128xi32, #tpu.memory_space<vmem>>
    %dma_wait3A_471 = tpu.memref_squeeze %dma_wait3A_470 : memref<1x128xi32, #tpu.memory_space<vmem>> -> memref<128xi32, #tpu.memory_space<vmem>>
    %dma_wait3A_472 = arith.constant 0 : i32
    %dma_wait3A_473 = arith.constant 0 : i32
    %dma_wait3A_474 = tpu.memref_slice %arg2[%dma_wait3A_472, %dma_wait3A_473] : memref<100001x128xf32, #tpu.memory_space<hbm>> -> memref<100001x128xf32, #tpu.memory_space<hbm>>
    tpu.wait_indirect_dma semaphore(%arg8 : memref<!tpu.dma_semaphore, #tpu.memory_space<semaphore_mem>>) src(%dma_wait3A_474 : memref<100001x128xf32, #tpu.memory_space<hbm>>) dst(%dma_wait3A_468 : memref<128x128xf32, #tpu.memory_space<vmem>>)
    %dma_wait3A_475 = arith.constant 11 : i32
    %dma_wait3A_476 = arith.constant 1 : i32
    %dma_wait3A_477 = arith.constant 0 : i32
    %dma_wait3A_478 = arith.constant 0 : i32
    %dma_wait3A_479 = tpu.memref_slice %arg6[%dma_wait3A_476, %dma_wait3A_477, %dma_wait3A_478] : memref<2x256x128xf32, #tpu.memory_space<vmem>> -> memref<1x256x128xf32, #tpu.memory_space<vmem>>
    %dma_wait3A_480 = tpu.memref_squeeze %dma_wait3A_479 : memref<1x256x128xf32, #tpu.memory_space<vmem>> -> memref<256x128xf32, #tpu.memory_space<vmem>>
    %dma_wait3A_481 = arith.constant 128 : i32
    %dma_wait3A_482 = arith.constant 0 : i32
    %dma_wait3A_483 = tpu.memref_slice %dma_wait3A_480[%dma_wait3A_481, %dma_wait3A_482] : memref<256x128xf32, #tpu.memory_space<vmem>> -> memref<128x128xf32, #tpu.memory_space<vmem>>
    %dma_wait3A_484 = arith.constant 0 : i32
    %dma_wait3A_485 = tpu.memref_slice %arg5[%dma_wait3A_475, %dma_wait3A_484] : memref<56x128xi32, #tpu.memory_space<vmem>> -> memref<1x128xi32, #tpu.memory_space<vmem>>
    %dma_wait3A_486 = tpu.memref_squeeze %dma_wait3A_485 : memref<1x128xi32, #tpu.memory_space<vmem>> -> memref<128xi32, #tpu.memory_space<vmem>>
    %dma_wait3A_487 = arith.constant 0 : i32
    %dma_wait3A_488 = arith.constant 0 : i32
    %dma_wait3A_489 = tpu.memref_slice %arg2[%dma_wait3A_487, %dma_wait3A_488] : memref<100001x128xf32, #tpu.memory_space<hbm>> -> memref<100001x128xf32, #tpu.memory_space<hbm>>
    tpu.wait_indirect_dma semaphore(%arg8 : memref<!tpu.dma_semaphore, #tpu.memory_space<semaphore_mem>>) src(%dma_wait3A_489 : memref<100001x128xf32, #tpu.memory_space<hbm>>) dst(%dma_wait3A_483 : memref<128x128xf32, #tpu.memory_space<vmem>>)
    %add3A_490 = arith.constant 1280 : i32
    %add3A_491 = arith.addi %mul3A_2, %add3A_490 : i32
    %dma_start3A_492 = arith.constant 1 : i32
    %dma_start3A_493 = arith.constant 0 : i32
    %dma_start3A_494 = arith.constant 0 : i32
    %dma_start3A_495 = tpu.memref_slice %arg6[%dma_start3A_492, %dma_start3A_493, %dma_start3A_494] : memref<2x256x128xf32, #tpu.memory_space<vmem>> -> memref<1x256x128xf32, #tpu.memory_space<vmem>>
    %dma_start3A_496 = tpu.memref_squeeze %dma_start3A_495 : memref<1x256x128xf32, #tpu.memory_space<vmem>> -> memref<256x128xf32, #tpu.memory_space<vmem>>
    %dma_start3A_497 = arith.constant 0 : i32
    %dma_start3A_498 = tpu.memref_slice %arg4[%add3A_491, %dma_start3A_497] : memref<229376x128xf32, #tpu.memory_space<hbm>> -> memref<256x128xf32, #tpu.memory_space<hbm>>
    %dma_start3A_499 = arith.constant 0 : i32
    %dma_start3A_500 = tpu.memref_slice %arg4[%add3A_491, %dma_start3A_499] : memref<229376x128xf32, #tpu.memory_space<hbm>> -> memref<256x128xf32, #tpu.memory_space<hbm>>
    %dma_start3A_501 = arith.constant 0 : i32
    %dma_start3A_502 = arith.constant 0 : i32
    %dma_start3A_503 = tpu.memref_slice %arg6[%dma_start3A_492, %dma_start3A_501, %dma_start3A_502] : memref<2x256x128xf32, #tpu.memory_space<vmem>> -> memref<1x256x128xf32, #tpu.memory_space<vmem>>
    %dma_start3A_504 = tpu.memref_squeeze %dma_start3A_503 : memref<1x256x128xf32, #tpu.memory_space<vmem>> -> memref<256x128xf32, #tpu.memory_space<vmem>>
    tpu.enqueue_dma source(%dma_start3A_504 : memref<256x128xf32, #tpu.memory_space<vmem>>) target(%dma_start3A_500 : memref<256x128xf32, #tpu.memory_space<hbm>>) target_semaphore(%arg10 : memref<!tpu.dma_semaphore, #tpu.memory_space<semaphore_mem>>)
    %dma_wait3A_505 = arith.constant 0 : i32
    %dma_wait3A_506 = arith.constant 0 : i32
    %dma_wait3A_507 = arith.constant 0 : i32
    %dma_wait3A_508 = tpu.memref_slice %arg6[%dma_wait3A_505, %dma_wait3A_506, %dma_wait3A_507] : memref<2x256x128xf32, #tpu.memory_space<vmem>> -> memref<1x256x128xf32, #tpu.memory_space<vmem>>
    %dma_wait3A_509 = tpu.memref_squeeze %dma_wait3A_508 : memref<1x256x128xf32, #tpu.memory_space<vmem>> -> memref<256x128xf32, #tpu.memory_space<vmem>>
    %dma_wait3A_510 = arith.constant 0 : i32
    %dma_wait3A_511 = tpu.memref_slice %arg4[%add3A_403, %dma_wait3A_510] : memref<229376x128xf32, #tpu.memory_space<hbm>> -> memref<256x128xf32, #tpu.memory_space<hbm>>
    %dma_wait3A_512 = arith.constant 0 : i32
    %dma_wait3A_513 = tpu.memref_slice %arg4[%add3A_403, %dma_wait3A_512] : memref<229376x128xf32, #tpu.memory_space<hbm>> -> memref<256x128xf32, #tpu.memory_space<hbm>>
    %dma_wait3A_514 = arith.constant 0 : i32
    %dma_wait3A_515 = arith.constant 0 : i32
    %dma_wait3A_516 = tpu.memref_slice %arg6[%dma_wait3A_505, %dma_wait3A_514, %dma_wait3A_515] : memref<2x256x128xf32, #tpu.memory_space<vmem>> -> memref<1x256x128xf32, #tpu.memory_space<vmem>>
    %dma_wait3A_517 = tpu.memref_squeeze %dma_wait3A_516 : memref<1x256x128xf32, #tpu.memory_space<vmem>> -> memref<256x128xf32, #tpu.memory_space<vmem>>
    tpu.wait_dma2 semaphore(%arg9 : memref<!tpu.dma_semaphore, #tpu.memory_space<semaphore_mem>>) src(%dma_wait3A_517 : memref<256x128xf32, #tpu.memory_space<vmem>>) dst(%dma_wait3A_513 : memref<256x128xf32, #tpu.memory_space<hbm>>)
    %dma_start3A_518 = arith.constant 12 : i32
    %dma_start3A_519 = arith.constant 0 : i32
    %dma_start3A_520 = arith.constant 0 : i32
    %dma_start3A_521 = arith.constant 0 : i32
    %dma_start3A_522 = tpu.memref_slice %arg6[%dma_start3A_519, %dma_start3A_520, %dma_start3A_521] : memref<2x256x128xf32, #tpu.memory_space<vmem>> -> memref<1x256x128xf32, #tpu.memory_space<vmem>>
    %dma_start3A_523 = tpu.memref_squeeze %dma_start3A_522 : memref<1x256x128xf32, #tpu.memory_space<vmem>> -> memref<256x128xf32, #tpu.memory_space<vmem>>
    %dma_start3A_524 = arith.constant 0 : i32
    %dma_start3A_525 = arith.constant 0 : i32
    %dma_start3A_526 = tpu.memref_slice %dma_start3A_523[%dma_start3A_524, %dma_start3A_525] : memref<256x128xf32, #tpu.memory_space<vmem>> -> memref<128x128xf32, #tpu.memory_space<vmem>>
    %dma_start3A_527 = arith.constant 0 : i32
    %dma_start3A_528 = tpu.memref_slice %arg5[%dma_start3A_518, %dma_start3A_527] : memref<56x128xi32, #tpu.memory_space<vmem>> -> memref<1x128xi32, #tpu.memory_space<vmem>>
    %dma_start3A_529 = tpu.memref_squeeze %dma_start3A_528 : memref<1x128xi32, #tpu.memory_space<vmem>> -> memref<128xi32, #tpu.memory_space<vmem>>
    %dma_start3A_530 = arith.constant 0 : i32
    %dma_start3A_531 = arith.constant 0 : i32
    %dma_start3A_532 = tpu.memref_slice %arg2[%dma_start3A_530, %dma_start3A_531] : memref<100001x128xf32, #tpu.memory_space<hbm>> -> memref<100001x128xf32, #tpu.memory_space<hbm>>
    tpu.enqueue_indirect_dma source(%dma_start3A_532 : memref<100001x128xf32, #tpu.memory_space<hbm>>) target(%dma_start3A_526 : memref<128x128xf32, #tpu.memory_space<vmem>>) offsets(%dma_start3A_529 : memref<128xi32, #tpu.memory_space<vmem>>) semaphore(%arg7 : memref<!tpu.dma_semaphore, #tpu.memory_space<semaphore_mem>>)
    %dma_start3A_533 = arith.constant 13 : i32
    %dma_start3A_534 = arith.constant 0 : i32
    %dma_start3A_535 = arith.constant 0 : i32
    %dma_start3A_536 = arith.constant 0 : i32
    %dma_start3A_537 = tpu.memref_slice %arg6[%dma_start3A_534, %dma_start3A_535, %dma_start3A_536] : memref<2x256x128xf32, #tpu.memory_space<vmem>> -> memref<1x256x128xf32, #tpu.memory_space<vmem>>
    %dma_start3A_538 = tpu.memref_squeeze %dma_start3A_537 : memref<1x256x128xf32, #tpu.memory_space<vmem>> -> memref<256x128xf32, #tpu.memory_space<vmem>>
    %dma_start3A_539 = arith.constant 128 : i32
    %dma_start3A_540 = arith.constant 0 : i32
    %dma_start3A_541 = tpu.memref_slice %dma_start3A_538[%dma_start3A_539, %dma_start3A_540] : memref<256x128xf32, #tpu.memory_space<vmem>> -> memref<128x128xf32, #tpu.memory_space<vmem>>
    %dma_start3A_542 = arith.constant 0 : i32
    %dma_start3A_543 = tpu.memref_slice %arg5[%dma_start3A_533, %dma_start3A_542] : memref<56x128xi32, #tpu.memory_space<vmem>> -> memref<1x128xi32, #tpu.memory_space<vmem>>
    %dma_start3A_544 = tpu.memref_squeeze %dma_start3A_543 : memref<1x128xi32, #tpu.memory_space<vmem>> -> memref<128xi32, #tpu.memory_space<vmem>>
    %dma_start3A_545 = arith.constant 0 : i32
    %dma_start3A_546 = arith.constant 0 : i32
    %dma_start3A_547 = tpu.memref_slice %arg2[%dma_start3A_545, %dma_start3A_546] : memref<100001x128xf32, #tpu.memory_space<hbm>> -> memref<100001x128xf32, #tpu.memory_space<hbm>>
    tpu.enqueue_indirect_dma source(%dma_start3A_547 : memref<100001x128xf32, #tpu.memory_space<hbm>>) target(%dma_start3A_541 : memref<128x128xf32, #tpu.memory_space<vmem>>) offsets(%dma_start3A_544 : memref<128xi32, #tpu.memory_space<vmem>>) semaphore(%arg7 : memref<!tpu.dma_semaphore, #tpu.memory_space<semaphore_mem>>)
    %dma_wait3A_548 = arith.constant 12 : i32
    %dma_wait3A_549 = arith.constant 0 : i32
    %dma_wait3A_550 = arith.constant 0 : i32
    %dma_wait3A_551 = arith.constant 0 : i32
    %dma_wait3A_552 = tpu.memref_slice %arg6[%dma_wait3A_549, %dma_wait3A_550, %dma_wait3A_551] : memref<2x256x128xf32, #tpu.memory_space<vmem>> -> memref<1x256x128xf32, #tpu.memory_space<vmem>>
    %dma_wait3A_553 = tpu.memref_squeeze %dma_wait3A_552 : memref<1x256x128xf32, #tpu.memory_space<vmem>> -> memref<256x128xf32, #tpu.memory_space<vmem>>
    %dma_wait3A_554 = arith.constant 0 : i32
    %dma_wait3A_555 = arith.constant 0 : i32
    %dma_wait3A_556 = tpu.memref_slice %dma_wait3A_553[%dma_wait3A_554, %dma_wait3A_555] : memref<256x128xf32, #tpu.memory_space<vmem>> -> memref<128x128xf32, #tpu.memory_space<vmem>>
    %dma_wait3A_557 = arith.constant 0 : i32
    %dma_wait3A_558 = tpu.memref_slice %arg5[%dma_wait3A_548, %dma_wait3A_557] : memref<56x128xi32, #tpu.memory_space<vmem>> -> memref<1x128xi32, #tpu.memory_space<vmem>>
    %dma_wait3A_559 = tpu.memref_squeeze %dma_wait3A_558 : memref<1x128xi32, #tpu.memory_space<vmem>> -> memref<128xi32, #tpu.memory_space<vmem>>
    %dma_wait3A_560 = arith.constant 0 : i32
    %dma_wait3A_561 = arith.constant 0 : i32
    %dma_wait3A_562 = tpu.memref_slice %arg2[%dma_wait3A_560, %dma_wait3A_561] : memref<100001x128xf32, #tpu.memory_space<hbm>> -> memref<100001x128xf32, #tpu.memory_space<hbm>>
    tpu.wait_indirect_dma semaphore(%arg7 : memref<!tpu.dma_semaphore, #tpu.memory_space<semaphore_mem>>) src(%dma_wait3A_562 : memref<100001x128xf32, #tpu.memory_space<hbm>>) dst(%dma_wait3A_556 : memref<128x128xf32, #tpu.memory_space<vmem>>)
    %dma_wait3A_563 = arith.constant 13 : i32
    %dma_wait3A_564 = arith.constant 0 : i32
    %dma_wait3A_565 = arith.constant 0 : i32
    %dma_wait3A_566 = arith.constant 0 : i32
    %dma_wait3A_567 = tpu.memref_slice %arg6[%dma_wait3A_564, %dma_wait3A_565, %dma_wait3A_566] : memref<2x256x128xf32, #tpu.memory_space<vmem>> -> memref<1x256x128xf32, #tpu.memory_space<vmem>>
    %dma_wait3A_568 = tpu.memref_squeeze %dma_wait3A_567 : memref<1x256x128xf32, #tpu.memory_space<vmem>> -> memref<256x128xf32, #tpu.memory_space<vmem>>
    %dma_wait3A_569 = arith.constant 128 : i32
    %dma_wait3A_570 = arith.constant 0 : i32
    %dma_wait3A_571 = tpu.memref_slice %dma_wait3A_568[%dma_wait3A_569, %dma_wait3A_570] : memref<256x128xf32, #tpu.memory_space<vmem>> -> memref<128x128xf32, #tpu.memory_space<vmem>>
    %dma_wait3A_572 = arith.constant 0 : i32
    %dma_wait3A_573 = tpu.memref_slice %arg5[%dma_wait3A_563, %dma_wait3A_572] : memref<56x128xi32, #tpu.memory_space<vmem>> -> memref<1x128xi32, #tpu.memory_space<vmem>>
    %dma_wait3A_574 = tpu.memref_squeeze %dma_wait3A_573 : memref<1x128xi32, #tpu.memory_space<vmem>> -> memref<128xi32, #tpu.memory_space<vmem>>
    %dma_wait3A_575 = arith.constant 0 : i32
    %dma_wait3A_576 = arith.constant 0 : i32
    %dma_wait3A_577 = tpu.memref_slice %arg2[%dma_wait3A_575, %dma_wait3A_576] : memref<100001x128xf32, #tpu.memory_space<hbm>> -> memref<100001x128xf32, #tpu.memory_space<hbm>>
    tpu.wait_indirect_dma semaphore(%arg7 : memref<!tpu.dma_semaphore, #tpu.memory_space<semaphore_mem>>) src(%dma_wait3A_577 : memref<100001x128xf32, #tpu.memory_space<hbm>>) dst(%dma_wait3A_571 : memref<128x128xf32, #tpu.memory_space<vmem>>)
    %add3A_578 = arith.constant 1536 : i32
    %add3A_579 = arith.addi %mul3A_2, %add3A_578 : i32
    %dma_start3A_580 = arith.constant 0 : i32
    %dma_start3A_581 = arith.constant 0 : i32
    %dma_start3A_582 = arith.constant 0 : i32
    %dma_start3A_583 = tpu.memref_slice %arg6[%dma_start3A_580, %dma_start3A_581, %dma_start3A_582] : memref<2x256x128xf32, #tpu.memory_space<vmem>> -> memref<1x256x128xf32, #tpu.memory_space<vmem>>
    %dma_start3A_584 = tpu.memref_squeeze %dma_start3A_583 : memref<1x256x128xf32, #tpu.memory_space<vmem>> -> memref<256x128xf32, #tpu.memory_space<vmem>>
    %dma_start3A_585 = arith.constant 0 : i32
    %dma_start3A_586 = tpu.memref_slice %arg4[%add3A_579, %dma_start3A_585] : memref<229376x128xf32, #tpu.memory_space<hbm>> -> memref<256x128xf32, #tpu.memory_space<hbm>>
    %dma_start3A_587 = arith.constant 0 : i32
    %dma_start3A_588 = tpu.memref_slice %arg4[%add3A_579, %dma_start3A_587] : memref<229376x128xf32, #tpu.memory_space<hbm>> -> memref<256x128xf32, #tpu.memory_space<hbm>>
    %dma_start3A_589 = arith.constant 0 : i32
    %dma_start3A_590 = arith.constant 0 : i32
    %dma_start3A_591 = tpu.memref_slice %arg6[%dma_start3A_580, %dma_start3A_589, %dma_start3A_590] : memref<2x256x128xf32, #tpu.memory_space<vmem>> -> memref<1x256x128xf32, #tpu.memory_space<vmem>>
    %dma_start3A_592 = tpu.memref_squeeze %dma_start3A_591 : memref<1x256x128xf32, #tpu.memory_space<vmem>> -> memref<256x128xf32, #tpu.memory_space<vmem>>
    tpu.enqueue_dma source(%dma_start3A_592 : memref<256x128xf32, #tpu.memory_space<vmem>>) target(%dma_start3A_588 : memref<256x128xf32, #tpu.memory_space<hbm>>) target_semaphore(%arg9 : memref<!tpu.dma_semaphore, #tpu.memory_space<semaphore_mem>>)
    %dma_wait3A_593 = arith.constant 1 : i32
    %dma_wait3A_594 = arith.constant 0 : i32
    %dma_wait3A_595 = arith.constant 0 : i32
    %dma_wait3A_596 = tpu.memref_slice %arg6[%dma_wait3A_593, %dma_wait3A_594, %dma_wait3A_595] : memref<2x256x128xf32, #tpu.memory_space<vmem>> -> memref<1x256x128xf32, #tpu.memory_space<vmem>>
    %dma_wait3A_597 = tpu.memref_squeeze %dma_wait3A_596 : memref<1x256x128xf32, #tpu.memory_space<vmem>> -> memref<256x128xf32, #tpu.memory_space<vmem>>
    %dma_wait3A_598 = arith.constant 0 : i32
    %dma_wait3A_599 = tpu.memref_slice %arg4[%add3A_491, %dma_wait3A_598] : memref<229376x128xf32, #tpu.memory_space<hbm>> -> memref<256x128xf32, #tpu.memory_space<hbm>>
    %dma_wait3A_600 = arith.constant 0 : i32
    %dma_wait3A_601 = tpu.memref_slice %arg4[%add3A_491, %dma_wait3A_600] : memref<229376x128xf32, #tpu.memory_space<hbm>> -> memref<256x128xf32, #tpu.memory_space<hbm>>
    %dma_wait3A_602 = arith.constant 0 : i32
    %dma_wait3A_603 = arith.constant 0 : i32
    %dma_wait3A_604 = tpu.memref_slice %arg6[%dma_wait3A_593, %dma_wait3A_602, %dma_wait3A_603] : memref<2x256x128xf32, #tpu.memory_space<vmem>> -> memref<1x256x128xf32, #tpu.memory_space<vmem>>
    %dma_wait3A_605 = tpu.memref_squeeze %dma_wait3A_604 : memref<1x256x128xf32, #tpu.memory_space<vmem>> -> memref<256x128xf32, #tpu.memory_space<vmem>>
    tpu.wait_dma2 semaphore(%arg10 : memref<!tpu.dma_semaphore, #tpu.memory_space<semaphore_mem>>) src(%dma_wait3A_605 : memref<256x128xf32, #tpu.memory_space<vmem>>) dst(%dma_wait3A_601 : memref<256x128xf32, #tpu.memory_space<hbm>>)
    %dma_start3A_606 = arith.constant 14 : i32
    %dma_start3A_607 = arith.constant 1 : i32
    %dma_start3A_608 = arith.constant 0 : i32
    %dma_start3A_609 = arith.constant 0 : i32
    %dma_start3A_610 = tpu.memref_slice %arg6[%dma_start3A_607, %dma_start3A_608, %dma_start3A_609] : memref<2x256x128xf32, #tpu.memory_space<vmem>> -> memref<1x256x128xf32, #tpu.memory_space<vmem>>
    %dma_start3A_611 = tpu.memref_squeeze %dma_start3A_610 : memref<1x256x128xf32, #tpu.memory_space<vmem>> -> memref<256x128xf32, #tpu.memory_space<vmem>>
    %dma_start3A_612 = arith.constant 0 : i32
    %dma_start3A_613 = arith.constant 0 : i32
    %dma_start3A_614 = tpu.memref_slice %dma_start3A_611[%dma_start3A_612, %dma_start3A_613] : memref<256x128xf32, #tpu.memory_space<vmem>> -> memref<128x128xf32, #tpu.memory_space<vmem>>
    %dma_start3A_615 = arith.constant 0 : i32
    %dma_start3A_616 = tpu.memref_slice %arg5[%dma_start3A_606, %dma_start3A_615] : memref<56x128xi32, #tpu.memory_space<vmem>> -> memref<1x128xi32, #tpu.memory_space<vmem>>
    %dma_start3A_617 = tpu.memref_squeeze %dma_start3A_616 : memref<1x128xi32, #tpu.memory_space<vmem>> -> memref<128xi32, #tpu.memory_space<vmem>>
    %dma_start3A_618 = arith.constant 0 : i32
    %dma_start3A_619 = arith.constant 0 : i32
    %dma_start3A_620 = tpu.memref_slice %arg2[%dma_start3A_618, %dma_start3A_619] : memref<100001x128xf32, #tpu.memory_space<hbm>> -> memref<100001x128xf32, #tpu.memory_space<hbm>>
    tpu.enqueue_indirect_dma source(%dma_start3A_620 : memref<100001x128xf32, #tpu.memory_space<hbm>>) target(%dma_start3A_614 : memref<128x128xf32, #tpu.memory_space<vmem>>) offsets(%dma_start3A_617 : memref<128xi32, #tpu.memory_space<vmem>>) semaphore(%arg8 : memref<!tpu.dma_semaphore, #tpu.memory_space<semaphore_mem>>)
    %dma_start3A_621 = arith.constant 15 : i32
    %dma_start3A_622 = arith.constant 1 : i32
    %dma_start3A_623 = arith.constant 0 : i32
    %dma_start3A_624 = arith.constant 0 : i32
    %dma_start3A_625 = tpu.memref_slice %arg6[%dma_start3A_622, %dma_start3A_623, %dma_start3A_624] : memref<2x256x128xf32, #tpu.memory_space<vmem>> -> memref<1x256x128xf32, #tpu.memory_space<vmem>>
    %dma_start3A_626 = tpu.memref_squeeze %dma_start3A_625 : memref<1x256x128xf32, #tpu.memory_space<vmem>> -> memref<256x128xf32, #tpu.memory_space<vmem>>
    %dma_start3A_627 = arith.constant 128 : i32
    %dma_start3A_628 = arith.constant 0 : i32
    %dma_start3A_629 = tpu.memref_slice %dma_start3A_626[%dma_start3A_627, %dma_start3A_628] : memref<256x128xf32, #tpu.memory_space<vmem>> -> memref<128x128xf32, #tpu.memory_space<vmem>>
    %dma_start3A_630 = arith.constant 0 : i32
    %dma_start3A_631 = tpu.memref_slice %arg5[%dma_start3A_621, %dma_start3A_630] : memref<56x128xi32, #tpu.memory_space<vmem>> -> memref<1x128xi32, #tpu.memory_space<vmem>>
    %dma_start3A_632 = tpu.memref_squeeze %dma_start3A_631 : memref<1x128xi32, #tpu.memory_space<vmem>> -> memref<128xi32, #tpu.memory_space<vmem>>
    %dma_start3A_633 = arith.constant 0 : i32
    %dma_start3A_634 = arith.constant 0 : i32
    %dma_start3A_635 = tpu.memref_slice %arg2[%dma_start3A_633, %dma_start3A_634] : memref<100001x128xf32, #tpu.memory_space<hbm>> -> memref<100001x128xf32, #tpu.memory_space<hbm>>
    tpu.enqueue_indirect_dma source(%dma_start3A_635 : memref<100001x128xf32, #tpu.memory_space<hbm>>) target(%dma_start3A_629 : memref<128x128xf32, #tpu.memory_space<vmem>>) offsets(%dma_start3A_632 : memref<128xi32, #tpu.memory_space<vmem>>) semaphore(%arg8 : memref<!tpu.dma_semaphore, #tpu.memory_space<semaphore_mem>>)
    %dma_wait3A_636 = arith.constant 14 : i32
    %dma_wait3A_637 = arith.constant 1 : i32
    %dma_wait3A_638 = arith.constant 0 : i32
    %dma_wait3A_639 = arith.constant 0 : i32
    %dma_wait3A_640 = tpu.memref_slice %arg6[%dma_wait3A_637, %dma_wait3A_638, %dma_wait3A_639] : memref<2x256x128xf32, #tpu.memory_space<vmem>> -> memref<1x256x128xf32, #tpu.memory_space<vmem>>
    %dma_wait3A_641 = tpu.memref_squeeze %dma_wait3A_640 : memref<1x256x128xf32, #tpu.memory_space<vmem>> -> memref<256x128xf32, #tpu.memory_space<vmem>>
    %dma_wait3A_642 = arith.constant 0 : i32
    %dma_wait3A_643 = arith.constant 0 : i32
    %dma_wait3A_644 = tpu.memref_slice %dma_wait3A_641[%dma_wait3A_642, %dma_wait3A_643] : memref<256x128xf32, #tpu.memory_space<vmem>> -> memref<128x128xf32, #tpu.memory_space<vmem>>
    %dma_wait3A_645 = arith.constant 0 : i32
    %dma_wait3A_646 = tpu.memref_slice %arg5[%dma_wait3A_636, %dma_wait3A_645] : memref<56x128xi32, #tpu.memory_space<vmem>> -> memref<1x128xi32, #tpu.memory_space<vmem>>
    %dma_wait3A_647 = tpu.memref_squeeze %dma_wait3A_646 : memref<1x128xi32, #tpu.memory_space<vmem>> -> memref<128xi32, #tpu.memory_space<vmem>>
    %dma_wait3A_648 = arith.constant 0 : i32
    %dma_wait3A_649 = arith.constant 0 : i32
    %dma_wait3A_650 = tpu.memref_slice %arg2[%dma_wait3A_648, %dma_wait3A_649] : memref<100001x128xf32, #tpu.memory_space<hbm>> -> memref<100001x128xf32, #tpu.memory_space<hbm>>
    tpu.wait_indirect_dma semaphore(%arg8 : memref<!tpu.dma_semaphore, #tpu.memory_space<semaphore_mem>>) src(%dma_wait3A_650 : memref<100001x128xf32, #tpu.memory_space<hbm>>) dst(%dma_wait3A_644 : memref<128x128xf32, #tpu.memory_space<vmem>>)
    %dma_wait3A_651 = arith.constant 15 : i32
    %dma_wait3A_652 = arith.constant 1 : i32
    %dma_wait3A_653 = arith.constant 0 : i32
    %dma_wait3A_654 = arith.constant 0 : i32
    %dma_wait3A_655 = tpu.memref_slice %arg6[%dma_wait3A_652, %dma_wait3A_653, %dma_wait3A_654] : memref<2x256x128xf32, #tpu.memory_space<vmem>> -> memref<1x256x128xf32, #tpu.memory_space<vmem>>
    %dma_wait3A_656 = tpu.memref_squeeze %dma_wait3A_655 : memref<1x256x128xf32, #tpu.memory_space<vmem>> -> memref<256x128xf32, #tpu.memory_space<vmem>>
    %dma_wait3A_657 = arith.constant 128 : i32
    %dma_wait3A_658 = arith.constant 0 : i32
    %dma_wait3A_659 = tpu.memref_slice %dma_wait3A_656[%dma_wait3A_657, %dma_wait3A_658] : memref<256x128xf32, #tpu.memory_space<vmem>> -> memref<128x128xf32, #tpu.memory_space<vmem>>
    %dma_wait3A_660 = arith.constant 0 : i32
    %dma_wait3A_661 = tpu.memref_slice %arg5[%dma_wait3A_651, %dma_wait3A_660] : memref<56x128xi32, #tpu.memory_space<vmem>> -> memref<1x128xi32, #tpu.memory_space<vmem>>
    %dma_wait3A_662 = tpu.memref_squeeze %dma_wait3A_661 : memref<1x128xi32, #tpu.memory_space<vmem>> -> memref<128xi32, #tpu.memory_space<vmem>>
    %dma_wait3A_663 = arith.constant 0 : i32
    %dma_wait3A_664 = arith.constant 0 : i32
    %dma_wait3A_665 = tpu.memref_slice %arg2[%dma_wait3A_663, %dma_wait3A_664] : memref<100001x128xf32, #tpu.memory_space<hbm>> -> memref<100001x128xf32, #tpu.memory_space<hbm>>
    tpu.wait_indirect_dma semaphore(%arg8 : memref<!tpu.dma_semaphore, #tpu.memory_space<semaphore_mem>>) src(%dma_wait3A_665 : memref<100001x128xf32, #tpu.memory_space<hbm>>) dst(%dma_wait3A_659 : memref<128x128xf32, #tpu.memory_space<vmem>>)
    %add3A_666 = arith.constant 1792 : i32
    %add3A_667 = arith.addi %mul3A_2, %add3A_666 : i32
    %dma_start3A_668 = arith.constant 1 : i32
    %dma_start3A_669 = arith.constant 0 : i32
    %dma_start3A_670 = arith.constant 0 : i32
    %dma_start3A_671 = tpu.memref_slice %arg6[%dma_start3A_668, %dma_start3A_669, %dma_start3A_670] : memref<2x256x128xf32, #tpu.memory_space<vmem>> -> memref<1x256x128xf32, #tpu.memory_space<vmem>>
    %dma_start3A_672 = tpu.memref_squeeze %dma_start3A_671 : memref<1x256x128xf32, #tpu.memory_space<vmem>> -> memref<256x128xf32, #tpu.memory_space<vmem>>
    %dma_start3A_673 = arith.constant 0 : i32
    %dma_start3A_674 = tpu.memref_slice %arg4[%add3A_667, %dma_start3A_673] : memref<229376x128xf32, #tpu.memory_space<hbm>> -> memref<256x128xf32, #tpu.memory_space<hbm>>
    %dma_start3A_675 = arith.constant 0 : i32
    %dma_start3A_676 = tpu.memref_slice %arg4[%add3A_667, %dma_start3A_675] : memref<229376x128xf32, #tpu.memory_space<hbm>> -> memref<256x128xf32, #tpu.memory_space<hbm>>
    %dma_start3A_677 = arith.constant 0 : i32
    %dma_start3A_678 = arith.constant 0 : i32
    %dma_start3A_679 = tpu.memref_slice %arg6[%dma_start3A_668, %dma_start3A_677, %dma_start3A_678] : memref<2x256x128xf32, #tpu.memory_space<vmem>> -> memref<1x256x128xf32, #tpu.memory_space<vmem>>
    %dma_start3A_680 = tpu.memref_squeeze %dma_start3A_679 : memref<1x256x128xf32, #tpu.memory_space<vmem>> -> memref<256x128xf32, #tpu.memory_space<vmem>>
    tpu.enqueue_dma source(%dma_start3A_680 : memref<256x128xf32, #tpu.memory_space<vmem>>) target(%dma_start3A_676 : memref<256x128xf32, #tpu.memory_space<hbm>>) target_semaphore(%arg10 : memref<!tpu.dma_semaphore, #tpu.memory_space<semaphore_mem>>)
    %dma_wait3A_681 = arith.constant 0 : i32
    %dma_wait3A_682 = arith.constant 0 : i32
    %dma_wait3A_683 = arith.constant 0 : i32
    %dma_wait3A_684 = tpu.memref_slice %arg6[%dma_wait3A_681, %dma_wait3A_682, %dma_wait3A_683] : memref<2x256x128xf32, #tpu.memory_space<vmem>> -> memref<1x256x128xf32, #tpu.memory_space<vmem>>
    %dma_wait3A_685 = tpu.memref_squeeze %dma_wait3A_684 : memref<1x256x128xf32, #tpu.memory_space<vmem>> -> memref<256x128xf32, #tpu.memory_space<vmem>>
    %dma_wait3A_686 = arith.constant 0 : i32
    %dma_wait3A_687 = tpu.memref_slice %arg4[%add3A_579, %dma_wait3A_686] : memref<229376x128xf32, #tpu.memory_space<hbm>> -> memref<256x128xf32, #tpu.memory_space<hbm>>
    %dma_wait3A_688 = arith.constant 0 : i32
    %dma_wait3A_689 = tpu.memref_slice %arg4[%add3A_579, %dma_wait3A_688] : memref<229376x128xf32, #tpu.memory_space<hbm>> -> memref<256x128xf32, #tpu.memory_space<hbm>>
    %dma_wait3A_690 = arith.constant 0 : i32
    %dma_wait3A_691 = arith.constant 0 : i32
    %dma_wait3A_692 = tpu.memref_slice %arg6[%dma_wait3A_681, %dma_wait3A_690, %dma_wait3A_691] : memref<2x256x128xf32, #tpu.memory_space<vmem>> -> memref<1x256x128xf32, #tpu.memory_space<vmem>>
    %dma_wait3A_693 = tpu.memref_squeeze %dma_wait3A_692 : memref<1x256x128xf32, #tpu.memory_space<vmem>> -> memref<256x128xf32, #tpu.memory_space<vmem>>
    tpu.wait_dma2 semaphore(%arg9 : memref<!tpu.dma_semaphore, #tpu.memory_space<semaphore_mem>>) src(%dma_wait3A_693 : memref<256x128xf32, #tpu.memory_space<vmem>>) dst(%dma_wait3A_689 : memref<256x128xf32, #tpu.memory_space<hbm>>)
    %dma_start3A_694 = arith.constant 16 : i32
    %dma_start3A_695 = arith.constant 0 : i32
    %dma_start3A_696 = arith.constant 0 : i32
    %dma_start3A_697 = arith.constant 0 : i32
    %dma_start3A_698 = tpu.memref_slice %arg6[%dma_start3A_695, %dma_start3A_696, %dma_start3A_697] : memref<2x256x128xf32, #tpu.memory_space<vmem>> -> memref<1x256x128xf32, #tpu.memory_space<vmem>>
    %dma_start3A_699 = tpu.memref_squeeze %dma_start3A_698 : memref<1x256x128xf32, #tpu.memory_space<vmem>> -> memref<256x128xf32, #tpu.memory_space<vmem>>
    %dma_start3A_700 = arith.constant 0 : i32
    %dma_start3A_701 = arith.constant 0 : i32
    %dma_start3A_702 = tpu.memref_slice %dma_start3A_699[%dma_start3A_700, %dma_start3A_701] : memref<256x128xf32, #tpu.memory_space<vmem>> -> memref<128x128xf32, #tpu.memory_space<vmem>>
    %dma_start3A_703 = arith.constant 0 : i32
    %dma_start3A_704 = tpu.memref_slice %arg5[%dma_start3A_694, %dma_start3A_703] : memref<56x128xi32, #tpu.memory_space<vmem>> -> memref<1x128xi32, #tpu.memory_space<vmem>>
    %dma_start3A_705 = tpu.memref_squeeze %dma_start3A_704 : memref<1x128xi32, #tpu.memory_space<vmem>> -> memref<128xi32, #tpu.memory_space<vmem>>
    %dma_start3A_706 = arith.constant 0 : i32
    %dma_start3A_707 = arith.constant 0 : i32
    %dma_start3A_708 = tpu.memref_slice %arg2[%dma_start3A_706, %dma_start3A_707] : memref<100001x128xf32, #tpu.memory_space<hbm>> -> memref<100001x128xf32, #tpu.memory_space<hbm>>
    tpu.enqueue_indirect_dma source(%dma_start3A_708 : memref<100001x128xf32, #tpu.memory_space<hbm>>) target(%dma_start3A_702 : memref<128x128xf32, #tpu.memory_space<vmem>>) offsets(%dma_start3A_705 : memref<128xi32, #tpu.memory_space<vmem>>) semaphore(%arg7 : memref<!tpu.dma_semaphore, #tpu.memory_space<semaphore_mem>>)
    %dma_start3A_709 = arith.constant 17 : i32
    %dma_start3A_710 = arith.constant 0 : i32
    %dma_start3A_711 = arith.constant 0 : i32
    %dma_start3A_712 = arith.constant 0 : i32
    %dma_start3A_713 = tpu.memref_slice %arg6[%dma_start3A_710, %dma_start3A_711, %dma_start3A_712] : memref<2x256x128xf32, #tpu.memory_space<vmem>> -> memref<1x256x128xf32, #tpu.memory_space<vmem>>
    %dma_start3A_714 = tpu.memref_squeeze %dma_start3A_713 : memref<1x256x128xf32, #tpu.memory_space<vmem>> -> memref<256x128xf32, #tpu.memory_space<vmem>>
    %dma_start3A_715 = arith.constant 128 : i32
    %dma_start3A_716 = arith.constant 0 : i32
    %dma_start3A_717 = tpu.memref_slice %dma_start3A_714[%dma_start3A_715, %dma_start3A_716] : memref<256x128xf32, #tpu.memory_space<vmem>> -> memref<128x128xf32, #tpu.memory_space<vmem>>
    %dma_start3A_718 = arith.constant 0 : i32
    %dma_start3A_719 = tpu.memref_slice %arg5[%dma_start3A_709, %dma_start3A_718] : memref<56x128xi32, #tpu.memory_space<vmem>> -> memref<1x128xi32, #tpu.memory_space<vmem>>
    %dma_start3A_720 = tpu.memref_squeeze %dma_start3A_719 : memref<1x128xi32, #tpu.memory_space<vmem>> -> memref<128xi32, #tpu.memory_space<vmem>>
    %dma_start3A_721 = arith.constant 0 : i32
    %dma_start3A_722 = arith.constant 0 : i32
    %dma_start3A_723 = tpu.memref_slice %arg2[%dma_start3A_721, %dma_start3A_722] : memref<100001x128xf32, #tpu.memory_space<hbm>> -> memref<100001x128xf32, #tpu.memory_space<hbm>>
    tpu.enqueue_indirect_dma source(%dma_start3A_723 : memref<100001x128xf32, #tpu.memory_space<hbm>>) target(%dma_start3A_717 : memref<128x128xf32, #tpu.memory_space<vmem>>) offsets(%dma_start3A_720 : memref<128xi32, #tpu.memory_space<vmem>>) semaphore(%arg7 : memref<!tpu.dma_semaphore, #tpu.memory_space<semaphore_mem>>)
    %dma_wait3A_724 = arith.constant 16 : i32
    %dma_wait3A_725 = arith.constant 0 : i32
    %dma_wait3A_726 = arith.constant 0 : i32
    %dma_wait3A_727 = arith.constant 0 : i32
    %dma_wait3A_728 = tpu.memref_slice %arg6[%dma_wait3A_725, %dma_wait3A_726, %dma_wait3A_727] : memref<2x256x128xf32, #tpu.memory_space<vmem>> -> memref<1x256x128xf32, #tpu.memory_space<vmem>>
    %dma_wait3A_729 = tpu.memref_squeeze %dma_wait3A_728 : memref<1x256x128xf32, #tpu.memory_space<vmem>> -> memref<256x128xf32, #tpu.memory_space<vmem>>
    %dma_wait3A_730 = arith.constant 0 : i32
    %dma_wait3A_731 = arith.constant 0 : i32
    %dma_wait3A_732 = tpu.memref_slice %dma_wait3A_729[%dma_wait3A_730, %dma_wait3A_731] : memref<256x128xf32, #tpu.memory_space<vmem>> -> memref<128x128xf32, #tpu.memory_space<vmem>>
    %dma_wait3A_733 = arith.constant 0 : i32
    %dma_wait3A_734 = tpu.memref_slice %arg5[%dma_wait3A_724, %dma_wait3A_733] : memref<56x128xi32, #tpu.memory_space<vmem>> -> memref<1x128xi32, #tpu.memory_space<vmem>>
    %dma_wait3A_735 = tpu.memref_squeeze %dma_wait3A_734 : memref<1x128xi32, #tpu.memory_space<vmem>> -> memref<128xi32, #tpu.memory_space<vmem>>
    %dma_wait3A_736 = arith.constant 0 : i32
    %dma_wait3A_737 = arith.constant 0 : i32
    %dma_wait3A_738 = tpu.memref_slice %arg2[%dma_wait3A_736, %dma_wait3A_737] : memref<100001x128xf32, #tpu.memory_space<hbm>> -> memref<100001x128xf32, #tpu.memory_space<hbm>>
    tpu.wait_indirect_dma semaphore(%arg7 : memref<!tpu.dma_semaphore, #tpu.memory_space<semaphore_mem>>) src(%dma_wait3A_738 : memref<100001x128xf32, #tpu.memory_space<hbm>>) dst(%dma_wait3A_732 : memref<128x128xf32, #tpu.memory_space<vmem>>)
    %dma_wait3A_739 = arith.constant 17 : i32
    %dma_wait3A_740 = arith.constant 0 : i32
    %dma_wait3A_741 = arith.constant 0 : i32
    %dma_wait3A_742 = arith.constant 0 : i32
    %dma_wait3A_743 = tpu.memref_slice %arg6[%dma_wait3A_740, %dma_wait3A_741, %dma_wait3A_742] : memref<2x256x128xf32, #tpu.memory_space<vmem>> -> memref<1x256x128xf32, #tpu.memory_space<vmem>>
    %dma_wait3A_744 = tpu.memref_squeeze %dma_wait3A_743 : memref<1x256x128xf32, #tpu.memory_space<vmem>> -> memref<256x128xf32, #tpu.memory_space<vmem>>
    %dma_wait3A_745 = arith.constant 128 : i32
    %dma_wait3A_746 = arith.constant 0 : i32
    %dma_wait3A_747 = tpu.memref_slice %dma_wait3A_744[%dma_wait3A_745, %dma_wait3A_746] : memref<256x128xf32, #tpu.memory_space<vmem>> -> memref<128x128xf32, #tpu.memory_space<vmem>>
    %dma_wait3A_748 = arith.constant 0 : i32
    %dma_wait3A_749 = tpu.memref_slice %arg5[%dma_wait3A_739, %dma_wait3A_748] : memref<56x128xi32, #tpu.memory_space<vmem>> -> memref<1x128xi32, #tpu.memory_space<vmem>>
    %dma_wait3A_750 = tpu.memref_squeeze %dma_wait3A_749 : memref<1x128xi32, #tpu.memory_space<vmem>> -> memref<128xi32, #tpu.memory_space<vmem>>
    %dma_wait3A_751 = arith.constant 0 : i32
    %dma_wait3A_752 = arith.constant 0 : i32
    %dma_wait3A_753 = tpu.memref_slice %arg2[%dma_wait3A_751, %dma_wait3A_752] : memref<100001x128xf32, #tpu.memory_space<hbm>> -> memref<100001x128xf32, #tpu.memory_space<hbm>>
    tpu.wait_indirect_dma semaphore(%arg7 : memref<!tpu.dma_semaphore, #tpu.memory_space<semaphore_mem>>) src(%dma_wait3A_753 : memref<100001x128xf32, #tpu.memory_space<hbm>>) dst(%dma_wait3A_747 : memref<128x128xf32, #tpu.memory_space<vmem>>)
    %add3A_754 = arith.constant 2048 : i32
    %add3A_755 = arith.addi %mul3A_2, %add3A_754 : i32
    %dma_start3A_756 = arith.constant 0 : i32
    %dma_start3A_757 = arith.constant 0 : i32
    %dma_start3A_758 = arith.constant 0 : i32
    %dma_start3A_759 = tpu.memref_slice %arg6[%dma_start3A_756, %dma_start3A_757, %dma_start3A_758] : memref<2x256x128xf32, #tpu.memory_space<vmem>> -> memref<1x256x128xf32, #tpu.memory_space<vmem>>
    %dma_start3A_760 = tpu.memref_squeeze %dma_start3A_759 : memref<1x256x128xf32, #tpu.memory_space<vmem>> -> memref<256x128xf32, #tpu.memory_space<vmem>>
    %dma_start3A_761 = arith.constant 0 : i32
    %dma_start3A_762 = tpu.memref_slice %arg4[%add3A_755, %dma_start3A_761] : memref<229376x128xf32, #tpu.memory_space<hbm>> -> memref<256x128xf32, #tpu.memory_space<hbm>>
    %dma_start3A_763 = arith.constant 0 : i32
    %dma_start3A_764 = tpu.memref_slice %arg4[%add3A_755, %dma_start3A_763] : memref<229376x128xf32, #tpu.memory_space<hbm>> -> memref<256x128xf32, #tpu.memory_space<hbm>>
    %dma_start3A_765 = arith.constant 0 : i32
    %dma_start3A_766 = arith.constant 0 : i32
    %dma_start3A_767 = tpu.memref_slice %arg6[%dma_start3A_756, %dma_start3A_765, %dma_start3A_766] : memref<2x256x128xf32, #tpu.memory_space<vmem>> -> memref<1x256x128xf32, #tpu.memory_space<vmem>>
    %dma_start3A_768 = tpu.memref_squeeze %dma_start3A_767 : memref<1x256x128xf32, #tpu.memory_space<vmem>> -> memref<256x128xf32, #tpu.memory_space<vmem>>
    tpu.enqueue_dma source(%dma_start3A_768 : memref<256x128xf32, #tpu.memory_space<vmem>>) target(%dma_start3A_764 : memref<256x128xf32, #tpu.memory_space<hbm>>) target_semaphore(%arg9 : memref<!tpu.dma_semaphore, #tpu.memory_space<semaphore_mem>>)
    %dma_wait3A_769 = arith.constant 1 : i32
    %dma_wait3A_770 = arith.constant 0 : i32
    %dma_wait3A_771 = arith.constant 0 : i32
    %dma_wait3A_772 = tpu.memref_slice %arg6[%dma_wait3A_769, %dma_wait3A_770, %dma_wait3A_771] : memref<2x256x128xf32, #tpu.memory_space<vmem>> -> memref<1x256x128xf32, #tpu.memory_space<vmem>>
    %dma_wait3A_773 = tpu.memref_squeeze %dma_wait3A_772 : memref<1x256x128xf32, #tpu.memory_space<vmem>> -> memref<256x128xf32, #tpu.memory_space<vmem>>
    %dma_wait3A_774 = arith.constant 0 : i32
    %dma_wait3A_775 = tpu.memref_slice %arg4[%add3A_667, %dma_wait3A_774] : memref<229376x128xf32, #tpu.memory_space<hbm>> -> memref<256x128xf32, #tpu.memory_space<hbm>>
    %dma_wait3A_776 = arith.constant 0 : i32
    %dma_wait3A_777 = tpu.memref_slice %arg4[%add3A_667, %dma_wait3A_776] : memref<229376x128xf32, #tpu.memory_space<hbm>> -> memref<256x128xf32, #tpu.memory_space<hbm>>
    %dma_wait3A_778 = arith.constant 0 : i32
    %dma_wait3A_779 = arith.constant 0 : i32
    %dma_wait3A_780 = tpu.memref_slice %arg6[%dma_wait3A_769, %dma_wait3A_778, %dma_wait3A_779] : memref<2x256x128xf32, #tpu.memory_space<vmem>> -> memref<1x256x128xf32, #tpu.memory_space<vmem>>
    %dma_wait3A_781 = tpu.memref_squeeze %dma_wait3A_780 : memref<1x256x128xf32, #tpu.memory_space<vmem>> -> memref<256x128xf32, #tpu.memory_space<vmem>>
    tpu.wait_dma2 semaphore(%arg10 : memref<!tpu.dma_semaphore, #tpu.memory_space<semaphore_mem>>) src(%dma_wait3A_781 : memref<256x128xf32, #tpu.memory_space<vmem>>) dst(%dma_wait3A_777 : memref<256x128xf32, #tpu.memory_space<hbm>>)
    %dma_start3A_782 = arith.constant 18 : i32
    %dma_start3A_783 = arith.constant 1 : i32
    %dma_start3A_784 = arith.constant 0 : i32
    %dma_start3A_785 = arith.constant 0 : i32
    %dma_start3A_786 = tpu.memref_slice %arg6[%dma_start3A_783, %dma_start3A_784, %dma_start3A_785] : memref<2x256x128xf32, #tpu.memory_space<vmem>> -> memref<1x256x128xf32, #tpu.memory_space<vmem>>
    %dma_start3A_787 = tpu.memref_squeeze %dma_start3A_786 : memref<1x256x128xf32, #tpu.memory_space<vmem>> -> memref<256x128xf32, #tpu.memory_space<vmem>>
    %dma_start3A_788 = arith.constant 0 : i32
    %dma_start3A_789 = arith.constant 0 : i32
    %dma_start3A_790 = tpu.memref_slice %dma_start3A_787[%dma_start3A_788, %dma_start3A_789] : memref<256x128xf32, #tpu.memory_space<vmem>> -> memref<128x128xf32, #tpu.memory_space<vmem>>
    %dma_start3A_791 = arith.constant 0 : i32
    %dma_start3A_792 = tpu.memref_slice %arg5[%dma_start3A_782, %dma_start3A_791] : memref<56x128xi32, #tpu.memory_space<vmem>> -> memref<1x128xi32, #tpu.memory_space<vmem>>
    %dma_start3A_793 = tpu.memref_squeeze %dma_start3A_792 : memref<1x128xi32, #tpu.memory_space<vmem>> -> memref<128xi32, #tpu.memory_space<vmem>>
    %dma_start3A_794 = arith.constant 0 : i32
    %dma_start3A_795 = arith.constant 0 : i32
    %dma_start3A_796 = tpu.memref_slice %arg2[%dma_start3A_794, %dma_start3A_795] : memref<100001x128xf32, #tpu.memory_space<hbm>> -> memref<100001x128xf32, #tpu.memory_space<hbm>>
    tpu.enqueue_indirect_dma source(%dma_start3A_796 : memref<100001x128xf32, #tpu.memory_space<hbm>>) target(%dma_start3A_790 : memref<128x128xf32, #tpu.memory_space<vmem>>) offsets(%dma_start3A_793 : memref<128xi32, #tpu.memory_space<vmem>>) semaphore(%arg8 : memref<!tpu.dma_semaphore, #tpu.memory_space<semaphore_mem>>)
    %dma_start3A_797 = arith.constant 19 : i32
    %dma_start3A_798 = arith.constant 1 : i32
    %dma_start3A_799 = arith.constant 0 : i32
    %dma_start3A_800 = arith.constant 0 : i32
    %dma_start3A_801 = tpu.memref_slice %arg6[%dma_start3A_798, %dma_start3A_799, %dma_start3A_800] : memref<2x256x128xf32, #tpu.memory_space<vmem>> -> memref<1x256x128xf32, #tpu.memory_space<vmem>>
    %dma_start3A_802 = tpu.memref_squeeze %dma_start3A_801 : memref<1x256x128xf32, #tpu.memory_space<vmem>> -> memref<256x128xf32, #tpu.memory_space<vmem>>
    %dma_start3A_803 = arith.constant 128 : i32
    %dma_start3A_804 = arith.constant 0 : i32
    %dma_start3A_805 = tpu.memref_slice %dma_start3A_802[%dma_start3A_803, %dma_start3A_804] : memref<256x128xf32, #tpu.memory_space<vmem>> -> memref<128x128xf32, #tpu.memory_space<vmem>>
    %dma_start3A_806 = arith.constant 0 : i32
    %dma_start3A_807 = tpu.memref_slice %arg5[%dma_start3A_797, %dma_start3A_806] : memref<56x128xi32, #tpu.memory_space<vmem>> -> memref<1x128xi32, #tpu.memory_space<vmem>>
    %dma_start3A_808 = tpu.memref_squeeze %dma_start3A_807 : memref<1x128xi32, #tpu.memory_space<vmem>> -> memref<128xi32, #tpu.memory_space<vmem>>
    %dma_start3A_809 = arith.constant 0 : i32
    %dma_start3A_810 = arith.constant 0 : i32
    %dma_start3A_811 = tpu.memref_slice %arg2[%dma_start3A_809, %dma_start3A_810] : memref<100001x128xf32, #tpu.memory_space<hbm>> -> memref<100001x128xf32, #tpu.memory_space<hbm>>
    tpu.enqueue_indirect_dma source(%dma_start3A_811 : memref<100001x128xf32, #tpu.memory_space<hbm>>) target(%dma_start3A_805 : memref<128x128xf32, #tpu.memory_space<vmem>>) offsets(%dma_start3A_808 : memref<128xi32, #tpu.memory_space<vmem>>) semaphore(%arg8 : memref<!tpu.dma_semaphore, #tpu.memory_space<semaphore_mem>>)
    %dma_wait3A_812 = arith.constant 18 : i32
    %dma_wait3A_813 = arith.constant 1 : i32
    %dma_wait3A_814 = arith.constant 0 : i32
    %dma_wait3A_815 = arith.constant 0 : i32
    %dma_wait3A_816 = tpu.memref_slice %arg6[%dma_wait3A_813, %dma_wait3A_814, %dma_wait3A_815] : memref<2x256x128xf32, #tpu.memory_space<vmem>> -> memref<1x256x128xf32, #tpu.memory_space<vmem>>
    %dma_wait3A_817 = tpu.memref_squeeze %dma_wait3A_816 : memref<1x256x128xf32, #tpu.memory_space<vmem>> -> memref<256x128xf32, #tpu.memory_space<vmem>>
    %dma_wait3A_818 = arith.constant 0 : i32
    %dma_wait3A_819 = arith.constant 0 : i32
    %dma_wait3A_820 = tpu.memref_slice %dma_wait3A_817[%dma_wait3A_818, %dma_wait3A_819] : memref<256x128xf32, #tpu.memory_space<vmem>> -> memref<128x128xf32, #tpu.memory_space<vmem>>
    %dma_wait3A_821 = arith.constant 0 : i32
    %dma_wait3A_822 = tpu.memref_slice %arg5[%dma_wait3A_812, %dma_wait3A_821] : memref<56x128xi32, #tpu.memory_space<vmem>> -> memref<1x128xi32, #tpu.memory_space<vmem>>
    %dma_wait3A_823 = tpu.memref_squeeze %dma_wait3A_822 : memref<1x128xi32, #tpu.memory_space<vmem>> -> memref<128xi32, #tpu.memory_space<vmem>>
    %dma_wait3A_824 = arith.constant 0 : i32
    %dma_wait3A_825 = arith.constant 0 : i32
    %dma_wait3A_826 = tpu.memref_slice %arg2[%dma_wait3A_824, %dma_wait3A_825] : memref<100001x128xf32, #tpu.memory_space<hbm>> -> memref<100001x128xf32, #tpu.memory_space<hbm>>
    tpu.wait_indirect_dma semaphore(%arg8 : memref<!tpu.dma_semaphore, #tpu.memory_space<semaphore_mem>>) src(%dma_wait3A_826 : memref<100001x128xf32, #tpu.memory_space<hbm>>) dst(%dma_wait3A_820 : memref<128x128xf32, #tpu.memory_space<vmem>>)
    %dma_wait3A_827 = arith.constant 19 : i32
    %dma_wait3A_828 = arith.constant 1 : i32
    %dma_wait3A_829 = arith.constant 0 : i32
    %dma_wait3A_830 = arith.constant 0 : i32
    %dma_wait3A_831 = tpu.memref_slice %arg6[%dma_wait3A_828, %dma_wait3A_829, %dma_wait3A_830] : memref<2x256x128xf32, #tpu.memory_space<vmem>> -> memref<1x256x128xf32, #tpu.memory_space<vmem>>
    %dma_wait3A_832 = tpu.memref_squeeze %dma_wait3A_831 : memref<1x256x128xf32, #tpu.memory_space<vmem>> -> memref<256x128xf32, #tpu.memory_space<vmem>>
    %dma_wait3A_833 = arith.constant 128 : i32
    %dma_wait3A_834 = arith.constant 0 : i32
    %dma_wait3A_835 = tpu.memref_slice %dma_wait3A_832[%dma_wait3A_833, %dma_wait3A_834] : memref<256x128xf32, #tpu.memory_space<vmem>> -> memref<128x128xf32, #tpu.memory_space<vmem>>
    %dma_wait3A_836 = arith.constant 0 : i32
    %dma_wait3A_837 = tpu.memref_slice %arg5[%dma_wait3A_827, %dma_wait3A_836] : memref<56x128xi32, #tpu.memory_space<vmem>> -> memref<1x128xi32, #tpu.memory_space<vmem>>
    %dma_wait3A_838 = tpu.memref_squeeze %dma_wait3A_837 : memref<1x128xi32, #tpu.memory_space<vmem>> -> memref<128xi32, #tpu.memory_space<vmem>>
    %dma_wait3A_839 = arith.constant 0 : i32
    %dma_wait3A_840 = arith.constant 0 : i32
    %dma_wait3A_841 = tpu.memref_slice %arg2[%dma_wait3A_839, %dma_wait3A_840] : memref<100001x128xf32, #tpu.memory_space<hbm>> -> memref<100001x128xf32, #tpu.memory_space<hbm>>
    tpu.wait_indirect_dma semaphore(%arg8 : memref<!tpu.dma_semaphore, #tpu.memory_space<semaphore_mem>>) src(%dma_wait3A_841 : memref<100001x128xf32, #tpu.memory_space<hbm>>) dst(%dma_wait3A_835 : memref<128x128xf32, #tpu.memory_space<vmem>>)
    %add3A_842 = arith.constant 2304 : i32
    %add3A_843 = arith.addi %mul3A_2, %add3A_842 : i32
    %dma_start3A_844 = arith.constant 1 : i32
    %dma_start3A_845 = arith.constant 0 : i32
    %dma_start3A_846 = arith.constant 0 : i32
    %dma_start3A_847 = tpu.memref_slice %arg6[%dma_start3A_844, %dma_start3A_845, %dma_start3A_846] : memref<2x256x128xf32, #tpu.memory_space<vmem>> -> memref<1x256x128xf32, #tpu.memory_space<vmem>>
    %dma_start3A_848 = tpu.memref_squeeze %dma_start3A_847 : memref<1x256x128xf32, #tpu.memory_space<vmem>> -> memref<256x128xf32, #tpu.memory_space<vmem>>
    %dma_start3A_849 = arith.constant 0 : i32
    %dma_start3A_850 = tpu.memref_slice %arg4[%add3A_843, %dma_start3A_849] : memref<229376x128xf32, #tpu.memory_space<hbm>> -> memref<256x128xf32, #tpu.memory_space<hbm>>
    %dma_start3A_851 = arith.constant 0 : i32
    %dma_start3A_852 = tpu.memref_slice %arg4[%add3A_843, %dma_start3A_851] : memref<229376x128xf32, #tpu.memory_space<hbm>> -> memref<256x128xf32, #tpu.memory_space<hbm>>
    %dma_start3A_853 = arith.constant 0 : i32
    %dma_start3A_854 = arith.constant 0 : i32
    %dma_start3A_855 = tpu.memref_slice %arg6[%dma_start3A_844, %dma_start3A_853, %dma_start3A_854] : memref<2x256x128xf32, #tpu.memory_space<vmem>> -> memref<1x256x128xf32, #tpu.memory_space<vmem>>
    %dma_start3A_856 = tpu.memref_squeeze %dma_start3A_855 : memref<1x256x128xf32, #tpu.memory_space<vmem>> -> memref<256x128xf32, #tpu.memory_space<vmem>>
    tpu.enqueue_dma source(%dma_start3A_856 : memref<256x128xf32, #tpu.memory_space<vmem>>) target(%dma_start3A_852 : memref<256x128xf32, #tpu.memory_space<hbm>>) target_semaphore(%arg10 : memref<!tpu.dma_semaphore, #tpu.memory_space<semaphore_mem>>)
    %dma_wait3A_857 = arith.constant 0 : i32
    %dma_wait3A_858 = arith.constant 0 : i32
    %dma_wait3A_859 = arith.constant 0 : i32
    %dma_wait3A_860 = tpu.memref_slice %arg6[%dma_wait3A_857, %dma_wait3A_858, %dma_wait3A_859] : memref<2x256x128xf32, #tpu.memory_space<vmem>> -> memref<1x256x128xf32, #tpu.memory_space<vmem>>
    %dma_wait3A_861 = tpu.memref_squeeze %dma_wait3A_860 : memref<1x256x128xf32, #tpu.memory_space<vmem>> -> memref<256x128xf32, #tpu.memory_space<vmem>>
    %dma_wait3A_862 = arith.constant 0 : i32
    %dma_wait3A_863 = tpu.memref_slice %arg4[%add3A_755, %dma_wait3A_862] : memref<229376x128xf32, #tpu.memory_space<hbm>> -> memref<256x128xf32, #tpu.memory_space<hbm>>
    %dma_wait3A_864 = arith.constant 0 : i32
    %dma_wait3A_865 = tpu.memref_slice %arg4[%add3A_755, %dma_wait3A_864] : memref<229376x128xf32, #tpu.memory_space<hbm>> -> memref<256x128xf32, #tpu.memory_space<hbm>>
    %dma_wait3A_866 = arith.constant 0 : i32
    %dma_wait3A_867 = arith.constant 0 : i32
    %dma_wait3A_868 = tpu.memref_slice %arg6[%dma_wait3A_857, %dma_wait3A_866, %dma_wait3A_867] : memref<2x256x128xf32, #tpu.memory_space<vmem>> -> memref<1x256x128xf32, #tpu.memory_space<vmem>>
    %dma_wait3A_869 = tpu.memref_squeeze %dma_wait3A_868 : memref<1x256x128xf32, #tpu.memory_space<vmem>> -> memref<256x128xf32, #tpu.memory_space<vmem>>
    tpu.wait_dma2 semaphore(%arg9 : memref<!tpu.dma_semaphore, #tpu.memory_space<semaphore_mem>>) src(%dma_wait3A_869 : memref<256x128xf32, #tpu.memory_space<vmem>>) dst(%dma_wait3A_865 : memref<256x128xf32, #tpu.memory_space<hbm>>)
    %dma_start3A_870 = arith.constant 20 : i32
    %dma_start3A_871 = arith.constant 0 : i32
    %dma_start3A_872 = arith.constant 0 : i32
    %dma_start3A_873 = arith.constant 0 : i32
    %dma_start3A_874 = tpu.memref_slice %arg6[%dma_start3A_871, %dma_start3A_872, %dma_start3A_873] : memref<2x256x128xf32, #tpu.memory_space<vmem>> -> memref<1x256x128xf32, #tpu.memory_space<vmem>>
    %dma_start3A_875 = tpu.memref_squeeze %dma_start3A_874 : memref<1x256x128xf32, #tpu.memory_space<vmem>> -> memref<256x128xf32, #tpu.memory_space<vmem>>
    %dma_start3A_876 = arith.constant 0 : i32
    %dma_start3A_877 = arith.constant 0 : i32
    %dma_start3A_878 = tpu.memref_slice %dma_start3A_875[%dma_start3A_876, %dma_start3A_877] : memref<256x128xf32, #tpu.memory_space<vmem>> -> memref<128x128xf32, #tpu.memory_space<vmem>>
    %dma_start3A_879 = arith.constant 0 : i32
    %dma_start3A_880 = tpu.memref_slice %arg5[%dma_start3A_870, %dma_start3A_879] : memref<56x128xi32, #tpu.memory_space<vmem>> -> memref<1x128xi32, #tpu.memory_space<vmem>>
    %dma_start3A_881 = tpu.memref_squeeze %dma_start3A_880 : memref<1x128xi32, #tpu.memory_space<vmem>> -> memref<128xi32, #tpu.memory_space<vmem>>
    %dma_start3A_882 = arith.constant 0 : i32
    %dma_start3A_883 = arith.constant 0 : i32
    %dma_start3A_884 = tpu.memref_slice %arg2[%dma_start3A_882, %dma_start3A_883] : memref<100001x128xf32, #tpu.memory_space<hbm>> -> memref<100001x128xf32, #tpu.memory_space<hbm>>
    tpu.enqueue_indirect_dma source(%dma_start3A_884 : memref<100001x128xf32, #tpu.memory_space<hbm>>) target(%dma_start3A_878 : memref<128x128xf32, #tpu.memory_space<vmem>>) offsets(%dma_start3A_881 : memref<128xi32, #tpu.memory_space<vmem>>) semaphore(%arg7 : memref<!tpu.dma_semaphore, #tpu.memory_space<semaphore_mem>>)
    %dma_start3A_885 = arith.constant 21 : i32
    %dma_start3A_886 = arith.constant 0 : i32
    %dma_start3A_887 = arith.constant 0 : i32
    %dma_start3A_888 = arith.constant 0 : i32
    %dma_start3A_889 = tpu.memref_slice %arg6[%dma_start3A_886, %dma_start3A_887, %dma_start3A_888] : memref<2x256x128xf32, #tpu.memory_space<vmem>> -> memref<1x256x128xf32, #tpu.memory_space<vmem>>
    %dma_start3A_890 = tpu.memref_squeeze %dma_start3A_889 : memref<1x256x128xf32, #tpu.memory_space<vmem>> -> memref<256x128xf32, #tpu.memory_space<vmem>>
    %dma_start3A_891 = arith.constant 128 : i32
    %dma_start3A_892 = arith.constant 0 : i32
    %dma_start3A_893 = tpu.memref_slice %dma_start3A_890[%dma_start3A_891, %dma_start3A_892] : memref<256x128xf32, #tpu.memory_space<vmem>> -> memref<128x128xf32, #tpu.memory_space<vmem>>
    %dma_start3A_894 = arith.constant 0 : i32
    %dma_start3A_895 = tpu.memref_slice %arg5[%dma_start3A_885, %dma_start3A_894] : memref<56x128xi32, #tpu.memory_space<vmem>> -> memref<1x128xi32, #tpu.memory_space<vmem>>
    %dma_start3A_896 = tpu.memref_squeeze %dma_start3A_895 : memref<1x128xi32, #tpu.memory_space<vmem>> -> memref<128xi32, #tpu.memory_space<vmem>>
    %dma_start3A_897 = arith.constant 0 : i32
    %dma_start3A_898 = arith.constant 0 : i32
    %dma_start3A_899 = tpu.memref_slice %arg2[%dma_start3A_897, %dma_start3A_898] : memref<100001x128xf32, #tpu.memory_space<hbm>> -> memref<100001x128xf32, #tpu.memory_space<hbm>>
    tpu.enqueue_indirect_dma source(%dma_start3A_899 : memref<100001x128xf32, #tpu.memory_space<hbm>>) target(%dma_start3A_893 : memref<128x128xf32, #tpu.memory_space<vmem>>) offsets(%dma_start3A_896 : memref<128xi32, #tpu.memory_space<vmem>>) semaphore(%arg7 : memref<!tpu.dma_semaphore, #tpu.memory_space<semaphore_mem>>)
    %dma_wait3A_900 = arith.constant 20 : i32
    %dma_wait3A_901 = arith.constant 0 : i32
    %dma_wait3A_902 = arith.constant 0 : i32
    %dma_wait3A_903 = arith.constant 0 : i32
    %dma_wait3A_904 = tpu.memref_slice %arg6[%dma_wait3A_901, %dma_wait3A_902, %dma_wait3A_903] : memref<2x256x128xf32, #tpu.memory_space<vmem>> -> memref<1x256x128xf32, #tpu.memory_space<vmem>>
    %dma_wait3A_905 = tpu.memref_squeeze %dma_wait3A_904 : memref<1x256x128xf32, #tpu.memory_space<vmem>> -> memref<256x128xf32, #tpu.memory_space<vmem>>
    %dma_wait3A_906 = arith.constant 0 : i32
    %dma_wait3A_907 = arith.constant 0 : i32
    %dma_wait3A_908 = tpu.memref_slice %dma_wait3A_905[%dma_wait3A_906, %dma_wait3A_907] : memref<256x128xf32, #tpu.memory_space<vmem>> -> memref<128x128xf32, #tpu.memory_space<vmem>>
    %dma_wait3A_909 = arith.constant 0 : i32
    %dma_wait3A_910 = tpu.memref_slice %arg5[%dma_wait3A_900, %dma_wait3A_909] : memref<56x128xi32, #tpu.memory_space<vmem>> -> memref<1x128xi32, #tpu.memory_space<vmem>>
    %dma_wait3A_911 = tpu.memref_squeeze %dma_wait3A_910 : memref<1x128xi32, #tpu.memory_space<vmem>> -> memref<128xi32, #tpu.memory_space<vmem>>
    %dma_wait3A_912 = arith.constant 0 : i32
    %dma_wait3A_913 = arith.constant 0 : i32
    %dma_wait3A_914 = tpu.memref_slice %arg2[%dma_wait3A_912, %dma_wait3A_913] : memref<100001x128xf32, #tpu.memory_space<hbm>> -> memref<100001x128xf32, #tpu.memory_space<hbm>>
    tpu.wait_indirect_dma semaphore(%arg7 : memref<!tpu.dma_semaphore, #tpu.memory_space<semaphore_mem>>) src(%dma_wait3A_914 : memref<100001x128xf32, #tpu.memory_space<hbm>>) dst(%dma_wait3A_908 : memref<128x128xf32, #tpu.memory_space<vmem>>)
    %dma_wait3A_915 = arith.constant 21 : i32
    %dma_wait3A_916 = arith.constant 0 : i32
    %dma_wait3A_917 = arith.constant 0 : i32
    %dma_wait3A_918 = arith.constant 0 : i32
    %dma_wait3A_919 = tpu.memref_slice %arg6[%dma_wait3A_916, %dma_wait3A_917, %dma_wait3A_918] : memref<2x256x128xf32, #tpu.memory_space<vmem>> -> memref<1x256x128xf32, #tpu.memory_space<vmem>>
    %dma_wait3A_920 = tpu.memref_squeeze %dma_wait3A_919 : memref<1x256x128xf32, #tpu.memory_space<vmem>> -> memref<256x128xf32, #tpu.memory_space<vmem>>
    %dma_wait3A_921 = arith.constant 128 : i32
    %dma_wait3A_922 = arith.constant 0 : i32
    %dma_wait3A_923 = tpu.memref_slice %dma_wait3A_920[%dma_wait3A_921, %dma_wait3A_922] : memref<256x128xf32, #tpu.memory_space<vmem>> -> memref<128x128xf32, #tpu.memory_space<vmem>>
    %dma_wait3A_924 = arith.constant 0 : i32
    %dma_wait3A_925 = tpu.memref_slice %arg5[%dma_wait3A_915, %dma_wait3A_924] : memref<56x128xi32, #tpu.memory_space<vmem>> -> memref<1x128xi32, #tpu.memory_space<vmem>>
    %dma_wait3A_926 = tpu.memref_squeeze %dma_wait3A_925 : memref<1x128xi32, #tpu.memory_space<vmem>> -> memref<128xi32, #tpu.memory_space<vmem>>
    %dma_wait3A_927 = arith.constant 0 : i32
    %dma_wait3A_928 = arith.constant 0 : i32
    %dma_wait3A_929 = tpu.memref_slice %arg2[%dma_wait3A_927, %dma_wait3A_928] : memref<100001x128xf32, #tpu.memory_space<hbm>> -> memref<100001x128xf32, #tpu.memory_space<hbm>>
    tpu.wait_indirect_dma semaphore(%arg7 : memref<!tpu.dma_semaphore, #tpu.memory_space<semaphore_mem>>) src(%dma_wait3A_929 : memref<100001x128xf32, #tpu.memory_space<hbm>>) dst(%dma_wait3A_923 : memref<128x128xf32, #tpu.memory_space<vmem>>)
    %add3A_930 = arith.constant 2560 : i32
    %add3A_931 = arith.addi %mul3A_2, %add3A_930 : i32
    %dma_start3A_932 = arith.constant 0 : i32
    %dma_start3A_933 = arith.constant 0 : i32
    %dma_start3A_934 = arith.constant 0 : i32
    %dma_start3A_935 = tpu.memref_slice %arg6[%dma_start3A_932, %dma_start3A_933, %dma_start3A_934] : memref<2x256x128xf32, #tpu.memory_space<vmem>> -> memref<1x256x128xf32, #tpu.memory_space<vmem>>
    %dma_start3A_936 = tpu.memref_squeeze %dma_start3A_935 : memref<1x256x128xf32, #tpu.memory_space<vmem>> -> memref<256x128xf32, #tpu.memory_space<vmem>>
    %dma_start3A_937 = arith.constant 0 : i32
    %dma_start3A_938 = tpu.memref_slice %arg4[%add3A_931, %dma_start3A_937] : memref<229376x128xf32, #tpu.memory_space<hbm>> -> memref<256x128xf32, #tpu.memory_space<hbm>>
    %dma_start3A_939 = arith.constant 0 : i32
    %dma_start3A_940 = tpu.memref_slice %arg4[%add3A_931, %dma_start3A_939] : memref<229376x128xf32, #tpu.memory_space<hbm>> -> memref<256x128xf32, #tpu.memory_space<hbm>>
    %dma_start3A_941 = arith.constant 0 : i32
    %dma_start3A_942 = arith.constant 0 : i32
    %dma_start3A_943 = tpu.memref_slice %arg6[%dma_start3A_932, %dma_start3A_941, %dma_start3A_942] : memref<2x256x128xf32, #tpu.memory_space<vmem>> -> memref<1x256x128xf32, #tpu.memory_space<vmem>>
    %dma_start3A_944 = tpu.memref_squeeze %dma_start3A_943 : memref<1x256x128xf32, #tpu.memory_space<vmem>> -> memref<256x128xf32, #tpu.memory_space<vmem>>
    tpu.enqueue_dma source(%dma_start3A_944 : memref<256x128xf32, #tpu.memory_space<vmem>>) target(%dma_start3A_940 : memref<256x128xf32, #tpu.memory_space<hbm>>) target_semaphore(%arg9 : memref<!tpu.dma_semaphore, #tpu.memory_space<semaphore_mem>>)
    %dma_wait3A_945 = arith.constant 1 : i32
    %dma_wait3A_946 = arith.constant 0 : i32
    %dma_wait3A_947 = arith.constant 0 : i32
    %dma_wait3A_948 = tpu.memref_slice %arg6[%dma_wait3A_945, %dma_wait3A_946, %dma_wait3A_947] : memref<2x256x128xf32, #tpu.memory_space<vmem>> -> memref<1x256x128xf32, #tpu.memory_space<vmem>>
    %dma_wait3A_949 = tpu.memref_squeeze %dma_wait3A_948 : memref<1x256x128xf32, #tpu.memory_space<vmem>> -> memref<256x128xf32, #tpu.memory_space<vmem>>
    %dma_wait3A_950 = arith.constant 0 : i32
    %dma_wait3A_951 = tpu.memref_slice %arg4[%add3A_843, %dma_wait3A_950] : memref<229376x128xf32, #tpu.memory_space<hbm>> -> memref<256x128xf32, #tpu.memory_space<hbm>>
    %dma_wait3A_952 = arith.constant 0 : i32
    %dma_wait3A_953 = tpu.memref_slice %arg4[%add3A_843, %dma_wait3A_952] : memref<229376x128xf32, #tpu.memory_space<hbm>> -> memref<256x128xf32, #tpu.memory_space<hbm>>
    %dma_wait3A_954 = arith.constant 0 : i32
    %dma_wait3A_955 = arith.constant 0 : i32
    %dma_wait3A_956 = tpu.memref_slice %arg6[%dma_wait3A_945, %dma_wait3A_954, %dma_wait3A_955] : memref<2x256x128xf32, #tpu.memory_space<vmem>> -> memref<1x256x128xf32, #tpu.memory_space<vmem>>
    %dma_wait3A_957 = tpu.memref_squeeze %dma_wait3A_956 : memref<1x256x128xf32, #tpu.memory_space<vmem>> -> memref<256x128xf32, #tpu.memory_space<vmem>>
    tpu.wait_dma2 semaphore(%arg10 : memref<!tpu.dma_semaphore, #tpu.memory_space<semaphore_mem>>) src(%dma_wait3A_957 : memref<256x128xf32, #tpu.memory_space<vmem>>) dst(%dma_wait3A_953 : memref<256x128xf32, #tpu.memory_space<hbm>>)
    %dma_start3A_958 = arith.constant 22 : i32
    %dma_start3A_959 = arith.constant 1 : i32
    %dma_start3A_960 = arith.constant 0 : i32
    %dma_start3A_961 = arith.constant 0 : i32
    %dma_start3A_962 = tpu.memref_slice %arg6[%dma_start3A_959, %dma_start3A_960, %dma_start3A_961] : memref<2x256x128xf32, #tpu.memory_space<vmem>> -> memref<1x256x128xf32, #tpu.memory_space<vmem>>
    %dma_start3A_963 = tpu.memref_squeeze %dma_start3A_962 : memref<1x256x128xf32, #tpu.memory_space<vmem>> -> memref<256x128xf32, #tpu.memory_space<vmem>>
    %dma_start3A_964 = arith.constant 0 : i32
    %dma_start3A_965 = arith.constant 0 : i32
    %dma_start3A_966 = tpu.memref_slice %dma_start3A_963[%dma_start3A_964, %dma_start3A_965] : memref<256x128xf32, #tpu.memory_space<vmem>> -> memref<128x128xf32, #tpu.memory_space<vmem>>
    %dma_start3A_967 = arith.constant 0 : i32
    %dma_start3A_968 = tpu.memref_slice %arg5[%dma_start3A_958, %dma_start3A_967] : memref<56x128xi32, #tpu.memory_space<vmem>> -> memref<1x128xi32, #tpu.memory_space<vmem>>
    %dma_start3A_969 = tpu.memref_squeeze %dma_start3A_968 : memref<1x128xi32, #tpu.memory_space<vmem>> -> memref<128xi32, #tpu.memory_space<vmem>>
    %dma_start3A_970 = arith.constant 0 : i32
    %dma_start3A_971 = arith.constant 0 : i32
    %dma_start3A_972 = tpu.memref_slice %arg2[%dma_start3A_970, %dma_start3A_971] : memref<100001x128xf32, #tpu.memory_space<hbm>> -> memref<100001x128xf32, #tpu.memory_space<hbm>>
    tpu.enqueue_indirect_dma source(%dma_start3A_972 : memref<100001x128xf32, #tpu.memory_space<hbm>>) target(%dma_start3A_966 : memref<128x128xf32, #tpu.memory_space<vmem>>) offsets(%dma_start3A_969 : memref<128xi32, #tpu.memory_space<vmem>>) semaphore(%arg8 : memref<!tpu.dma_semaphore, #tpu.memory_space<semaphore_mem>>)
    %dma_start3A_973 = arith.constant 23 : i32
    %dma_start3A_974 = arith.constant 1 : i32
    %dma_start3A_975 = arith.constant 0 : i32
    %dma_start3A_976 = arith.constant 0 : i32
    %dma_start3A_977 = tpu.memref_slice %arg6[%dma_start3A_974, %dma_start3A_975, %dma_start3A_976] : memref<2x256x128xf32, #tpu.memory_space<vmem>> -> memref<1x256x128xf32, #tpu.memory_space<vmem>>
    %dma_start3A_978 = tpu.memref_squeeze %dma_start3A_977 : memref<1x256x128xf32, #tpu.memory_space<vmem>> -> memref<256x128xf32, #tpu.memory_space<vmem>>
    %dma_start3A_979 = arith.constant 128 : i32
    %dma_start3A_980 = arith.constant 0 : i32
    %dma_start3A_981 = tpu.memref_slice %dma_start3A_978[%dma_start3A_979, %dma_start3A_980] : memref<256x128xf32, #tpu.memory_space<vmem>> -> memref<128x128xf32, #tpu.memory_space<vmem>>
    %dma_start3A_982 = arith.constant 0 : i32
    %dma_start3A_983 = tpu.memref_slice %arg5[%dma_start3A_973, %dma_start3A_982] : memref<56x128xi32, #tpu.memory_space<vmem>> -> memref<1x128xi32, #tpu.memory_space<vmem>>
    %dma_start3A_984 = tpu.memref_squeeze %dma_start3A_983 : memref<1x128xi32, #tpu.memory_space<vmem>> -> memref<128xi32, #tpu.memory_space<vmem>>
    %dma_start3A_985 = arith.constant 0 : i32
    %dma_start3A_986 = arith.constant 0 : i32
    %dma_start3A_987 = tpu.memref_slice %arg2[%dma_start3A_985, %dma_start3A_986] : memref<100001x128xf32, #tpu.memory_space<hbm>> -> memref<100001x128xf32, #tpu.memory_space<hbm>>
    tpu.enqueue_indirect_dma source(%dma_start3A_987 : memref<100001x128xf32, #tpu.memory_space<hbm>>) target(%dma_start3A_981 : memref<128x128xf32, #tpu.memory_space<vmem>>) offsets(%dma_start3A_984 : memref<128xi32, #tpu.memory_space<vmem>>) semaphore(%arg8 : memref<!tpu.dma_semaphore, #tpu.memory_space<semaphore_mem>>)
    %dma_wait3A_988 = arith.constant 22 : i32
    %dma_wait3A_989 = arith.constant 1 : i32
    %dma_wait3A_990 = arith.constant 0 : i32
    %dma_wait3A_991 = arith.constant 0 : i32
    %dma_wait3A_992 = tpu.memref_slice %arg6[%dma_wait3A_989, %dma_wait3A_990, %dma_wait3A_991] : memref<2x256x128xf32, #tpu.memory_space<vmem>> -> memref<1x256x128xf32, #tpu.memory_space<vmem>>
    %dma_wait3A_993 = tpu.memref_squeeze %dma_wait3A_992 : memref<1x256x128xf32, #tpu.memory_space<vmem>> -> memref<256x128xf32, #tpu.memory_space<vmem>>
    %dma_wait3A_994 = arith.constant 0 : i32
    %dma_wait3A_995 = arith.constant 0 : i32
    %dma_wait3A_996 = tpu.memref_slice %dma_wait3A_993[%dma_wait3A_994, %dma_wait3A_995] : memref<256x128xf32, #tpu.memory_space<vmem>> -> memref<128x128xf32, #tpu.memory_space<vmem>>
    %dma_wait3A_997 = arith.constant 0 : i32
    %dma_wait3A_998 = tpu.memref_slice %arg5[%dma_wait3A_988, %dma_wait3A_997] : memref<56x128xi32, #tpu.memory_space<vmem>> -> memref<1x128xi32, #tpu.memory_space<vmem>>
    %dma_wait3A_999 = tpu.memref_squeeze %dma_wait3A_998 : memref<1x128xi32, #tpu.memory_space<vmem>> -> memref<128xi32, #tpu.memory_space<vmem>>
    %dma_wait3A_1000 = arith.constant 0 : i32
    %dma_wait3A_1001 = arith.constant 0 : i32
    %dma_wait3A_1002 = tpu.memref_slice %arg2[%dma_wait3A_1000, %dma_wait3A_1001] : memref<100001x128xf32, #tpu.memory_space<hbm>> -> memref<100001x128xf32, #tpu.memory_space<hbm>>
    tpu.wait_indirect_dma semaphore(%arg8 : memref<!tpu.dma_semaphore, #tpu.memory_space<semaphore_mem>>) src(%dma_wait3A_1002 : memref<100001x128xf32, #tpu.memory_space<hbm>>) dst(%dma_wait3A_996 : memref<128x128xf32, #tpu.memory_space<vmem>>)
    %dma_wait3A_1003 = arith.constant 23 : i32
    %dma_wait3A_1004 = arith.constant 1 : i32
    %dma_wait3A_1005 = arith.constant 0 : i32
    %dma_wait3A_1006 = arith.constant 0 : i32
    %dma_wait3A_1007 = tpu.memref_slice %arg6[%dma_wait3A_1004, %dma_wait3A_1005, %dma_wait3A_1006] : memref<2x256x128xf32, #tpu.memory_space<vmem>> -> memref<1x256x128xf32, #tpu.memory_space<vmem>>
    %dma_wait3A_1008 = tpu.memref_squeeze %dma_wait3A_1007 : memref<1x256x128xf32, #tpu.memory_space<vmem>> -> memref<256x128xf32, #tpu.memory_space<vmem>>
    %dma_wait3A_1009 = arith.constant 128 : i32
    %dma_wait3A_1010 = arith.constant 0 : i32
    %dma_wait3A_1011 = tpu.memref_slice %dma_wait3A_1008[%dma_wait3A_1009, %dma_wait3A_1010] : memref<256x128xf32, #tpu.memory_space<vmem>> -> memref<128x128xf32, #tpu.memory_space<vmem>>
    %dma_wait3A_1012 = arith.constant 0 : i32
    %dma_wait3A_1013 = tpu.memref_slice %arg5[%dma_wait3A_1003, %dma_wait3A_1012] : memref<56x128xi32, #tpu.memory_space<vmem>> -> memref<1x128xi32, #tpu.memory_space<vmem>>
    %dma_wait3A_1014 = tpu.memref_squeeze %dma_wait3A_1013 : memref<1x128xi32, #tpu.memory_space<vmem>> -> memref<128xi32, #tpu.memory_space<vmem>>
    %dma_wait3A_1015 = arith.constant 0 : i32
    %dma_wait3A_1016 = arith.constant 0 : i32
    %dma_wait3A_1017 = tpu.memref_slice %arg2[%dma_wait3A_1015, %dma_wait3A_1016] : memref<100001x128xf32, #tpu.memory_space<hbm>> -> memref<100001x128xf32, #tpu.memory_space<hbm>>
    tpu.wait_indirect_dma semaphore(%arg8 : memref<!tpu.dma_semaphore, #tpu.memory_space<semaphore_mem>>) src(%dma_wait3A_1017 : memref<100001x128xf32, #tpu.memory_space<hbm>>) dst(%dma_wait3A_1011 : memref<128x128xf32, #tpu.memory_space<vmem>>)
    %add3A_1018 = arith.constant 2816 : i32
    %add3A_1019 = arith.addi %mul3A_2, %add3A_1018 : i32
    %dma_start3A_1020 = arith.constant 1 : i32
    %dma_start3A_1021 = arith.constant 0 : i32
    %dma_start3A_1022 = arith.constant 0 : i32
    %dma_start3A_1023 = tpu.memref_slice %arg6[%dma_start3A_1020, %dma_start3A_1021, %dma_start3A_1022] : memref<2x256x128xf32, #tpu.memory_space<vmem>> -> memref<1x256x128xf32, #tpu.memory_space<vmem>>
    %dma_start3A_1024 = tpu.memref_squeeze %dma_start3A_1023 : memref<1x256x128xf32, #tpu.memory_space<vmem>> -> memref<256x128xf32, #tpu.memory_space<vmem>>
    %dma_start3A_1025 = arith.constant 0 : i32
    %dma_start3A_1026 = tpu.memref_slice %arg4[%add3A_1019, %dma_start3A_1025] : memref<229376x128xf32, #tpu.memory_space<hbm>> -> memref<256x128xf32, #tpu.memory_space<hbm>>
    %dma_start3A_1027 = arith.constant 0 : i32
    %dma_start3A_1028 = tpu.memref_slice %arg4[%add3A_1019, %dma_start3A_1027] : memref<229376x128xf32, #tpu.memory_space<hbm>> -> memref<256x128xf32, #tpu.memory_space<hbm>>
    %dma_start3A_1029 = arith.constant 0 : i32
    %dma_start3A_1030 = arith.constant 0 : i32
    %dma_start3A_1031 = tpu.memref_slice %arg6[%dma_start3A_1020, %dma_start3A_1029, %dma_start3A_1030] : memref<2x256x128xf32, #tpu.memory_space<vmem>> -> memref<1x256x128xf32, #tpu.memory_space<vmem>>
    %dma_start3A_1032 = tpu.memref_squeeze %dma_start3A_1031 : memref<1x256x128xf32, #tpu.memory_space<vmem>> -> memref<256x128xf32, #tpu.memory_space<vmem>>
    tpu.enqueue_dma source(%dma_start3A_1032 : memref<256x128xf32, #tpu.memory_space<vmem>>) target(%dma_start3A_1028 : memref<256x128xf32, #tpu.memory_space<hbm>>) target_semaphore(%arg10 : memref<!tpu.dma_semaphore, #tpu.memory_space<semaphore_mem>>)
    %dma_wait3A_1033 = arith.constant 0 : i32
    %dma_wait3A_1034 = arith.constant 0 : i32
    %dma_wait3A_1035 = arith.constant 0 : i32
    %dma_wait3A_1036 = tpu.memref_slice %arg6[%dma_wait3A_1033, %dma_wait3A_1034, %dma_wait3A_1035] : memref<2x256x128xf32, #tpu.memory_space<vmem>> -> memref<1x256x128xf32, #tpu.memory_space<vmem>>
    %dma_wait3A_1037 = tpu.memref_squeeze %dma_wait3A_1036 : memref<1x256x128xf32, #tpu.memory_space<vmem>> -> memref<256x128xf32, #tpu.memory_space<vmem>>
    %dma_wait3A_1038 = arith.constant 0 : i32
    %dma_wait3A_1039 = tpu.memref_slice %arg4[%add3A_931, %dma_wait3A_1038] : memref<229376x128xf32, #tpu.memory_space<hbm>> -> memref<256x128xf32, #tpu.memory_space<hbm>>
    %dma_wait3A_1040 = arith.constant 0 : i32
    %dma_wait3A_1041 = tpu.memref_slice %arg4[%add3A_931, %dma_wait3A_1040] : memref<229376x128xf32, #tpu.memory_space<hbm>> -> memref<256x128xf32, #tpu.memory_space<hbm>>
    %dma_wait3A_1042 = arith.constant 0 : i32
    %dma_wait3A_1043 = arith.constant 0 : i32
    %dma_wait3A_1044 = tpu.memref_slice %arg6[%dma_wait3A_1033, %dma_wait3A_1042, %dma_wait3A_1043] : memref<2x256x128xf32, #tpu.memory_space<vmem>> -> memref<1x256x128xf32, #tpu.memory_space<vmem>>
    %dma_wait3A_1045 = tpu.memref_squeeze %dma_wait3A_1044 : memref<1x256x128xf32, #tpu.memory_space<vmem>> -> memref<256x128xf32, #tpu.memory_space<vmem>>
    tpu.wait_dma2 semaphore(%arg9 : memref<!tpu.dma_semaphore, #tpu.memory_space<semaphore_mem>>) src(%dma_wait3A_1045 : memref<256x128xf32, #tpu.memory_space<vmem>>) dst(%dma_wait3A_1041 : memref<256x128xf32, #tpu.memory_space<hbm>>)
    %dma_start3A_1046 = arith.constant 24 : i32
    %dma_start3A_1047 = arith.constant 0 : i32
    %dma_start3A_1048 = arith.constant 0 : i32
    %dma_start3A_1049 = arith.constant 0 : i32
    %dma_start3A_1050 = tpu.memref_slice %arg6[%dma_start3A_1047, %dma_start3A_1048, %dma_start3A_1049] : memref<2x256x128xf32, #tpu.memory_space<vmem>> -> memref<1x256x128xf32, #tpu.memory_space<vmem>>
    %dma_start3A_1051 = tpu.memref_squeeze %dma_start3A_1050 : memref<1x256x128xf32, #tpu.memory_space<vmem>> -> memref<256x128xf32, #tpu.memory_space<vmem>>
    %dma_start3A_1052 = arith.constant 0 : i32
    %dma_start3A_1053 = arith.constant 0 : i32
    %dma_start3A_1054 = tpu.memref_slice %dma_start3A_1051[%dma_start3A_1052, %dma_start3A_1053] : memref<256x128xf32, #tpu.memory_space<vmem>> -> memref<128x128xf32, #tpu.memory_space<vmem>>
    %dma_start3A_1055 = arith.constant 0 : i32
    %dma_start3A_1056 = tpu.memref_slice %arg5[%dma_start3A_1046, %dma_start3A_1055] : memref<56x128xi32, #tpu.memory_space<vmem>> -> memref<1x128xi32, #tpu.memory_space<vmem>>
    %dma_start3A_1057 = tpu.memref_squeeze %dma_start3A_1056 : memref<1x128xi32, #tpu.memory_space<vmem>> -> memref<128xi32, #tpu.memory_space<vmem>>
    %dma_start3A_1058 = arith.constant 0 : i32
    %dma_start3A_1059 = arith.constant 0 : i32
    %dma_start3A_1060 = tpu.memref_slice %arg2[%dma_start3A_1058, %dma_start3A_1059] : memref<100001x128xf32, #tpu.memory_space<hbm>> -> memref<100001x128xf32, #tpu.memory_space<hbm>>
    tpu.enqueue_indirect_dma source(%dma_start3A_1060 : memref<100001x128xf32, #tpu.memory_space<hbm>>) target(%dma_start3A_1054 : memref<128x128xf32, #tpu.memory_space<vmem>>) offsets(%dma_start3A_1057 : memref<128xi32, #tpu.memory_space<vmem>>) semaphore(%arg7 : memref<!tpu.dma_semaphore, #tpu.memory_space<semaphore_mem>>)
    %dma_start3A_1061 = arith.constant 25 : i32
    %dma_start3A_1062 = arith.constant 0 : i32
    %dma_start3A_1063 = arith.constant 0 : i32
    %dma_start3A_1064 = arith.constant 0 : i32
    %dma_start3A_1065 = tpu.memref_slice %arg6[%dma_start3A_1062, %dma_start3A_1063, %dma_start3A_1064] : memref<2x256x128xf32, #tpu.memory_space<vmem>> -> memref<1x256x128xf32, #tpu.memory_space<vmem>>
    %dma_start3A_1066 = tpu.memref_squeeze %dma_start3A_1065 : memref<1x256x128xf32, #tpu.memory_space<vmem>> -> memref<256x128xf32, #tpu.memory_space<vmem>>
    %dma_start3A_1067 = arith.constant 128 : i32
    %dma_start3A_1068 = arith.constant 0 : i32
    %dma_start3A_1069 = tpu.memref_slice %dma_start3A_1066[%dma_start3A_1067, %dma_start3A_1068] : memref<256x128xf32, #tpu.memory_space<vmem>> -> memref<128x128xf32, #tpu.memory_space<vmem>>
    %dma_start3A_1070 = arith.constant 0 : i32
    %dma_start3A_1071 = tpu.memref_slice %arg5[%dma_start3A_1061, %dma_start3A_1070] : memref<56x128xi32, #tpu.memory_space<vmem>> -> memref<1x128xi32, #tpu.memory_space<vmem>>
    %dma_start3A_1072 = tpu.memref_squeeze %dma_start3A_1071 : memref<1x128xi32, #tpu.memory_space<vmem>> -> memref<128xi32, #tpu.memory_space<vmem>>
    %dma_start3A_1073 = arith.constant 0 : i32
    %dma_start3A_1074 = arith.constant 0 : i32
    %dma_start3A_1075 = tpu.memref_slice %arg2[%dma_start3A_1073, %dma_start3A_1074] : memref<100001x128xf32, #tpu.memory_space<hbm>> -> memref<100001x128xf32, #tpu.memory_space<hbm>>
    tpu.enqueue_indirect_dma source(%dma_start3A_1075 : memref<100001x128xf32, #tpu.memory_space<hbm>>) target(%dma_start3A_1069 : memref<128x128xf32, #tpu.memory_space<vmem>>) offsets(%dma_start3A_1072 : memref<128xi32, #tpu.memory_space<vmem>>) semaphore(%arg7 : memref<!tpu.dma_semaphore, #tpu.memory_space<semaphore_mem>>)
    %dma_wait3A_1076 = arith.constant 24 : i32
    %dma_wait3A_1077 = arith.constant 0 : i32
    %dma_wait3A_1078 = arith.constant 0 : i32
    %dma_wait3A_1079 = arith.constant 0 : i32
    %dma_wait3A_1080 = tpu.memref_slice %arg6[%dma_wait3A_1077, %dma_wait3A_1078, %dma_wait3A_1079] : memref<2x256x128xf32, #tpu.memory_space<vmem>> -> memref<1x256x128xf32, #tpu.memory_space<vmem>>
    %dma_wait3A_1081 = tpu.memref_squeeze %dma_wait3A_1080 : memref<1x256x128xf32, #tpu.memory_space<vmem>> -> memref<256x128xf32, #tpu.memory_space<vmem>>
    %dma_wait3A_1082 = arith.constant 0 : i32
    %dma_wait3A_1083 = arith.constant 0 : i32
    %dma_wait3A_1084 = tpu.memref_slice %dma_wait3A_1081[%dma_wait3A_1082, %dma_wait3A_1083] : memref<256x128xf32, #tpu.memory_space<vmem>> -> memref<128x128xf32, #tpu.memory_space<vmem>>
    %dma_wait3A_1085 = arith.constant 0 : i32
    %dma_wait3A_1086 = tpu.memref_slice %arg5[%dma_wait3A_1076, %dma_wait3A_1085] : memref<56x128xi32, #tpu.memory_space<vmem>> -> memref<1x128xi32, #tpu.memory_space<vmem>>
    %dma_wait3A_1087 = tpu.memref_squeeze %dma_wait3A_1086 : memref<1x128xi32, #tpu.memory_space<vmem>> -> memref<128xi32, #tpu.memory_space<vmem>>
    %dma_wait3A_1088 = arith.constant 0 : i32
    %dma_wait3A_1089 = arith.constant 0 : i32
    %dma_wait3A_1090 = tpu.memref_slice %arg2[%dma_wait3A_1088, %dma_wait3A_1089] : memref<100001x128xf32, #tpu.memory_space<hbm>> -> memref<100001x128xf32, #tpu.memory_space<hbm>>
    tpu.wait_indirect_dma semaphore(%arg7 : memref<!tpu.dma_semaphore, #tpu.memory_space<semaphore_mem>>) src(%dma_wait3A_1090 : memref<100001x128xf32, #tpu.memory_space<hbm>>) dst(%dma_wait3A_1084 : memref<128x128xf32, #tpu.memory_space<vmem>>)
    %dma_wait3A_1091 = arith.constant 25 : i32
    %dma_wait3A_1092 = arith.constant 0 : i32
    %dma_wait3A_1093 = arith.constant 0 : i32
    %dma_wait3A_1094 = arith.constant 0 : i32
    %dma_wait3A_1095 = tpu.memref_slice %arg6[%dma_wait3A_1092, %dma_wait3A_1093, %dma_wait3A_1094] : memref<2x256x128xf32, #tpu.memory_space<vmem>> -> memref<1x256x128xf32, #tpu.memory_space<vmem>>
    %dma_wait3A_1096 = tpu.memref_squeeze %dma_wait3A_1095 : memref<1x256x128xf32, #tpu.memory_space<vmem>> -> memref<256x128xf32, #tpu.memory_space<vmem>>
    %dma_wait3A_1097 = arith.constant 128 : i32
    %dma_wait3A_1098 = arith.constant 0 : i32
    %dma_wait3A_1099 = tpu.memref_slice %dma_wait3A_1096[%dma_wait3A_1097, %dma_wait3A_1098] : memref<256x128xf32, #tpu.memory_space<vmem>> -> memref<128x128xf32, #tpu.memory_space<vmem>>
    %dma_wait3A_1100 = arith.constant 0 : i32
    %dma_wait3A_1101 = tpu.memref_slice %arg5[%dma_wait3A_1091, %dma_wait3A_1100] : memref<56x128xi32, #tpu.memory_space<vmem>> -> memref<1x128xi32, #tpu.memory_space<vmem>>
    %dma_wait3A_1102 = tpu.memref_squeeze %dma_wait3A_1101 : memref<1x128xi32, #tpu.memory_space<vmem>> -> memref<128xi32, #tpu.memory_space<vmem>>
    %dma_wait3A_1103 = arith.constant 0 : i32
    %dma_wait3A_1104 = arith.constant 0 : i32
    %dma_wait3A_1105 = tpu.memref_slice %arg2[%dma_wait3A_1103, %dma_wait3A_1104] : memref<100001x128xf32, #tpu.memory_space<hbm>> -> memref<100001x128xf32, #tpu.memory_space<hbm>>
    tpu.wait_indirect_dma semaphore(%arg7 : memref<!tpu.dma_semaphore, #tpu.memory_space<semaphore_mem>>) src(%dma_wait3A_1105 : memref<100001x128xf32, #tpu.memory_space<hbm>>) dst(%dma_wait3A_1099 : memref<128x128xf32, #tpu.memory_space<vmem>>)
    %add3A_1106 = arith.constant 3072 : i32
    %add3A_1107 = arith.addi %mul3A_2, %add3A_1106 : i32
    %dma_start3A_1108 = arith.constant 0 : i32
    %dma_start3A_1109 = arith.constant 0 : i32
    %dma_start3A_1110 = arith.constant 0 : i32
    %dma_start3A_1111 = tpu.memref_slice %arg6[%dma_start3A_1108, %dma_start3A_1109, %dma_start3A_1110] : memref<2x256x128xf32, #tpu.memory_space<vmem>> -> memref<1x256x128xf32, #tpu.memory_space<vmem>>
    %dma_start3A_1112 = tpu.memref_squeeze %dma_start3A_1111 : memref<1x256x128xf32, #tpu.memory_space<vmem>> -> memref<256x128xf32, #tpu.memory_space<vmem>>
    %dma_start3A_1113 = arith.constant 0 : i32
    %dma_start3A_1114 = tpu.memref_slice %arg4[%add3A_1107, %dma_start3A_1113] : memref<229376x128xf32, #tpu.memory_space<hbm>> -> memref<256x128xf32, #tpu.memory_space<hbm>>
    %dma_start3A_1115 = arith.constant 0 : i32
    %dma_start3A_1116 = tpu.memref_slice %arg4[%add3A_1107, %dma_start3A_1115] : memref<229376x128xf32, #tpu.memory_space<hbm>> -> memref<256x128xf32, #tpu.memory_space<hbm>>
    %dma_start3A_1117 = arith.constant 0 : i32
    %dma_start3A_1118 = arith.constant 0 : i32
    %dma_start3A_1119 = tpu.memref_slice %arg6[%dma_start3A_1108, %dma_start3A_1117, %dma_start3A_1118] : memref<2x256x128xf32, #tpu.memory_space<vmem>> -> memref<1x256x128xf32, #tpu.memory_space<vmem>>
    %dma_start3A_1120 = tpu.memref_squeeze %dma_start3A_1119 : memref<1x256x128xf32, #tpu.memory_space<vmem>> -> memref<256x128xf32, #tpu.memory_space<vmem>>
    tpu.enqueue_dma source(%dma_start3A_1120 : memref<256x128xf32, #tpu.memory_space<vmem>>) target(%dma_start3A_1116 : memref<256x128xf32, #tpu.memory_space<hbm>>) target_semaphore(%arg9 : memref<!tpu.dma_semaphore, #tpu.memory_space<semaphore_mem>>)
    %dma_wait3A_1121 = arith.constant 1 : i32
    %dma_wait3A_1122 = arith.constant 0 : i32
    %dma_wait3A_1123 = arith.constant 0 : i32
    %dma_wait3A_1124 = tpu.memref_slice %arg6[%dma_wait3A_1121, %dma_wait3A_1122, %dma_wait3A_1123] : memref<2x256x128xf32, #tpu.memory_space<vmem>> -> memref<1x256x128xf32, #tpu.memory_space<vmem>>
    %dma_wait3A_1125 = tpu.memref_squeeze %dma_wait3A_1124 : memref<1x256x128xf32, #tpu.memory_space<vmem>> -> memref<256x128xf32, #tpu.memory_space<vmem>>
    %dma_wait3A_1126 = arith.constant 0 : i32
    %dma_wait3A_1127 = tpu.memref_slice %arg4[%add3A_1019, %dma_wait3A_1126] : memref<229376x128xf32, #tpu.memory_space<hbm>> -> memref<256x128xf32, #tpu.memory_space<hbm>>
    %dma_wait3A_1128 = arith.constant 0 : i32
    %dma_wait3A_1129 = tpu.memref_slice %arg4[%add3A_1019, %dma_wait3A_1128] : memref<229376x128xf32, #tpu.memory_space<hbm>> -> memref<256x128xf32, #tpu.memory_space<hbm>>
    %dma_wait3A_1130 = arith.constant 0 : i32
    %dma_wait3A_1131 = arith.constant 0 : i32
    %dma_wait3A_1132 = tpu.memref_slice %arg6[%dma_wait3A_1121, %dma_wait3A_1130, %dma_wait3A_1131] : memref<2x256x128xf32, #tpu.memory_space<vmem>> -> memref<1x256x128xf32, #tpu.memory_space<vmem>>
    %dma_wait3A_1133 = tpu.memref_squeeze %dma_wait3A_1132 : memref<1x256x128xf32, #tpu.memory_space<vmem>> -> memref<256x128xf32, #tpu.memory_space<vmem>>
    tpu.wait_dma2 semaphore(%arg10 : memref<!tpu.dma_semaphore, #tpu.memory_space<semaphore_mem>>) src(%dma_wait3A_1133 : memref<256x128xf32, #tpu.memory_space<vmem>>) dst(%dma_wait3A_1129 : memref<256x128xf32, #tpu.memory_space<hbm>>)
    %dma_start3A_1134 = arith.constant 26 : i32
    %dma_start3A_1135 = arith.constant 1 : i32
    %dma_start3A_1136 = arith.constant 0 : i32
    %dma_start3A_1137 = arith.constant 0 : i32
    %dma_start3A_1138 = tpu.memref_slice %arg6[%dma_start3A_1135, %dma_start3A_1136, %dma_start3A_1137] : memref<2x256x128xf32, #tpu.memory_space<vmem>> -> memref<1x256x128xf32, #tpu.memory_space<vmem>>
    %dma_start3A_1139 = tpu.memref_squeeze %dma_start3A_1138 : memref<1x256x128xf32, #tpu.memory_space<vmem>> -> memref<256x128xf32, #tpu.memory_space<vmem>>
    %dma_start3A_1140 = arith.constant 0 : i32
    %dma_start3A_1141 = arith.constant 0 : i32
    %dma_start3A_1142 = tpu.memref_slice %dma_start3A_1139[%dma_start3A_1140, %dma_start3A_1141] : memref<256x128xf32, #tpu.memory_space<vmem>> -> memref<128x128xf32, #tpu.memory_space<vmem>>
    %dma_start3A_1143 = arith.constant 0 : i32
    %dma_start3A_1144 = tpu.memref_slice %arg5[%dma_start3A_1134, %dma_start3A_1143] : memref<56x128xi32, #tpu.memory_space<vmem>> -> memref<1x128xi32, #tpu.memory_space<vmem>>
    %dma_start3A_1145 = tpu.memref_squeeze %dma_start3A_1144 : memref<1x128xi32, #tpu.memory_space<vmem>> -> memref<128xi32, #tpu.memory_space<vmem>>
    %dma_start3A_1146 = arith.constant 0 : i32
    %dma_start3A_1147 = arith.constant 0 : i32
    %dma_start3A_1148 = tpu.memref_slice %arg2[%dma_start3A_1146, %dma_start3A_1147] : memref<100001x128xf32, #tpu.memory_space<hbm>> -> memref<100001x128xf32, #tpu.memory_space<hbm>>
    tpu.enqueue_indirect_dma source(%dma_start3A_1148 : memref<100001x128xf32, #tpu.memory_space<hbm>>) target(%dma_start3A_1142 : memref<128x128xf32, #tpu.memory_space<vmem>>) offsets(%dma_start3A_1145 : memref<128xi32, #tpu.memory_space<vmem>>) semaphore(%arg8 : memref<!tpu.dma_semaphore, #tpu.memory_space<semaphore_mem>>)
    %dma_start3A_1149 = arith.constant 27 : i32
    %dma_start3A_1150 = arith.constant 1 : i32
    %dma_start3A_1151 = arith.constant 0 : i32
    %dma_start3A_1152 = arith.constant 0 : i32
    %dma_start3A_1153 = tpu.memref_slice %arg6[%dma_start3A_1150, %dma_start3A_1151, %dma_start3A_1152] : memref<2x256x128xf32, #tpu.memory_space<vmem>> -> memref<1x256x128xf32, #tpu.memory_space<vmem>>
    %dma_start3A_1154 = tpu.memref_squeeze %dma_start3A_1153 : memref<1x256x128xf32, #tpu.memory_space<vmem>> -> memref<256x128xf32, #tpu.memory_space<vmem>>
    %dma_start3A_1155 = arith.constant 128 : i32
    %dma_start3A_1156 = arith.constant 0 : i32
    %dma_start3A_1157 = tpu.memref_slice %dma_start3A_1154[%dma_start3A_1155, %dma_start3A_1156] : memref<256x128xf32, #tpu.memory_space<vmem>> -> memref<128x128xf32, #tpu.memory_space<vmem>>
    %dma_start3A_1158 = arith.constant 0 : i32
    %dma_start3A_1159 = tpu.memref_slice %arg5[%dma_start3A_1149, %dma_start3A_1158] : memref<56x128xi32, #tpu.memory_space<vmem>> -> memref<1x128xi32, #tpu.memory_space<vmem>>
    %dma_start3A_1160 = tpu.memref_squeeze %dma_start3A_1159 : memref<1x128xi32, #tpu.memory_space<vmem>> -> memref<128xi32, #tpu.memory_space<vmem>>
    %dma_start3A_1161 = arith.constant 0 : i32
    %dma_start3A_1162 = arith.constant 0 : i32
    %dma_start3A_1163 = tpu.memref_slice %arg2[%dma_start3A_1161, %dma_start3A_1162] : memref<100001x128xf32, #tpu.memory_space<hbm>> -> memref<100001x128xf32, #tpu.memory_space<hbm>>
    tpu.enqueue_indirect_dma source(%dma_start3A_1163 : memref<100001x128xf32, #tpu.memory_space<hbm>>) target(%dma_start3A_1157 : memref<128x128xf32, #tpu.memory_space<vmem>>) offsets(%dma_start3A_1160 : memref<128xi32, #tpu.memory_space<vmem>>) semaphore(%arg8 : memref<!tpu.dma_semaphore, #tpu.memory_space<semaphore_mem>>)
    %dma_wait3A_1164 = arith.constant 26 : i32
    %dma_wait3A_1165 = arith.constant 1 : i32
    %dma_wait3A_1166 = arith.constant 0 : i32
    %dma_wait3A_1167 = arith.constant 0 : i32
    %dma_wait3A_1168 = tpu.memref_slice %arg6[%dma_wait3A_1165, %dma_wait3A_1166, %dma_wait3A_1167] : memref<2x256x128xf32, #tpu.memory_space<vmem>> -> memref<1x256x128xf32, #tpu.memory_space<vmem>>
    %dma_wait3A_1169 = tpu.memref_squeeze %dma_wait3A_1168 : memref<1x256x128xf32, #tpu.memory_space<vmem>> -> memref<256x128xf32, #tpu.memory_space<vmem>>
    %dma_wait3A_1170 = arith.constant 0 : i32
    %dma_wait3A_1171 = arith.constant 0 : i32
    %dma_wait3A_1172 = tpu.memref_slice %dma_wait3A_1169[%dma_wait3A_1170, %dma_wait3A_1171] : memref<256x128xf32, #tpu.memory_space<vmem>> -> memref<128x128xf32, #tpu.memory_space<vmem>>
    %dma_wait3A_1173 = arith.constant 0 : i32
    %dma_wait3A_1174 = tpu.memref_slice %arg5[%dma_wait3A_1164, %dma_wait3A_1173] : memref<56x128xi32, #tpu.memory_space<vmem>> -> memref<1x128xi32, #tpu.memory_space<vmem>>
    %dma_wait3A_1175 = tpu.memref_squeeze %dma_wait3A_1174 : memref<1x128xi32, #tpu.memory_space<vmem>> -> memref<128xi32, #tpu.memory_space<vmem>>
    %dma_wait3A_1176 = arith.constant 0 : i32
    %dma_wait3A_1177 = arith.constant 0 : i32
    %dma_wait3A_1178 = tpu.memref_slice %arg2[%dma_wait3A_1176, %dma_wait3A_1177] : memref<100001x128xf32, #tpu.memory_space<hbm>> -> memref<100001x128xf32, #tpu.memory_space<hbm>>
    tpu.wait_indirect_dma semaphore(%arg8 : memref<!tpu.dma_semaphore, #tpu.memory_space<semaphore_mem>>) src(%dma_wait3A_1178 : memref<100001x128xf32, #tpu.memory_space<hbm>>) dst(%dma_wait3A_1172 : memref<128x128xf32, #tpu.memory_space<vmem>>)
    %dma_wait3A_1179 = arith.constant 27 : i32
    %dma_wait3A_1180 = arith.constant 1 : i32
    %dma_wait3A_1181 = arith.constant 0 : i32
    %dma_wait3A_1182 = arith.constant 0 : i32
    %dma_wait3A_1183 = tpu.memref_slice %arg6[%dma_wait3A_1180, %dma_wait3A_1181, %dma_wait3A_1182] : memref<2x256x128xf32, #tpu.memory_space<vmem>> -> memref<1x256x128xf32, #tpu.memory_space<vmem>>
    %dma_wait3A_1184 = tpu.memref_squeeze %dma_wait3A_1183 : memref<1x256x128xf32, #tpu.memory_space<vmem>> -> memref<256x128xf32, #tpu.memory_space<vmem>>
    %dma_wait3A_1185 = arith.constant 128 : i32
    %dma_wait3A_1186 = arith.constant 0 : i32
    %dma_wait3A_1187 = tpu.memref_slice %dma_wait3A_1184[%dma_wait3A_1185, %dma_wait3A_1186] : memref<256x128xf32, #tpu.memory_space<vmem>> -> memref<128x128xf32, #tpu.memory_space<vmem>>
    %dma_wait3A_1188 = arith.constant 0 : i32
    %dma_wait3A_1189 = tpu.memref_slice %arg5[%dma_wait3A_1179, %dma_wait3A_1188] : memref<56x128xi32, #tpu.memory_space<vmem>> -> memref<1x128xi32, #tpu.memory_space<vmem>>
    %dma_wait3A_1190 = tpu.memref_squeeze %dma_wait3A_1189 : memref<1x128xi32, #tpu.memory_space<vmem>> -> memref<128xi32, #tpu.memory_space<vmem>>
    %dma_wait3A_1191 = arith.constant 0 : i32
    %dma_wait3A_1192 = arith.constant 0 : i32
    %dma_wait3A_1193 = tpu.memref_slice %arg2[%dma_wait3A_1191, %dma_wait3A_1192] : memref<100001x128xf32, #tpu.memory_space<hbm>> -> memref<100001x128xf32, #tpu.memory_space<hbm>>
    tpu.wait_indirect_dma semaphore(%arg8 : memref<!tpu.dma_semaphore, #tpu.memory_space<semaphore_mem>>) src(%dma_wait3A_1193 : memref<100001x128xf32, #tpu.memory_space<hbm>>) dst(%dma_wait3A_1187 : memref<128x128xf32, #tpu.memory_space<vmem>>)
    %add3A_1194 = arith.constant 3328 : i32
    %add3A_1195 = arith.addi %mul3A_2, %add3A_1194 : i32
    %dma_start3A_1196 = arith.constant 1 : i32
    %dma_start3A_1197 = arith.constant 0 : i32
    %dma_start3A_1198 = arith.constant 0 : i32
    %dma_start3A_1199 = tpu.memref_slice %arg6[%dma_start3A_1196, %dma_start3A_1197, %dma_start3A_1198] : memref<2x256x128xf32, #tpu.memory_space<vmem>> -> memref<1x256x128xf32, #tpu.memory_space<vmem>>
    %dma_start3A_1200 = tpu.memref_squeeze %dma_start3A_1199 : memref<1x256x128xf32, #tpu.memory_space<vmem>> -> memref<256x128xf32, #tpu.memory_space<vmem>>
    %dma_start3A_1201 = arith.constant 0 : i32
    %dma_start3A_1202 = tpu.memref_slice %arg4[%add3A_1195, %dma_start3A_1201] : memref<229376x128xf32, #tpu.memory_space<hbm>> -> memref<256x128xf32, #tpu.memory_space<hbm>>
    %dma_start3A_1203 = arith.constant 0 : i32
    %dma_start3A_1204 = tpu.memref_slice %arg4[%add3A_1195, %dma_start3A_1203] : memref<229376x128xf32, #tpu.memory_space<hbm>> -> memref<256x128xf32, #tpu.memory_space<hbm>>
    %dma_start3A_1205 = arith.constant 0 : i32
    %dma_start3A_1206 = arith.constant 0 : i32
    %dma_start3A_1207 = tpu.memref_slice %arg6[%dma_start3A_1196, %dma_start3A_1205, %dma_start3A_1206] : memref<2x256x128xf32, #tpu.memory_space<vmem>> -> memref<1x256x128xf32, #tpu.memory_space<vmem>>
    %dma_start3A_1208 = tpu.memref_squeeze %dma_start3A_1207 : memref<1x256x128xf32, #tpu.memory_space<vmem>> -> memref<256x128xf32, #tpu.memory_space<vmem>>
    tpu.enqueue_dma source(%dma_start3A_1208 : memref<256x128xf32, #tpu.memory_space<vmem>>) target(%dma_start3A_1204 : memref<256x128xf32, #tpu.memory_space<hbm>>) target_semaphore(%arg10 : memref<!tpu.dma_semaphore, #tpu.memory_space<semaphore_mem>>)
    %dma_wait3A_1209 = arith.constant 0 : i32
    %dma_wait3A_1210 = arith.constant 0 : i32
    %dma_wait3A_1211 = arith.constant 0 : i32
    %dma_wait3A_1212 = tpu.memref_slice %arg6[%dma_wait3A_1209, %dma_wait3A_1210, %dma_wait3A_1211] : memref<2x256x128xf32, #tpu.memory_space<vmem>> -> memref<1x256x128xf32, #tpu.memory_space<vmem>>
    %dma_wait3A_1213 = tpu.memref_squeeze %dma_wait3A_1212 : memref<1x256x128xf32, #tpu.memory_space<vmem>> -> memref<256x128xf32, #tpu.memory_space<vmem>>
    %dma_wait3A_1214 = arith.constant 0 : i32
    %dma_wait3A_1215 = tpu.memref_slice %arg4[%add3A_1107, %dma_wait3A_1214] : memref<229376x128xf32, #tpu.memory_space<hbm>> -> memref<256x128xf32, #tpu.memory_space<hbm>>
    %dma_wait3A_1216 = arith.constant 0 : i32
    %dma_wait3A_1217 = tpu.memref_slice %arg4[%add3A_1107, %dma_wait3A_1216] : memref<229376x128xf32, #tpu.memory_space<hbm>> -> memref<256x128xf32, #tpu.memory_space<hbm>>
    %dma_wait3A_1218 = arith.constant 0 : i32
    %dma_wait3A_1219 = arith.constant 0 : i32
    %dma_wait3A_1220 = tpu.memref_slice %arg6[%dma_wait3A_1209, %dma_wait3A_1218, %dma_wait3A_1219] : memref<2x256x128xf32, #tpu.memory_space<vmem>> -> memref<1x256x128xf32, #tpu.memory_space<vmem>>
    %dma_wait3A_1221 = tpu.memref_squeeze %dma_wait3A_1220 : memref<1x256x128xf32, #tpu.memory_space<vmem>> -> memref<256x128xf32, #tpu.memory_space<vmem>>
    tpu.wait_dma2 semaphore(%arg9 : memref<!tpu.dma_semaphore, #tpu.memory_space<semaphore_mem>>) src(%dma_wait3A_1221 : memref<256x128xf32, #tpu.memory_space<vmem>>) dst(%dma_wait3A_1217 : memref<256x128xf32, #tpu.memory_space<hbm>>)
    %dma_start3A_1222 = arith.constant 28 : i32
    %dma_start3A_1223 = arith.constant 0 : i32
    %dma_start3A_1224 = arith.constant 0 : i32
    %dma_start3A_1225 = arith.constant 0 : i32
    %dma_start3A_1226 = tpu.memref_slice %arg6[%dma_start3A_1223, %dma_start3A_1224, %dma_start3A_1225] : memref<2x256x128xf32, #tpu.memory_space<vmem>> -> memref<1x256x128xf32, #tpu.memory_space<vmem>>
    %dma_start3A_1227 = tpu.memref_squeeze %dma_start3A_1226 : memref<1x256x128xf32, #tpu.memory_space<vmem>> -> memref<256x128xf32, #tpu.memory_space<vmem>>
    %dma_start3A_1228 = arith.constant 0 : i32
    %dma_start3A_1229 = arith.constant 0 : i32
    %dma_start3A_1230 = tpu.memref_slice %dma_start3A_1227[%dma_start3A_1228, %dma_start3A_1229] : memref<256x128xf32, #tpu.memory_space<vmem>> -> memref<128x128xf32, #tpu.memory_space<vmem>>
    %dma_start3A_1231 = arith.constant 0 : i32
    %dma_start3A_1232 = tpu.memref_slice %arg5[%dma_start3A_1222, %dma_start3A_1231] : memref<56x128xi32, #tpu.memory_space<vmem>> -> memref<1x128xi32, #tpu.memory_space<vmem>>
    %dma_start3A_1233 = tpu.memref_squeeze %dma_start3A_1232 : memref<1x128xi32, #tpu.memory_space<vmem>> -> memref<128xi32, #tpu.memory_space<vmem>>
    %dma_start3A_1234 = arith.constant 0 : i32
    %dma_start3A_1235 = arith.constant 0 : i32
    %dma_start3A_1236 = tpu.memref_slice %arg2[%dma_start3A_1234, %dma_start3A_1235] : memref<100001x128xf32, #tpu.memory_space<hbm>> -> memref<100001x128xf32, #tpu.memory_space<hbm>>
    tpu.enqueue_indirect_dma source(%dma_start3A_1236 : memref<100001x128xf32, #tpu.memory_space<hbm>>) target(%dma_start3A_1230 : memref<128x128xf32, #tpu.memory_space<vmem>>) offsets(%dma_start3A_1233 : memref<128xi32, #tpu.memory_space<vmem>>) semaphore(%arg7 : memref<!tpu.dma_semaphore, #tpu.memory_space<semaphore_mem>>)
    %dma_start3A_1237 = arith.constant 29 : i32
    %dma_start3A_1238 = arith.constant 0 : i32
    %dma_start3A_1239 = arith.constant 0 : i32
    %dma_start3A_1240 = arith.constant 0 : i32
    %dma_start3A_1241 = tpu.memref_slice %arg6[%dma_start3A_1238, %dma_start3A_1239, %dma_start3A_1240] : memref<2x256x128xf32, #tpu.memory_space<vmem>> -> memref<1x256x128xf32, #tpu.memory_space<vmem>>
    %dma_start3A_1242 = tpu.memref_squeeze %dma_start3A_1241 : memref<1x256x128xf32, #tpu.memory_space<vmem>> -> memref<256x128xf32, #tpu.memory_space<vmem>>
    %dma_start3A_1243 = arith.constant 128 : i32
    %dma_start3A_1244 = arith.constant 0 : i32
    %dma_start3A_1245 = tpu.memref_slice %dma_start3A_1242[%dma_start3A_1243, %dma_start3A_1244] : memref<256x128xf32, #tpu.memory_space<vmem>> -> memref<128x128xf32, #tpu.memory_space<vmem>>
    %dma_start3A_1246 = arith.constant 0 : i32
    %dma_start3A_1247 = tpu.memref_slice %arg5[%dma_start3A_1237, %dma_start3A_1246] : memref<56x128xi32, #tpu.memory_space<vmem>> -> memref<1x128xi32, #tpu.memory_space<vmem>>
    %dma_start3A_1248 = tpu.memref_squeeze %dma_start3A_1247 : memref<1x128xi32, #tpu.memory_space<vmem>> -> memref<128xi32, #tpu.memory_space<vmem>>
    %dma_start3A_1249 = arith.constant 0 : i32
    %dma_start3A_1250 = arith.constant 0 : i32
    %dma_start3A_1251 = tpu.memref_slice %arg2[%dma_start3A_1249, %dma_start3A_1250] : memref<100001x128xf32, #tpu.memory_space<hbm>> -> memref<100001x128xf32, #tpu.memory_space<hbm>>
    tpu.enqueue_indirect_dma source(%dma_start3A_1251 : memref<100001x128xf32, #tpu.memory_space<hbm>>) target(%dma_start3A_1245 : memref<128x128xf32, #tpu.memory_space<vmem>>) offsets(%dma_start3A_1248 : memref<128xi32, #tpu.memory_space<vmem>>) semaphore(%arg7 : memref<!tpu.dma_semaphore, #tpu.memory_space<semaphore_mem>>)
    %dma_wait3A_1252 = arith.constant 28 : i32
    %dma_wait3A_1253 = arith.constant 0 : i32
    %dma_wait3A_1254 = arith.constant 0 : i32
    %dma_wait3A_1255 = arith.constant 0 : i32
    %dma_wait3A_1256 = tpu.memref_slice %arg6[%dma_wait3A_1253, %dma_wait3A_1254, %dma_wait3A_1255] : memref<2x256x128xf32, #tpu.memory_space<vmem>> -> memref<1x256x128xf32, #tpu.memory_space<vmem>>
    %dma_wait3A_1257 = tpu.memref_squeeze %dma_wait3A_1256 : memref<1x256x128xf32, #tpu.memory_space<vmem>> -> memref<256x128xf32, #tpu.memory_space<vmem>>
    %dma_wait3A_1258 = arith.constant 0 : i32
    %dma_wait3A_1259 = arith.constant 0 : i32
    %dma_wait3A_1260 = tpu.memref_slice %dma_wait3A_1257[%dma_wait3A_1258, %dma_wait3A_1259] : memref<256x128xf32, #tpu.memory_space<vmem>> -> memref<128x128xf32, #tpu.memory_space<vmem>>
    %dma_wait3A_1261 = arith.constant 0 : i32
    %dma_wait3A_1262 = tpu.memref_slice %arg5[%dma_wait3A_1252, %dma_wait3A_1261] : memref<56x128xi32, #tpu.memory_space<vmem>> -> memref<1x128xi32, #tpu.memory_space<vmem>>
    %dma_wait3A_1263 = tpu.memref_squeeze %dma_wait3A_1262 : memref<1x128xi32, #tpu.memory_space<vmem>> -> memref<128xi32, #tpu.memory_space<vmem>>
    %dma_wait3A_1264 = arith.constant 0 : i32
    %dma_wait3A_1265 = arith.constant 0 : i32
    %dma_wait3A_1266 = tpu.memref_slice %arg2[%dma_wait3A_1264, %dma_wait3A_1265] : memref<100001x128xf32, #tpu.memory_space<hbm>> -> memref<100001x128xf32, #tpu.memory_space<hbm>>
    tpu.wait_indirect_dma semaphore(%arg7 : memref<!tpu.dma_semaphore, #tpu.memory_space<semaphore_mem>>) src(%dma_wait3A_1266 : memref<100001x128xf32, #tpu.memory_space<hbm>>) dst(%dma_wait3A_1260 : memref<128x128xf32, #tpu.memory_space<vmem>>)
    %dma_wait3A_1267 = arith.constant 29 : i32
    %dma_wait3A_1268 = arith.constant 0 : i32
    %dma_wait3A_1269 = arith.constant 0 : i32
    %dma_wait3A_1270 = arith.constant 0 : i32
    %dma_wait3A_1271 = tpu.memref_slice %arg6[%dma_wait3A_1268, %dma_wait3A_1269, %dma_wait3A_1270] : memref<2x256x128xf32, #tpu.memory_space<vmem>> -> memref<1x256x128xf32, #tpu.memory_space<vmem>>
    %dma_wait3A_1272 = tpu.memref_squeeze %dma_wait3A_1271 : memref<1x256x128xf32, #tpu.memory_space<vmem>> -> memref<256x128xf32, #tpu.memory_space<vmem>>
    %dma_wait3A_1273 = arith.constant 128 : i32
    %dma_wait3A_1274 = arith.constant 0 : i32
    %dma_wait3A_1275 = tpu.memref_slice %dma_wait3A_1272[%dma_wait3A_1273, %dma_wait3A_1274] : memref<256x128xf32, #tpu.memory_space<vmem>> -> memref<128x128xf32, #tpu.memory_space<vmem>>
    %dma_wait3A_1276 = arith.constant 0 : i32
    %dma_wait3A_1277 = tpu.memref_slice %arg5[%dma_wait3A_1267, %dma_wait3A_1276] : memref<56x128xi32, #tpu.memory_space<vmem>> -> memref<1x128xi32, #tpu.memory_space<vmem>>
    %dma_wait3A_1278 = tpu.memref_squeeze %dma_wait3A_1277 : memref<1x128xi32, #tpu.memory_space<vmem>> -> memref<128xi32, #tpu.memory_space<vmem>>
    %dma_wait3A_1279 = arith.constant 0 : i32
    %dma_wait3A_1280 = arith.constant 0 : i32
    %dma_wait3A_1281 = tpu.memref_slice %arg2[%dma_wait3A_1279, %dma_wait3A_1280] : memref<100001x128xf32, #tpu.memory_space<hbm>> -> memref<100001x128xf32, #tpu.memory_space<hbm>>
    tpu.wait_indirect_dma semaphore(%arg7 : memref<!tpu.dma_semaphore, #tpu.memory_space<semaphore_mem>>) src(%dma_wait3A_1281 : memref<100001x128xf32, #tpu.memory_space<hbm>>) dst(%dma_wait3A_1275 : memref<128x128xf32, #tpu.memory_space<vmem>>)
    %add3A_1282 = arith.constant 3584 : i32
    %add3A_1283 = arith.addi %mul3A_2, %add3A_1282 : i32
    %dma_start3A_1284 = arith.constant 0 : i32
    %dma_start3A_1285 = arith.constant 0 : i32
    %dma_start3A_1286 = arith.constant 0 : i32
    %dma_start3A_1287 = tpu.memref_slice %arg6[%dma_start3A_1284, %dma_start3A_1285, %dma_start3A_1286] : memref<2x256x128xf32, #tpu.memory_space<vmem>> -> memref<1x256x128xf32, #tpu.memory_space<vmem>>
    %dma_start3A_1288 = tpu.memref_squeeze %dma_start3A_1287 : memref<1x256x128xf32, #tpu.memory_space<vmem>> -> memref<256x128xf32, #tpu.memory_space<vmem>>
    %dma_start3A_1289 = arith.constant 0 : i32
    %dma_start3A_1290 = tpu.memref_slice %arg4[%add3A_1283, %dma_start3A_1289] : memref<229376x128xf32, #tpu.memory_space<hbm>> -> memref<256x128xf32, #tpu.memory_space<hbm>>
    %dma_start3A_1291 = arith.constant 0 : i32
    %dma_start3A_1292 = tpu.memref_slice %arg4[%add3A_1283, %dma_start3A_1291] : memref<229376x128xf32, #tpu.memory_space<hbm>> -> memref<256x128xf32, #tpu.memory_space<hbm>>
    %dma_start3A_1293 = arith.constant 0 : i32
    %dma_start3A_1294 = arith.constant 0 : i32
    %dma_start3A_1295 = tpu.memref_slice %arg6[%dma_start3A_1284, %dma_start3A_1293, %dma_start3A_1294] : memref<2x256x128xf32, #tpu.memory_space<vmem>> -> memref<1x256x128xf32, #tpu.memory_space<vmem>>
    %dma_start3A_1296 = tpu.memref_squeeze %dma_start3A_1295 : memref<1x256x128xf32, #tpu.memory_space<vmem>> -> memref<256x128xf32, #tpu.memory_space<vmem>>
    tpu.enqueue_dma source(%dma_start3A_1296 : memref<256x128xf32, #tpu.memory_space<vmem>>) target(%dma_start3A_1292 : memref<256x128xf32, #tpu.memory_space<hbm>>) target_semaphore(%arg9 : memref<!tpu.dma_semaphore, #tpu.memory_space<semaphore_mem>>)
    %dma_wait3A_1297 = arith.constant 1 : i32
    %dma_wait3A_1298 = arith.constant 0 : i32
    %dma_wait3A_1299 = arith.constant 0 : i32
    %dma_wait3A_1300 = tpu.memref_slice %arg6[%dma_wait3A_1297, %dma_wait3A_1298, %dma_wait3A_1299] : memref<2x256x128xf32, #tpu.memory_space<vmem>> -> memref<1x256x128xf32, #tpu.memory_space<vmem>>
    %dma_wait3A_1301 = tpu.memref_squeeze %dma_wait3A_1300 : memref<1x256x128xf32, #tpu.memory_space<vmem>> -> memref<256x128xf32, #tpu.memory_space<vmem>>
    %dma_wait3A_1302 = arith.constant 0 : i32
    %dma_wait3A_1303 = tpu.memref_slice %arg4[%add3A_1195, %dma_wait3A_1302] : memref<229376x128xf32, #tpu.memory_space<hbm>> -> memref<256x128xf32, #tpu.memory_space<hbm>>
    %dma_wait3A_1304 = arith.constant 0 : i32
    %dma_wait3A_1305 = tpu.memref_slice %arg4[%add3A_1195, %dma_wait3A_1304] : memref<229376x128xf32, #tpu.memory_space<hbm>> -> memref<256x128xf32, #tpu.memory_space<hbm>>
    %dma_wait3A_1306 = arith.constant 0 : i32
    %dma_wait3A_1307 = arith.constant 0 : i32
    %dma_wait3A_1308 = tpu.memref_slice %arg6[%dma_wait3A_1297, %dma_wait3A_1306, %dma_wait3A_1307] : memref<2x256x128xf32, #tpu.memory_space<vmem>> -> memref<1x256x128xf32, #tpu.memory_space<vmem>>
    %dma_wait3A_1309 = tpu.memref_squeeze %dma_wait3A_1308 : memref<1x256x128xf32, #tpu.memory_space<vmem>> -> memref<256x128xf32, #tpu.memory_space<vmem>>
    tpu.wait_dma2 semaphore(%arg10 : memref<!tpu.dma_semaphore, #tpu.memory_space<semaphore_mem>>) src(%dma_wait3A_1309 : memref<256x128xf32, #tpu.memory_space<vmem>>) dst(%dma_wait3A_1305 : memref<256x128xf32, #tpu.memory_space<hbm>>)
    %dma_start3A_1310 = arith.constant 30 : i32
    %dma_start3A_1311 = arith.constant 1 : i32
    %dma_start3A_1312 = arith.constant 0 : i32
    %dma_start3A_1313 = arith.constant 0 : i32
    %dma_start3A_1314 = tpu.memref_slice %arg6[%dma_start3A_1311, %dma_start3A_1312, %dma_start3A_1313] : memref<2x256x128xf32, #tpu.memory_space<vmem>> -> memref<1x256x128xf32, #tpu.memory_space<vmem>>
    %dma_start3A_1315 = tpu.memref_squeeze %dma_start3A_1314 : memref<1x256x128xf32, #tpu.memory_space<vmem>> -> memref<256x128xf32, #tpu.memory_space<vmem>>
    %dma_start3A_1316 = arith.constant 0 : i32
    %dma_start3A_1317 = arith.constant 0 : i32
    %dma_start3A_1318 = tpu.memref_slice %dma_start3A_1315[%dma_start3A_1316, %dma_start3A_1317] : memref<256x128xf32, #tpu.memory_space<vmem>> -> memref<128x128xf32, #tpu.memory_space<vmem>>
    %dma_start3A_1319 = arith.constant 0 : i32
    %dma_start3A_1320 = tpu.memref_slice %arg5[%dma_start3A_1310, %dma_start3A_1319] : memref<56x128xi32, #tpu.memory_space<vmem>> -> memref<1x128xi32, #tpu.memory_space<vmem>>
    %dma_start3A_1321 = tpu.memref_squeeze %dma_start3A_1320 : memref<1x128xi32, #tpu.memory_space<vmem>> -> memref<128xi32, #tpu.memory_space<vmem>>
    %dma_start3A_1322 = arith.constant 0 : i32
    %dma_start3A_1323 = arith.constant 0 : i32
    %dma_start3A_1324 = tpu.memref_slice %arg2[%dma_start3A_1322, %dma_start3A_1323] : memref<100001x128xf32, #tpu.memory_space<hbm>> -> memref<100001x128xf32, #tpu.memory_space<hbm>>
    tpu.enqueue_indirect_dma source(%dma_start3A_1324 : memref<100001x128xf32, #tpu.memory_space<hbm>>) target(%dma_start3A_1318 : memref<128x128xf32, #tpu.memory_space<vmem>>) offsets(%dma_start3A_1321 : memref<128xi32, #tpu.memory_space<vmem>>) semaphore(%arg8 : memref<!tpu.dma_semaphore, #tpu.memory_space<semaphore_mem>>)
    %dma_start3A_1325 = arith.constant 31 : i32
    %dma_start3A_1326 = arith.constant 1 : i32
    %dma_start3A_1327 = arith.constant 0 : i32
    %dma_start3A_1328 = arith.constant 0 : i32
    %dma_start3A_1329 = tpu.memref_slice %arg6[%dma_start3A_1326, %dma_start3A_1327, %dma_start3A_1328] : memref<2x256x128xf32, #tpu.memory_space<vmem>> -> memref<1x256x128xf32, #tpu.memory_space<vmem>>
    %dma_start3A_1330 = tpu.memref_squeeze %dma_start3A_1329 : memref<1x256x128xf32, #tpu.memory_space<vmem>> -> memref<256x128xf32, #tpu.memory_space<vmem>>
    %dma_start3A_1331 = arith.constant 128 : i32
    %dma_start3A_1332 = arith.constant 0 : i32
    %dma_start3A_1333 = tpu.memref_slice %dma_start3A_1330[%dma_start3A_1331, %dma_start3A_1332] : memref<256x128xf32, #tpu.memory_space<vmem>> -> memref<128x128xf32, #tpu.memory_space<vmem>>
    %dma_start3A_1334 = arith.constant 0 : i32
    %dma_start3A_1335 = tpu.memref_slice %arg5[%dma_start3A_1325, %dma_start3A_1334] : memref<56x128xi32, #tpu.memory_space<vmem>> -> memref<1x128xi32, #tpu.memory_space<vmem>>
    %dma_start3A_1336 = tpu.memref_squeeze %dma_start3A_1335 : memref<1x128xi32, #tpu.memory_space<vmem>> -> memref<128xi32, #tpu.memory_space<vmem>>
    %dma_start3A_1337 = arith.constant 0 : i32
    %dma_start3A_1338 = arith.constant 0 : i32
    %dma_start3A_1339 = tpu.memref_slice %arg2[%dma_start3A_1337, %dma_start3A_1338] : memref<100001x128xf32, #tpu.memory_space<hbm>> -> memref<100001x128xf32, #tpu.memory_space<hbm>>
    tpu.enqueue_indirect_dma source(%dma_start3A_1339 : memref<100001x128xf32, #tpu.memory_space<hbm>>) target(%dma_start3A_1333 : memref<128x128xf32, #tpu.memory_space<vmem>>) offsets(%dma_start3A_1336 : memref<128xi32, #tpu.memory_space<vmem>>) semaphore(%arg8 : memref<!tpu.dma_semaphore, #tpu.memory_space<semaphore_mem>>)
    %dma_wait3A_1340 = arith.constant 30 : i32
    %dma_wait3A_1341 = arith.constant 1 : i32
    %dma_wait3A_1342 = arith.constant 0 : i32
    %dma_wait3A_1343 = arith.constant 0 : i32
    %dma_wait3A_1344 = tpu.memref_slice %arg6[%dma_wait3A_1341, %dma_wait3A_1342, %dma_wait3A_1343] : memref<2x256x128xf32, #tpu.memory_space<vmem>> -> memref<1x256x128xf32, #tpu.memory_space<vmem>>
    %dma_wait3A_1345 = tpu.memref_squeeze %dma_wait3A_1344 : memref<1x256x128xf32, #tpu.memory_space<vmem>> -> memref<256x128xf32, #tpu.memory_space<vmem>>
    %dma_wait3A_1346 = arith.constant 0 : i32
    %dma_wait3A_1347 = arith.constant 0 : i32
    %dma_wait3A_1348 = tpu.memref_slice %dma_wait3A_1345[%dma_wait3A_1346, %dma_wait3A_1347] : memref<256x128xf32, #tpu.memory_space<vmem>> -> memref<128x128xf32, #tpu.memory_space<vmem>>
    %dma_wait3A_1349 = arith.constant 0 : i32
    %dma_wait3A_1350 = tpu.memref_slice %arg5[%dma_wait3A_1340, %dma_wait3A_1349] : memref<56x128xi32, #tpu.memory_space<vmem>> -> memref<1x128xi32, #tpu.memory_space<vmem>>
    %dma_wait3A_1351 = tpu.memref_squeeze %dma_wait3A_1350 : memref<1x128xi32, #tpu.memory_space<vmem>> -> memref<128xi32, #tpu.memory_space<vmem>>
    %dma_wait3A_1352 = arith.constant 0 : i32
    %dma_wait3A_1353 = arith.constant 0 : i32
    %dma_wait3A_1354 = tpu.memref_slice %arg2[%dma_wait3A_1352, %dma_wait3A_1353] : memref<100001x128xf32, #tpu.memory_space<hbm>> -> memref<100001x128xf32, #tpu.memory_space<hbm>>
    tpu.wait_indirect_dma semaphore(%arg8 : memref<!tpu.dma_semaphore, #tpu.memory_space<semaphore_mem>>) src(%dma_wait3A_1354 : memref<100001x128xf32, #tpu.memory_space<hbm>>) dst(%dma_wait3A_1348 : memref<128x128xf32, #tpu.memory_space<vmem>>)
    %dma_wait3A_1355 = arith.constant 31 : i32
    %dma_wait3A_1356 = arith.constant 1 : i32
    %dma_wait3A_1357 = arith.constant 0 : i32
    %dma_wait3A_1358 = arith.constant 0 : i32
    %dma_wait3A_1359 = tpu.memref_slice %arg6[%dma_wait3A_1356, %dma_wait3A_1357, %dma_wait3A_1358] : memref<2x256x128xf32, #tpu.memory_space<vmem>> -> memref<1x256x128xf32, #tpu.memory_space<vmem>>
    %dma_wait3A_1360 = tpu.memref_squeeze %dma_wait3A_1359 : memref<1x256x128xf32, #tpu.memory_space<vmem>> -> memref<256x128xf32, #tpu.memory_space<vmem>>
    %dma_wait3A_1361 = arith.constant 128 : i32
    %dma_wait3A_1362 = arith.constant 0 : i32
    %dma_wait3A_1363 = tpu.memref_slice %dma_wait3A_1360[%dma_wait3A_1361, %dma_wait3A_1362] : memref<256x128xf32, #tpu.memory_space<vmem>> -> memref<128x128xf32, #tpu.memory_space<vmem>>
    %dma_wait3A_1364 = arith.constant 0 : i32
    %dma_wait3A_1365 = tpu.memref_slice %arg5[%dma_wait3A_1355, %dma_wait3A_1364] : memref<56x128xi32, #tpu.memory_space<vmem>> -> memref<1x128xi32, #tpu.memory_space<vmem>>
    %dma_wait3A_1366 = tpu.memref_squeeze %dma_wait3A_1365 : memref<1x128xi32, #tpu.memory_space<vmem>> -> memref<128xi32, #tpu.memory_space<vmem>>
    %dma_wait3A_1367 = arith.constant 0 : i32
    %dma_wait3A_1368 = arith.constant 0 : i32
    %dma_wait3A_1369 = tpu.memref_slice %arg2[%dma_wait3A_1367, %dma_wait3A_1368] : memref<100001x128xf32, #tpu.memory_space<hbm>> -> memref<100001x128xf32, #tpu.memory_space<hbm>>
    tpu.wait_indirect_dma semaphore(%arg8 : memref<!tpu.dma_semaphore, #tpu.memory_space<semaphore_mem>>) src(%dma_wait3A_1369 : memref<100001x128xf32, #tpu.memory_space<hbm>>) dst(%dma_wait3A_1363 : memref<128x128xf32, #tpu.memory_space<vmem>>)
    %add3A_1370 = arith.constant 3840 : i32
    %add3A_1371 = arith.addi %mul3A_2, %add3A_1370 : i32
    %dma_start3A_1372 = arith.constant 1 : i32
    %dma_start3A_1373 = arith.constant 0 : i32
    %dma_start3A_1374 = arith.constant 0 : i32
    %dma_start3A_1375 = tpu.memref_slice %arg6[%dma_start3A_1372, %dma_start3A_1373, %dma_start3A_1374] : memref<2x256x128xf32, #tpu.memory_space<vmem>> -> memref<1x256x128xf32, #tpu.memory_space<vmem>>
    %dma_start3A_1376 = tpu.memref_squeeze %dma_start3A_1375 : memref<1x256x128xf32, #tpu.memory_space<vmem>> -> memref<256x128xf32, #tpu.memory_space<vmem>>
    %dma_start3A_1377 = arith.constant 0 : i32
    %dma_start3A_1378 = tpu.memref_slice %arg4[%add3A_1371, %dma_start3A_1377] : memref<229376x128xf32, #tpu.memory_space<hbm>> -> memref<256x128xf32, #tpu.memory_space<hbm>>
    %dma_start3A_1379 = arith.constant 0 : i32
    %dma_start3A_1380 = tpu.memref_slice %arg4[%add3A_1371, %dma_start3A_1379] : memref<229376x128xf32, #tpu.memory_space<hbm>> -> memref<256x128xf32, #tpu.memory_space<hbm>>
    %dma_start3A_1381 = arith.constant 0 : i32
    %dma_start3A_1382 = arith.constant 0 : i32
    %dma_start3A_1383 = tpu.memref_slice %arg6[%dma_start3A_1372, %dma_start3A_1381, %dma_start3A_1382] : memref<2x256x128xf32, #tpu.memory_space<vmem>> -> memref<1x256x128xf32, #tpu.memory_space<vmem>>
    %dma_start3A_1384 = tpu.memref_squeeze %dma_start3A_1383 : memref<1x256x128xf32, #tpu.memory_space<vmem>> -> memref<256x128xf32, #tpu.memory_space<vmem>>
    tpu.enqueue_dma source(%dma_start3A_1384 : memref<256x128xf32, #tpu.memory_space<vmem>>) target(%dma_start3A_1380 : memref<256x128xf32, #tpu.memory_space<hbm>>) target_semaphore(%arg10 : memref<!tpu.dma_semaphore, #tpu.memory_space<semaphore_mem>>)
    %dma_wait3A_1385 = arith.constant 0 : i32
    %dma_wait3A_1386 = arith.constant 0 : i32
    %dma_wait3A_1387 = arith.constant 0 : i32
    %dma_wait3A_1388 = tpu.memref_slice %arg6[%dma_wait3A_1385, %dma_wait3A_1386, %dma_wait3A_1387] : memref<2x256x128xf32, #tpu.memory_space<vmem>> -> memref<1x256x128xf32, #tpu.memory_space<vmem>>
    %dma_wait3A_1389 = tpu.memref_squeeze %dma_wait3A_1388 : memref<1x256x128xf32, #tpu.memory_space<vmem>> -> memref<256x128xf32, #tpu.memory_space<vmem>>
    %dma_wait3A_1390 = arith.constant 0 : i32
    %dma_wait3A_1391 = tpu.memref_slice %arg4[%add3A_1283, %dma_wait3A_1390] : memref<229376x128xf32, #tpu.memory_space<hbm>> -> memref<256x128xf32, #tpu.memory_space<hbm>>
    %dma_wait3A_1392 = arith.constant 0 : i32
    %dma_wait3A_1393 = tpu.memref_slice %arg4[%add3A_1283, %dma_wait3A_1392] : memref<229376x128xf32, #tpu.memory_space<hbm>> -> memref<256x128xf32, #tpu.memory_space<hbm>>
    %dma_wait3A_1394 = arith.constant 0 : i32
    %dma_wait3A_1395 = arith.constant 0 : i32
    %dma_wait3A_1396 = tpu.memref_slice %arg6[%dma_wait3A_1385, %dma_wait3A_1394, %dma_wait3A_1395] : memref<2x256x128xf32, #tpu.memory_space<vmem>> -> memref<1x256x128xf32, #tpu.memory_space<vmem>>
    %dma_wait3A_1397 = tpu.memref_squeeze %dma_wait3A_1396 : memref<1x256x128xf32, #tpu.memory_space<vmem>> -> memref<256x128xf32, #tpu.memory_space<vmem>>
    tpu.wait_dma2 semaphore(%arg9 : memref<!tpu.dma_semaphore, #tpu.memory_space<semaphore_mem>>) src(%dma_wait3A_1397 : memref<256x128xf32, #tpu.memory_space<vmem>>) dst(%dma_wait3A_1393 : memref<256x128xf32, #tpu.memory_space<hbm>>)
    %dma_start3A_1398 = arith.constant 32 : i32
    %dma_start3A_1399 = arith.constant 0 : i32
    %dma_start3A_1400 = arith.constant 0 : i32
    %dma_start3A_1401 = arith.constant 0 : i32
    %dma_start3A_1402 = tpu.memref_slice %arg6[%dma_start3A_1399, %dma_start3A_1400, %dma_start3A_1401] : memref<2x256x128xf32, #tpu.memory_space<vmem>> -> memref<1x256x128xf32, #tpu.memory_space<vmem>>
    %dma_start3A_1403 = tpu.memref_squeeze %dma_start3A_1402 : memref<1x256x128xf32, #tpu.memory_space<vmem>> -> memref<256x128xf32, #tpu.memory_space<vmem>>
    %dma_start3A_1404 = arith.constant 0 : i32
    %dma_start3A_1405 = arith.constant 0 : i32
    %dma_start3A_1406 = tpu.memref_slice %dma_start3A_1403[%dma_start3A_1404, %dma_start3A_1405] : memref<256x128xf32, #tpu.memory_space<vmem>> -> memref<128x128xf32, #tpu.memory_space<vmem>>
    %dma_start3A_1407 = arith.constant 0 : i32
    %dma_start3A_1408 = tpu.memref_slice %arg5[%dma_start3A_1398, %dma_start3A_1407] : memref<56x128xi32, #tpu.memory_space<vmem>> -> memref<1x128xi32, #tpu.memory_space<vmem>>
    %dma_start3A_1409 = tpu.memref_squeeze %dma_start3A_1408 : memref<1x128xi32, #tpu.memory_space<vmem>> -> memref<128xi32, #tpu.memory_space<vmem>>
    %dma_start3A_1410 = arith.constant 0 : i32
    %dma_start3A_1411 = arith.constant 0 : i32
    %dma_start3A_1412 = tpu.memref_slice %arg2[%dma_start3A_1410, %dma_start3A_1411] : memref<100001x128xf32, #tpu.memory_space<hbm>> -> memref<100001x128xf32, #tpu.memory_space<hbm>>
    tpu.enqueue_indirect_dma source(%dma_start3A_1412 : memref<100001x128xf32, #tpu.memory_space<hbm>>) target(%dma_start3A_1406 : memref<128x128xf32, #tpu.memory_space<vmem>>) offsets(%dma_start3A_1409 : memref<128xi32, #tpu.memory_space<vmem>>) semaphore(%arg7 : memref<!tpu.dma_semaphore, #tpu.memory_space<semaphore_mem>>)
    %dma_start3A_1413 = arith.constant 33 : i32
    %dma_start3A_1414 = arith.constant 0 : i32
    %dma_start3A_1415 = arith.constant 0 : i32
    %dma_start3A_1416 = arith.constant 0 : i32
    %dma_start3A_1417 = tpu.memref_slice %arg6[%dma_start3A_1414, %dma_start3A_1415, %dma_start3A_1416] : memref<2x256x128xf32, #tpu.memory_space<vmem>> -> memref<1x256x128xf32, #tpu.memory_space<vmem>>
    %dma_start3A_1418 = tpu.memref_squeeze %dma_start3A_1417 : memref<1x256x128xf32, #tpu.memory_space<vmem>> -> memref<256x128xf32, #tpu.memory_space<vmem>>
    %dma_start3A_1419 = arith.constant 128 : i32
    %dma_start3A_1420 = arith.constant 0 : i32
    %dma_start3A_1421 = tpu.memref_slice %dma_start3A_1418[%dma_start3A_1419, %dma_start3A_1420] : memref<256x128xf32, #tpu.memory_space<vmem>> -> memref<128x128xf32, #tpu.memory_space<vmem>>
    %dma_start3A_1422 = arith.constant 0 : i32
    %dma_start3A_1423 = tpu.memref_slice %arg5[%dma_start3A_1413, %dma_start3A_1422] : memref<56x128xi32, #tpu.memory_space<vmem>> -> memref<1x128xi32, #tpu.memory_space<vmem>>
    %dma_start3A_1424 = tpu.memref_squeeze %dma_start3A_1423 : memref<1x128xi32, #tpu.memory_space<vmem>> -> memref<128xi32, #tpu.memory_space<vmem>>
    %dma_start3A_1425 = arith.constant 0 : i32
    %dma_start3A_1426 = arith.constant 0 : i32
    %dma_start3A_1427 = tpu.memref_slice %arg2[%dma_start3A_1425, %dma_start3A_1426] : memref<100001x128xf32, #tpu.memory_space<hbm>> -> memref<100001x128xf32, #tpu.memory_space<hbm>>
    tpu.enqueue_indirect_dma source(%dma_start3A_1427 : memref<100001x128xf32, #tpu.memory_space<hbm>>) target(%dma_start3A_1421 : memref<128x128xf32, #tpu.memory_space<vmem>>) offsets(%dma_start3A_1424 : memref<128xi32, #tpu.memory_space<vmem>>) semaphore(%arg7 : memref<!tpu.dma_semaphore, #tpu.memory_space<semaphore_mem>>)
    %dma_wait3A_1428 = arith.constant 32 : i32
    %dma_wait3A_1429 = arith.constant 0 : i32
    %dma_wait3A_1430 = arith.constant 0 : i32
    %dma_wait3A_1431 = arith.constant 0 : i32
    %dma_wait3A_1432 = tpu.memref_slice %arg6[%dma_wait3A_1429, %dma_wait3A_1430, %dma_wait3A_1431] : memref<2x256x128xf32, #tpu.memory_space<vmem>> -> memref<1x256x128xf32, #tpu.memory_space<vmem>>
    %dma_wait3A_1433 = tpu.memref_squeeze %dma_wait3A_1432 : memref<1x256x128xf32, #tpu.memory_space<vmem>> -> memref<256x128xf32, #tpu.memory_space<vmem>>
    %dma_wait3A_1434 = arith.constant 0 : i32
    %dma_wait3A_1435 = arith.constant 0 : i32
    %dma_wait3A_1436 = tpu.memref_slice %dma_wait3A_1433[%dma_wait3A_1434, %dma_wait3A_1435] : memref<256x128xf32, #tpu.memory_space<vmem>> -> memref<128x128xf32, #tpu.memory_space<vmem>>
    %dma_wait3A_1437 = arith.constant 0 : i32
    %dma_wait3A_1438 = tpu.memref_slice %arg5[%dma_wait3A_1428, %dma_wait3A_1437] : memref<56x128xi32, #tpu.memory_space<vmem>> -> memref<1x128xi32, #tpu.memory_space<vmem>>
    %dma_wait3A_1439 = tpu.memref_squeeze %dma_wait3A_1438 : memref<1x128xi32, #tpu.memory_space<vmem>> -> memref<128xi32, #tpu.memory_space<vmem>>
    %dma_wait3A_1440 = arith.constant 0 : i32
    %dma_wait3A_1441 = arith.constant 0 : i32
    %dma_wait3A_1442 = tpu.memref_slice %arg2[%dma_wait3A_1440, %dma_wait3A_1441] : memref<100001x128xf32, #tpu.memory_space<hbm>> -> memref<100001x128xf32, #tpu.memory_space<hbm>>
    tpu.wait_indirect_dma semaphore(%arg7 : memref<!tpu.dma_semaphore, #tpu.memory_space<semaphore_mem>>) src(%dma_wait3A_1442 : memref<100001x128xf32, #tpu.memory_space<hbm>>) dst(%dma_wait3A_1436 : memref<128x128xf32, #tpu.memory_space<vmem>>)
    %dma_wait3A_1443 = arith.constant 33 : i32
    %dma_wait3A_1444 = arith.constant 0 : i32
    %dma_wait3A_1445 = arith.constant 0 : i32
    %dma_wait3A_1446 = arith.constant 0 : i32
    %dma_wait3A_1447 = tpu.memref_slice %arg6[%dma_wait3A_1444, %dma_wait3A_1445, %dma_wait3A_1446] : memref<2x256x128xf32, #tpu.memory_space<vmem>> -> memref<1x256x128xf32, #tpu.memory_space<vmem>>
    %dma_wait3A_1448 = tpu.memref_squeeze %dma_wait3A_1447 : memref<1x256x128xf32, #tpu.memory_space<vmem>> -> memref<256x128xf32, #tpu.memory_space<vmem>>
    %dma_wait3A_1449 = arith.constant 128 : i32
    %dma_wait3A_1450 = arith.constant 0 : i32
    %dma_wait3A_1451 = tpu.memref_slice %dma_wait3A_1448[%dma_wait3A_1449, %dma_wait3A_1450] : memref<256x128xf32, #tpu.memory_space<vmem>> -> memref<128x128xf32, #tpu.memory_space<vmem>>
    %dma_wait3A_1452 = arith.constant 0 : i32
    %dma_wait3A_1453 = tpu.memref_slice %arg5[%dma_wait3A_1443, %dma_wait3A_1452] : memref<56x128xi32, #tpu.memory_space<vmem>> -> memref<1x128xi32, #tpu.memory_space<vmem>>
    %dma_wait3A_1454 = tpu.memref_squeeze %dma_wait3A_1453 : memref<1x128xi32, #tpu.memory_space<vmem>> -> memref<128xi32, #tpu.memory_space<vmem>>
    %dma_wait3A_1455 = arith.constant 0 : i32
    %dma_wait3A_1456 = arith.constant 0 : i32
    %dma_wait3A_1457 = tpu.memref_slice %arg2[%dma_wait3A_1455, %dma_wait3A_1456] : memref<100001x128xf32, #tpu.memory_space<hbm>> -> memref<100001x128xf32, #tpu.memory_space<hbm>>
    tpu.wait_indirect_dma semaphore(%arg7 : memref<!tpu.dma_semaphore, #tpu.memory_space<semaphore_mem>>) src(%dma_wait3A_1457 : memref<100001x128xf32, #tpu.memory_space<hbm>>) dst(%dma_wait3A_1451 : memref<128x128xf32, #tpu.memory_space<vmem>>)
    %add3A_1458 = arith.constant 4096 : i32
    %add3A_1459 = arith.addi %mul3A_2, %add3A_1458 : i32
    %dma_start3A_1460 = arith.constant 0 : i32
    %dma_start3A_1461 = arith.constant 0 : i32
    %dma_start3A_1462 = arith.constant 0 : i32
    %dma_start3A_1463 = tpu.memref_slice %arg6[%dma_start3A_1460, %dma_start3A_1461, %dma_start3A_1462] : memref<2x256x128xf32, #tpu.memory_space<vmem>> -> memref<1x256x128xf32, #tpu.memory_space<vmem>>
    %dma_start3A_1464 = tpu.memref_squeeze %dma_start3A_1463 : memref<1x256x128xf32, #tpu.memory_space<vmem>> -> memref<256x128xf32, #tpu.memory_space<vmem>>
    %dma_start3A_1465 = arith.constant 0 : i32
    %dma_start3A_1466 = tpu.memref_slice %arg4[%add3A_1459, %dma_start3A_1465] : memref<229376x128xf32, #tpu.memory_space<hbm>> -> memref<256x128xf32, #tpu.memory_space<hbm>>
    %dma_start3A_1467 = arith.constant 0 : i32
    %dma_start3A_1468 = tpu.memref_slice %arg4[%add3A_1459, %dma_start3A_1467] : memref<229376x128xf32, #tpu.memory_space<hbm>> -> memref<256x128xf32, #tpu.memory_space<hbm>>
    %dma_start3A_1469 = arith.constant 0 : i32
    %dma_start3A_1470 = arith.constant 0 : i32
    %dma_start3A_1471 = tpu.memref_slice %arg6[%dma_start3A_1460, %dma_start3A_1469, %dma_start3A_1470] : memref<2x256x128xf32, #tpu.memory_space<vmem>> -> memref<1x256x128xf32, #tpu.memory_space<vmem>>
    %dma_start3A_1472 = tpu.memref_squeeze %dma_start3A_1471 : memref<1x256x128xf32, #tpu.memory_space<vmem>> -> memref<256x128xf32, #tpu.memory_space<vmem>>
    tpu.enqueue_dma source(%dma_start3A_1472 : memref<256x128xf32, #tpu.memory_space<vmem>>) target(%dma_start3A_1468 : memref<256x128xf32, #tpu.memory_space<hbm>>) target_semaphore(%arg9 : memref<!tpu.dma_semaphore, #tpu.memory_space<semaphore_mem>>)
    %dma_wait3A_1473 = arith.constant 1 : i32
    %dma_wait3A_1474 = arith.constant 0 : i32
    %dma_wait3A_1475 = arith.constant 0 : i32
    %dma_wait3A_1476 = tpu.memref_slice %arg6[%dma_wait3A_1473, %dma_wait3A_1474, %dma_wait3A_1475] : memref<2x256x128xf32, #tpu.memory_space<vmem>> -> memref<1x256x128xf32, #tpu.memory_space<vmem>>
    %dma_wait3A_1477 = tpu.memref_squeeze %dma_wait3A_1476 : memref<1x256x128xf32, #tpu.memory_space<vmem>> -> memref<256x128xf32, #tpu.memory_space<vmem>>
    %dma_wait3A_1478 = arith.constant 0 : i32
    %dma_wait3A_1479 = tpu.memref_slice %arg4[%add3A_1371, %dma_wait3A_1478] : memref<229376x128xf32, #tpu.memory_space<hbm>> -> memref<256x128xf32, #tpu.memory_space<hbm>>
    %dma_wait3A_1480 = arith.constant 0 : i32
    %dma_wait3A_1481 = tpu.memref_slice %arg4[%add3A_1371, %dma_wait3A_1480] : memref<229376x128xf32, #tpu.memory_space<hbm>> -> memref<256x128xf32, #tpu.memory_space<hbm>>
    %dma_wait3A_1482 = arith.constant 0 : i32
    %dma_wait3A_1483 = arith.constant 0 : i32
    %dma_wait3A_1484 = tpu.memref_slice %arg6[%dma_wait3A_1473, %dma_wait3A_1482, %dma_wait3A_1483] : memref<2x256x128xf32, #tpu.memory_space<vmem>> -> memref<1x256x128xf32, #tpu.memory_space<vmem>>
    %dma_wait3A_1485 = tpu.memref_squeeze %dma_wait3A_1484 : memref<1x256x128xf32, #tpu.memory_space<vmem>> -> memref<256x128xf32, #tpu.memory_space<vmem>>
    tpu.wait_dma2 semaphore(%arg10 : memref<!tpu.dma_semaphore, #tpu.memory_space<semaphore_mem>>) src(%dma_wait3A_1485 : memref<256x128xf32, #tpu.memory_space<vmem>>) dst(%dma_wait3A_1481 : memref<256x128xf32, #tpu.memory_space<hbm>>)
    %dma_start3A_1486 = arith.constant 34 : i32
    %dma_start3A_1487 = arith.constant 1 : i32
    %dma_start3A_1488 = arith.constant 0 : i32
    %dma_start3A_1489 = arith.constant 0 : i32
    %dma_start3A_1490 = tpu.memref_slice %arg6[%dma_start3A_1487, %dma_start3A_1488, %dma_start3A_1489] : memref<2x256x128xf32, #tpu.memory_space<vmem>> -> memref<1x256x128xf32, #tpu.memory_space<vmem>>
    %dma_start3A_1491 = tpu.memref_squeeze %dma_start3A_1490 : memref<1x256x128xf32, #tpu.memory_space<vmem>> -> memref<256x128xf32, #tpu.memory_space<vmem>>
    %dma_start3A_1492 = arith.constant 0 : i32
    %dma_start3A_1493 = arith.constant 0 : i32
    %dma_start3A_1494 = tpu.memref_slice %dma_start3A_1491[%dma_start3A_1492, %dma_start3A_1493] : memref<256x128xf32, #tpu.memory_space<vmem>> -> memref<128x128xf32, #tpu.memory_space<vmem>>
    %dma_start3A_1495 = arith.constant 0 : i32
    %dma_start3A_1496 = tpu.memref_slice %arg5[%dma_start3A_1486, %dma_start3A_1495] : memref<56x128xi32, #tpu.memory_space<vmem>> -> memref<1x128xi32, #tpu.memory_space<vmem>>
    %dma_start3A_1497 = tpu.memref_squeeze %dma_start3A_1496 : memref<1x128xi32, #tpu.memory_space<vmem>> -> memref<128xi32, #tpu.memory_space<vmem>>
    %dma_start3A_1498 = arith.constant 0 : i32
    %dma_start3A_1499 = arith.constant 0 : i32
    %dma_start3A_1500 = tpu.memref_slice %arg2[%dma_start3A_1498, %dma_start3A_1499] : memref<100001x128xf32, #tpu.memory_space<hbm>> -> memref<100001x128xf32, #tpu.memory_space<hbm>>
    tpu.enqueue_indirect_dma source(%dma_start3A_1500 : memref<100001x128xf32, #tpu.memory_space<hbm>>) target(%dma_start3A_1494 : memref<128x128xf32, #tpu.memory_space<vmem>>) offsets(%dma_start3A_1497 : memref<128xi32, #tpu.memory_space<vmem>>) semaphore(%arg8 : memref<!tpu.dma_semaphore, #tpu.memory_space<semaphore_mem>>)
    %dma_start3A_1501 = arith.constant 35 : i32
    %dma_start3A_1502 = arith.constant 1 : i32
    %dma_start3A_1503 = arith.constant 0 : i32
    %dma_start3A_1504 = arith.constant 0 : i32
    %dma_start3A_1505 = tpu.memref_slice %arg6[%dma_start3A_1502, %dma_start3A_1503, %dma_start3A_1504] : memref<2x256x128xf32, #tpu.memory_space<vmem>> -> memref<1x256x128xf32, #tpu.memory_space<vmem>>
    %dma_start3A_1506 = tpu.memref_squeeze %dma_start3A_1505 : memref<1x256x128xf32, #tpu.memory_space<vmem>> -> memref<256x128xf32, #tpu.memory_space<vmem>>
    %dma_start3A_1507 = arith.constant 128 : i32
    %dma_start3A_1508 = arith.constant 0 : i32
    %dma_start3A_1509 = tpu.memref_slice %dma_start3A_1506[%dma_start3A_1507, %dma_start3A_1508] : memref<256x128xf32, #tpu.memory_space<vmem>> -> memref<128x128xf32, #tpu.memory_space<vmem>>
    %dma_start3A_1510 = arith.constant 0 : i32
    %dma_start3A_1511 = tpu.memref_slice %arg5[%dma_start3A_1501, %dma_start3A_1510] : memref<56x128xi32, #tpu.memory_space<vmem>> -> memref<1x128xi32, #tpu.memory_space<vmem>>
    %dma_start3A_1512 = tpu.memref_squeeze %dma_start3A_1511 : memref<1x128xi32, #tpu.memory_space<vmem>> -> memref<128xi32, #tpu.memory_space<vmem>>
    %dma_start3A_1513 = arith.constant 0 : i32
    %dma_start3A_1514 = arith.constant 0 : i32
    %dma_start3A_1515 = tpu.memref_slice %arg2[%dma_start3A_1513, %dma_start3A_1514] : memref<100001x128xf32, #tpu.memory_space<hbm>> -> memref<100001x128xf32, #tpu.memory_space<hbm>>
    tpu.enqueue_indirect_dma source(%dma_start3A_1515 : memref<100001x128xf32, #tpu.memory_space<hbm>>) target(%dma_start3A_1509 : memref<128x128xf32, #tpu.memory_space<vmem>>) offsets(%dma_start3A_1512 : memref<128xi32, #tpu.memory_space<vmem>>) semaphore(%arg8 : memref<!tpu.dma_semaphore, #tpu.memory_space<semaphore_mem>>)
    %dma_wait3A_1516 = arith.constant 34 : i32
    %dma_wait3A_1517 = arith.constant 1 : i32
    %dma_wait3A_1518 = arith.constant 0 : i32
    %dma_wait3A_1519 = arith.constant 0 : i32
    %dma_wait3A_1520 = tpu.memref_slice %arg6[%dma_wait3A_1517, %dma_wait3A_1518, %dma_wait3A_1519] : memref<2x256x128xf32, #tpu.memory_space<vmem>> -> memref<1x256x128xf32, #tpu.memory_space<vmem>>
    %dma_wait3A_1521 = tpu.memref_squeeze %dma_wait3A_1520 : memref<1x256x128xf32, #tpu.memory_space<vmem>> -> memref<256x128xf32, #tpu.memory_space<vmem>>
    %dma_wait3A_1522 = arith.constant 0 : i32
    %dma_wait3A_1523 = arith.constant 0 : i32
    %dma_wait3A_1524 = tpu.memref_slice %dma_wait3A_1521[%dma_wait3A_1522, %dma_wait3A_1523] : memref<256x128xf32, #tpu.memory_space<vmem>> -> memref<128x128xf32, #tpu.memory_space<vmem>>
    %dma_wait3A_1525 = arith.constant 0 : i32
    %dma_wait3A_1526 = tpu.memref_slice %arg5[%dma_wait3A_1516, %dma_wait3A_1525] : memref<56x128xi32, #tpu.memory_space<vmem>> -> memref<1x128xi32, #tpu.memory_space<vmem>>
    %dma_wait3A_1527 = tpu.memref_squeeze %dma_wait3A_1526 : memref<1x128xi32, #tpu.memory_space<vmem>> -> memref<128xi32, #tpu.memory_space<vmem>>
    %dma_wait3A_1528 = arith.constant 0 : i32
    %dma_wait3A_1529 = arith.constant 0 : i32
    %dma_wait3A_1530 = tpu.memref_slice %arg2[%dma_wait3A_1528, %dma_wait3A_1529] : memref<100001x128xf32, #tpu.memory_space<hbm>> -> memref<100001x128xf32, #tpu.memory_space<hbm>>
    tpu.wait_indirect_dma semaphore(%arg8 : memref<!tpu.dma_semaphore, #tpu.memory_space<semaphore_mem>>) src(%dma_wait3A_1530 : memref<100001x128xf32, #tpu.memory_space<hbm>>) dst(%dma_wait3A_1524 : memref<128x128xf32, #tpu.memory_space<vmem>>)
    %dma_wait3A_1531 = arith.constant 35 : i32
    %dma_wait3A_1532 = arith.constant 1 : i32
    %dma_wait3A_1533 = arith.constant 0 : i32
    %dma_wait3A_1534 = arith.constant 0 : i32
    %dma_wait3A_1535 = tpu.memref_slice %arg6[%dma_wait3A_1532, %dma_wait3A_1533, %dma_wait3A_1534] : memref<2x256x128xf32, #tpu.memory_space<vmem>> -> memref<1x256x128xf32, #tpu.memory_space<vmem>>
    %dma_wait3A_1536 = tpu.memref_squeeze %dma_wait3A_1535 : memref<1x256x128xf32, #tpu.memory_space<vmem>> -> memref<256x128xf32, #tpu.memory_space<vmem>>
    %dma_wait3A_1537 = arith.constant 128 : i32
    %dma_wait3A_1538 = arith.constant 0 : i32
    %dma_wait3A_1539 = tpu.memref_slice %dma_wait3A_1536[%dma_wait3A_1537, %dma_wait3A_1538] : memref<256x128xf32, #tpu.memory_space<vmem>> -> memref<128x128xf32, #tpu.memory_space<vmem>>
    %dma_wait3A_1540 = arith.constant 0 : i32
    %dma_wait3A_1541 = tpu.memref_slice %arg5[%dma_wait3A_1531, %dma_wait3A_1540] : memref<56x128xi32, #tpu.memory_space<vmem>> -> memref<1x128xi32, #tpu.memory_space<vmem>>
    %dma_wait3A_1542 = tpu.memref_squeeze %dma_wait3A_1541 : memref<1x128xi32, #tpu.memory_space<vmem>> -> memref<128xi32, #tpu.memory_space<vmem>>
    %dma_wait3A_1543 = arith.constant 0 : i32
    %dma_wait3A_1544 = arith.constant 0 : i32
    %dma_wait3A_1545 = tpu.memref_slice %arg2[%dma_wait3A_1543, %dma_wait3A_1544] : memref<100001x128xf32, #tpu.memory_space<hbm>> -> memref<100001x128xf32, #tpu.memory_space<hbm>>
    tpu.wait_indirect_dma semaphore(%arg8 : memref<!tpu.dma_semaphore, #tpu.memory_space<semaphore_mem>>) src(%dma_wait3A_1545 : memref<100001x128xf32, #tpu.memory_space<hbm>>) dst(%dma_wait3A_1539 : memref<128x128xf32, #tpu.memory_space<vmem>>)
    %add3A_1546 = arith.constant 4352 : i32
    %add3A_1547 = arith.addi %mul3A_2, %add3A_1546 : i32
    %dma_start3A_1548 = arith.constant 1 : i32
    %dma_start3A_1549 = arith.constant 0 : i32
    %dma_start3A_1550 = arith.constant 0 : i32
    %dma_start3A_1551 = tpu.memref_slice %arg6[%dma_start3A_1548, %dma_start3A_1549, %dma_start3A_1550] : memref<2x256x128xf32, #tpu.memory_space<vmem>> -> memref<1x256x128xf32, #tpu.memory_space<vmem>>
    %dma_start3A_1552 = tpu.memref_squeeze %dma_start3A_1551 : memref<1x256x128xf32, #tpu.memory_space<vmem>> -> memref<256x128xf32, #tpu.memory_space<vmem>>
    %dma_start3A_1553 = arith.constant 0 : i32
    %dma_start3A_1554 = tpu.memref_slice %arg4[%add3A_1547, %dma_start3A_1553] : memref<229376x128xf32, #tpu.memory_space<hbm>> -> memref<256x128xf32, #tpu.memory_space<hbm>>
    %dma_start3A_1555 = arith.constant 0 : i32
    %dma_start3A_1556 = tpu.memref_slice %arg4[%add3A_1547, %dma_start3A_1555] : memref<229376x128xf32, #tpu.memory_space<hbm>> -> memref<256x128xf32, #tpu.memory_space<hbm>>
    %dma_start3A_1557 = arith.constant 0 : i32
    %dma_start3A_1558 = arith.constant 0 : i32
    %dma_start3A_1559 = tpu.memref_slice %arg6[%dma_start3A_1548, %dma_start3A_1557, %dma_start3A_1558] : memref<2x256x128xf32, #tpu.memory_space<vmem>> -> memref<1x256x128xf32, #tpu.memory_space<vmem>>
    %dma_start3A_1560 = tpu.memref_squeeze %dma_start3A_1559 : memref<1x256x128xf32, #tpu.memory_space<vmem>> -> memref<256x128xf32, #tpu.memory_space<vmem>>
    tpu.enqueue_dma source(%dma_start3A_1560 : memref<256x128xf32, #tpu.memory_space<vmem>>) target(%dma_start3A_1556 : memref<256x128xf32, #tpu.memory_space<hbm>>) target_semaphore(%arg10 : memref<!tpu.dma_semaphore, #tpu.memory_space<semaphore_mem>>)
    %dma_wait3A_1561 = arith.constant 0 : i32
    %dma_wait3A_1562 = arith.constant 0 : i32
    %dma_wait3A_1563 = arith.constant 0 : i32
    %dma_wait3A_1564 = tpu.memref_slice %arg6[%dma_wait3A_1561, %dma_wait3A_1562, %dma_wait3A_1563] : memref<2x256x128xf32, #tpu.memory_space<vmem>> -> memref<1x256x128xf32, #tpu.memory_space<vmem>>
    %dma_wait3A_1565 = tpu.memref_squeeze %dma_wait3A_1564 : memref<1x256x128xf32, #tpu.memory_space<vmem>> -> memref<256x128xf32, #tpu.memory_space<vmem>>
    %dma_wait3A_1566 = arith.constant 0 : i32
    %dma_wait3A_1567 = tpu.memref_slice %arg4[%add3A_1459, %dma_wait3A_1566] : memref<229376x128xf32, #tpu.memory_space<hbm>> -> memref<256x128xf32, #tpu.memory_space<hbm>>
    %dma_wait3A_1568 = arith.constant 0 : i32
    %dma_wait3A_1569 = tpu.memref_slice %arg4[%add3A_1459, %dma_wait3A_1568] : memref<229376x128xf32, #tpu.memory_space<hbm>> -> memref<256x128xf32, #tpu.memory_space<hbm>>
    %dma_wait3A_1570 = arith.constant 0 : i32
    %dma_wait3A_1571 = arith.constant 0 : i32
    %dma_wait3A_1572 = tpu.memref_slice %arg6[%dma_wait3A_1561, %dma_wait3A_1570, %dma_wait3A_1571] : memref<2x256x128xf32, #tpu.memory_space<vmem>> -> memref<1x256x128xf32, #tpu.memory_space<vmem>>
    %dma_wait3A_1573 = tpu.memref_squeeze %dma_wait3A_1572 : memref<1x256x128xf32, #tpu.memory_space<vmem>> -> memref<256x128xf32, #tpu.memory_space<vmem>>
    tpu.wait_dma2 semaphore(%arg9 : memref<!tpu.dma_semaphore, #tpu.memory_space<semaphore_mem>>) src(%dma_wait3A_1573 : memref<256x128xf32, #tpu.memory_space<vmem>>) dst(%dma_wait3A_1569 : memref<256x128xf32, #tpu.memory_space<hbm>>)
    %dma_start3A_1574 = arith.constant 36 : i32
    %dma_start3A_1575 = arith.constant 0 : i32
    %dma_start3A_1576 = arith.constant 0 : i32
    %dma_start3A_1577 = arith.constant 0 : i32
    %dma_start3A_1578 = tpu.memref_slice %arg6[%dma_start3A_1575, %dma_start3A_1576, %dma_start3A_1577] : memref<2x256x128xf32, #tpu.memory_space<vmem>> -> memref<1x256x128xf32, #tpu.memory_space<vmem>>
    %dma_start3A_1579 = tpu.memref_squeeze %dma_start3A_1578 : memref<1x256x128xf32, #tpu.memory_space<vmem>> -> memref<256x128xf32, #tpu.memory_space<vmem>>
    %dma_start3A_1580 = arith.constant 0 : i32
    %dma_start3A_1581 = arith.constant 0 : i32
    %dma_start3A_1582 = tpu.memref_slice %dma_start3A_1579[%dma_start3A_1580, %dma_start3A_1581] : memref<256x128xf32, #tpu.memory_space<vmem>> -> memref<128x128xf32, #tpu.memory_space<vmem>>
    %dma_start3A_1583 = arith.constant 0 : i32
    %dma_start3A_1584 = tpu.memref_slice %arg5[%dma_start3A_1574, %dma_start3A_1583] : memref<56x128xi32, #tpu.memory_space<vmem>> -> memref<1x128xi32, #tpu.memory_space<vmem>>
    %dma_start3A_1585 = tpu.memref_squeeze %dma_start3A_1584 : memref<1x128xi32, #tpu.memory_space<vmem>> -> memref<128xi32, #tpu.memory_space<vmem>>
    %dma_start3A_1586 = arith.constant 0 : i32
    %dma_start3A_1587 = arith.constant 0 : i32
    %dma_start3A_1588 = tpu.memref_slice %arg2[%dma_start3A_1586, %dma_start3A_1587] : memref<100001x128xf32, #tpu.memory_space<hbm>> -> memref<100001x128xf32, #tpu.memory_space<hbm>>
    tpu.enqueue_indirect_dma source(%dma_start3A_1588 : memref<100001x128xf32, #tpu.memory_space<hbm>>) target(%dma_start3A_1582 : memref<128x128xf32, #tpu.memory_space<vmem>>) offsets(%dma_start3A_1585 : memref<128xi32, #tpu.memory_space<vmem>>) semaphore(%arg7 : memref<!tpu.dma_semaphore, #tpu.memory_space<semaphore_mem>>)
    %dma_start3A_1589 = arith.constant 37 : i32
    %dma_start3A_1590 = arith.constant 0 : i32
    %dma_start3A_1591 = arith.constant 0 : i32
    %dma_start3A_1592 = arith.constant 0 : i32
    %dma_start3A_1593 = tpu.memref_slice %arg6[%dma_start3A_1590, %dma_start3A_1591, %dma_start3A_1592] : memref<2x256x128xf32, #tpu.memory_space<vmem>> -> memref<1x256x128xf32, #tpu.memory_space<vmem>>
    %dma_start3A_1594 = tpu.memref_squeeze %dma_start3A_1593 : memref<1x256x128xf32, #tpu.memory_space<vmem>> -> memref<256x128xf32, #tpu.memory_space<vmem>>
    %dma_start3A_1595 = arith.constant 128 : i32
    %dma_start3A_1596 = arith.constant 0 : i32
    %dma_start3A_1597 = tpu.memref_slice %dma_start3A_1594[%dma_start3A_1595, %dma_start3A_1596] : memref<256x128xf32, #tpu.memory_space<vmem>> -> memref<128x128xf32, #tpu.memory_space<vmem>>
    %dma_start3A_1598 = arith.constant 0 : i32
    %dma_start3A_1599 = tpu.memref_slice %arg5[%dma_start3A_1589, %dma_start3A_1598] : memref<56x128xi32, #tpu.memory_space<vmem>> -> memref<1x128xi32, #tpu.memory_space<vmem>>
    %dma_start3A_1600 = tpu.memref_squeeze %dma_start3A_1599 : memref<1x128xi32, #tpu.memory_space<vmem>> -> memref<128xi32, #tpu.memory_space<vmem>>
    %dma_start3A_1601 = arith.constant 0 : i32
    %dma_start3A_1602 = arith.constant 0 : i32
    %dma_start3A_1603 = tpu.memref_slice %arg2[%dma_start3A_1601, %dma_start3A_1602] : memref<100001x128xf32, #tpu.memory_space<hbm>> -> memref<100001x128xf32, #tpu.memory_space<hbm>>
    tpu.enqueue_indirect_dma source(%dma_start3A_1603 : memref<100001x128xf32, #tpu.memory_space<hbm>>) target(%dma_start3A_1597 : memref<128x128xf32, #tpu.memory_space<vmem>>) offsets(%dma_start3A_1600 : memref<128xi32, #tpu.memory_space<vmem>>) semaphore(%arg7 : memref<!tpu.dma_semaphore, #tpu.memory_space<semaphore_mem>>)
    %dma_wait3A_1604 = arith.constant 36 : i32
    %dma_wait3A_1605 = arith.constant 0 : i32
    %dma_wait3A_1606 = arith.constant 0 : i32
    %dma_wait3A_1607 = arith.constant 0 : i32
    %dma_wait3A_1608 = tpu.memref_slice %arg6[%dma_wait3A_1605, %dma_wait3A_1606, %dma_wait3A_1607] : memref<2x256x128xf32, #tpu.memory_space<vmem>> -> memref<1x256x128xf32, #tpu.memory_space<vmem>>
    %dma_wait3A_1609 = tpu.memref_squeeze %dma_wait3A_1608 : memref<1x256x128xf32, #tpu.memory_space<vmem>> -> memref<256x128xf32, #tpu.memory_space<vmem>>
    %dma_wait3A_1610 = arith.constant 0 : i32
    %dma_wait3A_1611 = arith.constant 0 : i32
    %dma_wait3A_1612 = tpu.memref_slice %dma_wait3A_1609[%dma_wait3A_1610, %dma_wait3A_1611] : memref<256x128xf32, #tpu.memory_space<vmem>> -> memref<128x128xf32, #tpu.memory_space<vmem>>
    %dma_wait3A_1613 = arith.constant 0 : i32
    %dma_wait3A_1614 = tpu.memref_slice %arg5[%dma_wait3A_1604, %dma_wait3A_1613] : memref<56x128xi32, #tpu.memory_space<vmem>> -> memref<1x128xi32, #tpu.memory_space<vmem>>
    %dma_wait3A_1615 = tpu.memref_squeeze %dma_wait3A_1614 : memref<1x128xi32, #tpu.memory_space<vmem>> -> memref<128xi32, #tpu.memory_space<vmem>>
    %dma_wait3A_1616 = arith.constant 0 : i32
    %dma_wait3A_1617 = arith.constant 0 : i32
    %dma_wait3A_1618 = tpu.memref_slice %arg2[%dma_wait3A_1616, %dma_wait3A_1617] : memref<100001x128xf32, #tpu.memory_space<hbm>> -> memref<100001x128xf32, #tpu.memory_space<hbm>>
    tpu.wait_indirect_dma semaphore(%arg7 : memref<!tpu.dma_semaphore, #tpu.memory_space<semaphore_mem>>) src(%dma_wait3A_1618 : memref<100001x128xf32, #tpu.memory_space<hbm>>) dst(%dma_wait3A_1612 : memref<128x128xf32, #tpu.memory_space<vmem>>)
    %dma_wait3A_1619 = arith.constant 37 : i32
    %dma_wait3A_1620 = arith.constant 0 : i32
    %dma_wait3A_1621 = arith.constant 0 : i32
    %dma_wait3A_1622 = arith.constant 0 : i32
    %dma_wait3A_1623 = tpu.memref_slice %arg6[%dma_wait3A_1620, %dma_wait3A_1621, %dma_wait3A_1622] : memref<2x256x128xf32, #tpu.memory_space<vmem>> -> memref<1x256x128xf32, #tpu.memory_space<vmem>>
    %dma_wait3A_1624 = tpu.memref_squeeze %dma_wait3A_1623 : memref<1x256x128xf32, #tpu.memory_space<vmem>> -> memref<256x128xf32, #tpu.memory_space<vmem>>
    %dma_wait3A_1625 = arith.constant 128 : i32
    %dma_wait3A_1626 = arith.constant 0 : i32
    %dma_wait3A_1627 = tpu.memref_slice %dma_wait3A_1624[%dma_wait3A_1625, %dma_wait3A_1626] : memref<256x128xf32, #tpu.memory_space<vmem>> -> memref<128x128xf32, #tpu.memory_space<vmem>>
    %dma_wait3A_1628 = arith.constant 0 : i32
    %dma_wait3A_1629 = tpu.memref_slice %arg5[%dma_wait3A_1619, %dma_wait3A_1628] : memref<56x128xi32, #tpu.memory_space<vmem>> -> memref<1x128xi32, #tpu.memory_space<vmem>>
    %dma_wait3A_1630 = tpu.memref_squeeze %dma_wait3A_1629 : memref<1x128xi32, #tpu.memory_space<vmem>> -> memref<128xi32, #tpu.memory_space<vmem>>
    %dma_wait3A_1631 = arith.constant 0 : i32
    %dma_wait3A_1632 = arith.constant 0 : i32
    %dma_wait3A_1633 = tpu.memref_slice %arg2[%dma_wait3A_1631, %dma_wait3A_1632] : memref<100001x128xf32, #tpu.memory_space<hbm>> -> memref<100001x128xf32, #tpu.memory_space<hbm>>
    tpu.wait_indirect_dma semaphore(%arg7 : memref<!tpu.dma_semaphore, #tpu.memory_space<semaphore_mem>>) src(%dma_wait3A_1633 : memref<100001x128xf32, #tpu.memory_space<hbm>>) dst(%dma_wait3A_1627 : memref<128x128xf32, #tpu.memory_space<vmem>>)
    %add3A_1634 = arith.constant 4608 : i32
    %add3A_1635 = arith.addi %mul3A_2, %add3A_1634 : i32
    %dma_start3A_1636 = arith.constant 0 : i32
    %dma_start3A_1637 = arith.constant 0 : i32
    %dma_start3A_1638 = arith.constant 0 : i32
    %dma_start3A_1639 = tpu.memref_slice %arg6[%dma_start3A_1636, %dma_start3A_1637, %dma_start3A_1638] : memref<2x256x128xf32, #tpu.memory_space<vmem>> -> memref<1x256x128xf32, #tpu.memory_space<vmem>>
    %dma_start3A_1640 = tpu.memref_squeeze %dma_start3A_1639 : memref<1x256x128xf32, #tpu.memory_space<vmem>> -> memref<256x128xf32, #tpu.memory_space<vmem>>
    %dma_start3A_1641 = arith.constant 0 : i32
    %dma_start3A_1642 = tpu.memref_slice %arg4[%add3A_1635, %dma_start3A_1641] : memref<229376x128xf32, #tpu.memory_space<hbm>> -> memref<256x128xf32, #tpu.memory_space<hbm>>
    %dma_start3A_1643 = arith.constant 0 : i32
    %dma_start3A_1644 = tpu.memref_slice %arg4[%add3A_1635, %dma_start3A_1643] : memref<229376x128xf32, #tpu.memory_space<hbm>> -> memref<256x128xf32, #tpu.memory_space<hbm>>
    %dma_start3A_1645 = arith.constant 0 : i32
    %dma_start3A_1646 = arith.constant 0 : i32
    %dma_start3A_1647 = tpu.memref_slice %arg6[%dma_start3A_1636, %dma_start3A_1645, %dma_start3A_1646] : memref<2x256x128xf32, #tpu.memory_space<vmem>> -> memref<1x256x128xf32, #tpu.memory_space<vmem>>
    %dma_start3A_1648 = tpu.memref_squeeze %dma_start3A_1647 : memref<1x256x128xf32, #tpu.memory_space<vmem>> -> memref<256x128xf32, #tpu.memory_space<vmem>>
    tpu.enqueue_dma source(%dma_start3A_1648 : memref<256x128xf32, #tpu.memory_space<vmem>>) target(%dma_start3A_1644 : memref<256x128xf32, #tpu.memory_space<hbm>>) target_semaphore(%arg9 : memref<!tpu.dma_semaphore, #tpu.memory_space<semaphore_mem>>)
    %dma_wait3A_1649 = arith.constant 1 : i32
    %dma_wait3A_1650 = arith.constant 0 : i32
    %dma_wait3A_1651 = arith.constant 0 : i32
    %dma_wait3A_1652 = tpu.memref_slice %arg6[%dma_wait3A_1649, %dma_wait3A_1650, %dma_wait3A_1651] : memref<2x256x128xf32, #tpu.memory_space<vmem>> -> memref<1x256x128xf32, #tpu.memory_space<vmem>>
    %dma_wait3A_1653 = tpu.memref_squeeze %dma_wait3A_1652 : memref<1x256x128xf32, #tpu.memory_space<vmem>> -> memref<256x128xf32, #tpu.memory_space<vmem>>
    %dma_wait3A_1654 = arith.constant 0 : i32
    %dma_wait3A_1655 = tpu.memref_slice %arg4[%add3A_1547, %dma_wait3A_1654] : memref<229376x128xf32, #tpu.memory_space<hbm>> -> memref<256x128xf32, #tpu.memory_space<hbm>>
    %dma_wait3A_1656 = arith.constant 0 : i32
    %dma_wait3A_1657 = tpu.memref_slice %arg4[%add3A_1547, %dma_wait3A_1656] : memref<229376x128xf32, #tpu.memory_space<hbm>> -> memref<256x128xf32, #tpu.memory_space<hbm>>
    %dma_wait3A_1658 = arith.constant 0 : i32
    %dma_wait3A_1659 = arith.constant 0 : i32
    %dma_wait3A_1660 = tpu.memref_slice %arg6[%dma_wait3A_1649, %dma_wait3A_1658, %dma_wait3A_1659] : memref<2x256x128xf32, #tpu.memory_space<vmem>> -> memref<1x256x128xf32, #tpu.memory_space<vmem>>
    %dma_wait3A_1661 = tpu.memref_squeeze %dma_wait3A_1660 : memref<1x256x128xf32, #tpu.memory_space<vmem>> -> memref<256x128xf32, #tpu.memory_space<vmem>>
    tpu.wait_dma2 semaphore(%arg10 : memref<!tpu.dma_semaphore, #tpu.memory_space<semaphore_mem>>) src(%dma_wait3A_1661 : memref<256x128xf32, #tpu.memory_space<vmem>>) dst(%dma_wait3A_1657 : memref<256x128xf32, #tpu.memory_space<hbm>>)
    %dma_start3A_1662 = arith.constant 38 : i32
    %dma_start3A_1663 = arith.constant 1 : i32
    %dma_start3A_1664 = arith.constant 0 : i32
    %dma_start3A_1665 = arith.constant 0 : i32
    %dma_start3A_1666 = tpu.memref_slice %arg6[%dma_start3A_1663, %dma_start3A_1664, %dma_start3A_1665] : memref<2x256x128xf32, #tpu.memory_space<vmem>> -> memref<1x256x128xf32, #tpu.memory_space<vmem>>
    %dma_start3A_1667 = tpu.memref_squeeze %dma_start3A_1666 : memref<1x256x128xf32, #tpu.memory_space<vmem>> -> memref<256x128xf32, #tpu.memory_space<vmem>>
    %dma_start3A_1668 = arith.constant 0 : i32
    %dma_start3A_1669 = arith.constant 0 : i32
    %dma_start3A_1670 = tpu.memref_slice %dma_start3A_1667[%dma_start3A_1668, %dma_start3A_1669] : memref<256x128xf32, #tpu.memory_space<vmem>> -> memref<128x128xf32, #tpu.memory_space<vmem>>
    %dma_start3A_1671 = arith.constant 0 : i32
    %dma_start3A_1672 = tpu.memref_slice %arg5[%dma_start3A_1662, %dma_start3A_1671] : memref<56x128xi32, #tpu.memory_space<vmem>> -> memref<1x128xi32, #tpu.memory_space<vmem>>
    %dma_start3A_1673 = tpu.memref_squeeze %dma_start3A_1672 : memref<1x128xi32, #tpu.memory_space<vmem>> -> memref<128xi32, #tpu.memory_space<vmem>>
    %dma_start3A_1674 = arith.constant 0 : i32
    %dma_start3A_1675 = arith.constant 0 : i32
    %dma_start3A_1676 = tpu.memref_slice %arg2[%dma_start3A_1674, %dma_start3A_1675] : memref<100001x128xf32, #tpu.memory_space<hbm>> -> memref<100001x128xf32, #tpu.memory_space<hbm>>
    tpu.enqueue_indirect_dma source(%dma_start3A_1676 : memref<100001x128xf32, #tpu.memory_space<hbm>>) target(%dma_start3A_1670 : memref<128x128xf32, #tpu.memory_space<vmem>>) offsets(%dma_start3A_1673 : memref<128xi32, #tpu.memory_space<vmem>>) semaphore(%arg8 : memref<!tpu.dma_semaphore, #tpu.memory_space<semaphore_mem>>)
    %dma_start3A_1677 = arith.constant 39 : i32
    %dma_start3A_1678 = arith.constant 1 : i32
    %dma_start3A_1679 = arith.constant 0 : i32
    %dma_start3A_1680 = arith.constant 0 : i32
    %dma_start3A_1681 = tpu.memref_slice %arg6[%dma_start3A_1678, %dma_start3A_1679, %dma_start3A_1680] : memref<2x256x128xf32, #tpu.memory_space<vmem>> -> memref<1x256x128xf32, #tpu.memory_space<vmem>>
    %dma_start3A_1682 = tpu.memref_squeeze %dma_start3A_1681 : memref<1x256x128xf32, #tpu.memory_space<vmem>> -> memref<256x128xf32, #tpu.memory_space<vmem>>
    %dma_start3A_1683 = arith.constant 128 : i32
    %dma_start3A_1684 = arith.constant 0 : i32
    %dma_start3A_1685 = tpu.memref_slice %dma_start3A_1682[%dma_start3A_1683, %dma_start3A_1684] : memref<256x128xf32, #tpu.memory_space<vmem>> -> memref<128x128xf32, #tpu.memory_space<vmem>>
    %dma_start3A_1686 = arith.constant 0 : i32
    %dma_start3A_1687 = tpu.memref_slice %arg5[%dma_start3A_1677, %dma_start3A_1686] : memref<56x128xi32, #tpu.memory_space<vmem>> -> memref<1x128xi32, #tpu.memory_space<vmem>>
    %dma_start3A_1688 = tpu.memref_squeeze %dma_start3A_1687 : memref<1x128xi32, #tpu.memory_space<vmem>> -> memref<128xi32, #tpu.memory_space<vmem>>
    %dma_start3A_1689 = arith.constant 0 : i32
    %dma_start3A_1690 = arith.constant 0 : i32
    %dma_start3A_1691 = tpu.memref_slice %arg2[%dma_start3A_1689, %dma_start3A_1690] : memref<100001x128xf32, #tpu.memory_space<hbm>> -> memref<100001x128xf32, #tpu.memory_space<hbm>>
    tpu.enqueue_indirect_dma source(%dma_start3A_1691 : memref<100001x128xf32, #tpu.memory_space<hbm>>) target(%dma_start3A_1685 : memref<128x128xf32, #tpu.memory_space<vmem>>) offsets(%dma_start3A_1688 : memref<128xi32, #tpu.memory_space<vmem>>) semaphore(%arg8 : memref<!tpu.dma_semaphore, #tpu.memory_space<semaphore_mem>>)
    %dma_wait3A_1692 = arith.constant 38 : i32
    %dma_wait3A_1693 = arith.constant 1 : i32
    %dma_wait3A_1694 = arith.constant 0 : i32
    %dma_wait3A_1695 = arith.constant 0 : i32
    %dma_wait3A_1696 = tpu.memref_slice %arg6[%dma_wait3A_1693, %dma_wait3A_1694, %dma_wait3A_1695] : memref<2x256x128xf32, #tpu.memory_space<vmem>> -> memref<1x256x128xf32, #tpu.memory_space<vmem>>
    %dma_wait3A_1697 = tpu.memref_squeeze %dma_wait3A_1696 : memref<1x256x128xf32, #tpu.memory_space<vmem>> -> memref<256x128xf32, #tpu.memory_space<vmem>>
    %dma_wait3A_1698 = arith.constant 0 : i32
    %dma_wait3A_1699 = arith.constant 0 : i32
    %dma_wait3A_1700 = tpu.memref_slice %dma_wait3A_1697[%dma_wait3A_1698, %dma_wait3A_1699] : memref<256x128xf32, #tpu.memory_space<vmem>> -> memref<128x128xf32, #tpu.memory_space<vmem>>
    %dma_wait3A_1701 = arith.constant 0 : i32
    %dma_wait3A_1702 = tpu.memref_slice %arg5[%dma_wait3A_1692, %dma_wait3A_1701] : memref<56x128xi32, #tpu.memory_space<vmem>> -> memref<1x128xi32, #tpu.memory_space<vmem>>
    %dma_wait3A_1703 = tpu.memref_squeeze %dma_wait3A_1702 : memref<1x128xi32, #tpu.memory_space<vmem>> -> memref<128xi32, #tpu.memory_space<vmem>>
    %dma_wait3A_1704 = arith.constant 0 : i32
    %dma_wait3A_1705 = arith.constant 0 : i32
    %dma_wait3A_1706 = tpu.memref_slice %arg2[%dma_wait3A_1704, %dma_wait3A_1705] : memref<100001x128xf32, #tpu.memory_space<hbm>> -> memref<100001x128xf32, #tpu.memory_space<hbm>>
    tpu.wait_indirect_dma semaphore(%arg8 : memref<!tpu.dma_semaphore, #tpu.memory_space<semaphore_mem>>) src(%dma_wait3A_1706 : memref<100001x128xf32, #tpu.memory_space<hbm>>) dst(%dma_wait3A_1700 : memref<128x128xf32, #tpu.memory_space<vmem>>)
    %dma_wait3A_1707 = arith.constant 39 : i32
    %dma_wait3A_1708 = arith.constant 1 : i32
    %dma_wait3A_1709 = arith.constant 0 : i32
    %dma_wait3A_1710 = arith.constant 0 : i32
    %dma_wait3A_1711 = tpu.memref_slice %arg6[%dma_wait3A_1708, %dma_wait3A_1709, %dma_wait3A_1710] : memref<2x256x128xf32, #tpu.memory_space<vmem>> -> memref<1x256x128xf32, #tpu.memory_space<vmem>>
    %dma_wait3A_1712 = tpu.memref_squeeze %dma_wait3A_1711 : memref<1x256x128xf32, #tpu.memory_space<vmem>> -> memref<256x128xf32, #tpu.memory_space<vmem>>
    %dma_wait3A_1713 = arith.constant 128 : i32
    %dma_wait3A_1714 = arith.constant 0 : i32
    %dma_wait3A_1715 = tpu.memref_slice %dma_wait3A_1712[%dma_wait3A_1713, %dma_wait3A_1714] : memref<256x128xf32, #tpu.memory_space<vmem>> -> memref<128x128xf32, #tpu.memory_space<vmem>>
    %dma_wait3A_1716 = arith.constant 0 : i32
    %dma_wait3A_1717 = tpu.memref_slice %arg5[%dma_wait3A_1707, %dma_wait3A_1716] : memref<56x128xi32, #tpu.memory_space<vmem>> -> memref<1x128xi32, #tpu.memory_space<vmem>>
    %dma_wait3A_1718 = tpu.memref_squeeze %dma_wait3A_1717 : memref<1x128xi32, #tpu.memory_space<vmem>> -> memref<128xi32, #tpu.memory_space<vmem>>
    %dma_wait3A_1719 = arith.constant 0 : i32
    %dma_wait3A_1720 = arith.constant 0 : i32
    %dma_wait3A_1721 = tpu.memref_slice %arg2[%dma_wait3A_1719, %dma_wait3A_1720] : memref<100001x128xf32, #tpu.memory_space<hbm>> -> memref<100001x128xf32, #tpu.memory_space<hbm>>
    tpu.wait_indirect_dma semaphore(%arg8 : memref<!tpu.dma_semaphore, #tpu.memory_space<semaphore_mem>>) src(%dma_wait3A_1721 : memref<100001x128xf32, #tpu.memory_space<hbm>>) dst(%dma_wait3A_1715 : memref<128x128xf32, #tpu.memory_space<vmem>>)
    %add3A_1722 = arith.constant 4864 : i32
    %add3A_1723 = arith.addi %mul3A_2, %add3A_1722 : i32
    %dma_start3A_1724 = arith.constant 1 : i32
    %dma_start3A_1725 = arith.constant 0 : i32
    %dma_start3A_1726 = arith.constant 0 : i32
    %dma_start3A_1727 = tpu.memref_slice %arg6[%dma_start3A_1724, %dma_start3A_1725, %dma_start3A_1726] : memref<2x256x128xf32, #tpu.memory_space<vmem>> -> memref<1x256x128xf32, #tpu.memory_space<vmem>>
    %dma_start3A_1728 = tpu.memref_squeeze %dma_start3A_1727 : memref<1x256x128xf32, #tpu.memory_space<vmem>> -> memref<256x128xf32, #tpu.memory_space<vmem>>
    %dma_start3A_1729 = arith.constant 0 : i32
    %dma_start3A_1730 = tpu.memref_slice %arg4[%add3A_1723, %dma_start3A_1729] : memref<229376x128xf32, #tpu.memory_space<hbm>> -> memref<256x128xf32, #tpu.memory_space<hbm>>
    %dma_start3A_1731 = arith.constant 0 : i32
    %dma_start3A_1732 = tpu.memref_slice %arg4[%add3A_1723, %dma_start3A_1731] : memref<229376x128xf32, #tpu.memory_space<hbm>> -> memref<256x128xf32, #tpu.memory_space<hbm>>
    %dma_start3A_1733 = arith.constant 0 : i32
    %dma_start3A_1734 = arith.constant 0 : i32
    %dma_start3A_1735 = tpu.memref_slice %arg6[%dma_start3A_1724, %dma_start3A_1733, %dma_start3A_1734] : memref<2x256x128xf32, #tpu.memory_space<vmem>> -> memref<1x256x128xf32, #tpu.memory_space<vmem>>
    %dma_start3A_1736 = tpu.memref_squeeze %dma_start3A_1735 : memref<1x256x128xf32, #tpu.memory_space<vmem>> -> memref<256x128xf32, #tpu.memory_space<vmem>>
    tpu.enqueue_dma source(%dma_start3A_1736 : memref<256x128xf32, #tpu.memory_space<vmem>>) target(%dma_start3A_1732 : memref<256x128xf32, #tpu.memory_space<hbm>>) target_semaphore(%arg10 : memref<!tpu.dma_semaphore, #tpu.memory_space<semaphore_mem>>)
    %dma_wait3A_1737 = arith.constant 0 : i32
    %dma_wait3A_1738 = arith.constant 0 : i32
    %dma_wait3A_1739 = arith.constant 0 : i32
    %dma_wait3A_1740 = tpu.memref_slice %arg6[%dma_wait3A_1737, %dma_wait3A_1738, %dma_wait3A_1739] : memref<2x256x128xf32, #tpu.memory_space<vmem>> -> memref<1x256x128xf32, #tpu.memory_space<vmem>>
    %dma_wait3A_1741 = tpu.memref_squeeze %dma_wait3A_1740 : memref<1x256x128xf32, #tpu.memory_space<vmem>> -> memref<256x128xf32, #tpu.memory_space<vmem>>
    %dma_wait3A_1742 = arith.constant 0 : i32
    %dma_wait3A_1743 = tpu.memref_slice %arg4[%add3A_1635, %dma_wait3A_1742] : memref<229376x128xf32, #tpu.memory_space<hbm>> -> memref<256x128xf32, #tpu.memory_space<hbm>>
    %dma_wait3A_1744 = arith.constant 0 : i32
    %dma_wait3A_1745 = tpu.memref_slice %arg4[%add3A_1635, %dma_wait3A_1744] : memref<229376x128xf32, #tpu.memory_space<hbm>> -> memref<256x128xf32, #tpu.memory_space<hbm>>
    %dma_wait3A_1746 = arith.constant 0 : i32
    %dma_wait3A_1747 = arith.constant 0 : i32
    %dma_wait3A_1748 = tpu.memref_slice %arg6[%dma_wait3A_1737, %dma_wait3A_1746, %dma_wait3A_1747] : memref<2x256x128xf32, #tpu.memory_space<vmem>> -> memref<1x256x128xf32, #tpu.memory_space<vmem>>
    %dma_wait3A_1749 = tpu.memref_squeeze %dma_wait3A_1748 : memref<1x256x128xf32, #tpu.memory_space<vmem>> -> memref<256x128xf32, #tpu.memory_space<vmem>>
    tpu.wait_dma2 semaphore(%arg9 : memref<!tpu.dma_semaphore, #tpu.memory_space<semaphore_mem>>) src(%dma_wait3A_1749 : memref<256x128xf32, #tpu.memory_space<vmem>>) dst(%dma_wait3A_1745 : memref<256x128xf32, #tpu.memory_space<hbm>>)
    %dma_start3A_1750 = arith.constant 40 : i32
    %dma_start3A_1751 = arith.constant 0 : i32
    %dma_start3A_1752 = arith.constant 0 : i32
    %dma_start3A_1753 = arith.constant 0 : i32
    %dma_start3A_1754 = tpu.memref_slice %arg6[%dma_start3A_1751, %dma_start3A_1752, %dma_start3A_1753] : memref<2x256x128xf32, #tpu.memory_space<vmem>> -> memref<1x256x128xf32, #tpu.memory_space<vmem>>
    %dma_start3A_1755 = tpu.memref_squeeze %dma_start3A_1754 : memref<1x256x128xf32, #tpu.memory_space<vmem>> -> memref<256x128xf32, #tpu.memory_space<vmem>>
    %dma_start3A_1756 = arith.constant 0 : i32
    %dma_start3A_1757 = arith.constant 0 : i32
    %dma_start3A_1758 = tpu.memref_slice %dma_start3A_1755[%dma_start3A_1756, %dma_start3A_1757] : memref<256x128xf32, #tpu.memory_space<vmem>> -> memref<128x128xf32, #tpu.memory_space<vmem>>
    %dma_start3A_1759 = arith.constant 0 : i32
    %dma_start3A_1760 = tpu.memref_slice %arg5[%dma_start3A_1750, %dma_start3A_1759] : memref<56x128xi32, #tpu.memory_space<vmem>> -> memref<1x128xi32, #tpu.memory_space<vmem>>
    %dma_start3A_1761 = tpu.memref_squeeze %dma_start3A_1760 : memref<1x128xi32, #tpu.memory_space<vmem>> -> memref<128xi32, #tpu.memory_space<vmem>>
    %dma_start3A_1762 = arith.constant 0 : i32
    %dma_start3A_1763 = arith.constant 0 : i32
    %dma_start3A_1764 = tpu.memref_slice %arg2[%dma_start3A_1762, %dma_start3A_1763] : memref<100001x128xf32, #tpu.memory_space<hbm>> -> memref<100001x128xf32, #tpu.memory_space<hbm>>
    tpu.enqueue_indirect_dma source(%dma_start3A_1764 : memref<100001x128xf32, #tpu.memory_space<hbm>>) target(%dma_start3A_1758 : memref<128x128xf32, #tpu.memory_space<vmem>>) offsets(%dma_start3A_1761 : memref<128xi32, #tpu.memory_space<vmem>>) semaphore(%arg7 : memref<!tpu.dma_semaphore, #tpu.memory_space<semaphore_mem>>)
    %dma_start3A_1765 = arith.constant 41 : i32
    %dma_start3A_1766 = arith.constant 0 : i32
    %dma_start3A_1767 = arith.constant 0 : i32
    %dma_start3A_1768 = arith.constant 0 : i32
    %dma_start3A_1769 = tpu.memref_slice %arg6[%dma_start3A_1766, %dma_start3A_1767, %dma_start3A_1768] : memref<2x256x128xf32, #tpu.memory_space<vmem>> -> memref<1x256x128xf32, #tpu.memory_space<vmem>>
    %dma_start3A_1770 = tpu.memref_squeeze %dma_start3A_1769 : memref<1x256x128xf32, #tpu.memory_space<vmem>> -> memref<256x128xf32, #tpu.memory_space<vmem>>
    %dma_start3A_1771 = arith.constant 128 : i32
    %dma_start3A_1772 = arith.constant 0 : i32
    %dma_start3A_1773 = tpu.memref_slice %dma_start3A_1770[%dma_start3A_1771, %dma_start3A_1772] : memref<256x128xf32, #tpu.memory_space<vmem>> -> memref<128x128xf32, #tpu.memory_space<vmem>>
    %dma_start3A_1774 = arith.constant 0 : i32
    %dma_start3A_1775 = tpu.memref_slice %arg5[%dma_start3A_1765, %dma_start3A_1774] : memref<56x128xi32, #tpu.memory_space<vmem>> -> memref<1x128xi32, #tpu.memory_space<vmem>>
    %dma_start3A_1776 = tpu.memref_squeeze %dma_start3A_1775 : memref<1x128xi32, #tpu.memory_space<vmem>> -> memref<128xi32, #tpu.memory_space<vmem>>
    %dma_start3A_1777 = arith.constant 0 : i32
    %dma_start3A_1778 = arith.constant 0 : i32
    %dma_start3A_1779 = tpu.memref_slice %arg2[%dma_start3A_1777, %dma_start3A_1778] : memref<100001x128xf32, #tpu.memory_space<hbm>> -> memref<100001x128xf32, #tpu.memory_space<hbm>>
    tpu.enqueue_indirect_dma source(%dma_start3A_1779 : memref<100001x128xf32, #tpu.memory_space<hbm>>) target(%dma_start3A_1773 : memref<128x128xf32, #tpu.memory_space<vmem>>) offsets(%dma_start3A_1776 : memref<128xi32, #tpu.memory_space<vmem>>) semaphore(%arg7 : memref<!tpu.dma_semaphore, #tpu.memory_space<semaphore_mem>>)
    %dma_wait3A_1780 = arith.constant 40 : i32
    %dma_wait3A_1781 = arith.constant 0 : i32
    %dma_wait3A_1782 = arith.constant 0 : i32
    %dma_wait3A_1783 = arith.constant 0 : i32
    %dma_wait3A_1784 = tpu.memref_slice %arg6[%dma_wait3A_1781, %dma_wait3A_1782, %dma_wait3A_1783] : memref<2x256x128xf32, #tpu.memory_space<vmem>> -> memref<1x256x128xf32, #tpu.memory_space<vmem>>
    %dma_wait3A_1785 = tpu.memref_squeeze %dma_wait3A_1784 : memref<1x256x128xf32, #tpu.memory_space<vmem>> -> memref<256x128xf32, #tpu.memory_space<vmem>>
    %dma_wait3A_1786 = arith.constant 0 : i32
    %dma_wait3A_1787 = arith.constant 0 : i32
    %dma_wait3A_1788 = tpu.memref_slice %dma_wait3A_1785[%dma_wait3A_1786, %dma_wait3A_1787] : memref<256x128xf32, #tpu.memory_space<vmem>> -> memref<128x128xf32, #tpu.memory_space<vmem>>
    %dma_wait3A_1789 = arith.constant 0 : i32
    %dma_wait3A_1790 = tpu.memref_slice %arg5[%dma_wait3A_1780, %dma_wait3A_1789] : memref<56x128xi32, #tpu.memory_space<vmem>> -> memref<1x128xi32, #tpu.memory_space<vmem>>
    %dma_wait3A_1791 = tpu.memref_squeeze %dma_wait3A_1790 : memref<1x128xi32, #tpu.memory_space<vmem>> -> memref<128xi32, #tpu.memory_space<vmem>>
    %dma_wait3A_1792 = arith.constant 0 : i32
    %dma_wait3A_1793 = arith.constant 0 : i32
    %dma_wait3A_1794 = tpu.memref_slice %arg2[%dma_wait3A_1792, %dma_wait3A_1793] : memref<100001x128xf32, #tpu.memory_space<hbm>> -> memref<100001x128xf32, #tpu.memory_space<hbm>>
    tpu.wait_indirect_dma semaphore(%arg7 : memref<!tpu.dma_semaphore, #tpu.memory_space<semaphore_mem>>) src(%dma_wait3A_1794 : memref<100001x128xf32, #tpu.memory_space<hbm>>) dst(%dma_wait3A_1788 : memref<128x128xf32, #tpu.memory_space<vmem>>)
    %dma_wait3A_1795 = arith.constant 41 : i32
    %dma_wait3A_1796 = arith.constant 0 : i32
    %dma_wait3A_1797 = arith.constant 0 : i32
    %dma_wait3A_1798 = arith.constant 0 : i32
    %dma_wait3A_1799 = tpu.memref_slice %arg6[%dma_wait3A_1796, %dma_wait3A_1797, %dma_wait3A_1798] : memref<2x256x128xf32, #tpu.memory_space<vmem>> -> memref<1x256x128xf32, #tpu.memory_space<vmem>>
    %dma_wait3A_1800 = tpu.memref_squeeze %dma_wait3A_1799 : memref<1x256x128xf32, #tpu.memory_space<vmem>> -> memref<256x128xf32, #tpu.memory_space<vmem>>
    %dma_wait3A_1801 = arith.constant 128 : i32
    %dma_wait3A_1802 = arith.constant 0 : i32
    %dma_wait3A_1803 = tpu.memref_slice %dma_wait3A_1800[%dma_wait3A_1801, %dma_wait3A_1802] : memref<256x128xf32, #tpu.memory_space<vmem>> -> memref<128x128xf32, #tpu.memory_space<vmem>>
    %dma_wait3A_1804 = arith.constant 0 : i32
    %dma_wait3A_1805 = tpu.memref_slice %arg5[%dma_wait3A_1795, %dma_wait3A_1804] : memref<56x128xi32, #tpu.memory_space<vmem>> -> memref<1x128xi32, #tpu.memory_space<vmem>>
    %dma_wait3A_1806 = tpu.memref_squeeze %dma_wait3A_1805 : memref<1x128xi32, #tpu.memory_space<vmem>> -> memref<128xi32, #tpu.memory_space<vmem>>
    %dma_wait3A_1807 = arith.constant 0 : i32
    %dma_wait3A_1808 = arith.constant 0 : i32
    %dma_wait3A_1809 = tpu.memref_slice %arg2[%dma_wait3A_1807, %dma_wait3A_1808] : memref<100001x128xf32, #tpu.memory_space<hbm>> -> memref<100001x128xf32, #tpu.memory_space<hbm>>
    tpu.wait_indirect_dma semaphore(%arg7 : memref<!tpu.dma_semaphore, #tpu.memory_space<semaphore_mem>>) src(%dma_wait3A_1809 : memref<100001x128xf32, #tpu.memory_space<hbm>>) dst(%dma_wait3A_1803 : memref<128x128xf32, #tpu.memory_space<vmem>>)
    %add3A_1810 = arith.constant 5120 : i32
    %add3A_1811 = arith.addi %mul3A_2, %add3A_1810 : i32
    %dma_start3A_1812 = arith.constant 0 : i32
    %dma_start3A_1813 = arith.constant 0 : i32
    %dma_start3A_1814 = arith.constant 0 : i32
    %dma_start3A_1815 = tpu.memref_slice %arg6[%dma_start3A_1812, %dma_start3A_1813, %dma_start3A_1814] : memref<2x256x128xf32, #tpu.memory_space<vmem>> -> memref<1x256x128xf32, #tpu.memory_space<vmem>>
    %dma_start3A_1816 = tpu.memref_squeeze %dma_start3A_1815 : memref<1x256x128xf32, #tpu.memory_space<vmem>> -> memref<256x128xf32, #tpu.memory_space<vmem>>
    %dma_start3A_1817 = arith.constant 0 : i32
    %dma_start3A_1818 = tpu.memref_slice %arg4[%add3A_1811, %dma_start3A_1817] : memref<229376x128xf32, #tpu.memory_space<hbm>> -> memref<256x128xf32, #tpu.memory_space<hbm>>
    %dma_start3A_1819 = arith.constant 0 : i32
    %dma_start3A_1820 = tpu.memref_slice %arg4[%add3A_1811, %dma_start3A_1819] : memref<229376x128xf32, #tpu.memory_space<hbm>> -> memref<256x128xf32, #tpu.memory_space<hbm>>
    %dma_start3A_1821 = arith.constant 0 : i32
    %dma_start3A_1822 = arith.constant 0 : i32
    %dma_start3A_1823 = tpu.memref_slice %arg6[%dma_start3A_1812, %dma_start3A_1821, %dma_start3A_1822] : memref<2x256x128xf32, #tpu.memory_space<vmem>> -> memref<1x256x128xf32, #tpu.memory_space<vmem>>
    %dma_start3A_1824 = tpu.memref_squeeze %dma_start3A_1823 : memref<1x256x128xf32, #tpu.memory_space<vmem>> -> memref<256x128xf32, #tpu.memory_space<vmem>>
    tpu.enqueue_dma source(%dma_start3A_1824 : memref<256x128xf32, #tpu.memory_space<vmem>>) target(%dma_start3A_1820 : memref<256x128xf32, #tpu.memory_space<hbm>>) target_semaphore(%arg9 : memref<!tpu.dma_semaphore, #tpu.memory_space<semaphore_mem>>)
    %dma_wait3A_1825 = arith.constant 1 : i32
    %dma_wait3A_1826 = arith.constant 0 : i32
    %dma_wait3A_1827 = arith.constant 0 : i32
    %dma_wait3A_1828 = tpu.memref_slice %arg6[%dma_wait3A_1825, %dma_wait3A_1826, %dma_wait3A_1827] : memref<2x256x128xf32, #tpu.memory_space<vmem>> -> memref<1x256x128xf32, #tpu.memory_space<vmem>>
    %dma_wait3A_1829 = tpu.memref_squeeze %dma_wait3A_1828 : memref<1x256x128xf32, #tpu.memory_space<vmem>> -> memref<256x128xf32, #tpu.memory_space<vmem>>
    %dma_wait3A_1830 = arith.constant 0 : i32
    %dma_wait3A_1831 = tpu.memref_slice %arg4[%add3A_1723, %dma_wait3A_1830] : memref<229376x128xf32, #tpu.memory_space<hbm>> -> memref<256x128xf32, #tpu.memory_space<hbm>>
    %dma_wait3A_1832 = arith.constant 0 : i32
    %dma_wait3A_1833 = tpu.memref_slice %arg4[%add3A_1723, %dma_wait3A_1832] : memref<229376x128xf32, #tpu.memory_space<hbm>> -> memref<256x128xf32, #tpu.memory_space<hbm>>
    %dma_wait3A_1834 = arith.constant 0 : i32
    %dma_wait3A_1835 = arith.constant 0 : i32
    %dma_wait3A_1836 = tpu.memref_slice %arg6[%dma_wait3A_1825, %dma_wait3A_1834, %dma_wait3A_1835] : memref<2x256x128xf32, #tpu.memory_space<vmem>> -> memref<1x256x128xf32, #tpu.memory_space<vmem>>
    %dma_wait3A_1837 = tpu.memref_squeeze %dma_wait3A_1836 : memref<1x256x128xf32, #tpu.memory_space<vmem>> -> memref<256x128xf32, #tpu.memory_space<vmem>>
    tpu.wait_dma2 semaphore(%arg10 : memref<!tpu.dma_semaphore, #tpu.memory_space<semaphore_mem>>) src(%dma_wait3A_1837 : memref<256x128xf32, #tpu.memory_space<vmem>>) dst(%dma_wait3A_1833 : memref<256x128xf32, #tpu.memory_space<hbm>>)
    %dma_start3A_1838 = arith.constant 42 : i32
    %dma_start3A_1839 = arith.constant 1 : i32
    %dma_start3A_1840 = arith.constant 0 : i32
    %dma_start3A_1841 = arith.constant 0 : i32
    %dma_start3A_1842 = tpu.memref_slice %arg6[%dma_start3A_1839, %dma_start3A_1840, %dma_start3A_1841] : memref<2x256x128xf32, #tpu.memory_space<vmem>> -> memref<1x256x128xf32, #tpu.memory_space<vmem>>
    %dma_start3A_1843 = tpu.memref_squeeze %dma_start3A_1842 : memref<1x256x128xf32, #tpu.memory_space<vmem>> -> memref<256x128xf32, #tpu.memory_space<vmem>>
    %dma_start3A_1844 = arith.constant 0 : i32
    %dma_start3A_1845 = arith.constant 0 : i32
    %dma_start3A_1846 = tpu.memref_slice %dma_start3A_1843[%dma_start3A_1844, %dma_start3A_1845] : memref<256x128xf32, #tpu.memory_space<vmem>> -> memref<128x128xf32, #tpu.memory_space<vmem>>
    %dma_start3A_1847 = arith.constant 0 : i32
    %dma_start3A_1848 = tpu.memref_slice %arg5[%dma_start3A_1838, %dma_start3A_1847] : memref<56x128xi32, #tpu.memory_space<vmem>> -> memref<1x128xi32, #tpu.memory_space<vmem>>
    %dma_start3A_1849 = tpu.memref_squeeze %dma_start3A_1848 : memref<1x128xi32, #tpu.memory_space<vmem>> -> memref<128xi32, #tpu.memory_space<vmem>>
    %dma_start3A_1850 = arith.constant 0 : i32
    %dma_start3A_1851 = arith.constant 0 : i32
    %dma_start3A_1852 = tpu.memref_slice %arg2[%dma_start3A_1850, %dma_start3A_1851] : memref<100001x128xf32, #tpu.memory_space<hbm>> -> memref<100001x128xf32, #tpu.memory_space<hbm>>
    tpu.enqueue_indirect_dma source(%dma_start3A_1852 : memref<100001x128xf32, #tpu.memory_space<hbm>>) target(%dma_start3A_1846 : memref<128x128xf32, #tpu.memory_space<vmem>>) offsets(%dma_start3A_1849 : memref<128xi32, #tpu.memory_space<vmem>>) semaphore(%arg8 : memref<!tpu.dma_semaphore, #tpu.memory_space<semaphore_mem>>)
    %dma_start3A_1853 = arith.constant 43 : i32
    %dma_start3A_1854 = arith.constant 1 : i32
    %dma_start3A_1855 = arith.constant 0 : i32
    %dma_start3A_1856 = arith.constant 0 : i32
    %dma_start3A_1857 = tpu.memref_slice %arg6[%dma_start3A_1854, %dma_start3A_1855, %dma_start3A_1856] : memref<2x256x128xf32, #tpu.memory_space<vmem>> -> memref<1x256x128xf32, #tpu.memory_space<vmem>>
    %dma_start3A_1858 = tpu.memref_squeeze %dma_start3A_1857 : memref<1x256x128xf32, #tpu.memory_space<vmem>> -> memref<256x128xf32, #tpu.memory_space<vmem>>
    %dma_start3A_1859 = arith.constant 128 : i32
    %dma_start3A_1860 = arith.constant 0 : i32
    %dma_start3A_1861 = tpu.memref_slice %dma_start3A_1858[%dma_start3A_1859, %dma_start3A_1860] : memref<256x128xf32, #tpu.memory_space<vmem>> -> memref<128x128xf32, #tpu.memory_space<vmem>>
    %dma_start3A_1862 = arith.constant 0 : i32
    %dma_start3A_1863 = tpu.memref_slice %arg5[%dma_start3A_1853, %dma_start3A_1862] : memref<56x128xi32, #tpu.memory_space<vmem>> -> memref<1x128xi32, #tpu.memory_space<vmem>>
    %dma_start3A_1864 = tpu.memref_squeeze %dma_start3A_1863 : memref<1x128xi32, #tpu.memory_space<vmem>> -> memref<128xi32, #tpu.memory_space<vmem>>
    %dma_start3A_1865 = arith.constant 0 : i32
    %dma_start3A_1866 = arith.constant 0 : i32
    %dma_start3A_1867 = tpu.memref_slice %arg2[%dma_start3A_1865, %dma_start3A_1866] : memref<100001x128xf32, #tpu.memory_space<hbm>> -> memref<100001x128xf32, #tpu.memory_space<hbm>>
    tpu.enqueue_indirect_dma source(%dma_start3A_1867 : memref<100001x128xf32, #tpu.memory_space<hbm>>) target(%dma_start3A_1861 : memref<128x128xf32, #tpu.memory_space<vmem>>) offsets(%dma_start3A_1864 : memref<128xi32, #tpu.memory_space<vmem>>) semaphore(%arg8 : memref<!tpu.dma_semaphore, #tpu.memory_space<semaphore_mem>>)
    %dma_wait3A_1868 = arith.constant 42 : i32
    %dma_wait3A_1869 = arith.constant 1 : i32
    %dma_wait3A_1870 = arith.constant 0 : i32
    %dma_wait3A_1871 = arith.constant 0 : i32
    %dma_wait3A_1872 = tpu.memref_slice %arg6[%dma_wait3A_1869, %dma_wait3A_1870, %dma_wait3A_1871] : memref<2x256x128xf32, #tpu.memory_space<vmem>> -> memref<1x256x128xf32, #tpu.memory_space<vmem>>
    %dma_wait3A_1873 = tpu.memref_squeeze %dma_wait3A_1872 : memref<1x256x128xf32, #tpu.memory_space<vmem>> -> memref<256x128xf32, #tpu.memory_space<vmem>>
    %dma_wait3A_1874 = arith.constant 0 : i32
    %dma_wait3A_1875 = arith.constant 0 : i32
    %dma_wait3A_1876 = tpu.memref_slice %dma_wait3A_1873[%dma_wait3A_1874, %dma_wait3A_1875] : memref<256x128xf32, #tpu.memory_space<vmem>> -> memref<128x128xf32, #tpu.memory_space<vmem>>
    %dma_wait3A_1877 = arith.constant 0 : i32
    %dma_wait3A_1878 = tpu.memref_slice %arg5[%dma_wait3A_1868, %dma_wait3A_1877] : memref<56x128xi32, #tpu.memory_space<vmem>> -> memref<1x128xi32, #tpu.memory_space<vmem>>
    %dma_wait3A_1879 = tpu.memref_squeeze %dma_wait3A_1878 : memref<1x128xi32, #tpu.memory_space<vmem>> -> memref<128xi32, #tpu.memory_space<vmem>>
    %dma_wait3A_1880 = arith.constant 0 : i32
    %dma_wait3A_1881 = arith.constant 0 : i32
    %dma_wait3A_1882 = tpu.memref_slice %arg2[%dma_wait3A_1880, %dma_wait3A_1881] : memref<100001x128xf32, #tpu.memory_space<hbm>> -> memref<100001x128xf32, #tpu.memory_space<hbm>>
    tpu.wait_indirect_dma semaphore(%arg8 : memref<!tpu.dma_semaphore, #tpu.memory_space<semaphore_mem>>) src(%dma_wait3A_1882 : memref<100001x128xf32, #tpu.memory_space<hbm>>) dst(%dma_wait3A_1876 : memref<128x128xf32, #tpu.memory_space<vmem>>)
    %dma_wait3A_1883 = arith.constant 43 : i32
    %dma_wait3A_1884 = arith.constant 1 : i32
    %dma_wait3A_1885 = arith.constant 0 : i32
    %dma_wait3A_1886 = arith.constant 0 : i32
    %dma_wait3A_1887 = tpu.memref_slice %arg6[%dma_wait3A_1884, %dma_wait3A_1885, %dma_wait3A_1886] : memref<2x256x128xf32, #tpu.memory_space<vmem>> -> memref<1x256x128xf32, #tpu.memory_space<vmem>>
    %dma_wait3A_1888 = tpu.memref_squeeze %dma_wait3A_1887 : memref<1x256x128xf32, #tpu.memory_space<vmem>> -> memref<256x128xf32, #tpu.memory_space<vmem>>
    %dma_wait3A_1889 = arith.constant 128 : i32
    %dma_wait3A_1890 = arith.constant 0 : i32
    %dma_wait3A_1891 = tpu.memref_slice %dma_wait3A_1888[%dma_wait3A_1889, %dma_wait3A_1890] : memref<256x128xf32, #tpu.memory_space<vmem>> -> memref<128x128xf32, #tpu.memory_space<vmem>>
    %dma_wait3A_1892 = arith.constant 0 : i32
    %dma_wait3A_1893 = tpu.memref_slice %arg5[%dma_wait3A_1883, %dma_wait3A_1892] : memref<56x128xi32, #tpu.memory_space<vmem>> -> memref<1x128xi32, #tpu.memory_space<vmem>>
    %dma_wait3A_1894 = tpu.memref_squeeze %dma_wait3A_1893 : memref<1x128xi32, #tpu.memory_space<vmem>> -> memref<128xi32, #tpu.memory_space<vmem>>
    %dma_wait3A_1895 = arith.constant 0 : i32
    %dma_wait3A_1896 = arith.constant 0 : i32
    %dma_wait3A_1897 = tpu.memref_slice %arg2[%dma_wait3A_1895, %dma_wait3A_1896] : memref<100001x128xf32, #tpu.memory_space<hbm>> -> memref<100001x128xf32, #tpu.memory_space<hbm>>
    tpu.wait_indirect_dma semaphore(%arg8 : memref<!tpu.dma_semaphore, #tpu.memory_space<semaphore_mem>>) src(%dma_wait3A_1897 : memref<100001x128xf32, #tpu.memory_space<hbm>>) dst(%dma_wait3A_1891 : memref<128x128xf32, #tpu.memory_space<vmem>>)
    %add3A_1898 = arith.constant 5376 : i32
    %add3A_1899 = arith.addi %mul3A_2, %add3A_1898 : i32
    %dma_start3A_1900 = arith.constant 1 : i32
    %dma_start3A_1901 = arith.constant 0 : i32
    %dma_start3A_1902 = arith.constant 0 : i32
    %dma_start3A_1903 = tpu.memref_slice %arg6[%dma_start3A_1900, %dma_start3A_1901, %dma_start3A_1902] : memref<2x256x128xf32, #tpu.memory_space<vmem>> -> memref<1x256x128xf32, #tpu.memory_space<vmem>>
    %dma_start3A_1904 = tpu.memref_squeeze %dma_start3A_1903 : memref<1x256x128xf32, #tpu.memory_space<vmem>> -> memref<256x128xf32, #tpu.memory_space<vmem>>
    %dma_start3A_1905 = arith.constant 0 : i32
    %dma_start3A_1906 = tpu.memref_slice %arg4[%add3A_1899, %dma_start3A_1905] : memref<229376x128xf32, #tpu.memory_space<hbm>> -> memref<256x128xf32, #tpu.memory_space<hbm>>
    %dma_start3A_1907 = arith.constant 0 : i32
    %dma_start3A_1908 = tpu.memref_slice %arg4[%add3A_1899, %dma_start3A_1907] : memref<229376x128xf32, #tpu.memory_space<hbm>> -> memref<256x128xf32, #tpu.memory_space<hbm>>
    %dma_start3A_1909 = arith.constant 0 : i32
    %dma_start3A_1910 = arith.constant 0 : i32
    %dma_start3A_1911 = tpu.memref_slice %arg6[%dma_start3A_1900, %dma_start3A_1909, %dma_start3A_1910] : memref<2x256x128xf32, #tpu.memory_space<vmem>> -> memref<1x256x128xf32, #tpu.memory_space<vmem>>
    %dma_start3A_1912 = tpu.memref_squeeze %dma_start3A_1911 : memref<1x256x128xf32, #tpu.memory_space<vmem>> -> memref<256x128xf32, #tpu.memory_space<vmem>>
    tpu.enqueue_dma source(%dma_start3A_1912 : memref<256x128xf32, #tpu.memory_space<vmem>>) target(%dma_start3A_1908 : memref<256x128xf32, #tpu.memory_space<hbm>>) target_semaphore(%arg10 : memref<!tpu.dma_semaphore, #tpu.memory_space<semaphore_mem>>)
    %dma_wait3A_1913 = arith.constant 0 : i32
    %dma_wait3A_1914 = arith.constant 0 : i32
    %dma_wait3A_1915 = arith.constant 0 : i32
    %dma_wait3A_1916 = tpu.memref_slice %arg6[%dma_wait3A_1913, %dma_wait3A_1914, %dma_wait3A_1915] : memref<2x256x128xf32, #tpu.memory_space<vmem>> -> memref<1x256x128xf32, #tpu.memory_space<vmem>>
    %dma_wait3A_1917 = tpu.memref_squeeze %dma_wait3A_1916 : memref<1x256x128xf32, #tpu.memory_space<vmem>> -> memref<256x128xf32, #tpu.memory_space<vmem>>
    %dma_wait3A_1918 = arith.constant 0 : i32
    %dma_wait3A_1919 = tpu.memref_slice %arg4[%add3A_1811, %dma_wait3A_1918] : memref<229376x128xf32, #tpu.memory_space<hbm>> -> memref<256x128xf32, #tpu.memory_space<hbm>>
    %dma_wait3A_1920 = arith.constant 0 : i32
    %dma_wait3A_1921 = tpu.memref_slice %arg4[%add3A_1811, %dma_wait3A_1920] : memref<229376x128xf32, #tpu.memory_space<hbm>> -> memref<256x128xf32, #tpu.memory_space<hbm>>
    %dma_wait3A_1922 = arith.constant 0 : i32
    %dma_wait3A_1923 = arith.constant 0 : i32
    %dma_wait3A_1924 = tpu.memref_slice %arg6[%dma_wait3A_1913, %dma_wait3A_1922, %dma_wait3A_1923] : memref<2x256x128xf32, #tpu.memory_space<vmem>> -> memref<1x256x128xf32, #tpu.memory_space<vmem>>
    %dma_wait3A_1925 = tpu.memref_squeeze %dma_wait3A_1924 : memref<1x256x128xf32, #tpu.memory_space<vmem>> -> memref<256x128xf32, #tpu.memory_space<vmem>>
    tpu.wait_dma2 semaphore(%arg9 : memref<!tpu.dma_semaphore, #tpu.memory_space<semaphore_mem>>) src(%dma_wait3A_1925 : memref<256x128xf32, #tpu.memory_space<vmem>>) dst(%dma_wait3A_1921 : memref<256x128xf32, #tpu.memory_space<hbm>>)
    %dma_start3A_1926 = arith.constant 44 : i32
    %dma_start3A_1927 = arith.constant 0 : i32
    %dma_start3A_1928 = arith.constant 0 : i32
    %dma_start3A_1929 = arith.constant 0 : i32
    %dma_start3A_1930 = tpu.memref_slice %arg6[%dma_start3A_1927, %dma_start3A_1928, %dma_start3A_1929] : memref<2x256x128xf32, #tpu.memory_space<vmem>> -> memref<1x256x128xf32, #tpu.memory_space<vmem>>
    %dma_start3A_1931 = tpu.memref_squeeze %dma_start3A_1930 : memref<1x256x128xf32, #tpu.memory_space<vmem>> -> memref<256x128xf32, #tpu.memory_space<vmem>>
    %dma_start3A_1932 = arith.constant 0 : i32
    %dma_start3A_1933 = arith.constant 0 : i32
    %dma_start3A_1934 = tpu.memref_slice %dma_start3A_1931[%dma_start3A_1932, %dma_start3A_1933] : memref<256x128xf32, #tpu.memory_space<vmem>> -> memref<128x128xf32, #tpu.memory_space<vmem>>
    %dma_start3A_1935 = arith.constant 0 : i32
    %dma_start3A_1936 = tpu.memref_slice %arg5[%dma_start3A_1926, %dma_start3A_1935] : memref<56x128xi32, #tpu.memory_space<vmem>> -> memref<1x128xi32, #tpu.memory_space<vmem>>
    %dma_start3A_1937 = tpu.memref_squeeze %dma_start3A_1936 : memref<1x128xi32, #tpu.memory_space<vmem>> -> memref<128xi32, #tpu.memory_space<vmem>>
    %dma_start3A_1938 = arith.constant 0 : i32
    %dma_start3A_1939 = arith.constant 0 : i32
    %dma_start3A_1940 = tpu.memref_slice %arg2[%dma_start3A_1938, %dma_start3A_1939] : memref<100001x128xf32, #tpu.memory_space<hbm>> -> memref<100001x128xf32, #tpu.memory_space<hbm>>
    tpu.enqueue_indirect_dma source(%dma_start3A_1940 : memref<100001x128xf32, #tpu.memory_space<hbm>>) target(%dma_start3A_1934 : memref<128x128xf32, #tpu.memory_space<vmem>>) offsets(%dma_start3A_1937 : memref<128xi32, #tpu.memory_space<vmem>>) semaphore(%arg7 : memref<!tpu.dma_semaphore, #tpu.memory_space<semaphore_mem>>)
    %dma_start3A_1941 = arith.constant 45 : i32
    %dma_start3A_1942 = arith.constant 0 : i32
    %dma_start3A_1943 = arith.constant 0 : i32
    %dma_start3A_1944 = arith.constant 0 : i32
    %dma_start3A_1945 = tpu.memref_slice %arg6[%dma_start3A_1942, %dma_start3A_1943, %dma_start3A_1944] : memref<2x256x128xf32, #tpu.memory_space<vmem>> -> memref<1x256x128xf32, #tpu.memory_space<vmem>>
    %dma_start3A_1946 = tpu.memref_squeeze %dma_start3A_1945 : memref<1x256x128xf32, #tpu.memory_space<vmem>> -> memref<256x128xf32, #tpu.memory_space<vmem>>
    %dma_start3A_1947 = arith.constant 128 : i32
    %dma_start3A_1948 = arith.constant 0 : i32
    %dma_start3A_1949 = tpu.memref_slice %dma_start3A_1946[%dma_start3A_1947, %dma_start3A_1948] : memref<256x128xf32, #tpu.memory_space<vmem>> -> memref<128x128xf32, #tpu.memory_space<vmem>>
    %dma_start3A_1950 = arith.constant 0 : i32
    %dma_start3A_1951 = tpu.memref_slice %arg5[%dma_start3A_1941, %dma_start3A_1950] : memref<56x128xi32, #tpu.memory_space<vmem>> -> memref<1x128xi32, #tpu.memory_space<vmem>>
    %dma_start3A_1952 = tpu.memref_squeeze %dma_start3A_1951 : memref<1x128xi32, #tpu.memory_space<vmem>> -> memref<128xi32, #tpu.memory_space<vmem>>
    %dma_start3A_1953 = arith.constant 0 : i32
    %dma_start3A_1954 = arith.constant 0 : i32
    %dma_start3A_1955 = tpu.memref_slice %arg2[%dma_start3A_1953, %dma_start3A_1954] : memref<100001x128xf32, #tpu.memory_space<hbm>> -> memref<100001x128xf32, #tpu.memory_space<hbm>>
    tpu.enqueue_indirect_dma source(%dma_start3A_1955 : memref<100001x128xf32, #tpu.memory_space<hbm>>) target(%dma_start3A_1949 : memref<128x128xf32, #tpu.memory_space<vmem>>) offsets(%dma_start3A_1952 : memref<128xi32, #tpu.memory_space<vmem>>) semaphore(%arg7 : memref<!tpu.dma_semaphore, #tpu.memory_space<semaphore_mem>>)
    %dma_wait3A_1956 = arith.constant 44 : i32
    %dma_wait3A_1957 = arith.constant 0 : i32
    %dma_wait3A_1958 = arith.constant 0 : i32
    %dma_wait3A_1959 = arith.constant 0 : i32
    %dma_wait3A_1960 = tpu.memref_slice %arg6[%dma_wait3A_1957, %dma_wait3A_1958, %dma_wait3A_1959] : memref<2x256x128xf32, #tpu.memory_space<vmem>> -> memref<1x256x128xf32, #tpu.memory_space<vmem>>
    %dma_wait3A_1961 = tpu.memref_squeeze %dma_wait3A_1960 : memref<1x256x128xf32, #tpu.memory_space<vmem>> -> memref<256x128xf32, #tpu.memory_space<vmem>>
    %dma_wait3A_1962 = arith.constant 0 : i32
    %dma_wait3A_1963 = arith.constant 0 : i32
    %dma_wait3A_1964 = tpu.memref_slice %dma_wait3A_1961[%dma_wait3A_1962, %dma_wait3A_1963] : memref<256x128xf32, #tpu.memory_space<vmem>> -> memref<128x128xf32, #tpu.memory_space<vmem>>
    %dma_wait3A_1965 = arith.constant 0 : i32
    %dma_wait3A_1966 = tpu.memref_slice %arg5[%dma_wait3A_1956, %dma_wait3A_1965] : memref<56x128xi32, #tpu.memory_space<vmem>> -> memref<1x128xi32, #tpu.memory_space<vmem>>
    %dma_wait3A_1967 = tpu.memref_squeeze %dma_wait3A_1966 : memref<1x128xi32, #tpu.memory_space<vmem>> -> memref<128xi32, #tpu.memory_space<vmem>>
    %dma_wait3A_1968 = arith.constant 0 : i32
    %dma_wait3A_1969 = arith.constant 0 : i32
    %dma_wait3A_1970 = tpu.memref_slice %arg2[%dma_wait3A_1968, %dma_wait3A_1969] : memref<100001x128xf32, #tpu.memory_space<hbm>> -> memref<100001x128xf32, #tpu.memory_space<hbm>>
    tpu.wait_indirect_dma semaphore(%arg7 : memref<!tpu.dma_semaphore, #tpu.memory_space<semaphore_mem>>) src(%dma_wait3A_1970 : memref<100001x128xf32, #tpu.memory_space<hbm>>) dst(%dma_wait3A_1964 : memref<128x128xf32, #tpu.memory_space<vmem>>)
    %dma_wait3A_1971 = arith.constant 45 : i32
    %dma_wait3A_1972 = arith.constant 0 : i32
    %dma_wait3A_1973 = arith.constant 0 : i32
    %dma_wait3A_1974 = arith.constant 0 : i32
    %dma_wait3A_1975 = tpu.memref_slice %arg6[%dma_wait3A_1972, %dma_wait3A_1973, %dma_wait3A_1974] : memref<2x256x128xf32, #tpu.memory_space<vmem>> -> memref<1x256x128xf32, #tpu.memory_space<vmem>>
    %dma_wait3A_1976 = tpu.memref_squeeze %dma_wait3A_1975 : memref<1x256x128xf32, #tpu.memory_space<vmem>> -> memref<256x128xf32, #tpu.memory_space<vmem>>
    %dma_wait3A_1977 = arith.constant 128 : i32
    %dma_wait3A_1978 = arith.constant 0 : i32
    %dma_wait3A_1979 = tpu.memref_slice %dma_wait3A_1976[%dma_wait3A_1977, %dma_wait3A_1978] : memref<256x128xf32, #tpu.memory_space<vmem>> -> memref<128x128xf32, #tpu.memory_space<vmem>>
    %dma_wait3A_1980 = arith.constant 0 : i32
    %dma_wait3A_1981 = tpu.memref_slice %arg5[%dma_wait3A_1971, %dma_wait3A_1980] : memref<56x128xi32, #tpu.memory_space<vmem>> -> memref<1x128xi32, #tpu.memory_space<vmem>>
    %dma_wait3A_1982 = tpu.memref_squeeze %dma_wait3A_1981 : memref<1x128xi32, #tpu.memory_space<vmem>> -> memref<128xi32, #tpu.memory_space<vmem>>
    %dma_wait3A_1983 = arith.constant 0 : i32
    %dma_wait3A_1984 = arith.constant 0 : i32
    %dma_wait3A_1985 = tpu.memref_slice %arg2[%dma_wait3A_1983, %dma_wait3A_1984] : memref<100001x128xf32, #tpu.memory_space<hbm>> -> memref<100001x128xf32, #tpu.memory_space<hbm>>
    tpu.wait_indirect_dma semaphore(%arg7 : memref<!tpu.dma_semaphore, #tpu.memory_space<semaphore_mem>>) src(%dma_wait3A_1985 : memref<100001x128xf32, #tpu.memory_space<hbm>>) dst(%dma_wait3A_1979 : memref<128x128xf32, #tpu.memory_space<vmem>>)
    %add3A_1986 = arith.constant 5632 : i32
    %add3A_1987 = arith.addi %mul3A_2, %add3A_1986 : i32
    %dma_start3A_1988 = arith.constant 0 : i32
    %dma_start3A_1989 = arith.constant 0 : i32
    %dma_start3A_1990 = arith.constant 0 : i32
    %dma_start3A_1991 = tpu.memref_slice %arg6[%dma_start3A_1988, %dma_start3A_1989, %dma_start3A_1990] : memref<2x256x128xf32, #tpu.memory_space<vmem>> -> memref<1x256x128xf32, #tpu.memory_space<vmem>>
    %dma_start3A_1992 = tpu.memref_squeeze %dma_start3A_1991 : memref<1x256x128xf32, #tpu.memory_space<vmem>> -> memref<256x128xf32, #tpu.memory_space<vmem>>
    %dma_start3A_1993 = arith.constant 0 : i32
    %dma_start3A_1994 = tpu.memref_slice %arg4[%add3A_1987, %dma_start3A_1993] : memref<229376x128xf32, #tpu.memory_space<hbm>> -> memref<256x128xf32, #tpu.memory_space<hbm>>
    %dma_start3A_1995 = arith.constant 0 : i32
    %dma_start3A_1996 = tpu.memref_slice %arg4[%add3A_1987, %dma_start3A_1995] : memref<229376x128xf32, #tpu.memory_space<hbm>> -> memref<256x128xf32, #tpu.memory_space<hbm>>
    %dma_start3A_1997 = arith.constant 0 : i32
    %dma_start3A_1998 = arith.constant 0 : i32
    %dma_start3A_1999 = tpu.memref_slice %arg6[%dma_start3A_1988, %dma_start3A_1997, %dma_start3A_1998] : memref<2x256x128xf32, #tpu.memory_space<vmem>> -> memref<1x256x128xf32, #tpu.memory_space<vmem>>
    %dma_start3A_2000 = tpu.memref_squeeze %dma_start3A_1999 : memref<1x256x128xf32, #tpu.memory_space<vmem>> -> memref<256x128xf32, #tpu.memory_space<vmem>>
    tpu.enqueue_dma source(%dma_start3A_2000 : memref<256x128xf32, #tpu.memory_space<vmem>>) target(%dma_start3A_1996 : memref<256x128xf32, #tpu.memory_space<hbm>>) target_semaphore(%arg9 : memref<!tpu.dma_semaphore, #tpu.memory_space<semaphore_mem>>)
    %dma_wait3A_2001 = arith.constant 1 : i32
    %dma_wait3A_2002 = arith.constant 0 : i32
    %dma_wait3A_2003 = arith.constant 0 : i32
    %dma_wait3A_2004 = tpu.memref_slice %arg6[%dma_wait3A_2001, %dma_wait3A_2002, %dma_wait3A_2003] : memref<2x256x128xf32, #tpu.memory_space<vmem>> -> memref<1x256x128xf32, #tpu.memory_space<vmem>>
    %dma_wait3A_2005 = tpu.memref_squeeze %dma_wait3A_2004 : memref<1x256x128xf32, #tpu.memory_space<vmem>> -> memref<256x128xf32, #tpu.memory_space<vmem>>
    %dma_wait3A_2006 = arith.constant 0 : i32
    %dma_wait3A_2007 = tpu.memref_slice %arg4[%add3A_1899, %dma_wait3A_2006] : memref<229376x128xf32, #tpu.memory_space<hbm>> -> memref<256x128xf32, #tpu.memory_space<hbm>>
    %dma_wait3A_2008 = arith.constant 0 : i32
    %dma_wait3A_2009 = tpu.memref_slice %arg4[%add3A_1899, %dma_wait3A_2008] : memref<229376x128xf32, #tpu.memory_space<hbm>> -> memref<256x128xf32, #tpu.memory_space<hbm>>
    %dma_wait3A_2010 = arith.constant 0 : i32
    %dma_wait3A_2011 = arith.constant 0 : i32
    %dma_wait3A_2012 = tpu.memref_slice %arg6[%dma_wait3A_2001, %dma_wait3A_2010, %dma_wait3A_2011] : memref<2x256x128xf32, #tpu.memory_space<vmem>> -> memref<1x256x128xf32, #tpu.memory_space<vmem>>
    %dma_wait3A_2013 = tpu.memref_squeeze %dma_wait3A_2012 : memref<1x256x128xf32, #tpu.memory_space<vmem>> -> memref<256x128xf32, #tpu.memory_space<vmem>>
    tpu.wait_dma2 semaphore(%arg10 : memref<!tpu.dma_semaphore, #tpu.memory_space<semaphore_mem>>) src(%dma_wait3A_2013 : memref<256x128xf32, #tpu.memory_space<vmem>>) dst(%dma_wait3A_2009 : memref<256x128xf32, #tpu.memory_space<hbm>>)
    %dma_start3A_2014 = arith.constant 46 : i32
    %dma_start3A_2015 = arith.constant 1 : i32
    %dma_start3A_2016 = arith.constant 0 : i32
    %dma_start3A_2017 = arith.constant 0 : i32
    %dma_start3A_2018 = tpu.memref_slice %arg6[%dma_start3A_2015, %dma_start3A_2016, %dma_start3A_2017] : memref<2x256x128xf32, #tpu.memory_space<vmem>> -> memref<1x256x128xf32, #tpu.memory_space<vmem>>
    %dma_start3A_2019 = tpu.memref_squeeze %dma_start3A_2018 : memref<1x256x128xf32, #tpu.memory_space<vmem>> -> memref<256x128xf32, #tpu.memory_space<vmem>>
    %dma_start3A_2020 = arith.constant 0 : i32
    %dma_start3A_2021 = arith.constant 0 : i32
    %dma_start3A_2022 = tpu.memref_slice %dma_start3A_2019[%dma_start3A_2020, %dma_start3A_2021] : memref<256x128xf32, #tpu.memory_space<vmem>> -> memref<128x128xf32, #tpu.memory_space<vmem>>
    %dma_start3A_2023 = arith.constant 0 : i32
    %dma_start3A_2024 = tpu.memref_slice %arg5[%dma_start3A_2014, %dma_start3A_2023] : memref<56x128xi32, #tpu.memory_space<vmem>> -> memref<1x128xi32, #tpu.memory_space<vmem>>
    %dma_start3A_2025 = tpu.memref_squeeze %dma_start3A_2024 : memref<1x128xi32, #tpu.memory_space<vmem>> -> memref<128xi32, #tpu.memory_space<vmem>>
    %dma_start3A_2026 = arith.constant 0 : i32
    %dma_start3A_2027 = arith.constant 0 : i32
    %dma_start3A_2028 = tpu.memref_slice %arg2[%dma_start3A_2026, %dma_start3A_2027] : memref<100001x128xf32, #tpu.memory_space<hbm>> -> memref<100001x128xf32, #tpu.memory_space<hbm>>
    tpu.enqueue_indirect_dma source(%dma_start3A_2028 : memref<100001x128xf32, #tpu.memory_space<hbm>>) target(%dma_start3A_2022 : memref<128x128xf32, #tpu.memory_space<vmem>>) offsets(%dma_start3A_2025 : memref<128xi32, #tpu.memory_space<vmem>>) semaphore(%arg8 : memref<!tpu.dma_semaphore, #tpu.memory_space<semaphore_mem>>)
    %dma_start3A_2029 = arith.constant 47 : i32
    %dma_start3A_2030 = arith.constant 1 : i32
    %dma_start3A_2031 = arith.constant 0 : i32
    %dma_start3A_2032 = arith.constant 0 : i32
    %dma_start3A_2033 = tpu.memref_slice %arg6[%dma_start3A_2030, %dma_start3A_2031, %dma_start3A_2032] : memref<2x256x128xf32, #tpu.memory_space<vmem>> -> memref<1x256x128xf32, #tpu.memory_space<vmem>>
    %dma_start3A_2034 = tpu.memref_squeeze %dma_start3A_2033 : memref<1x256x128xf32, #tpu.memory_space<vmem>> -> memref<256x128xf32, #tpu.memory_space<vmem>>
    %dma_start3A_2035 = arith.constant 128 : i32
    %dma_start3A_2036 = arith.constant 0 : i32
    %dma_start3A_2037 = tpu.memref_slice %dma_start3A_2034[%dma_start3A_2035, %dma_start3A_2036] : memref<256x128xf32, #tpu.memory_space<vmem>> -> memref<128x128xf32, #tpu.memory_space<vmem>>
    %dma_start3A_2038 = arith.constant 0 : i32
    %dma_start3A_2039 = tpu.memref_slice %arg5[%dma_start3A_2029, %dma_start3A_2038] : memref<56x128xi32, #tpu.memory_space<vmem>> -> memref<1x128xi32, #tpu.memory_space<vmem>>
    %dma_start3A_2040 = tpu.memref_squeeze %dma_start3A_2039 : memref<1x128xi32, #tpu.memory_space<vmem>> -> memref<128xi32, #tpu.memory_space<vmem>>
    %dma_start3A_2041 = arith.constant 0 : i32
    %dma_start3A_2042 = arith.constant 0 : i32
    %dma_start3A_2043 = tpu.memref_slice %arg2[%dma_start3A_2041, %dma_start3A_2042] : memref<100001x128xf32, #tpu.memory_space<hbm>> -> memref<100001x128xf32, #tpu.memory_space<hbm>>
    tpu.enqueue_indirect_dma source(%dma_start3A_2043 : memref<100001x128xf32, #tpu.memory_space<hbm>>) target(%dma_start3A_2037 : memref<128x128xf32, #tpu.memory_space<vmem>>) offsets(%dma_start3A_2040 : memref<128xi32, #tpu.memory_space<vmem>>) semaphore(%arg8 : memref<!tpu.dma_semaphore, #tpu.memory_space<semaphore_mem>>)
    %dma_wait3A_2044 = arith.constant 46 : i32
    %dma_wait3A_2045 = arith.constant 1 : i32
    %dma_wait3A_2046 = arith.constant 0 : i32
    %dma_wait3A_2047 = arith.constant 0 : i32
    %dma_wait3A_2048 = tpu.memref_slice %arg6[%dma_wait3A_2045, %dma_wait3A_2046, %dma_wait3A_2047] : memref<2x256x128xf32, #tpu.memory_space<vmem>> -> memref<1x256x128xf32, #tpu.memory_space<vmem>>
    %dma_wait3A_2049 = tpu.memref_squeeze %dma_wait3A_2048 : memref<1x256x128xf32, #tpu.memory_space<vmem>> -> memref<256x128xf32, #tpu.memory_space<vmem>>
    %dma_wait3A_2050 = arith.constant 0 : i32
    %dma_wait3A_2051 = arith.constant 0 : i32
    %dma_wait3A_2052 = tpu.memref_slice %dma_wait3A_2049[%dma_wait3A_2050, %dma_wait3A_2051] : memref<256x128xf32, #tpu.memory_space<vmem>> -> memref<128x128xf32, #tpu.memory_space<vmem>>
    %dma_wait3A_2053 = arith.constant 0 : i32
    %dma_wait3A_2054 = tpu.memref_slice %arg5[%dma_wait3A_2044, %dma_wait3A_2053] : memref<56x128xi32, #tpu.memory_space<vmem>> -> memref<1x128xi32, #tpu.memory_space<vmem>>
    %dma_wait3A_2055 = tpu.memref_squeeze %dma_wait3A_2054 : memref<1x128xi32, #tpu.memory_space<vmem>> -> memref<128xi32, #tpu.memory_space<vmem>>
    %dma_wait3A_2056 = arith.constant 0 : i32
    %dma_wait3A_2057 = arith.constant 0 : i32
    %dma_wait3A_2058 = tpu.memref_slice %arg2[%dma_wait3A_2056, %dma_wait3A_2057] : memref<100001x128xf32, #tpu.memory_space<hbm>> -> memref<100001x128xf32, #tpu.memory_space<hbm>>
    tpu.wait_indirect_dma semaphore(%arg8 : memref<!tpu.dma_semaphore, #tpu.memory_space<semaphore_mem>>) src(%dma_wait3A_2058 : memref<100001x128xf32, #tpu.memory_space<hbm>>) dst(%dma_wait3A_2052 : memref<128x128xf32, #tpu.memory_space<vmem>>)
    %dma_wait3A_2059 = arith.constant 47 : i32
    %dma_wait3A_2060 = arith.constant 1 : i32
    %dma_wait3A_2061 = arith.constant 0 : i32
    %dma_wait3A_2062 = arith.constant 0 : i32
    %dma_wait3A_2063 = tpu.memref_slice %arg6[%dma_wait3A_2060, %dma_wait3A_2061, %dma_wait3A_2062] : memref<2x256x128xf32, #tpu.memory_space<vmem>> -> memref<1x256x128xf32, #tpu.memory_space<vmem>>
    %dma_wait3A_2064 = tpu.memref_squeeze %dma_wait3A_2063 : memref<1x256x128xf32, #tpu.memory_space<vmem>> -> memref<256x128xf32, #tpu.memory_space<vmem>>
    %dma_wait3A_2065 = arith.constant 128 : i32
    %dma_wait3A_2066 = arith.constant 0 : i32
    %dma_wait3A_2067 = tpu.memref_slice %dma_wait3A_2064[%dma_wait3A_2065, %dma_wait3A_2066] : memref<256x128xf32, #tpu.memory_space<vmem>> -> memref<128x128xf32, #tpu.memory_space<vmem>>
    %dma_wait3A_2068 = arith.constant 0 : i32
    %dma_wait3A_2069 = tpu.memref_slice %arg5[%dma_wait3A_2059, %dma_wait3A_2068] : memref<56x128xi32, #tpu.memory_space<vmem>> -> memref<1x128xi32, #tpu.memory_space<vmem>>
    %dma_wait3A_2070 = tpu.memref_squeeze %dma_wait3A_2069 : memref<1x128xi32, #tpu.memory_space<vmem>> -> memref<128xi32, #tpu.memory_space<vmem>>
    %dma_wait3A_2071 = arith.constant 0 : i32
    %dma_wait3A_2072 = arith.constant 0 : i32
    %dma_wait3A_2073 = tpu.memref_slice %arg2[%dma_wait3A_2071, %dma_wait3A_2072] : memref<100001x128xf32, #tpu.memory_space<hbm>> -> memref<100001x128xf32, #tpu.memory_space<hbm>>
    tpu.wait_indirect_dma semaphore(%arg8 : memref<!tpu.dma_semaphore, #tpu.memory_space<semaphore_mem>>) src(%dma_wait3A_2073 : memref<100001x128xf32, #tpu.memory_space<hbm>>) dst(%dma_wait3A_2067 : memref<128x128xf32, #tpu.memory_space<vmem>>)
    %add3A_2074 = arith.constant 5888 : i32
    %add3A_2075 = arith.addi %mul3A_2, %add3A_2074 : i32
    %dma_start3A_2076 = arith.constant 1 : i32
    %dma_start3A_2077 = arith.constant 0 : i32
    %dma_start3A_2078 = arith.constant 0 : i32
    %dma_start3A_2079 = tpu.memref_slice %arg6[%dma_start3A_2076, %dma_start3A_2077, %dma_start3A_2078] : memref<2x256x128xf32, #tpu.memory_space<vmem>> -> memref<1x256x128xf32, #tpu.memory_space<vmem>>
    %dma_start3A_2080 = tpu.memref_squeeze %dma_start3A_2079 : memref<1x256x128xf32, #tpu.memory_space<vmem>> -> memref<256x128xf32, #tpu.memory_space<vmem>>
    %dma_start3A_2081 = arith.constant 0 : i32
    %dma_start3A_2082 = tpu.memref_slice %arg4[%add3A_2075, %dma_start3A_2081] : memref<229376x128xf32, #tpu.memory_space<hbm>> -> memref<256x128xf32, #tpu.memory_space<hbm>>
    %dma_start3A_2083 = arith.constant 0 : i32
    %dma_start3A_2084 = tpu.memref_slice %arg4[%add3A_2075, %dma_start3A_2083] : memref<229376x128xf32, #tpu.memory_space<hbm>> -> memref<256x128xf32, #tpu.memory_space<hbm>>
    %dma_start3A_2085 = arith.constant 0 : i32
    %dma_start3A_2086 = arith.constant 0 : i32
    %dma_start3A_2087 = tpu.memref_slice %arg6[%dma_start3A_2076, %dma_start3A_2085, %dma_start3A_2086] : memref<2x256x128xf32, #tpu.memory_space<vmem>> -> memref<1x256x128xf32, #tpu.memory_space<vmem>>
    %dma_start3A_2088 = tpu.memref_squeeze %dma_start3A_2087 : memref<1x256x128xf32, #tpu.memory_space<vmem>> -> memref<256x128xf32, #tpu.memory_space<vmem>>
    tpu.enqueue_dma source(%dma_start3A_2088 : memref<256x128xf32, #tpu.memory_space<vmem>>) target(%dma_start3A_2084 : memref<256x128xf32, #tpu.memory_space<hbm>>) target_semaphore(%arg10 : memref<!tpu.dma_semaphore, #tpu.memory_space<semaphore_mem>>)
    %dma_wait3A_2089 = arith.constant 0 : i32
    %dma_wait3A_2090 = arith.constant 0 : i32
    %dma_wait3A_2091 = arith.constant 0 : i32
    %dma_wait3A_2092 = tpu.memref_slice %arg6[%dma_wait3A_2089, %dma_wait3A_2090, %dma_wait3A_2091] : memref<2x256x128xf32, #tpu.memory_space<vmem>> -> memref<1x256x128xf32, #tpu.memory_space<vmem>>
    %dma_wait3A_2093 = tpu.memref_squeeze %dma_wait3A_2092 : memref<1x256x128xf32, #tpu.memory_space<vmem>> -> memref<256x128xf32, #tpu.memory_space<vmem>>
    %dma_wait3A_2094 = arith.constant 0 : i32
    %dma_wait3A_2095 = tpu.memref_slice %arg4[%add3A_1987, %dma_wait3A_2094] : memref<229376x128xf32, #tpu.memory_space<hbm>> -> memref<256x128xf32, #tpu.memory_space<hbm>>
    %dma_wait3A_2096 = arith.constant 0 : i32
    %dma_wait3A_2097 = tpu.memref_slice %arg4[%add3A_1987, %dma_wait3A_2096] : memref<229376x128xf32, #tpu.memory_space<hbm>> -> memref<256x128xf32, #tpu.memory_space<hbm>>
    %dma_wait3A_2098 = arith.constant 0 : i32
    %dma_wait3A_2099 = arith.constant 0 : i32
    %dma_wait3A_2100 = tpu.memref_slice %arg6[%dma_wait3A_2089, %dma_wait3A_2098, %dma_wait3A_2099] : memref<2x256x128xf32, #tpu.memory_space<vmem>> -> memref<1x256x128xf32, #tpu.memory_space<vmem>>
    %dma_wait3A_2101 = tpu.memref_squeeze %dma_wait3A_2100 : memref<1x256x128xf32, #tpu.memory_space<vmem>> -> memref<256x128xf32, #tpu.memory_space<vmem>>
    tpu.wait_dma2 semaphore(%arg9 : memref<!tpu.dma_semaphore, #tpu.memory_space<semaphore_mem>>) src(%dma_wait3A_2101 : memref<256x128xf32, #tpu.memory_space<vmem>>) dst(%dma_wait3A_2097 : memref<256x128xf32, #tpu.memory_space<hbm>>)
    %dma_start3A_2102 = arith.constant 48 : i32
    %dma_start3A_2103 = arith.constant 0 : i32
    %dma_start3A_2104 = arith.constant 0 : i32
    %dma_start3A_2105 = arith.constant 0 : i32
    %dma_start3A_2106 = tpu.memref_slice %arg6[%dma_start3A_2103, %dma_start3A_2104, %dma_start3A_2105] : memref<2x256x128xf32, #tpu.memory_space<vmem>> -> memref<1x256x128xf32, #tpu.memory_space<vmem>>
    %dma_start3A_2107 = tpu.memref_squeeze %dma_start3A_2106 : memref<1x256x128xf32, #tpu.memory_space<vmem>> -> memref<256x128xf32, #tpu.memory_space<vmem>>
    %dma_start3A_2108 = arith.constant 0 : i32
    %dma_start3A_2109 = arith.constant 0 : i32
    %dma_start3A_2110 = tpu.memref_slice %dma_start3A_2107[%dma_start3A_2108, %dma_start3A_2109] : memref<256x128xf32, #tpu.memory_space<vmem>> -> memref<128x128xf32, #tpu.memory_space<vmem>>
    %dma_start3A_2111 = arith.constant 0 : i32
    %dma_start3A_2112 = tpu.memref_slice %arg5[%dma_start3A_2102, %dma_start3A_2111] : memref<56x128xi32, #tpu.memory_space<vmem>> -> memref<1x128xi32, #tpu.memory_space<vmem>>
    %dma_start3A_2113 = tpu.memref_squeeze %dma_start3A_2112 : memref<1x128xi32, #tpu.memory_space<vmem>> -> memref<128xi32, #tpu.memory_space<vmem>>
    %dma_start3A_2114 = arith.constant 0 : i32
    %dma_start3A_2115 = arith.constant 0 : i32
    %dma_start3A_2116 = tpu.memref_slice %arg2[%dma_start3A_2114, %dma_start3A_2115] : memref<100001x128xf32, #tpu.memory_space<hbm>> -> memref<100001x128xf32, #tpu.memory_space<hbm>>
    tpu.enqueue_indirect_dma source(%dma_start3A_2116 : memref<100001x128xf32, #tpu.memory_space<hbm>>) target(%dma_start3A_2110 : memref<128x128xf32, #tpu.memory_space<vmem>>) offsets(%dma_start3A_2113 : memref<128xi32, #tpu.memory_space<vmem>>) semaphore(%arg7 : memref<!tpu.dma_semaphore, #tpu.memory_space<semaphore_mem>>)
    %dma_start3A_2117 = arith.constant 49 : i32
    %dma_start3A_2118 = arith.constant 0 : i32
    %dma_start3A_2119 = arith.constant 0 : i32
    %dma_start3A_2120 = arith.constant 0 : i32
    %dma_start3A_2121 = tpu.memref_slice %arg6[%dma_start3A_2118, %dma_start3A_2119, %dma_start3A_2120] : memref<2x256x128xf32, #tpu.memory_space<vmem>> -> memref<1x256x128xf32, #tpu.memory_space<vmem>>
    %dma_start3A_2122 = tpu.memref_squeeze %dma_start3A_2121 : memref<1x256x128xf32, #tpu.memory_space<vmem>> -> memref<256x128xf32, #tpu.memory_space<vmem>>
    %dma_start3A_2123 = arith.constant 128 : i32
    %dma_start3A_2124 = arith.constant 0 : i32
    %dma_start3A_2125 = tpu.memref_slice %dma_start3A_2122[%dma_start3A_2123, %dma_start3A_2124] : memref<256x128xf32, #tpu.memory_space<vmem>> -> memref<128x128xf32, #tpu.memory_space<vmem>>
    %dma_start3A_2126 = arith.constant 0 : i32
    %dma_start3A_2127 = tpu.memref_slice %arg5[%dma_start3A_2117, %dma_start3A_2126] : memref<56x128xi32, #tpu.memory_space<vmem>> -> memref<1x128xi32, #tpu.memory_space<vmem>>
    %dma_start3A_2128 = tpu.memref_squeeze %dma_start3A_2127 : memref<1x128xi32, #tpu.memory_space<vmem>> -> memref<128xi32, #tpu.memory_space<vmem>>
    %dma_start3A_2129 = arith.constant 0 : i32
    %dma_start3A_2130 = arith.constant 0 : i32
    %dma_start3A_2131 = tpu.memref_slice %arg2[%dma_start3A_2129, %dma_start3A_2130] : memref<100001x128xf32, #tpu.memory_space<hbm>> -> memref<100001x128xf32, #tpu.memory_space<hbm>>
    tpu.enqueue_indirect_dma source(%dma_start3A_2131 : memref<100001x128xf32, #tpu.memory_space<hbm>>) target(%dma_start3A_2125 : memref<128x128xf32, #tpu.memory_space<vmem>>) offsets(%dma_start3A_2128 : memref<128xi32, #tpu.memory_space<vmem>>) semaphore(%arg7 : memref<!tpu.dma_semaphore, #tpu.memory_space<semaphore_mem>>)
    %dma_wait3A_2132 = arith.constant 48 : i32
    %dma_wait3A_2133 = arith.constant 0 : i32
    %dma_wait3A_2134 = arith.constant 0 : i32
    %dma_wait3A_2135 = arith.constant 0 : i32
    %dma_wait3A_2136 = tpu.memref_slice %arg6[%dma_wait3A_2133, %dma_wait3A_2134, %dma_wait3A_2135] : memref<2x256x128xf32, #tpu.memory_space<vmem>> -> memref<1x256x128xf32, #tpu.memory_space<vmem>>
    %dma_wait3A_2137 = tpu.memref_squeeze %dma_wait3A_2136 : memref<1x256x128xf32, #tpu.memory_space<vmem>> -> memref<256x128xf32, #tpu.memory_space<vmem>>
    %dma_wait3A_2138 = arith.constant 0 : i32
    %dma_wait3A_2139 = arith.constant 0 : i32
    %dma_wait3A_2140 = tpu.memref_slice %dma_wait3A_2137[%dma_wait3A_2138, %dma_wait3A_2139] : memref<256x128xf32, #tpu.memory_space<vmem>> -> memref<128x128xf32, #tpu.memory_space<vmem>>
    %dma_wait3A_2141 = arith.constant 0 : i32
    %dma_wait3A_2142 = tpu.memref_slice %arg5[%dma_wait3A_2132, %dma_wait3A_2141] : memref<56x128xi32, #tpu.memory_space<vmem>> -> memref<1x128xi32, #tpu.memory_space<vmem>>
    %dma_wait3A_2143 = tpu.memref_squeeze %dma_wait3A_2142 : memref<1x128xi32, #tpu.memory_space<vmem>> -> memref<128xi32, #tpu.memory_space<vmem>>
    %dma_wait3A_2144 = arith.constant 0 : i32
    %dma_wait3A_2145 = arith.constant 0 : i32
    %dma_wait3A_2146 = tpu.memref_slice %arg2[%dma_wait3A_2144, %dma_wait3A_2145] : memref<100001x128xf32, #tpu.memory_space<hbm>> -> memref<100001x128xf32, #tpu.memory_space<hbm>>
    tpu.wait_indirect_dma semaphore(%arg7 : memref<!tpu.dma_semaphore, #tpu.memory_space<semaphore_mem>>) src(%dma_wait3A_2146 : memref<100001x128xf32, #tpu.memory_space<hbm>>) dst(%dma_wait3A_2140 : memref<128x128xf32, #tpu.memory_space<vmem>>)
    %dma_wait3A_2147 = arith.constant 49 : i32
    %dma_wait3A_2148 = arith.constant 0 : i32
    %dma_wait3A_2149 = arith.constant 0 : i32
    %dma_wait3A_2150 = arith.constant 0 : i32
    %dma_wait3A_2151 = tpu.memref_slice %arg6[%dma_wait3A_2148, %dma_wait3A_2149, %dma_wait3A_2150] : memref<2x256x128xf32, #tpu.memory_space<vmem>> -> memref<1x256x128xf32, #tpu.memory_space<vmem>>
    %dma_wait3A_2152 = tpu.memref_squeeze %dma_wait3A_2151 : memref<1x256x128xf32, #tpu.memory_space<vmem>> -> memref<256x128xf32, #tpu.memory_space<vmem>>
    %dma_wait3A_2153 = arith.constant 128 : i32
    %dma_wait3A_2154 = arith.constant 0 : i32
    %dma_wait3A_2155 = tpu.memref_slice %dma_wait3A_2152[%dma_wait3A_2153, %dma_wait3A_2154] : memref<256x128xf32, #tpu.memory_space<vmem>> -> memref<128x128xf32, #tpu.memory_space<vmem>>
    %dma_wait3A_2156 = arith.constant 0 : i32
    %dma_wait3A_2157 = tpu.memref_slice %arg5[%dma_wait3A_2147, %dma_wait3A_2156] : memref<56x128xi32, #tpu.memory_space<vmem>> -> memref<1x128xi32, #tpu.memory_space<vmem>>
    %dma_wait3A_2158 = tpu.memref_squeeze %dma_wait3A_2157 : memref<1x128xi32, #tpu.memory_space<vmem>> -> memref<128xi32, #tpu.memory_space<vmem>>
    %dma_wait3A_2159 = arith.constant 0 : i32
    %dma_wait3A_2160 = arith.constant 0 : i32
    %dma_wait3A_2161 = tpu.memref_slice %arg2[%dma_wait3A_2159, %dma_wait3A_2160] : memref<100001x128xf32, #tpu.memory_space<hbm>> -> memref<100001x128xf32, #tpu.memory_space<hbm>>
    tpu.wait_indirect_dma semaphore(%arg7 : memref<!tpu.dma_semaphore, #tpu.memory_space<semaphore_mem>>) src(%dma_wait3A_2161 : memref<100001x128xf32, #tpu.memory_space<hbm>>) dst(%dma_wait3A_2155 : memref<128x128xf32, #tpu.memory_space<vmem>>)
    %add3A_2162 = arith.constant 6144 : i32
    %add3A_2163 = arith.addi %mul3A_2, %add3A_2162 : i32
    %dma_start3A_2164 = arith.constant 0 : i32
    %dma_start3A_2165 = arith.constant 0 : i32
    %dma_start3A_2166 = arith.constant 0 : i32
    %dma_start3A_2167 = tpu.memref_slice %arg6[%dma_start3A_2164, %dma_start3A_2165, %dma_start3A_2166] : memref<2x256x128xf32, #tpu.memory_space<vmem>> -> memref<1x256x128xf32, #tpu.memory_space<vmem>>
    %dma_start3A_2168 = tpu.memref_squeeze %dma_start3A_2167 : memref<1x256x128xf32, #tpu.memory_space<vmem>> -> memref<256x128xf32, #tpu.memory_space<vmem>>
    %dma_start3A_2169 = arith.constant 0 : i32
    %dma_start3A_2170 = tpu.memref_slice %arg4[%add3A_2163, %dma_start3A_2169] : memref<229376x128xf32, #tpu.memory_space<hbm>> -> memref<256x128xf32, #tpu.memory_space<hbm>>
    %dma_start3A_2171 = arith.constant 0 : i32
    %dma_start3A_2172 = tpu.memref_slice %arg4[%add3A_2163, %dma_start3A_2171] : memref<229376x128xf32, #tpu.memory_space<hbm>> -> memref<256x128xf32, #tpu.memory_space<hbm>>
    %dma_start3A_2173 = arith.constant 0 : i32
    %dma_start3A_2174 = arith.constant 0 : i32
    %dma_start3A_2175 = tpu.memref_slice %arg6[%dma_start3A_2164, %dma_start3A_2173, %dma_start3A_2174] : memref<2x256x128xf32, #tpu.memory_space<vmem>> -> memref<1x256x128xf32, #tpu.memory_space<vmem>>
    %dma_start3A_2176 = tpu.memref_squeeze %dma_start3A_2175 : memref<1x256x128xf32, #tpu.memory_space<vmem>> -> memref<256x128xf32, #tpu.memory_space<vmem>>
    tpu.enqueue_dma source(%dma_start3A_2176 : memref<256x128xf32, #tpu.memory_space<vmem>>) target(%dma_start3A_2172 : memref<256x128xf32, #tpu.memory_space<hbm>>) target_semaphore(%arg9 : memref<!tpu.dma_semaphore, #tpu.memory_space<semaphore_mem>>)
    %dma_wait3A_2177 = arith.constant 1 : i32
    %dma_wait3A_2178 = arith.constant 0 : i32
    %dma_wait3A_2179 = arith.constant 0 : i32
    %dma_wait3A_2180 = tpu.memref_slice %arg6[%dma_wait3A_2177, %dma_wait3A_2178, %dma_wait3A_2179] : memref<2x256x128xf32, #tpu.memory_space<vmem>> -> memref<1x256x128xf32, #tpu.memory_space<vmem>>
    %dma_wait3A_2181 = tpu.memref_squeeze %dma_wait3A_2180 : memref<1x256x128xf32, #tpu.memory_space<vmem>> -> memref<256x128xf32, #tpu.memory_space<vmem>>
    %dma_wait3A_2182 = arith.constant 0 : i32
    %dma_wait3A_2183 = tpu.memref_slice %arg4[%add3A_2075, %dma_wait3A_2182] : memref<229376x128xf32, #tpu.memory_space<hbm>> -> memref<256x128xf32, #tpu.memory_space<hbm>>
    %dma_wait3A_2184 = arith.constant 0 : i32
    %dma_wait3A_2185 = tpu.memref_slice %arg4[%add3A_2075, %dma_wait3A_2184] : memref<229376x128xf32, #tpu.memory_space<hbm>> -> memref<256x128xf32, #tpu.memory_space<hbm>>
    %dma_wait3A_2186 = arith.constant 0 : i32
    %dma_wait3A_2187 = arith.constant 0 : i32
    %dma_wait3A_2188 = tpu.memref_slice %arg6[%dma_wait3A_2177, %dma_wait3A_2186, %dma_wait3A_2187] : memref<2x256x128xf32, #tpu.memory_space<vmem>> -> memref<1x256x128xf32, #tpu.memory_space<vmem>>
    %dma_wait3A_2189 = tpu.memref_squeeze %dma_wait3A_2188 : memref<1x256x128xf32, #tpu.memory_space<vmem>> -> memref<256x128xf32, #tpu.memory_space<vmem>>
    tpu.wait_dma2 semaphore(%arg10 : memref<!tpu.dma_semaphore, #tpu.memory_space<semaphore_mem>>) src(%dma_wait3A_2189 : memref<256x128xf32, #tpu.memory_space<vmem>>) dst(%dma_wait3A_2185 : memref<256x128xf32, #tpu.memory_space<hbm>>)
    %dma_start3A_2190 = arith.constant 50 : i32
    %dma_start3A_2191 = arith.constant 1 : i32
    %dma_start3A_2192 = arith.constant 0 : i32
    %dma_start3A_2193 = arith.constant 0 : i32
    %dma_start3A_2194 = tpu.memref_slice %arg6[%dma_start3A_2191, %dma_start3A_2192, %dma_start3A_2193] : memref<2x256x128xf32, #tpu.memory_space<vmem>> -> memref<1x256x128xf32, #tpu.memory_space<vmem>>
    %dma_start3A_2195 = tpu.memref_squeeze %dma_start3A_2194 : memref<1x256x128xf32, #tpu.memory_space<vmem>> -> memref<256x128xf32, #tpu.memory_space<vmem>>
    %dma_start3A_2196 = arith.constant 0 : i32
    %dma_start3A_2197 = arith.constant 0 : i32
    %dma_start3A_2198 = tpu.memref_slice %dma_start3A_2195[%dma_start3A_2196, %dma_start3A_2197] : memref<256x128xf32, #tpu.memory_space<vmem>> -> memref<128x128xf32, #tpu.memory_space<vmem>>
    %dma_start3A_2199 = arith.constant 0 : i32
    %dma_start3A_2200 = tpu.memref_slice %arg5[%dma_start3A_2190, %dma_start3A_2199] : memref<56x128xi32, #tpu.memory_space<vmem>> -> memref<1x128xi32, #tpu.memory_space<vmem>>
    %dma_start3A_2201 = tpu.memref_squeeze %dma_start3A_2200 : memref<1x128xi32, #tpu.memory_space<vmem>> -> memref<128xi32, #tpu.memory_space<vmem>>
    %dma_start3A_2202 = arith.constant 0 : i32
    %dma_start3A_2203 = arith.constant 0 : i32
    %dma_start3A_2204 = tpu.memref_slice %arg2[%dma_start3A_2202, %dma_start3A_2203] : memref<100001x128xf32, #tpu.memory_space<hbm>> -> memref<100001x128xf32, #tpu.memory_space<hbm>>
    tpu.enqueue_indirect_dma source(%dma_start3A_2204 : memref<100001x128xf32, #tpu.memory_space<hbm>>) target(%dma_start3A_2198 : memref<128x128xf32, #tpu.memory_space<vmem>>) offsets(%dma_start3A_2201 : memref<128xi32, #tpu.memory_space<vmem>>) semaphore(%arg8 : memref<!tpu.dma_semaphore, #tpu.memory_space<semaphore_mem>>)
    %dma_start3A_2205 = arith.constant 51 : i32
    %dma_start3A_2206 = arith.constant 1 : i32
    %dma_start3A_2207 = arith.constant 0 : i32
    %dma_start3A_2208 = arith.constant 0 : i32
    %dma_start3A_2209 = tpu.memref_slice %arg6[%dma_start3A_2206, %dma_start3A_2207, %dma_start3A_2208] : memref<2x256x128xf32, #tpu.memory_space<vmem>> -> memref<1x256x128xf32, #tpu.memory_space<vmem>>
    %dma_start3A_2210 = tpu.memref_squeeze %dma_start3A_2209 : memref<1x256x128xf32, #tpu.memory_space<vmem>> -> memref<256x128xf32, #tpu.memory_space<vmem>>
    %dma_start3A_2211 = arith.constant 128 : i32
    %dma_start3A_2212 = arith.constant 0 : i32
    %dma_start3A_2213 = tpu.memref_slice %dma_start3A_2210[%dma_start3A_2211, %dma_start3A_2212] : memref<256x128xf32, #tpu.memory_space<vmem>> -> memref<128x128xf32, #tpu.memory_space<vmem>>
    %dma_start3A_2214 = arith.constant 0 : i32
    %dma_start3A_2215 = tpu.memref_slice %arg5[%dma_start3A_2205, %dma_start3A_2214] : memref<56x128xi32, #tpu.memory_space<vmem>> -> memref<1x128xi32, #tpu.memory_space<vmem>>
    %dma_start3A_2216 = tpu.memref_squeeze %dma_start3A_2215 : memref<1x128xi32, #tpu.memory_space<vmem>> -> memref<128xi32, #tpu.memory_space<vmem>>
    %dma_start3A_2217 = arith.constant 0 : i32
    %dma_start3A_2218 = arith.constant 0 : i32
    %dma_start3A_2219 = tpu.memref_slice %arg2[%dma_start3A_2217, %dma_start3A_2218] : memref<100001x128xf32, #tpu.memory_space<hbm>> -> memref<100001x128xf32, #tpu.memory_space<hbm>>
    tpu.enqueue_indirect_dma source(%dma_start3A_2219 : memref<100001x128xf32, #tpu.memory_space<hbm>>) target(%dma_start3A_2213 : memref<128x128xf32, #tpu.memory_space<vmem>>) offsets(%dma_start3A_2216 : memref<128xi32, #tpu.memory_space<vmem>>) semaphore(%arg8 : memref<!tpu.dma_semaphore, #tpu.memory_space<semaphore_mem>>)
    %dma_wait3A_2220 = arith.constant 50 : i32
    %dma_wait3A_2221 = arith.constant 1 : i32
    %dma_wait3A_2222 = arith.constant 0 : i32
    %dma_wait3A_2223 = arith.constant 0 : i32
    %dma_wait3A_2224 = tpu.memref_slice %arg6[%dma_wait3A_2221, %dma_wait3A_2222, %dma_wait3A_2223] : memref<2x256x128xf32, #tpu.memory_space<vmem>> -> memref<1x256x128xf32, #tpu.memory_space<vmem>>
    %dma_wait3A_2225 = tpu.memref_squeeze %dma_wait3A_2224 : memref<1x256x128xf32, #tpu.memory_space<vmem>> -> memref<256x128xf32, #tpu.memory_space<vmem>>
    %dma_wait3A_2226 = arith.constant 0 : i32
    %dma_wait3A_2227 = arith.constant 0 : i32
    %dma_wait3A_2228 = tpu.memref_slice %dma_wait3A_2225[%dma_wait3A_2226, %dma_wait3A_2227] : memref<256x128xf32, #tpu.memory_space<vmem>> -> memref<128x128xf32, #tpu.memory_space<vmem>>
    %dma_wait3A_2229 = arith.constant 0 : i32
    %dma_wait3A_2230 = tpu.memref_slice %arg5[%dma_wait3A_2220, %dma_wait3A_2229] : memref<56x128xi32, #tpu.memory_space<vmem>> -> memref<1x128xi32, #tpu.memory_space<vmem>>
    %dma_wait3A_2231 = tpu.memref_squeeze %dma_wait3A_2230 : memref<1x128xi32, #tpu.memory_space<vmem>> -> memref<128xi32, #tpu.memory_space<vmem>>
    %dma_wait3A_2232 = arith.constant 0 : i32
    %dma_wait3A_2233 = arith.constant 0 : i32
    %dma_wait3A_2234 = tpu.memref_slice %arg2[%dma_wait3A_2232, %dma_wait3A_2233] : memref<100001x128xf32, #tpu.memory_space<hbm>> -> memref<100001x128xf32, #tpu.memory_space<hbm>>
    tpu.wait_indirect_dma semaphore(%arg8 : memref<!tpu.dma_semaphore, #tpu.memory_space<semaphore_mem>>) src(%dma_wait3A_2234 : memref<100001x128xf32, #tpu.memory_space<hbm>>) dst(%dma_wait3A_2228 : memref<128x128xf32, #tpu.memory_space<vmem>>)
    %dma_wait3A_2235 = arith.constant 51 : i32
    %dma_wait3A_2236 = arith.constant 1 : i32
    %dma_wait3A_2237 = arith.constant 0 : i32
    %dma_wait3A_2238 = arith.constant 0 : i32
    %dma_wait3A_2239 = tpu.memref_slice %arg6[%dma_wait3A_2236, %dma_wait3A_2237, %dma_wait3A_2238] : memref<2x256x128xf32, #tpu.memory_space<vmem>> -> memref<1x256x128xf32, #tpu.memory_space<vmem>>
    %dma_wait3A_2240 = tpu.memref_squeeze %dma_wait3A_2239 : memref<1x256x128xf32, #tpu.memory_space<vmem>> -> memref<256x128xf32, #tpu.memory_space<vmem>>
    %dma_wait3A_2241 = arith.constant 128 : i32
    %dma_wait3A_2242 = arith.constant 0 : i32
    %dma_wait3A_2243 = tpu.memref_slice %dma_wait3A_2240[%dma_wait3A_2241, %dma_wait3A_2242] : memref<256x128xf32, #tpu.memory_space<vmem>> -> memref<128x128xf32, #tpu.memory_space<vmem>>
    %dma_wait3A_2244 = arith.constant 0 : i32
    %dma_wait3A_2245 = tpu.memref_slice %arg5[%dma_wait3A_2235, %dma_wait3A_2244] : memref<56x128xi32, #tpu.memory_space<vmem>> -> memref<1x128xi32, #tpu.memory_space<vmem>>
    %dma_wait3A_2246 = tpu.memref_squeeze %dma_wait3A_2245 : memref<1x128xi32, #tpu.memory_space<vmem>> -> memref<128xi32, #tpu.memory_space<vmem>>
    %dma_wait3A_2247 = arith.constant 0 : i32
    %dma_wait3A_2248 = arith.constant 0 : i32
    %dma_wait3A_2249 = tpu.memref_slice %arg2[%dma_wait3A_2247, %dma_wait3A_2248] : memref<100001x128xf32, #tpu.memory_space<hbm>> -> memref<100001x128xf32, #tpu.memory_space<hbm>>
    tpu.wait_indirect_dma semaphore(%arg8 : memref<!tpu.dma_semaphore, #tpu.memory_space<semaphore_mem>>) src(%dma_wait3A_2249 : memref<100001x128xf32, #tpu.memory_space<hbm>>) dst(%dma_wait3A_2243 : memref<128x128xf32, #tpu.memory_space<vmem>>)
    %add3A_2250 = arith.constant 6400 : i32
    %add3A_2251 = arith.addi %mul3A_2, %add3A_2250 : i32
    %dma_start3A_2252 = arith.constant 1 : i32
    %dma_start3A_2253 = arith.constant 0 : i32
    %dma_start3A_2254 = arith.constant 0 : i32
    %dma_start3A_2255 = tpu.memref_slice %arg6[%dma_start3A_2252, %dma_start3A_2253, %dma_start3A_2254] : memref<2x256x128xf32, #tpu.memory_space<vmem>> -> memref<1x256x128xf32, #tpu.memory_space<vmem>>
    %dma_start3A_2256 = tpu.memref_squeeze %dma_start3A_2255 : memref<1x256x128xf32, #tpu.memory_space<vmem>> -> memref<256x128xf32, #tpu.memory_space<vmem>>
    %dma_start3A_2257 = arith.constant 0 : i32
    %dma_start3A_2258 = tpu.memref_slice %arg4[%add3A_2251, %dma_start3A_2257] : memref<229376x128xf32, #tpu.memory_space<hbm>> -> memref<256x128xf32, #tpu.memory_space<hbm>>
    %dma_start3A_2259 = arith.constant 0 : i32
    %dma_start3A_2260 = tpu.memref_slice %arg4[%add3A_2251, %dma_start3A_2259] : memref<229376x128xf32, #tpu.memory_space<hbm>> -> memref<256x128xf32, #tpu.memory_space<hbm>>
    %dma_start3A_2261 = arith.constant 0 : i32
    %dma_start3A_2262 = arith.constant 0 : i32
    %dma_start3A_2263 = tpu.memref_slice %arg6[%dma_start3A_2252, %dma_start3A_2261, %dma_start3A_2262] : memref<2x256x128xf32, #tpu.memory_space<vmem>> -> memref<1x256x128xf32, #tpu.memory_space<vmem>>
    %dma_start3A_2264 = tpu.memref_squeeze %dma_start3A_2263 : memref<1x256x128xf32, #tpu.memory_space<vmem>> -> memref<256x128xf32, #tpu.memory_space<vmem>>
    tpu.enqueue_dma source(%dma_start3A_2264 : memref<256x128xf32, #tpu.memory_space<vmem>>) target(%dma_start3A_2260 : memref<256x128xf32, #tpu.memory_space<hbm>>) target_semaphore(%arg10 : memref<!tpu.dma_semaphore, #tpu.memory_space<semaphore_mem>>)
    %dma_wait3A_2265 = arith.constant 0 : i32
    %dma_wait3A_2266 = arith.constant 0 : i32
    %dma_wait3A_2267 = arith.constant 0 : i32
    %dma_wait3A_2268 = tpu.memref_slice %arg6[%dma_wait3A_2265, %dma_wait3A_2266, %dma_wait3A_2267] : memref<2x256x128xf32, #tpu.memory_space<vmem>> -> memref<1x256x128xf32, #tpu.memory_space<vmem>>
    %dma_wait3A_2269 = tpu.memref_squeeze %dma_wait3A_2268 : memref<1x256x128xf32, #tpu.memory_space<vmem>> -> memref<256x128xf32, #tpu.memory_space<vmem>>
    %dma_wait3A_2270 = arith.constant 0 : i32
    %dma_wait3A_2271 = tpu.memref_slice %arg4[%add3A_2163, %dma_wait3A_2270] : memref<229376x128xf32, #tpu.memory_space<hbm>> -> memref<256x128xf32, #tpu.memory_space<hbm>>
    %dma_wait3A_2272 = arith.constant 0 : i32
    %dma_wait3A_2273 = tpu.memref_slice %arg4[%add3A_2163, %dma_wait3A_2272] : memref<229376x128xf32, #tpu.memory_space<hbm>> -> memref<256x128xf32, #tpu.memory_space<hbm>>
    %dma_wait3A_2274 = arith.constant 0 : i32
    %dma_wait3A_2275 = arith.constant 0 : i32
    %dma_wait3A_2276 = tpu.memref_slice %arg6[%dma_wait3A_2265, %dma_wait3A_2274, %dma_wait3A_2275] : memref<2x256x128xf32, #tpu.memory_space<vmem>> -> memref<1x256x128xf32, #tpu.memory_space<vmem>>
    %dma_wait3A_2277 = tpu.memref_squeeze %dma_wait3A_2276 : memref<1x256x128xf32, #tpu.memory_space<vmem>> -> memref<256x128xf32, #tpu.memory_space<vmem>>
    tpu.wait_dma2 semaphore(%arg9 : memref<!tpu.dma_semaphore, #tpu.memory_space<semaphore_mem>>) src(%dma_wait3A_2277 : memref<256x128xf32, #tpu.memory_space<vmem>>) dst(%dma_wait3A_2273 : memref<256x128xf32, #tpu.memory_space<hbm>>)
    %dma_start3A_2278 = arith.constant 52 : i32
    %dma_start3A_2279 = arith.constant 0 : i32
    %dma_start3A_2280 = arith.constant 0 : i32
    %dma_start3A_2281 = arith.constant 0 : i32
    %dma_start3A_2282 = tpu.memref_slice %arg6[%dma_start3A_2279, %dma_start3A_2280, %dma_start3A_2281] : memref<2x256x128xf32, #tpu.memory_space<vmem>> -> memref<1x256x128xf32, #tpu.memory_space<vmem>>
    %dma_start3A_2283 = tpu.memref_squeeze %dma_start3A_2282 : memref<1x256x128xf32, #tpu.memory_space<vmem>> -> memref<256x128xf32, #tpu.memory_space<vmem>>
    %dma_start3A_2284 = arith.constant 0 : i32
    %dma_start3A_2285 = arith.constant 0 : i32
    %dma_start3A_2286 = tpu.memref_slice %dma_start3A_2283[%dma_start3A_2284, %dma_start3A_2285] : memref<256x128xf32, #tpu.memory_space<vmem>> -> memref<128x128xf32, #tpu.memory_space<vmem>>
    %dma_start3A_2287 = arith.constant 0 : i32
    %dma_start3A_2288 = tpu.memref_slice %arg5[%dma_start3A_2278, %dma_start3A_2287] : memref<56x128xi32, #tpu.memory_space<vmem>> -> memref<1x128xi32, #tpu.memory_space<vmem>>
    %dma_start3A_2289 = tpu.memref_squeeze %dma_start3A_2288 : memref<1x128xi32, #tpu.memory_space<vmem>> -> memref<128xi32, #tpu.memory_space<vmem>>
    %dma_start3A_2290 = arith.constant 0 : i32
    %dma_start3A_2291 = arith.constant 0 : i32
    %dma_start3A_2292 = tpu.memref_slice %arg2[%dma_start3A_2290, %dma_start3A_2291] : memref<100001x128xf32, #tpu.memory_space<hbm>> -> memref<100001x128xf32, #tpu.memory_space<hbm>>
    tpu.enqueue_indirect_dma source(%dma_start3A_2292 : memref<100001x128xf32, #tpu.memory_space<hbm>>) target(%dma_start3A_2286 : memref<128x128xf32, #tpu.memory_space<vmem>>) offsets(%dma_start3A_2289 : memref<128xi32, #tpu.memory_space<vmem>>) semaphore(%arg7 : memref<!tpu.dma_semaphore, #tpu.memory_space<semaphore_mem>>)
    %dma_start3A_2293 = arith.constant 53 : i32
    %dma_start3A_2294 = arith.constant 0 : i32
    %dma_start3A_2295 = arith.constant 0 : i32
    %dma_start3A_2296 = arith.constant 0 : i32
    %dma_start3A_2297 = tpu.memref_slice %arg6[%dma_start3A_2294, %dma_start3A_2295, %dma_start3A_2296] : memref<2x256x128xf32, #tpu.memory_space<vmem>> -> memref<1x256x128xf32, #tpu.memory_space<vmem>>
    %dma_start3A_2298 = tpu.memref_squeeze %dma_start3A_2297 : memref<1x256x128xf32, #tpu.memory_space<vmem>> -> memref<256x128xf32, #tpu.memory_space<vmem>>
    %dma_start3A_2299 = arith.constant 128 : i32
    %dma_start3A_2300 = arith.constant 0 : i32
    %dma_start3A_2301 = tpu.memref_slice %dma_start3A_2298[%dma_start3A_2299, %dma_start3A_2300] : memref<256x128xf32, #tpu.memory_space<vmem>> -> memref<128x128xf32, #tpu.memory_space<vmem>>
    %dma_start3A_2302 = arith.constant 0 : i32
    %dma_start3A_2303 = tpu.memref_slice %arg5[%dma_start3A_2293, %dma_start3A_2302] : memref<56x128xi32, #tpu.memory_space<vmem>> -> memref<1x128xi32, #tpu.memory_space<vmem>>
    %dma_start3A_2304 = tpu.memref_squeeze %dma_start3A_2303 : memref<1x128xi32, #tpu.memory_space<vmem>> -> memref<128xi32, #tpu.memory_space<vmem>>
    %dma_start3A_2305 = arith.constant 0 : i32
    %dma_start3A_2306 = arith.constant 0 : i32
    %dma_start3A_2307 = tpu.memref_slice %arg2[%dma_start3A_2305, %dma_start3A_2306] : memref<100001x128xf32, #tpu.memory_space<hbm>> -> memref<100001x128xf32, #tpu.memory_space<hbm>>
    tpu.enqueue_indirect_dma source(%dma_start3A_2307 : memref<100001x128xf32, #tpu.memory_space<hbm>>) target(%dma_start3A_2301 : memref<128x128xf32, #tpu.memory_space<vmem>>) offsets(%dma_start3A_2304 : memref<128xi32, #tpu.memory_space<vmem>>) semaphore(%arg7 : memref<!tpu.dma_semaphore, #tpu.memory_space<semaphore_mem>>)
    %dma_wait3A_2308 = arith.constant 52 : i32
    %dma_wait3A_2309 = arith.constant 0 : i32
    %dma_wait3A_2310 = arith.constant 0 : i32
    %dma_wait3A_2311 = arith.constant 0 : i32
    %dma_wait3A_2312 = tpu.memref_slice %arg6[%dma_wait3A_2309, %dma_wait3A_2310, %dma_wait3A_2311] : memref<2x256x128xf32, #tpu.memory_space<vmem>> -> memref<1x256x128xf32, #tpu.memory_space<vmem>>
    %dma_wait3A_2313 = tpu.memref_squeeze %dma_wait3A_2312 : memref<1x256x128xf32, #tpu.memory_space<vmem>> -> memref<256x128xf32, #tpu.memory_space<vmem>>
    %dma_wait3A_2314 = arith.constant 0 : i32
    %dma_wait3A_2315 = arith.constant 0 : i32
    %dma_wait3A_2316 = tpu.memref_slice %dma_wait3A_2313[%dma_wait3A_2314, %dma_wait3A_2315] : memref<256x128xf32, #tpu.memory_space<vmem>> -> memref<128x128xf32, #tpu.memory_space<vmem>>
    %dma_wait3A_2317 = arith.constant 0 : i32
    %dma_wait3A_2318 = tpu.memref_slice %arg5[%dma_wait3A_2308, %dma_wait3A_2317] : memref<56x128xi32, #tpu.memory_space<vmem>> -> memref<1x128xi32, #tpu.memory_space<vmem>>
    %dma_wait3A_2319 = tpu.memref_squeeze %dma_wait3A_2318 : memref<1x128xi32, #tpu.memory_space<vmem>> -> memref<128xi32, #tpu.memory_space<vmem>>
    %dma_wait3A_2320 = arith.constant 0 : i32
    %dma_wait3A_2321 = arith.constant 0 : i32
    %dma_wait3A_2322 = tpu.memref_slice %arg2[%dma_wait3A_2320, %dma_wait3A_2321] : memref<100001x128xf32, #tpu.memory_space<hbm>> -> memref<100001x128xf32, #tpu.memory_space<hbm>>
    tpu.wait_indirect_dma semaphore(%arg7 : memref<!tpu.dma_semaphore, #tpu.memory_space<semaphore_mem>>) src(%dma_wait3A_2322 : memref<100001x128xf32, #tpu.memory_space<hbm>>) dst(%dma_wait3A_2316 : memref<128x128xf32, #tpu.memory_space<vmem>>)
    %dma_wait3A_2323 = arith.constant 53 : i32
    %dma_wait3A_2324 = arith.constant 0 : i32
    %dma_wait3A_2325 = arith.constant 0 : i32
    %dma_wait3A_2326 = arith.constant 0 : i32
    %dma_wait3A_2327 = tpu.memref_slice %arg6[%dma_wait3A_2324, %dma_wait3A_2325, %dma_wait3A_2326] : memref<2x256x128xf32, #tpu.memory_space<vmem>> -> memref<1x256x128xf32, #tpu.memory_space<vmem>>
    %dma_wait3A_2328 = tpu.memref_squeeze %dma_wait3A_2327 : memref<1x256x128xf32, #tpu.memory_space<vmem>> -> memref<256x128xf32, #tpu.memory_space<vmem>>
    %dma_wait3A_2329 = arith.constant 128 : i32
    %dma_wait3A_2330 = arith.constant 0 : i32
    %dma_wait3A_2331 = tpu.memref_slice %dma_wait3A_2328[%dma_wait3A_2329, %dma_wait3A_2330] : memref<256x128xf32, #tpu.memory_space<vmem>> -> memref<128x128xf32, #tpu.memory_space<vmem>>
    %dma_wait3A_2332 = arith.constant 0 : i32
    %dma_wait3A_2333 = tpu.memref_slice %arg5[%dma_wait3A_2323, %dma_wait3A_2332] : memref<56x128xi32, #tpu.memory_space<vmem>> -> memref<1x128xi32, #tpu.memory_space<vmem>>
    %dma_wait3A_2334 = tpu.memref_squeeze %dma_wait3A_2333 : memref<1x128xi32, #tpu.memory_space<vmem>> -> memref<128xi32, #tpu.memory_space<vmem>>
    %dma_wait3A_2335 = arith.constant 0 : i32
    %dma_wait3A_2336 = arith.constant 0 : i32
    %dma_wait3A_2337 = tpu.memref_slice %arg2[%dma_wait3A_2335, %dma_wait3A_2336] : memref<100001x128xf32, #tpu.memory_space<hbm>> -> memref<100001x128xf32, #tpu.memory_space<hbm>>
    tpu.wait_indirect_dma semaphore(%arg7 : memref<!tpu.dma_semaphore, #tpu.memory_space<semaphore_mem>>) src(%dma_wait3A_2337 : memref<100001x128xf32, #tpu.memory_space<hbm>>) dst(%dma_wait3A_2331 : memref<128x128xf32, #tpu.memory_space<vmem>>)
    %add3A_2338 = arith.constant 6656 : i32
    %add3A_2339 = arith.addi %mul3A_2, %add3A_2338 : i32
    %dma_start3A_2340 = arith.constant 0 : i32
    %dma_start3A_2341 = arith.constant 0 : i32
    %dma_start3A_2342 = arith.constant 0 : i32
    %dma_start3A_2343 = tpu.memref_slice %arg6[%dma_start3A_2340, %dma_start3A_2341, %dma_start3A_2342] : memref<2x256x128xf32, #tpu.memory_space<vmem>> -> memref<1x256x128xf32, #tpu.memory_space<vmem>>
    %dma_start3A_2344 = tpu.memref_squeeze %dma_start3A_2343 : memref<1x256x128xf32, #tpu.memory_space<vmem>> -> memref<256x128xf32, #tpu.memory_space<vmem>>
    %dma_start3A_2345 = arith.constant 0 : i32
    %dma_start3A_2346 = tpu.memref_slice %arg4[%add3A_2339, %dma_start3A_2345] : memref<229376x128xf32, #tpu.memory_space<hbm>> -> memref<256x128xf32, #tpu.memory_space<hbm>>
    %dma_start3A_2347 = arith.constant 0 : i32
    %dma_start3A_2348 = tpu.memref_slice %arg4[%add3A_2339, %dma_start3A_2347] : memref<229376x128xf32, #tpu.memory_space<hbm>> -> memref<256x128xf32, #tpu.memory_space<hbm>>
    %dma_start3A_2349 = arith.constant 0 : i32
    %dma_start3A_2350 = arith.constant 0 : i32
    %dma_start3A_2351 = tpu.memref_slice %arg6[%dma_start3A_2340, %dma_start3A_2349, %dma_start3A_2350] : memref<2x256x128xf32, #tpu.memory_space<vmem>> -> memref<1x256x128xf32, #tpu.memory_space<vmem>>
    %dma_start3A_2352 = tpu.memref_squeeze %dma_start3A_2351 : memref<1x256x128xf32, #tpu.memory_space<vmem>> -> memref<256x128xf32, #tpu.memory_space<vmem>>
    tpu.enqueue_dma source(%dma_start3A_2352 : memref<256x128xf32, #tpu.memory_space<vmem>>) target(%dma_start3A_2348 : memref<256x128xf32, #tpu.memory_space<hbm>>) target_semaphore(%arg9 : memref<!tpu.dma_semaphore, #tpu.memory_space<semaphore_mem>>)
    %dma_wait3A_2353 = arith.constant 1 : i32
    %dma_wait3A_2354 = arith.constant 0 : i32
    %dma_wait3A_2355 = arith.constant 0 : i32
    %dma_wait3A_2356 = tpu.memref_slice %arg6[%dma_wait3A_2353, %dma_wait3A_2354, %dma_wait3A_2355] : memref<2x256x128xf32, #tpu.memory_space<vmem>> -> memref<1x256x128xf32, #tpu.memory_space<vmem>>
    %dma_wait3A_2357 = tpu.memref_squeeze %dma_wait3A_2356 : memref<1x256x128xf32, #tpu.memory_space<vmem>> -> memref<256x128xf32, #tpu.memory_space<vmem>>
    %dma_wait3A_2358 = arith.constant 0 : i32
    %dma_wait3A_2359 = tpu.memref_slice %arg4[%add3A_2251, %dma_wait3A_2358] : memref<229376x128xf32, #tpu.memory_space<hbm>> -> memref<256x128xf32, #tpu.memory_space<hbm>>
    %dma_wait3A_2360 = arith.constant 0 : i32
    %dma_wait3A_2361 = tpu.memref_slice %arg4[%add3A_2251, %dma_wait3A_2360] : memref<229376x128xf32, #tpu.memory_space<hbm>> -> memref<256x128xf32, #tpu.memory_space<hbm>>
    %dma_wait3A_2362 = arith.constant 0 : i32
    %dma_wait3A_2363 = arith.constant 0 : i32
    %dma_wait3A_2364 = tpu.memref_slice %arg6[%dma_wait3A_2353, %dma_wait3A_2362, %dma_wait3A_2363] : memref<2x256x128xf32, #tpu.memory_space<vmem>> -> memref<1x256x128xf32, #tpu.memory_space<vmem>>
    %dma_wait3A_2365 = tpu.memref_squeeze %dma_wait3A_2364 : memref<1x256x128xf32, #tpu.memory_space<vmem>> -> memref<256x128xf32, #tpu.memory_space<vmem>>
    tpu.wait_dma2 semaphore(%arg10 : memref<!tpu.dma_semaphore, #tpu.memory_space<semaphore_mem>>) src(%dma_wait3A_2365 : memref<256x128xf32, #tpu.memory_space<vmem>>) dst(%dma_wait3A_2361 : memref<256x128xf32, #tpu.memory_space<hbm>>)
    %dma_start3A_2366 = arith.constant 54 : i32
    %dma_start3A_2367 = arith.constant 1 : i32
    %dma_start3A_2368 = arith.constant 0 : i32
    %dma_start3A_2369 = arith.constant 0 : i32
    %dma_start3A_2370 = tpu.memref_slice %arg6[%dma_start3A_2367, %dma_start3A_2368, %dma_start3A_2369] : memref<2x256x128xf32, #tpu.memory_space<vmem>> -> memref<1x256x128xf32, #tpu.memory_space<vmem>>
    %dma_start3A_2371 = tpu.memref_squeeze %dma_start3A_2370 : memref<1x256x128xf32, #tpu.memory_space<vmem>> -> memref<256x128xf32, #tpu.memory_space<vmem>>
    %dma_start3A_2372 = arith.constant 0 : i32
    %dma_start3A_2373 = arith.constant 0 : i32
    %dma_start3A_2374 = tpu.memref_slice %dma_start3A_2371[%dma_start3A_2372, %dma_start3A_2373] : memref<256x128xf32, #tpu.memory_space<vmem>> -> memref<128x128xf32, #tpu.memory_space<vmem>>
    %dma_start3A_2375 = arith.constant 0 : i32
    %dma_start3A_2376 = tpu.memref_slice %arg5[%dma_start3A_2366, %dma_start3A_2375] : memref<56x128xi32, #tpu.memory_space<vmem>> -> memref<1x128xi32, #tpu.memory_space<vmem>>
    %dma_start3A_2377 = tpu.memref_squeeze %dma_start3A_2376 : memref<1x128xi32, #tpu.memory_space<vmem>> -> memref<128xi32, #tpu.memory_space<vmem>>
    %dma_start3A_2378 = arith.constant 0 : i32
    %dma_start3A_2379 = arith.constant 0 : i32
    %dma_start3A_2380 = tpu.memref_slice %arg2[%dma_start3A_2378, %dma_start3A_2379] : memref<100001x128xf32, #tpu.memory_space<hbm>> -> memref<100001x128xf32, #tpu.memory_space<hbm>>
    tpu.enqueue_indirect_dma source(%dma_start3A_2380 : memref<100001x128xf32, #tpu.memory_space<hbm>>) target(%dma_start3A_2374 : memref<128x128xf32, #tpu.memory_space<vmem>>) offsets(%dma_start3A_2377 : memref<128xi32, #tpu.memory_space<vmem>>) semaphore(%arg8 : memref<!tpu.dma_semaphore, #tpu.memory_space<semaphore_mem>>)
    %dma_start3A_2381 = arith.constant 55 : i32
    %dma_start3A_2382 = arith.constant 1 : i32
    %dma_start3A_2383 = arith.constant 0 : i32
    %dma_start3A_2384 = arith.constant 0 : i32
    %dma_start3A_2385 = tpu.memref_slice %arg6[%dma_start3A_2382, %dma_start3A_2383, %dma_start3A_2384] : memref<2x256x128xf32, #tpu.memory_space<vmem>> -> memref<1x256x128xf32, #tpu.memory_space<vmem>>
    %dma_start3A_2386 = tpu.memref_squeeze %dma_start3A_2385 : memref<1x256x128xf32, #tpu.memory_space<vmem>> -> memref<256x128xf32, #tpu.memory_space<vmem>>
    %dma_start3A_2387 = arith.constant 128 : i32
    %dma_start3A_2388 = arith.constant 0 : i32
    %dma_start3A_2389 = tpu.memref_slice %dma_start3A_2386[%dma_start3A_2387, %dma_start3A_2388] : memref<256x128xf32, #tpu.memory_space<vmem>> -> memref<128x128xf32, #tpu.memory_space<vmem>>
    %dma_start3A_2390 = arith.constant 0 : i32
    %dma_start3A_2391 = tpu.memref_slice %arg5[%dma_start3A_2381, %dma_start3A_2390] : memref<56x128xi32, #tpu.memory_space<vmem>> -> memref<1x128xi32, #tpu.memory_space<vmem>>
    %dma_start3A_2392 = tpu.memref_squeeze %dma_start3A_2391 : memref<1x128xi32, #tpu.memory_space<vmem>> -> memref<128xi32, #tpu.memory_space<vmem>>
    %dma_start3A_2393 = arith.constant 0 : i32
    %dma_start3A_2394 = arith.constant 0 : i32
    %dma_start3A_2395 = tpu.memref_slice %arg2[%dma_start3A_2393, %dma_start3A_2394] : memref<100001x128xf32, #tpu.memory_space<hbm>> -> memref<100001x128xf32, #tpu.memory_space<hbm>>
    tpu.enqueue_indirect_dma source(%dma_start3A_2395 : memref<100001x128xf32, #tpu.memory_space<hbm>>) target(%dma_start3A_2389 : memref<128x128xf32, #tpu.memory_space<vmem>>) offsets(%dma_start3A_2392 : memref<128xi32, #tpu.memory_space<vmem>>) semaphore(%arg8 : memref<!tpu.dma_semaphore, #tpu.memory_space<semaphore_mem>>)
    %dma_wait3A_2396 = arith.constant 54 : i32
    %dma_wait3A_2397 = arith.constant 1 : i32
    %dma_wait3A_2398 = arith.constant 0 : i32
    %dma_wait3A_2399 = arith.constant 0 : i32
    %dma_wait3A_2400 = tpu.memref_slice %arg6[%dma_wait3A_2397, %dma_wait3A_2398, %dma_wait3A_2399] : memref<2x256x128xf32, #tpu.memory_space<vmem>> -> memref<1x256x128xf32, #tpu.memory_space<vmem>>
    %dma_wait3A_2401 = tpu.memref_squeeze %dma_wait3A_2400 : memref<1x256x128xf32, #tpu.memory_space<vmem>> -> memref<256x128xf32, #tpu.memory_space<vmem>>
    %dma_wait3A_2402 = arith.constant 0 : i32
    %dma_wait3A_2403 = arith.constant 0 : i32
    %dma_wait3A_2404 = tpu.memref_slice %dma_wait3A_2401[%dma_wait3A_2402, %dma_wait3A_2403] : memref<256x128xf32, #tpu.memory_space<vmem>> -> memref<128x128xf32, #tpu.memory_space<vmem>>
    %dma_wait3A_2405 = arith.constant 0 : i32
    %dma_wait3A_2406 = tpu.memref_slice %arg5[%dma_wait3A_2396, %dma_wait3A_2405] : memref<56x128xi32, #tpu.memory_space<vmem>> -> memref<1x128xi32, #tpu.memory_space<vmem>>
    %dma_wait3A_2407 = tpu.memref_squeeze %dma_wait3A_2406 : memref<1x128xi32, #tpu.memory_space<vmem>> -> memref<128xi32, #tpu.memory_space<vmem>>
    %dma_wait3A_2408 = arith.constant 0 : i32
    %dma_wait3A_2409 = arith.constant 0 : i32
    %dma_wait3A_2410 = tpu.memref_slice %arg2[%dma_wait3A_2408, %dma_wait3A_2409] : memref<100001x128xf32, #tpu.memory_space<hbm>> -> memref<100001x128xf32, #tpu.memory_space<hbm>>
    tpu.wait_indirect_dma semaphore(%arg8 : memref<!tpu.dma_semaphore, #tpu.memory_space<semaphore_mem>>) src(%dma_wait3A_2410 : memref<100001x128xf32, #tpu.memory_space<hbm>>) dst(%dma_wait3A_2404 : memref<128x128xf32, #tpu.memory_space<vmem>>)
    %dma_wait3A_2411 = arith.constant 55 : i32
    %dma_wait3A_2412 = arith.constant 1 : i32
    %dma_wait3A_2413 = arith.constant 0 : i32
    %dma_wait3A_2414 = arith.constant 0 : i32
    %dma_wait3A_2415 = tpu.memref_slice %arg6[%dma_wait3A_2412, %dma_wait3A_2413, %dma_wait3A_2414] : memref<2x256x128xf32, #tpu.memory_space<vmem>> -> memref<1x256x128xf32, #tpu.memory_space<vmem>>
    %dma_wait3A_2416 = tpu.memref_squeeze %dma_wait3A_2415 : memref<1x256x128xf32, #tpu.memory_space<vmem>> -> memref<256x128xf32, #tpu.memory_space<vmem>>
    %dma_wait3A_2417 = arith.constant 128 : i32
    %dma_wait3A_2418 = arith.constant 0 : i32
    %dma_wait3A_2419 = tpu.memref_slice %dma_wait3A_2416[%dma_wait3A_2417, %dma_wait3A_2418] : memref<256x128xf32, #tpu.memory_space<vmem>> -> memref<128x128xf32, #tpu.memory_space<vmem>>
    %dma_wait3A_2420 = arith.constant 0 : i32
    %dma_wait3A_2421 = tpu.memref_slice %arg5[%dma_wait3A_2411, %dma_wait3A_2420] : memref<56x128xi32, #tpu.memory_space<vmem>> -> memref<1x128xi32, #tpu.memory_space<vmem>>
    %dma_wait3A_2422 = tpu.memref_squeeze %dma_wait3A_2421 : memref<1x128xi32, #tpu.memory_space<vmem>> -> memref<128xi32, #tpu.memory_space<vmem>>
    %dma_wait3A_2423 = arith.constant 0 : i32
    %dma_wait3A_2424 = arith.constant 0 : i32
    %dma_wait3A_2425 = tpu.memref_slice %arg2[%dma_wait3A_2423, %dma_wait3A_2424] : memref<100001x128xf32, #tpu.memory_space<hbm>> -> memref<100001x128xf32, #tpu.memory_space<hbm>>
    tpu.wait_indirect_dma semaphore(%arg8 : memref<!tpu.dma_semaphore, #tpu.memory_space<semaphore_mem>>) src(%dma_wait3A_2425 : memref<100001x128xf32, #tpu.memory_space<hbm>>) dst(%dma_wait3A_2419 : memref<128x128xf32, #tpu.memory_space<vmem>>)
    %add3A_2426 = arith.constant 6912 : i32
    %add3A_2427 = arith.addi %mul3A_2, %add3A_2426 : i32
    %dma_start3A_2428 = arith.constant 1 : i32
    %dma_start3A_2429 = arith.constant 0 : i32
    %dma_start3A_2430 = arith.constant 0 : i32
    %dma_start3A_2431 = tpu.memref_slice %arg6[%dma_start3A_2428, %dma_start3A_2429, %dma_start3A_2430] : memref<2x256x128xf32, #tpu.memory_space<vmem>> -> memref<1x256x128xf32, #tpu.memory_space<vmem>>
    %dma_start3A_2432 = tpu.memref_squeeze %dma_start3A_2431 : memref<1x256x128xf32, #tpu.memory_space<vmem>> -> memref<256x128xf32, #tpu.memory_space<vmem>>
    %dma_start3A_2433 = arith.constant 0 : i32
    %dma_start3A_2434 = tpu.memref_slice %arg4[%add3A_2427, %dma_start3A_2433] : memref<229376x128xf32, #tpu.memory_space<hbm>> -> memref<256x128xf32, #tpu.memory_space<hbm>>
    %dma_start3A_2435 = arith.constant 0 : i32
    %dma_start3A_2436 = tpu.memref_slice %arg4[%add3A_2427, %dma_start3A_2435] : memref<229376x128xf32, #tpu.memory_space<hbm>> -> memref<256x128xf32, #tpu.memory_space<hbm>>
    %dma_start3A_2437 = arith.constant 0 : i32
    %dma_start3A_2438 = arith.constant 0 : i32
    %dma_start3A_2439 = tpu.memref_slice %arg6[%dma_start3A_2428, %dma_start3A_2437, %dma_start3A_2438] : memref<2x256x128xf32, #tpu.memory_space<vmem>> -> memref<1x256x128xf32, #tpu.memory_space<vmem>>
    %dma_start3A_2440 = tpu.memref_squeeze %dma_start3A_2439 : memref<1x256x128xf32, #tpu.memory_space<vmem>> -> memref<256x128xf32, #tpu.memory_space<vmem>>
    tpu.enqueue_dma source(%dma_start3A_2440 : memref<256x128xf32, #tpu.memory_space<vmem>>) target(%dma_start3A_2436 : memref<256x128xf32, #tpu.memory_space<hbm>>) target_semaphore(%arg10 : memref<!tpu.dma_semaphore, #tpu.memory_space<semaphore_mem>>)
    %dma_wait3A_2441 = arith.constant 0 : i32
    %dma_wait3A_2442 = arith.constant 0 : i32
    %dma_wait3A_2443 = arith.constant 0 : i32
    %dma_wait3A_2444 = tpu.memref_slice %arg6[%dma_wait3A_2441, %dma_wait3A_2442, %dma_wait3A_2443] : memref<2x256x128xf32, #tpu.memory_space<vmem>> -> memref<1x256x128xf32, #tpu.memory_space<vmem>>
    %dma_wait3A_2445 = tpu.memref_squeeze %dma_wait3A_2444 : memref<1x256x128xf32, #tpu.memory_space<vmem>> -> memref<256x128xf32, #tpu.memory_space<vmem>>
    %dma_wait3A_2446 = arith.constant 0 : i32
    %dma_wait3A_2447 = tpu.memref_slice %arg4[%add3A_2339, %dma_wait3A_2446] : memref<229376x128xf32, #tpu.memory_space<hbm>> -> memref<256x128xf32, #tpu.memory_space<hbm>>
    %dma_wait3A_2448 = arith.constant 0 : i32
    %dma_wait3A_2449 = tpu.memref_slice %arg4[%add3A_2339, %dma_wait3A_2448] : memref<229376x128xf32, #tpu.memory_space<hbm>> -> memref<256x128xf32, #tpu.memory_space<hbm>>
    %dma_wait3A_2450 = arith.constant 0 : i32
    %dma_wait3A_2451 = arith.constant 0 : i32
    %dma_wait3A_2452 = tpu.memref_slice %arg6[%dma_wait3A_2441, %dma_wait3A_2450, %dma_wait3A_2451] : memref<2x256x128xf32, #tpu.memory_space<vmem>> -> memref<1x256x128xf32, #tpu.memory_space<vmem>>
    %dma_wait3A_2453 = tpu.memref_squeeze %dma_wait3A_2452 : memref<1x256x128xf32, #tpu.memory_space<vmem>> -> memref<256x128xf32, #tpu.memory_space<vmem>>
    tpu.wait_dma2 semaphore(%arg9 : memref<!tpu.dma_semaphore, #tpu.memory_space<semaphore_mem>>) src(%dma_wait3A_2453 : memref<256x128xf32, #tpu.memory_space<vmem>>) dst(%dma_wait3A_2449 : memref<256x128xf32, #tpu.memory_space<hbm>>)
    %dma_wait3A_2454 = arith.constant 1 : i32
    %dma_wait3A_2455 = arith.constant 0 : i32
    %dma_wait3A_2456 = arith.constant 0 : i32
    %dma_wait3A_2457 = tpu.memref_slice %arg6[%dma_wait3A_2454, %dma_wait3A_2455, %dma_wait3A_2456] : memref<2x256x128xf32, #tpu.memory_space<vmem>> -> memref<1x256x128xf32, #tpu.memory_space<vmem>>
    %dma_wait3A_2458 = tpu.memref_squeeze %dma_wait3A_2457 : memref<1x256x128xf32, #tpu.memory_space<vmem>> -> memref<256x128xf32, #tpu.memory_space<vmem>>
    %dma_wait3A_2459 = arith.constant 0 : i32
    %dma_wait3A_2460 = tpu.memref_slice %arg4[%add3A_2427, %dma_wait3A_2459] : memref<229376x128xf32, #tpu.memory_space<hbm>> -> memref<256x128xf32, #tpu.memory_space<hbm>>
    %dma_wait3A_2461 = arith.constant 0 : i32
    %dma_wait3A_2462 = tpu.memref_slice %arg4[%add3A_2427, %dma_wait3A_2461] : memref<229376x128xf32, #tpu.memory_space<hbm>> -> memref<256x128xf32, #tpu.memory_space<hbm>>
    %dma_wait3A_2463 = arith.constant 0 : i32
    %dma_wait3A_2464 = arith.constant 0 : i32
    %dma_wait3A_2465 = tpu.memref_slice %arg6[%dma_wait3A_2454, %dma_wait3A_2463, %dma_wait3A_2464] : memref<2x256x128xf32, #tpu.memory_space<vmem>> -> memref<1x256x128xf32, #tpu.memory_space<vmem>>
    %dma_wait3A_2466 = tpu.memref_squeeze %dma_wait3A_2465 : memref<1x256x128xf32, #tpu.memory_space<vmem>> -> memref<256x128xf32, #tpu.memory_space<vmem>>
    tpu.wait_dma2 semaphore(%arg10 : memref<!tpu.dma_semaphore, #tpu.memory_space<semaphore_mem>>) src(%dma_wait3A_2466 : memref<256x128xf32, #tpu.memory_space<vmem>>) dst(%dma_wait3A_2462 : memref<256x128xf32, #tpu.memory_space<hbm>>)
    return
  }
}

</mosaic_0001>

<sc_bundles>
// kernel: kernel.3.cloned.1.call-start
scs
__scs_entry_jumppad:
0x0: {  	(pc) =	sbr.rel $0x88, $3  }
0x1: {  	(tag) =	ssettag $0x0;
	lr =	simm.s32 $0x1  }
0x2: {  	[smem:$0x3F9F] =	sst lr;
	_ =	strace $0xD0000000  }
0x3: {  	_ = 	snop  }
0x4: {  	_ = 	snop  }
0x5: {  	_ = 	snop  }
0x6: {  	_ = 	snop  }
0x7: {  	_ = 	snop  }
__scs_overlays_trampoline_lowered:
0x8: {  	[smem:$0x3FAE] =	sst s0  }
0x9: {  	[smem:$0x3FAF] =	sst s1  }
0xa: {  	[smem:$0x3FB0] =	sst s2  }
0xb: {  	[smem:$0x3FB1] =	sst s3  }
0xc: {  	[smem:$0x3FB2] =	sst s4  }
0xd: {  	[smem:$0x3FB3] =	sst s5  }
0xe: {  	[smem:$0x3FB4] =	sst s6  }
0xf: {  	[smem:$0x3FB5] =	sst s7  }
0x10: {  	[smem:$0x3FB6] =	sst s8  }
0x11: {  	[smem:$0x3FB7] =	sst s9;
	s0 =	simm.s32 @!p0 $0x0  }
0x12: {  	s1 =	sld [smem:$0x3F9D];
	s0 =	simm.s32 @p0 $0x1  }
0x13: {  	[smem:$0x3FB8] =	sst s0;
	s0 =	simm.s32 @!p1 $0x0  }
0x14: {  	s2 =	sld [smem:$0x3F9C];
	s0 =	simm.s32 @p1 $0x1  }
0x15: {  	[smem:$0x3FB9] =	sst s0;
	s0 =	simm.s32 @!p2 $0x0  }
0x16: {  	s3 =	sld [smem:$0x3FDB];
	s0 =	simm.s32 @p2 $0x1  }
0x17: {  	s4 =	simm.s32 $0x1BF5;
	[smem:$0x3FBB] =	sst s0  }
0x18: {  	s0 =	sld [smem:$0x3F9E];
	_ =	swait.ge [sflag:s4], $0x0  }
0x19: {  	s7 =	sld [smem:$0x3F9F]  }
0x1a: {  	s8 =	sadd.s32 $0xFFFFE003, lr  }
0x1b: {  	s9 =	sadd.s32 $0xFFFFFEF7, lr;
	s5 =	simm.s32 $0xFFFFFFFF;
	p2 =	slt.u32 s8, $0xFFFFF086  }
0x1c: {  	p1 =	slt.u32 s9, $0xF7A;
	s5 =	simm.s32 @!p2 $0x0  }
0x1d: {  	s5 =	simm.s32 @p1 $0x1;
	p0 =	seq.s32 s7, s2  }
0x1e: {  	s7 =	smul.u32 @!p0 $0xF7A, s2;
	p2 =	seq.s32 @!p0 s5, $0x0  }
0x1f: {  	s9 =	smul.u32 $0xF7A, s1;
	s8 =	simm.s32 @!p0 $0x1BF5;
	p2 =	por !p2, p0  }
0x20: {  	[sflag:s8] =	ssyncset.s32 @!p0 $0xFFFFF086;
	s6 =	sadd.s32 @!p0 s3, s7;
	s7 =	simm.s32 @!p0 $0x108  }
0x21: {  	s3 =	sadd.s32 s3, s9;
	s6 =	sadd.s32 @!p0 $0x88, s6;
	s7 =	simm.s32 @p2 $0x1082  }
0x22: {  	[simem:s7], [sflag:s8] =	dma.local @!p0 [hbm:s6], $0xF7A  }
0x23: {  	s9 =	sor.u32 $0xD0000000, s2;
	s6 =	simm.s32 $0x108;
	_ =	swait.ge @!p0 [sflag:s8], $0x0  }
0x24: {  	s3 =	sadd.s32 $0x88, s3;
	s6 =	simm.s32 @!p1 $0x1082;
	[sflag:s4] =	ssyncset.s32 $0xFFFFF086  }
0x25: {  	[simem:s6], [sflag:s4] =	dma.local [hbm:s3], $0xF7A  }
0x26: {  	[smem:$0x3F9F] =	sst s1;
	(tag) =	ssettag s2;
	_ =	strace s9  }
0x27: {  	s1 =	sld [smem:$0x3FAF]  }
0x28: {  	s2 =	sld [smem:$0x3FB0]  }
0x29: {  	s4 =	sld [smem:$0x3FB2]  }
0x2a: {  	p0 =	seq.s32 s5, $0x0;
	s5 =	sld [smem:$0x3FB3]  }
0x2b: {  	s6 =	sld [smem:$0x3FB4]  }
0x2c: {  	s7 =	sld [smem:$0x3FB5]  }
0x2d: {  	s3 =	simm.s32 $0x108;
	s8 =	sld [smem:$0x3FB6]  }
0x2e: {  	s3 =	simm.s32 @!p0 $0x1082;
	s9 =	sld [smem:$0x3FB7]  }
0x2f: {  	lr =	sadd.s32 s0, s3;
	s0 =	sld [smem:$0x3FAE]  }
0x30: {  	s3 =	sld [smem:$0x3FB1]  }
0x31: {  	[smem:$0x3FBA] =	sst s10  }
0x32: {  	s10 =	sld [smem:$0x3FB8];
	_ =	sdelay $0x3  }
0x33: {  	p0 =	seq.s32 s10, $0x1;
	s10 =	sld [smem:$0x3FBA];
	_ =	sdelay $0x3  }
0x34: {  	[smem:$0x3FBA] =	sst s10  }
0x35: {  	s10 =	sld [smem:$0x3FB9];
	_ =	sdelay $0x3  }
0x36: {  	p1 =	seq.s32 s10, $0x1;
	s10 =	sld [smem:$0x3FBA];
	_ =	sdelay $0x3  }
0x37: {  	[smem:$0x3FBA] =	sst s10  }
0x38: {  	s10 =	sld [smem:$0x3FBB]  }
0x39: {  	_ = 	snop;
	(pc) =	sbr.ind lr, $3  }
0x3a: {  	_ = 	snop  }
0x3b: {  	_ = 	snop  }
0x3c: {  	p2 =	seq.s32 s10, $0x1;
	s10 =	sld [smem:$0x3FBA]  }
0x3d: {  	_ =	shalt  }
0x3e: {  	_ =	shalt  }
0x3f: {  	_ =	shalt  }
0x40: {  	_ =	shalt  }
0x41: {  	_ =	shalt  }
0x42: {  	_ =	shalt  }
0x43: {  	_ =	shalt  }
0x44: {  	_ =	shalt  }
0x45: {  	_ =	shalt  }
0x46: {  	_ =	shalt  }
0x47: {  	_ =	shalt  }
0x48: {  	_ =	shalt  }
0x49: {  	_ =	shalt  }
0x4a: {  	_ =	shalt  }
0x4b: {  	_ =	shalt  }
0x4c: {  	_ =	shalt  }
0x4d: {  	_ =	shalt  }
0x4e: {  	_ =	shalt  }
0x4f: {  	_ =	shalt  }
0x50: {  	_ =	shalt  }
0x51: {  	_ =	shalt  }
0x52: {  	_ =	shalt  }
0x53: {  	_ =	shalt  }
0x54: {  	_ =	shalt  }
0x55: {  	_ =	shalt  }
0x56: {  	_ =	shalt  }
0x57: {  	_ =	shalt  }
0x58: {  	_ =	shalt  }
0x59: {  	_ =	shalt  }
0x5a: {  	_ =	shalt  }
0x5b: {  	_ =	shalt  }
0x5c: {  	_ =	shalt  }
0x5d: {  	_ =	shalt  }
0x5e: {  	_ =	shalt  }
0x5f: {  	_ =	shalt  }
0x60: {  	_ =	shalt  }
0x61: {  	_ =	shalt  }
0x62: {  	_ =	shalt  }
0x63: {  	_ =	shalt  }
0x64: {  	_ =	shalt  }
0x65: {  	_ =	shalt  }
0x66: {  	_ =	shalt  }
0x67: {  	_ =	shalt  }
0x68: {  	_ =	shalt  }
0x69: {  	_ =	shalt  }
0x6a: {  	_ =	shalt  }
0x6b: {  	_ =	shalt  }
0x6c: {  	_ =	shalt  }
0x6d: {  	_ =	shalt  }
0x6e: {  	_ =	shalt  }
0x6f: {  	_ =	shalt  }
0x70: {  	_ =	shalt  }
0x71: {  	_ =	shalt  }
0x72: {  	_ =	shalt  }
0x73: {  	_ =	shalt  }
0x74: {  	_ =	shalt  }
0x75: {  	_ =	shalt  }
0x76: {  	_ =	shalt  }
0x77: {  	_ =	shalt  }
0x78: {  	_ =	shalt  }
0x79: {  	_ =	shalt  }
0x7a: {  	_ =	shalt  }
0x7b: {  	_ =	shalt  }
0x7c: {  	_ =	shalt  }
0x7d: {  	_ =	shalt  }
0x7e: {  	_ =	shalt  }
0x7f: {  	_ =	shalt  }
0x80: {  	_ =	shalt  }
0x81: {  	_ =	shalt  }
0x82: {  	_ =	shalt  }
0x83: {  	_ =	shalt  }
0x84: {  	_ =	shalt  }
0x85: {  	_ =	shalt  }
0x86: {  	_ =	shalt  }
0x87: {  	_ =	shalt  }
.Lfunc_end0:
.L_simem_size_0:
called_computation.1_lowered:
.L_overlay_start_0:
0x88: {  	s2 =	sld [smem:$0x3FD9]  }
0x89: {  	s3 =	sld [smem:$0x3FFE];
	_ =	sdelay $0x1  }
0x8a: {  	s1 =	srdreg.scid  }
0x8b: {  	s0 =	sand.u32 $0x1, s1  }
0x8c: {  	s16 =	sshll.u32 s0, $0xA;
	s2 =	sadd.s32 s3, s2  }
0x8d: {  	s2 =	sadd.s32 s2, s16  }
0x8e: {  	[smem:$0x3FC6] =	sst s2  }
0x8f: {  	_ = 	snop  }
0x90: {  	(tm) =	ssettm $0x1  }
0x91: {  	s17 =	sld [smem:$0x3FFB];
	_ =	sdelay $0x3  }
0x92: {  	_ =	strace s17  }
0x93: {  	s2 =	sld [smem:$0x3FFC];
	_ =	sdelay $0x3  }
0x94: {  	_ =	strace s2  }
0x95: {  	s2 =	sld [smem:$0x3FFD];
	_ =	sdelay $0x3  }
0x96: {  	_ =	strace s2  }
0x97: {  	_ =	strace $0x8FFFFFFF  }
0x98: {  	s18 =	sld [smem:$0x3FDB];
	_ =	sdelay $0x1  }
0x99: {  	s19 =	simm.s32 $_scs_section_size  }
0x9a: {  	s4 =	simm.s32 $_size__tile_overlayer_lowered;
	s5 =	simm.s32 $_tile_overlayer_lowered  }
0x9b: {  	s22 =	simm.s32 $0x1BFF;
	s21 =	sshll.u32 s5, $0x1;
	s2 =	sadd.s32 s19, s18  }
0x9c: {  	s6 =	simm.s32 $0x0;
	s20 =	sshll.u32 s4, $0x1;
	s4 =	sadd.s32 s21, s2  }
0x9d: {  	[timem:s6], [sflag:s22] =	dma.local [hbm:s4], s20  }
0x9e: {  	_ =	swait.ge [sflag:s22], s20  }
0x9f: {  	s3 =	ssub.s32 $0x0, s20;
	[sflag:s22] =	ssyncset.done $0x0  }
0xa0: {  	[sflag:s22] =	ssyncadd.s32 s3;
	_ =	sdelay $0x1  }
0xa1: {  	s23 =	simm.s32 $0x1B8B  }
0xa2: {  	_ =	swait.ge [sflag:s23], $0x1  }
0xa3: {  	[sflag:s23] =	ssyncset.done $0x0  }
0xa4: {  	s25 =	simm.s32 $0x1B8E;
	s24 =	sld [smem:$0x3FFE];
	[sflag:s23] =	ssyncadd.s32 $0xFFFFFFFF  }
0xa5: {  	s26 =	simm.s32 $execute0_lowered;
	[smem:$0x3FD2] =	sst s25  }
0xa6: {  	s4 =	sshll.u32 s26, $0x1;
	_ =	strace $0x80000046;
	[dreg:$0x1] =	wrdreg $0xFFFFFFFF  }
0xa7: {  	s28 =	simm.s32 $_size_execute0_lowered;
	s2 =	sadd.s32 s2, s4;
	[dreg:$0x0] =	wrdreg $0x0  }
0xa8: {  	s4 =	sshll.u32 s28, $0x1;
	[dreg:$0x2] =	wrdreg s2  }
0xa9: {  	[dreg:$0x3] =	wrdreg s4  }
0xaa: {  	[dreg:$0x4] =	wrdreg $0xC0  }
0xab: {  	_ =	task [dreg:s6], $0x5FFFF  }
0xac: {  	[dreg:$0x1] =	wrdreg $0xFFFFFFFF  }
0xad: {  	[dreg:$0x0] =	wrdreg $0x60  }
0xae: {  	[dreg:$0x2] =	wrdreg s24  }
0xaf: {  	[dreg:$0x3] =	wrdreg $0x9  }
0xb0: {  	_ =	task.clear_ibuf [dreg:s6], $0x4FFFF;
	_ =	strace $0x90000046  }
0xb1: {  	s29 =	simm.s32 $0x9;
	_ =	strace $0x80000048  }
0xb2: {  	_ =	swait.ge [sflag:s29], $0x1  }
0xb3: {  	[sflag:s29] =	ssyncadd.s32 $0xFFFFFFFF  }
0xb4: {  	_ =	strace $0x90000048  }
0xb5: {  	_ =	sfence  }
0xb6: {  	s30 =	sld [smem:$0x0];
	_ =	sdelay $0x2  }
0xb7: {  	s31 =	sshll.u32 s1, $0xD;
	s1 =	sshrl.u32 s1, $0x2  }
0xb8: {  	s3 =	sand.u32 $0x4000, s31;
	s1 =	sadd.s32 s1, s30  }
0xb9: {  	s0 =	sor.u32 s3, s0;
	s1 =	sshll.u32 s1, $0x11  }
0xba: {  	s0 =	sor.u32 s1, s0  }
0xbb: {  	s0 =	sadd.s32 $0x8F2B, s0  }
0xbc: {  	[sflag:s0] =	ssyncadd.remote.s32 $0x1  }
0xbd: {  	_ =	sfence.sel $0xFFFF  }
0xbe: {  	[dreg:$0x0] =	wrdreg $0xFFFFFFFF;
	(pc) =	sbr.abs _section_cstart, $3  }
0xbf: {  	[dreg:$0x1] =	wrdreg $0xFFFFFFFF  }
0xc0: {  	_ =	task.clear_ibuf [dreg:s6], $0x2FFFF;
	_ =	strace $0x9FFFFFFF  }
0xc1: {  	(tm) =	ssettm $0x7FFFFFFF  }
tec
execute0_lowered:
.L_overlay_start_1:
0x0: {  	(tag) =	ssettag $0x1  }
0x1: {  	s0 =	srdreg.scid;
	s13 =	stileid.u32  }
0x2: {  	s1 =	sand.u32 $0x1, s0;
	s24 =	sshll.u32 s13, $0x1  }
0x3: {  	s0 =	sor.u32 s1, s24  }
0x4: {  	s4 =	smul.u32 $0x380, s0  }
0x5: {  	s3 =	rddreg [dreg:$0x0];
	s2 =	simm.s32 $0x0;
	s5 =	smul.u32 $0x1C000, s0  }
0x6: {  	[smem:$0x7FF] =	sst s2;
	s6 =	sadd.s32 $0x18E400, s3;
	s4 =	sadd.s32 s4, s3  }
0x7: {  	s0 =	smul.u32 $0xE0000, s0;
	s30 =	sadd.s32 s6, s5;
	s4 =	sadd.s32 $0x800, s4  }
0x8: {  	_ =	strace $0x80000047;
	s25 =	sadd.s32 $0x1000, s30;
	[dreg:$0x2] =	wrdreg s4  }
0x9: {  	s0 =	sshrl.u32 s0, $0x3;
	s26 =	sadd.s32 $0x2000, s30;
	[dreg:$0x3] =	wrdreg s25  }
0xa: {  	s5 =	sadd.s32 $0x3000, s30;
	s0 =	sadd.s32 s6, s0;
	[dreg:$0x4] =	wrdreg s26  }
0xb: {  	[dreg:$0x5] =	wrdreg s5;
	s7 =	sadd.s32 $0x4000, s0  }
0xc: {  	s8 =	sadd.s32 $0x5000, s0;
	[dreg:$0x6] =	wrdreg s7  }
0xd: {  	s9 =	sadd.s32 $0x6000, s0;
	[dreg:$0x7] =	wrdreg s8  }
0xe: {  	s10 =	sadd.s32 $0x7000, s0;
	[dreg:$0x8] =	wrdreg s9  }
0xf: {  	s11 =	sadd.s32 $0x8000, s0;
	[dreg:$0x9] =	wrdreg s10  }
0x10: {  	s12 =	sadd.s32 $0x9000, s0;
	[dreg:$0xa] =	wrdreg s11  }
0x11: {  	s14 =	sadd.s32 $0xA000, s0;
	[dreg:$0xb] =	wrdreg s12  }
0x12: {  	s15 =	sadd.s32 $0xB000, s0;
	[dreg:$0xc] =	wrdreg s14  }
0x13: {  	s16 =	sadd.s32 $0xC000, s0;
	[dreg:$0xd] =	wrdreg s15  }
0x14: {  	s17 =	sadd.s32 $0xD000, s0;
	[dreg:$0xe] =	wrdreg s16  }
0x15: {  	s18 =	sadd.s32 $0xE000, s0;
	[dreg:$0xf] =	wrdreg s17  }
0x16: {  	s19 =	sadd.s32 $0xF000, s0;
	[dreg:$0x10] =	wrdreg s18  }
0x17: {  	s20 =	sadd.s32 $0x10000, s0;
	[dreg:$0x11] =	wrdreg s19  }
0x18: {  	s21 =	sadd.s32 $0x11000, s0;
	[dreg:$0x12] =	wrdreg s20  }
0x19: {  	s22 =	sadd.s32 $0x12000, s0;
	[dreg:$0x13] =	wrdreg s21  }
0x1a: {  	s23 =	sadd.s32 $0x13000, s0;
	[dreg:$0x14] =	wrdreg s22  }
0x1b: {  	s24 =	sadd.s32 $0x14000, s0;
	[dreg:$0x15] =	wrdreg s23  }
0x1c: {  	s25 =	sadd.s32 $0x15000, s0;
	[dreg:$0x16] =	wrdreg s24  }
0x1d: {  	s26 =	sadd.s32 $0x16000, s0;
	[dreg:$0x17] =	wrdreg s25  }
0x1e: {  	s5 =	sadd.s32 $0x17000, s0;
	[dreg:$0x18] =	wrdreg s26  }
0x1f: {  	s6 =	sadd.s32 $0x18000, s0;
	[dreg:$0x19] =	wrdreg s5  }
0x20: {  	s4 =	simm.s32 $0x980;
	[dreg:$0x1a] =	wrdreg s6  }
0x21: {  	s7 =	sadd.s32 $0x19000, s0;
	[smem:$0x7E9] =	sst s4  }
0x22: {  	s8 =	sadd.s32 $0x1A000, s0;
	[dreg:$0x1b] =	wrdreg s7  }
0x23: {  	s0 =	sadd.s32 $0x1B000, s0;
	[dreg:$0x1c] =	wrdreg s8  }
0x24: {  	s9 =	simm.s32 $0x100;
	[dreg:$0x1d] =	wrdreg s0  }
0x25: {  	s10 =	simm.s32 $0x180;
	[dreg:$0x1e] =	wrdreg s9  }
0x26: {  	s11 =	simm.s32 $0x200;
	[dreg:$0x1f] =	wrdreg s10  }
0x27: {  	s12 =	simm.s32 $0x280;
	[smem:$0x7DA] =	sst s11  }
0x28: {  	s14 =	simm.s32 $0x300;
	[smem:$0x7DB] =	sst s12  }
0x29: {  	s15 =	simm.s32 $0x380;
	[smem:$0x7DC] =	sst s14  }
0x2a: {  	s16 =	simm.s32 $0x400;
	[smem:$0x7DD] =	sst s15  }
0x2b: {  	s17 =	simm.s32 $0x480;
	[smem:$0x7DE] =	sst s16  }
0x2c: {  	s18 =	simm.s32 $0x500;
	[smem:$0x7DF] =	sst s17  }
0x2d: {  	s19 =	simm.s32 $0x580;
	[smem:$0x7E0] =	sst s18  }
0x2e: {  	s20 =	simm.s32 $0x600;
	[smem:$0x7E1] =	sst s19  }
0x2f: {  	s21 =	simm.s32 $0x680;
	[smem:$0x7E2] =	sst s20  }
0x30: {  	s22 =	simm.s32 $0x700;
	[smem:$0x7E3] =	sst s21  }
0x31: {  	s23 =	simm.s32 $0x780;
	[smem:$0x7E4] =	sst s22  }
0x32: {  	s24 =	simm.s32 $0x800;
	[smem:$0x7E5] =	sst s23  }
0x33: {  	s25 =	simm.s32 $0x880;
	[smem:$0x7E6] =	sst s24  }
0x34: {  	s26 =	simm.s32 $0x900;
	[smem:$0x7E7] =	sst s25  }
0x35: {  	s5 =	simm.s32 $0xA00;
	[smem:$0x7E8] =	sst s26  }
0x36: {  	s6 =	simm.s32 $0xA80;
	[smem:$0x7EA] =	sst s5  }
0x37: {  	[smem:$0x7EB] =	sst s6  }
0x38: {  	s7 =	simm.s32 $0xB00;
	s0 =	rddreg [dreg:$0x2]  }
0x39: {  	s31 =	simm.s32 $0x5;
	s8 =	simm.s32 $0xB80;
	[smem:$0x7EC] =	sst s7  }
0x3a: {  	s29 =	simm.s32 $0x1400;
	s9 =	simm.s32 $0xC00;
	[smem:$0x7ED] =	sst s8  }
0x3b: {  	s28 =	simm.s32 $0x1580;
	s10 =	simm.s32 $0xC80;
	[smem:$0x7EE] =	sst s9  }
0x3c: {  	p0 =	por $0x0, $0x0;
	s11 =	simm.s32 $0xD00;
	[smem:$0x7EF] =	sst s10  }
0x3d: {  	s1 =	ssub.s32 $0x2, s1;
	s14 =	simm.s32 $0xD80;
	[smem:$0x7F0] =	sst s11  }
0x3e: {  	s3 =	sadd.s32 $0x7800, s3;
	s15 =	simm.s32 $0xE00;
	[smem:$0x7F1] =	sst s14  }
0x3f: {  	s4 =	simm.s32 $0x80;
	s16 =	simm.s32 $0xE80;
	[smem:$0x7F2] =	sst s15  }
0x40: {  	s12 =	sshrl.u32 s1, $0x1;
	s17 =	simm.s32 $0xF00;
	[smem:$0x7F3] =	sst s16  }
0x41: {  	s18 =	simm.s32 $0xF80;
	s6 =	simm.s32 $0x1C00;
	[smem:$0x7F4] =	sst s17  }
0x42: {  	s19 =	simm.s32 $0x1000;
	s20 =	simm.s32 $0x1080;
	[smem:$0x7F5] =	sst s18  }
0x43: {  	s21 =	simm.s32 $0x1100;
	s5 =	simm.s32 $0x9C00;
	[smem:$0x7F6] =	sst s19  }
0x44: {  	s22 =	simm.s32 $0x1180;
	s23 =	simm.s32 $0x1200;
	[smem:$0x7F7] =	sst s20  }
0x45: {  	s24 =	simm.s32 $0x1280;
	s25 =	simm.s32 $0x1300;
	[smem:$0x7F8] =	sst s21  }
0x46: {  	s26 =	simm.s32 $0x1380;
	s1 =	ssub.s32 s1, s12;
	[smem:$0x7F9] =	sst s22  }
0x47: {  	s12 =	simm.s32 $0x5C00;
	s10 =	simm.s32 $0x1;
	[smem:$0x7FA] =	sst s23  }
0x48: {  	s11 =	simm.s32 $0xDC00;
	s9 =	simm.s32 $0x2;
	[smem:$0x7FB] =	sst s24  }
0x49: {  	s7 =	simm.s32 $0x3;
	[smem:$0x7FC] =	sst s25;
	s1 =	smax.u32 s1, $0x1  }
0x4a: {  	s8 =	simm.s32 $0x4;
	[smem:$0x7FD] =	sst s26;
	p1 =	sne.s32 s1, $0x1  }
.Ltmp0:
0x4b: {  	s20 =	simm.s32 $0x1480;
	s26 =	simm.s32 $0x1500;
	(pc) =	sbr.rel @!p1 .LBB2_1-.Ltmp0, $4  }
0x4c: {  	s24 =	simm.s32 $0x1600;
	s25 =	simm.s32 $0x1680;
	s22 =	simm.s32 $0x1700  }
0x4d: {  	s23 =	simm.s32 $0x1780;
	s21 =	simm.s32 $0x1880;
	s18 =	simm.s32 $0x1900  }
0x4e: {  	s19 =	simm.s32 $0x1980;
	s16 =	simm.s32 $0x1A00;
	s17 =	simm.s32 $0x1A80  }
0x4f: {  	s14 =	simm.s32 $0x1B00;
	s15 =	simm.s32 $0x1B80;
	s1 =	sadd.s32 $0xFFFFFFFF, s1  }
0x50: {  	[tilespmem:s2], [sflag:$0x5] =	stream.linear.gather [hbm4b:s0+s2], $0x1C00, $0x38;
	[tilespmem:$0x11C00] =	vst v63  }
0x51: {  	_ =	swait.ge [sflag:s31], $0x1C00  }
0x52: {  	[sflag:s31] =	ssyncset.done $0x0  }
0x53: {  	[sflag:s31] =	ssyncadd.s32 $0xFFFFE400  }
0x54: {  	[tilespmem:s6], [sflag:$0x1] =	stream.indirect.gather [hbm4b:s3+s4], $0x80, s2, s4, $0xb8;
	[tilespmem:$0x11C00] =	vst v63  }
0x55: {  	_ = 	snop  }
0x56: {  	[tilespmem:s12], [sflag:$0x1] =	stream.indirect.gather [hbm4b:s3+s4], $0x80, s4, s4, $0xb8;
	[tilespmem:$0x11C00] =	vst v63  }
0x57: {  	_ =	swait.ge [sflag:s10], $0x4000  }
0x58: {  	[sflag:s10] =	ssyncset.done $0x0  }
0x59: {  	[sflag:s10] =	ssyncadd.s32 $0xFFFFC000  }
0x5a: {  	_ =	swait.ge [sflag:s10], $0x4000  }
0x5b: {  	[sflag:s10] =	ssyncset.done $0x0  }
0x5c: {  	[sflag:s10] =	ssyncadd.s32 $0xFFFFC000  }
0x5d: {  	[hbm4b:s30+s2] =	stream.linear.scatter [tilespmem:s6], [sflag:$0x3], $0x8000, $0x38;
	[tilespmem:$0x11C00] =	vst v63  }
0x5e: {  	s0 =	rddreg [dreg:$0x1e]  }
0x5f: {  	[tilespmem:s5], [sflag:$0x2] =	stream.indirect.gather [hbm4b:s3+s4], $0x80, s0, s4, $0xb8;
	[tilespmem:$0x11C00] =	vst v63  }
0x60: {  	s13 =	smov.u32 s1;
	s1 =	rddreg [dreg:$0x1f]  }
0x61: {  	[tilespmem:s11], [sflag:$0x2] =	stream.indirect.gather [hbm4b:s3+s4], $0x80, s1, s4, $0xb8;
	[tilespmem:$0x11C00] =	vst v63  }
0x62: {  	_ =	swait.ge [sflag:s9], $0x4000  }
0x63: {  	[sflag:s9] =	ssyncset.done $0x0  }
0x64: {  	[sflag:s9] =	ssyncadd.s32 $0xFFFFC000  }
0x65: {  	_ =	swait.ge [sflag:s9], $0x4000  }
0x66: {  	[sflag:s9] =	ssyncset.done $0x0  }
0x67: {  	s1 =	rddreg [dreg:$0x3];
	[sflag:s9] =	ssyncadd.s32 $0xFFFFC000  }
0x68: {  	[hbm4b:s1+s2] =	stream.linear.scatter [tilespmem:s5], [sflag:$0x4], $0x8000, $0x38;
	[tilespmem:$0x11C00] =	vst v63  }
0x69: {  	_ =	swait.ge [sflag:s7], $0x8000  }
0x6a: {  	s0 =	sld [smem:$0x7DA]  }
0x6b: {  	[sflag:s7] =	ssyncset.done $0x0  }
0x6c: {  	s1 =	sld [smem:$0x7DB];
	[sflag:s7] =	ssyncadd.s32 $0xFFFF8000  }
0x6d: {  	[tilespmem:s6], [sflag:$0x1] =	stream.indirect.gather [hbm4b:s3+s4], $0x80, s0, s4, $0xb8;
	[tilespmem:$0x11C00] =	vst v63  }
0x6e: {  	_ = 	snop  }
0x6f: {  	[tilespmem:s12], [sflag:$0x1] =	stream.indirect.gather [hbm4b:s3+s4], $0x80, s1, s4, $0xb8;
	[tilespmem:$0x11C00] =	vst v63  }
0x70: {  	_ =	swait.ge [sflag:s10], $0x4000  }
0x71: {  	[sflag:s10] =	ssyncset.done $0x0  }
0x72: {  	[sflag:s10] =	ssyncadd.s32 $0xFFFFC000  }
0x73: {  	_ =	swait.ge [sflag:s10], $0x4000  }
0x74: {  	[sflag:s10] =	ssyncset.done $0x0  }
0x75: {  	s1 =	rddreg [dreg:$0x4];
	[sflag:s10] =	ssyncadd.s32 $0xFFFFC000  }
0x76: {  	[hbm4b:s1+s2] =	stream.linear.scatter [tilespmem:s6], [sflag:$0x3], $0x8000, $0x38;
	[tilespmem:$0x11C00] =	vst v63  }
0x77: {  	_ =	swait.ge [sflag:s8], $0x8000  }
0x78: {  	s0 =	sld [smem:$0x7DC]  }
0x79: {  	[sflag:s8] =	ssyncset.done $0x0  }
0x7a: {  	s1 =	sld [smem:$0x7DD];
	[sflag:s8] =	ssyncadd.s32 $0xFFFF8000  }
0x7b: {  	[tilespmem:s5], [sflag:$0x2] =	stream.indirect.gather [hbm4b:s3+s4], $0x80, s0, s4, $0xb8;
	[tilespmem:$0x11C00] =	vst v63  }
0x7c: {  	_ = 	snop  }
0x7d: {  	[tilespmem:s11], [sflag:$0x2] =	stream.indirect.gather [hbm4b:s3+s4], $0x80, s1, s4, $0xb8;
	[tilespmem:$0x11C00] =	vst v63  }
0x7e: {  	_ =	swait.ge [sflag:s9], $0x4000  }
0x7f: {  	[sflag:s9] =	ssyncset.done $0x0  }
0x80: {  	[sflag:s9] =	ssyncadd.s32 $0xFFFFC000  }
0x81: {  	_ =	swait.ge [sflag:s9], $0x4000  }
0x82: {  	[sflag:s9] =	ssyncset.done $0x0  }
0x83: {  	s1 =	rddreg [dreg:$0x5];
	[sflag:s9] =	ssyncadd.s32 $0xFFFFC000  }
0x84: {  	[hbm4b:s1+s2] =	stream.linear.scatter [tilespmem:s5], [sflag:$0x4], $0x8000, $0x38;
	[tilespmem:$0x11C00] =	vst v63  }
0x85: {  	_ =	swait.ge [sflag:s7], $0x8000  }
0x86: {  	s0 =	sld [smem:$0x7DE]  }
0x87: {  	[sflag:s7] =	ssyncset.done $0x0  }
0x88: {  	s1 =	sld [smem:$0x7DF];
	[sflag:s7] =	ssyncadd.s32 $0xFFFF8000  }
0x89: {  	[tilespmem:s6], [sflag:$0x1] =	stream.indirect.gather [hbm4b:s3+s4], $0x80, s0, s4, $0xb8;
	[tilespmem:$0x11C00] =	vst v63  }
0x8a: {  	_ = 	snop  }
0x8b: {  	[tilespmem:s12], [sflag:$0x1] =	stream.indirect.gather [hbm4b:s3+s4], $0x80, s1, s4, $0xb8;
	[tilespmem:$0x11C00] =	vst v63  }
0x8c: {  	_ =	swait.ge [sflag:s10], $0x4000  }
0x8d: {  	[sflag:s10] =	ssyncset.done $0x0  }
0x8e: {  	[sflag:s10] =	ssyncadd.s32 $0xFFFFC000  }
0x8f: {  	_ =	swait.ge [sflag:s10], $0x4000  }
0x90: {  	[sflag:s10] =	ssyncset.done $0x0  }
0x91: {  	s1 =	rddreg [dreg:$0x6];
	[sflag:s10] =	ssyncadd.s32 $0xFFFFC000  }
0x92: {  	[hbm4b:s1+s2] =	stream.linear.scatter [tilespmem:s6], [sflag:$0x3], $0x8000, $0x38;
	[tilespmem:$0x11C00] =	vst v63  }
0x93: {  	_ =	swait.ge [sflag:s8], $0x8000  }
0x94: {  	s0 =	sld [smem:$0x7E0]  }
0x95: {  	[sflag:s8] =	ssyncset.done $0x0  }
0x96: {  	s1 =	sld [smem:$0x7E1];
	[sflag:s8] =	ssyncadd.s32 $0xFFFF8000  }
0x97: {  	[tilespmem:s5], [sflag:$0x2] =	stream.indirect.gather [hbm4b:s3+s4], $0x80, s0, s4, $0xb8;
	[tilespmem:$0x11C00] =	vst v63  }
0x98: {  	_ = 	snop  }
0x99: {  	[tilespmem:s11], [sflag:$0x2] =	stream.indirect.gather [hbm4b:s3+s4], $0x80, s1, s4, $0xb8;
	[tilespmem:$0x11C00] =	vst v63  }
0x9a: {  	_ =	swait.ge [sflag:s9], $0x4000  }
0x9b: {  	[sflag:s9] =	ssyncset.done $0x0  }
0x9c: {  	[sflag:s9] =	ssyncadd.s32 $0xFFFFC000  }
0x9d: {  	_ =	swait.ge [sflag:s9], $0x4000  }
0x9e: {  	[sflag:s9] =	ssyncset.done $0x0  }
0x9f: {  	s1 =	rddreg [dreg:$0x7];
	[sflag:s9] =	ssyncadd.s32 $0xFFFFC000  }
0xa0: {  	[hbm4b:s1+s2] =	stream.linear.scatter [tilespmem:s5], [sflag:$0x4], $0x8000, $0x38;
	[tilespmem:$0x11C00] =	vst v63  }
0xa1: {  	_ =	swait.ge [sflag:s7], $0x8000  }
0xa2: {  	s0 =	sld [smem:$0x7E2]  }
0xa3: {  	[sflag:s7] =	ssyncset.done $0x0  }
0xa4: {  	s1 =	sld [smem:$0x7E3];
	[sflag:s7] =	ssyncadd.s32 $0xFFFF8000  }
0xa5: {  	[tilespmem:s6], [sflag:$0x1] =	stream.indirect.gather [hbm4b:s3+s4], $0x80, s0, s4, $0xb8;
	[tilespmem:$0x11C00] =	vst v63  }
0xa6: {  	_ = 	snop  }
0xa7: {  	[tilespmem:s12], [sflag:$0x1] =	stream.indirect.gather [hbm4b:s3+s4], $0x80, s1, s4, $0xb8;
	[tilespmem:$0x11C00] =	vst v63  }
0xa8: {  	_ =	swait.ge [sflag:s10], $0x4000  }
0xa9: {  	[sflag:s10] =	ssyncset.done $0x0  }
0xaa: {  	[sflag:s10] =	ssyncadd.s32 $0xFFFFC000  }
0xab: {  	_ =	swait.ge [sflag:s10], $0x4000  }
0xac: {  	[sflag:s10] =	ssyncset.done $0x0  }
0xad: {  	s1 =	rddreg [dreg:$0x8];
	[sflag:s10] =	ssyncadd.s32 $0xFFFFC000  }
0xae: {  	[hbm4b:s1+s2] =	stream.linear.scatter [tilespmem:s6], [sflag:$0x3], $0x8000, $0x38;
	[tilespmem:$0x11C00] =	vst v63  }
0xaf: {  	_ =	swait.ge [sflag:s8], $0x8000  }
0xb0: {  	s0 =	sld [smem:$0x7E4]  }
0xb1: {  	[sflag:s8] =	ssyncset.done $0x0  }
0xb2: {  	s1 =	sld [smem:$0x7E5];
	[sflag:s8] =	ssyncadd.s32 $0xFFFF8000  }
0xb3: {  	[tilespmem:s5], [sflag:$0x2] =	stream.indirect.gather [hbm4b:s3+s4], $0x80, s0, s4, $0xb8;
	[tilespmem:$0x11C00] =	vst v63  }
0xb4: {  	_ = 	snop  }
0xb5: {  	[tilespmem:s11], [sflag:$0x2] =	stream.indirect.gather [hbm4b:s3+s4], $0x80, s1, s4, $0xb8;
	[tilespmem:$0x11C00] =	vst v63  }
0xb6: {  	_ =	swait.ge [sflag:s9], $0x4000  }
0xb7: {  	[sflag:s9] =	ssyncset.done $0x0  }
0xb8: {  	[sflag:s9] =	ssyncadd.s32 $0xFFFFC000  }
0xb9: {  	_ =	swait.ge [sflag:s9], $0x4000  }
0xba: {  	[sflag:s9] =	ssyncset.done $0x0  }
0xbb: {  	s1 =	rddreg [dreg:$0x9];
	[sflag:s9] =	ssyncadd.s32 $0xFFFFC000  }
0xbc: {  	[hbm4b:s1+s2] =	stream.linear.scatter [tilespmem:s5], [sflag:$0x4], $0x8000, $0x38;
	[tilespmem:$0x11C00] =	vst v63  }
0xbd: {  	_ =	swait.ge [sflag:s7], $0x8000  }
0xbe: {  	s0 =	sld [smem:$0x7E6]  }
0xbf: {  	[sflag:s7] =	ssyncset.done $0x0  }
0xc0: {  	s1 =	sld [smem:$0x7E7];
	[sflag:s7] =	ssyncadd.s32 $0xFFFF8000  }
0xc1: {  	[tilespmem:s6], [sflag:$0x1] =	stream.indirect.gather [hbm4b:s3+s4], $0x80, s0, s4, $0xb8;
	[tilespmem:$0x11C00] =	vst v63  }
0xc2: {  	_ = 	snop  }
0xc3: {  	[tilespmem:s12], [sflag:$0x1] =	stream.indirect.gather [hbm4b:s3+s4], $0x80, s1, s4, $0xb8;
	[tilespmem:$0x11C00] =	vst v63  }
0xc4: {  	_ =	swait.ge [sflag:s10], $0x4000  }
0xc5: {  	[sflag:s10] =	ssyncset.done $0x0  }
0xc6: {  	[sflag:s10] =	ssyncadd.s32 $0xFFFFC000  }
0xc7: {  	_ =	swait.ge [sflag:s10], $0x4000  }
0xc8: {  	[sflag:s10] =	ssyncset.done $0x0  }
0xc9: {  	s1 =	rddreg [dreg:$0xa];
	[sflag:s10] =	ssyncadd.s32 $0xFFFFC000  }
0xca: {  	[hbm4b:s1+s2] =	stream.linear.scatter [tilespmem:s6], [sflag:$0x3], $0x8000, $0x38;
	[tilespmem:$0x11C00] =	vst v63  }
0xcb: {  	_ =	swait.ge [sflag:s8], $0x8000  }
0xcc: {  	s0 =	sld [smem:$0x7E8]  }
0xcd: {  	[sflag:s8] =	ssyncset.done $0x0  }
0xce: {  	s1 =	sld [smem:$0x7E9];
	[sflag:s8] =	ssyncadd.s32 $0xFFFF8000  }
0xcf: {  	[tilespmem:s5], [sflag:$0x2] =	stream.indirect.gather [hbm4b:s3+s4], $0x80, s0, s4, $0xb8;
	[tilespmem:$0x11C00] =	vst v63  }
0xd0: {  	_ = 	snop  }
0xd1: {  	[tilespmem:s11], [sflag:$0x2] =	stream.indirect.gather [hbm4b:s3+s4], $0x80, s1, s4, $0xb8;
	[tilespmem:$0x11C00] =	vst v63  }
0xd2: {  	_ =	swait.ge [sflag:s9], $0x4000  }
0xd3: {  	[sflag:s9] =	ssyncset.done $0x0  }
0xd4: {  	[sflag:s9] =	ssyncadd.s32 $0xFFFFC000  }
0xd5: {  	_ =	swait.ge [sflag:s9], $0x4000  }
0xd6: {  	[sflag:s9] =	ssyncset.done $0x0  }
0xd7: {  	s1 =	rddreg [dreg:$0xb];
	[sflag:s9] =	ssyncadd.s32 $0xFFFFC000  }
0xd8: {  	[hbm4b:s1+s2] =	stream.linear.scatter [tilespmem:s5], [sflag:$0x4], $0x8000, $0x38;
	[tilespmem:$0x11C00] =	vst v63  }
0xd9: {  	_ =	swait.ge [sflag:s7], $0x8000  }
0xda: {  	s0 =	sld [smem:$0x7EA]  }
0xdb: {  	[sflag:s7] =	ssyncset.done $0x0  }
0xdc: {  	s1 =	sld [smem:$0x7EB];
	[sflag:s7] =	ssyncadd.s32 $0xFFFF8000  }
0xdd: {  	[tilespmem:s6], [sflag:$0x1] =	stream.indirect.gather [hbm4b:s3+s4], $0x80, s0, s4, $0xb8;
	[tilespmem:$0x11C00] =	vst v63  }
0xde: {  	_ = 	snop  }
0xdf: {  	[tilespmem:s12], [sflag:$0x1] =	stream.indirect.gather [hbm4b:s3+s4], $0x80, s1, s4, $0xb8;
	[tilespmem:$0x11C00] =	vst v63  }
0xe0: {  	_ =	swait.ge [sflag:s10], $0x4000  }
0xe1: {  	[sflag:s10] =	ssyncset.done $0x0  }
0xe2: {  	[sflag:s10] =	ssyncadd.s32 $0xFFFFC000  }
0xe3: {  	_ =	swait.ge [sflag:s10], $0x4000  }
0xe4: {  	[sflag:s10] =	ssyncset.done $0x0  }
0xe5: {  	s1 =	rddreg [dreg:$0xc];
	[sflag:s10] =	ssyncadd.s32 $0xFFFFC000  }
0xe6: {  	[hbm4b:s1+s2] =	stream.linear.scatter [tilespmem:s6], [sflag:$0x3], $0x8000, $0x38;
	[tilespmem:$0x11C00] =	vst v63  }
0xe7: {  	_ =	swait.ge [sflag:s8], $0x8000  }
0xe8: {  	s0 =	sld [smem:$0x7EC]  }
0xe9: {  	[sflag:s8] =	ssyncset.done $0x0  }
0xea: {  	s1 =	sld [smem:$0x7ED];
	[sflag:s8] =	ssyncadd.s32 $0xFFFF8000  }
0xeb: {  	[tilespmem:s5], [sflag:$0x2] =	stream.indirect.gather [hbm4b:s3+s4], $0x80, s0, s4, $0xb8;
	[tilespmem:$0x11C00] =	vst v63  }
0xec: {  	_ = 	snop  }
0xed: {  	[tilespmem:s11], [sflag:$0x2] =	stream.indirect.gather [hbm4b:s3+s4], $0x80, s1, s4, $0xb8;
	[tilespmem:$0x11C00] =	vst v63  }
0xee: {  	_ =	swait.ge [sflag:s9], $0x4000  }
0xef: {  	[sflag:s9] =	ssyncset.done $0x0  }
0xf0: {  	[sflag:s9] =	ssyncadd.s32 $0xFFFFC000  }
0xf1: {  	_ =	swait.ge [sflag:s9], $0x4000  }
0xf2: {  	[sflag:s9] =	ssyncset.done $0x0  }
0xf3: {  	s1 =	rddreg [dreg:$0xd];
	[sflag:s9] =	ssyncadd.s32 $0xFFFFC000  }
0xf4: {  	[hbm4b:s1+s2] =	stream.linear.scatter [tilespmem:s5], [sflag:$0x4], $0x8000, $0x38;
	[tilespmem:$0x11C00] =	vst v63  }
0xf5: {  	_ =	swait.ge [sflag:s7], $0x8000  }
0xf6: {  	s0 =	sld [smem:$0x7EE]  }
0xf7: {  	[sflag:s7] =	ssyncset.done $0x0  }
0xf8: {  	s1 =	sld [smem:$0x7EF];
	[sflag:s7] =	ssyncadd.s32 $0xFFFF8000  }
0xf9: {  	[tilespmem:s6], [sflag:$0x1] =	stream.indirect.gather [hbm4b:s3+s4], $0x80, s0, s4, $0xb8;
	[tilespmem:$0x11C00] =	vst v63  }
0xfa: {  	_ = 	snop  }
0xfb: {  	[tilespmem:s12], [sflag:$0x1] =	stream.indirect.gather [hbm4b:s3+s4], $0x80, s1, s4, $0xb8;
	[tilespmem:$0x11C00] =	vst v63  }
0xfc: {  	_ =	swait.ge [sflag:s10], $0x4000  }
0xfd: {  	[sflag:s10] =	ssyncset.done $0x0  }
0xfe: {  	[sflag:s10] =	ssyncadd.s32 $0xFFFFC000  }
0xff: {  	_ =	swait.ge [sflag:s10], $0x4000  }
0x100: {  	[sflag:s10] =	ssyncset.done $0x0  }
0x101: {  	s1 =	rddreg [dreg:$0xe];
	[sflag:s10] =	ssyncadd.s32 $0xFFFFC000  }
0x102: {  	[hbm4b:s1+s2] =	stream.linear.scatter [tilespmem:s6], [sflag:$0x3], $0x8000, $0x38;
	[tilespmem:$0x11C00] =	vst v63  }
0x103: {  	_ =	swait.ge [sflag:s8], $0x8000  }
0x104: {  	s0 =	sld [smem:$0x7F0]  }
0x105: {  	[sflag:s8] =	ssyncset.done $0x0  }
0x106: {  	s1 =	sld [smem:$0x7F1];
	[sflag:s8] =	ssyncadd.s32 $0xFFFF8000  }
0x107: {  	[tilespmem:s5], [sflag:$0x2] =	stream.indirect.gather [hbm4b:s3+s4], $0x80, s0, s4, $0xb8;
	[tilespmem:$0x11C00] =	vst v63  }
0x108: {  	_ = 	snop  }
0x109: {  	[tilespmem:s11], [sflag:$0x2] =	stream.indirect.gather [hbm4b:s3+s4], $0x80, s1, s4, $0xb8;
	[tilespmem:$0x11C00] =	vst v63  }
0x10a: {  	_ =	swait.ge [sflag:s9], $0x4000  }
0x10b: {  	[sflag:s9] =	ssyncset.done $0x0  }
0x10c: {  	[sflag:s9] =	ssyncadd.s32 $0xFFFFC000  }
0x10d: {  	_ =	swait.ge [sflag:s9], $0x4000  }
0x10e: {  	[sflag:s9] =	ssyncset.done $0x0  }
0x10f: {  	s1 =	rddreg [dreg:$0xf];
	[sflag:s9] =	ssyncadd.s32 $0xFFFFC000  }
0x110: {  	[hbm4b:s1+s2] =	stream.linear.scatter [tilespmem:s5], [sflag:$0x4], $0x8000, $0x38;
	[tilespmem:$0x11C00] =	vst v63  }
0x111: {  	_ =	swait.ge [sflag:s7], $0x8000  }
0x112: {  	s0 =	sld [smem:$0x7F2]  }
0x113: {  	[sflag:s7] =	ssyncset.done $0x0  }
0x114: {  	s1 =	sld [smem:$0x7F3];
	[sflag:s7] =	ssyncadd.s32 $0xFFFF8000  }
0x115: {  	[tilespmem:s6], [sflag:$0x1] =	stream.indirect.gather [hbm4b:s3+s4], $0x80, s0, s4, $0xb8;
	[tilespmem:$0x11C00] =	vst v63  }
0x116: {  	_ = 	snop  }
0x117: {  	[tilespmem:s12], [sflag:$0x1] =	stream.indirect.gather [hbm4b:s3+s4], $0x80, s1, s4, $0xb8;
	[tilespmem:$0x11C00] =	vst v63  }
0x118: {  	_ =	swait.ge [sflag:s10], $0x4000  }
0x119: {  	[sflag:s10] =	ssyncset.done $0x0  }
0x11a: {  	[sflag:s10] =	ssyncadd.s32 $0xFFFFC000  }
0x11b: {  	_ =	swait.ge [sflag:s10], $0x4000  }
0x11c: {  	[sflag:s10] =	ssyncset.done $0x0  }
0x11d: {  	s1 =	rddreg [dreg:$0x10];
	[sflag:s10] =	ssyncadd.s32 $0xFFFFC000  }
0x11e: {  	[hbm4b:s1+s2] =	stream.linear.scatter [tilespmem:s6], [sflag:$0x3], $0x8000, $0x38;
	[tilespmem:$0x11C00] =	vst v63  }
0x11f: {  	_ =	swait.ge [sflag:s8], $0x8000  }
0x120: {  	s0 =	sld [smem:$0x7F4]  }
0x121: {  	[sflag:s8] =	ssyncset.done $0x0  }
0x122: {  	s1 =	sld [smem:$0x7F5];
	[sflag:s8] =	ssyncadd.s32 $0xFFFF8000  }
0x123: {  	[tilespmem:s5], [sflag:$0x2] =	stream.indirect.gather [hbm4b:s3+s4], $0x80, s0, s4, $0xb8;
	[tilespmem:$0x11C00] =	vst v63  }
0x124: {  	_ = 	snop  }
0x125: {  	[tilespmem:s11], [sflag:$0x2] =	stream.indirect.gather [hbm4b:s3+s4], $0x80, s1, s4, $0xb8;
	[tilespmem:$0x11C00] =	vst v63  }
0x126: {  	_ =	swait.ge [sflag:s9], $0x4000  }
0x127: {  	[sflag:s9] =	ssyncset.done $0x0  }
0x128: {  	[sflag:s9] =	ssyncadd.s32 $0xFFFFC000  }
0x129: {  	_ =	swait.ge [sflag:s9], $0x4000  }
0x12a: {  	[sflag:s9] =	ssyncset.done $0x0  }
0x12b: {  	s1 =	rddreg [dreg:$0x11];
	[sflag:s9] =	ssyncadd.s32 $0xFFFFC000  }
0x12c: {  	[hbm4b:s1+s2] =	stream.linear.scatter [tilespmem:s5], [sflag:$0x4], $0x8000, $0x38;
	[tilespmem:$0x11C00] =	vst v63  }
0x12d: {  	_ =	swait.ge [sflag:s7], $0x8000  }
0x12e: {  	s0 =	sld [smem:$0x7F6]  }
0x12f: {  	[sflag:s7] =	ssyncset.done $0x0  }
0x130: {  	s1 =	sld [smem:$0x7F7];
	[sflag:s7] =	ssyncadd.s32 $0xFFFF8000  }
0x131: {  	[tilespmem:s6], [sflag:$0x1] =	stream.indirect.gather [hbm4b:s3+s4], $0x80, s0, s4, $0xb8;
	[tilespmem:$0x11C00] =	vst v63  }
0x132: {  	_ = 	snop  }
0x133: {  	[tilespmem:s12], [sflag:$0x1] =	stream.indirect.gather [hbm4b:s3+s4], $0x80, s1, s4, $0xb8;
	[tilespmem:$0x11C00] =	vst v63  }
0x134: {  	_ =	swait.ge [sflag:s10], $0x4000  }
0x135: {  	[sflag:s10] =	ssyncset.done $0x0  }
0x136: {  	[sflag:s10] =	ssyncadd.s32 $0xFFFFC000  }
0x137: {  	_ =	swait.ge [sflag:s10], $0x4000  }
0x138: {  	[sflag:s10] =	ssyncset.done $0x0  }
0x139: {  	s1 =	rddreg [dreg:$0x12];
	[sflag:s10] =	ssyncadd.s32 $0xFFFFC000  }
0x13a: {  	[hbm4b:s1+s2] =	stream.linear.scatter [tilespmem:s6], [sflag:$0x3], $0x8000, $0x38;
	[tilespmem:$0x11C00] =	vst v63  }
0x13b: {  	_ =	swait.ge [sflag:s8], $0x8000  }
0x13c: {  	s0 =	sld [smem:$0x7F8]  }
0x13d: {  	[sflag:s8] =	ssyncset.done $0x0  }
0x13e: {  	s1 =	sld [smem:$0x7F9];
	[sflag:s8] =	ssyncadd.s32 $0xFFFF8000  }
0x13f: {  	[tilespmem:s5], [sflag:$0x2] =	stream.indirect.gather [hbm4b:s3+s4], $0x80, s0, s4, $0xb8;
	[tilespmem:$0x11C00] =	vst v63  }
0x140: {  	_ = 	snop  }
0x141: {  	[tilespmem:s11], [sflag:$0x2] =	stream.indirect.gather [hbm4b:s3+s4], $0x80, s1, s4, $0xb8;
	[tilespmem:$0x11C00] =	vst v63  }
0x142: {  	_ =	swait.ge [sflag:s9], $0x4000  }
0x143: {  	[sflag:s9] =	ssyncset.done $0x0  }
0x144: {  	[sflag:s9] =	ssyncadd.s32 $0xFFFFC000  }
0x145: {  	_ =	swait.ge [sflag:s9], $0x4000  }
0x146: {  	[sflag:s9] =	ssyncset.done $0x0  }
0x147: {  	s1 =	rddreg [dreg:$0x13];
	[sflag:s9] =	ssyncadd.s32 $0xFFFFC000  }
0x148: {  	[hbm4b:s1+s2] =	stream.linear.scatter [tilespmem:s5], [sflag:$0x4], $0x8000, $0x38;
	[tilespmem:$0x11C00] =	vst v63  }
0x149: {  	_ =	swait.ge [sflag:s7], $0x8000  }
0x14a: {  	s0 =	sld [smem:$0x7FA]  }
0x14b: {  	[sflag:s7] =	ssyncset.done $0x0  }
0x14c: {  	s1 =	sld [smem:$0x7FB];
	[sflag:s7] =	ssyncadd.s32 $0xFFFF8000  }
0x14d: {  	[tilespmem:s6], [sflag:$0x1] =	stream.indirect.gather [hbm4b:s3+s4], $0x80, s0, s4, $0xb8;
	[tilespmem:$0x11C00] =	vst v63  }
0x14e: {  	_ = 	snop  }
0x14f: {  	[tilespmem:s12], [sflag:$0x1] =	stream.indirect.gather [hbm4b:s3+s4], $0x80, s1, s4, $0xb8;
	[tilespmem:$0x11C00] =	vst v63  }
0x150: {  	_ =	swait.ge [sflag:s10], $0x4000  }
0x151: {  	[sflag:s10] =	ssyncset.done $0x0  }
0x152: {  	[sflag:s10] =	ssyncadd.s32 $0xFFFFC000  }
0x153: {  	_ =	swait.ge [sflag:s10], $0x4000  }
0x154: {  	[sflag:s10] =	ssyncset.done $0x0  }
0x155: {  	s1 =	rddreg [dreg:$0x14];
	[sflag:s10] =	ssyncadd.s32 $0xFFFFC000  }
0x156: {  	[hbm4b:s1+s2] =	stream.linear.scatter [tilespmem:s6], [sflag:$0x3], $0x8000, $0x38;
	[tilespmem:$0x11C00] =	vst v63  }
0x157: {  	_ =	swait.ge [sflag:s8], $0x8000  }
0x158: {  	s0 =	sld [smem:$0x7FC]  }
0x159: {  	[sflag:s8] =	ssyncset.done $0x0  }
0x15a: {  	s1 =	sld [smem:$0x7FD];
	[sflag:s8] =	ssyncadd.s32 $0xFFFF8000  }
0x15b: {  	[tilespmem:s5], [sflag:$0x2] =	stream.indirect.gather [hbm4b:s3+s4], $0x80, s0, s4, $0xb8;
	[tilespmem:$0x11C00] =	vst v63  }
0x15c: {  	_ = 	snop  }
0x15d: {  	[tilespmem:s11], [sflag:$0x2] =	stream.indirect.gather [hbm4b:s3+s4], $0x80, s1, s4, $0xb8;
	[tilespmem:$0x11C00] =	vst v63  }
0x15e: {  	_ =	swait.ge [sflag:s9], $0x4000  }
0x15f: {  	[sflag:s9] =	ssyncset.done $0x0  }
0x160: {  	[sflag:s9] =	ssyncadd.s32 $0xFFFFC000  }
0x161: {  	_ =	swait.ge [sflag:s9], $0x4000  }
0x162: {  	[sflag:s9] =	ssyncset.done $0x0  }
0x163: {  	s1 =	rddreg [dreg:$0x15];
	[sflag:s9] =	ssyncadd.s32 $0xFFFFC000  }
0x164: {  	[hbm4b:s1+s2] =	stream.linear.scatter [tilespmem:s5], [sflag:$0x4], $0x8000, $0x38;
	[tilespmem:$0x11C00] =	vst v63  }
0x165: {  	_ =	swait.ge [sflag:s7], $0x8000  }
0x166: {  	[sflag:s7] =	ssyncset.done $0x0  }
0x167: {  	[sflag:s7] =	ssyncadd.s32 $0xFFFF8000  }
0x168: {  	[tilespmem:s6], [sflag:$0x1] =	stream.indirect.gather [hbm4b:s3+s4], $0x80, s29, s4, $0xb8;
	[tilespmem:$0x11C00] =	vst v63  }
0x169: {  	_ = 	snop  }
0x16a: {  	[tilespmem:s12], [sflag:$0x1] =	stream.indirect.gather [hbm4b:s3+s4], $0x80, s20, s4, $0xb8;
	[tilespmem:$0x11C00] =	vst v63  }
0x16b: {  	_ =	swait.ge [sflag:s10], $0x4000  }
0x16c: {  	[sflag:s10] =	ssyncset.done $0x0  }
0x16d: {  	[sflag:s10] =	ssyncadd.s32 $0xFFFFC000  }
0x16e: {  	_ =	swait.ge [sflag:s10], $0x4000  }
0x16f: {  	[sflag:s10] =	ssyncset.done $0x0  }
0x170: {  	s1 =	rddreg [dreg:$0x16];
	[sflag:s10] =	ssyncadd.s32 $0xFFFFC000  }
0x171: {  	[hbm4b:s1+s2] =	stream.linear.scatter [tilespmem:s6], [sflag:$0x3], $0x8000, $0x38;
	[tilespmem:$0x11C00] =	vst v63  }
0x172: {  	_ =	swait.ge [sflag:s8], $0x8000  }
0x173: {  	[sflag:s8] =	ssyncset.done $0x0  }
0x174: {  	[sflag:s8] =	ssyncadd.s32 $0xFFFF8000  }
0x175: {  	[tilespmem:s5], [sflag:$0x2] =	stream.indirect.gather [hbm4b:s3+s4], $0x80, s26, s4, $0xb8;
	[tilespmem:$0x11C00] =	vst v63  }
0x176: {  	_ = 	snop  }
0x177: {  	[tilespmem:s11], [sflag:$0x2] =	stream.indirect.gather [hbm4b:s3+s4], $0x80, s28, s4, $0xb8;
	[tilespmem:$0x11C00] =	vst v63  }
0x178: {  	_ =	swait.ge [sflag:s9], $0x4000  }
0x179: {  	[sflag:s9] =	ssyncset.done $0x0  }
0x17a: {  	[sflag:s9] =	ssyncadd.s32 $0xFFFFC000  }
0x17b: {  	_ =	swait.ge [sflag:s9], $0x4000  }
0x17c: {  	[sflag:s9] =	ssyncset.done $0x0  }
0x17d: {  	s1 =	rddreg [dreg:$0x17];
	[sflag:s9] =	ssyncadd.s32 $0xFFFFC000  }
0x17e: {  	[hbm4b:s1+s2] =	stream.linear.scatter [tilespmem:s5], [sflag:$0x4], $0x8000, $0x38;
	[tilespmem:$0x11C00] =	vst v63  }
0x17f: {  	_ =	swait.ge [sflag:s7], $0x8000  }
0x180: {  	[sflag:s7] =	ssyncset.done $0x0  }
0x181: {  	[sflag:s7] =	ssyncadd.s32 $0xFFFF8000  }
0x182: {  	[tilespmem:s6], [sflag:$0x1] =	stream.indirect.gather [hbm4b:s3+s4], $0x80, s24, s4, $0xb8;
	[tilespmem:$0x11C00] =	vst v63  }
0x183: {  	_ = 	snop  }
0x184: {  	[tilespmem:s12], [sflag:$0x1] =	stream.indirect.gather [hbm4b:s3+s4], $0x80, s25, s4, $0xb8;
	[tilespmem:$0x11C00] =	vst v63  }
0x185: {  	_ =	swait.ge [sflag:s10], $0x4000  }
0x186: {  	[sflag:s10] =	ssyncset.done $0x0  }
0x187: {  	[sflag:s10] =	ssyncadd.s32 $0xFFFFC000  }
0x188: {  	_ =	swait.ge [sflag:s10], $0x4000  }
0x189: {  	[sflag:s10] =	ssyncset.done $0x0  }
0x18a: {  	s1 =	rddreg [dreg:$0x18];
	[sflag:s10] =	ssyncadd.s32 $0xFFFFC000  }
0x18b: {  	[hbm4b:s1+s2] =	stream.linear.scatter [tilespmem:s6], [sflag:$0x3], $0x8000, $0x38;
	[tilespmem:$0x11C00] =	vst v63  }
0x18c: {  	_ =	swait.ge [sflag:s8], $0x8000  }
0x18d: {  	[sflag:s8] =	ssyncset.done $0x0  }
0x18e: {  	[sflag:s8] =	ssyncadd.s32 $0xFFFF8000  }
0x18f: {  	[tilespmem:s5], [sflag:$0x2] =	stream.indirect.gather [hbm4b:s3+s4], $0x80, s22, s4, $0xb8;
	[tilespmem:$0x11C00] =	vst v63  }
0x190: {  	_ = 	snop  }
0x191: {  	[tilespmem:s11], [sflag:$0x2] =	stream.indirect.gather [hbm4b:s3+s4], $0x80, s23, s4, $0xb8;
	[tilespmem:$0x11C00] =	vst v63  }
0x192: {  	_ =	swait.ge [sflag:s9], $0x4000  }
0x193: {  	[sflag:s9] =	ssyncset.done $0x0  }
0x194: {  	[sflag:s9] =	ssyncadd.s32 $0xFFFFC000  }
0x195: {  	_ =	swait.ge [sflag:s9], $0x4000  }
0x196: {  	[sflag:s9] =	ssyncset.done $0x0  }
0x197: {  	s1 =	rddreg [dreg:$0x19];
	[sflag:s9] =	ssyncadd.s32 $0xFFFFC000  }
0x198: {  	[hbm4b:s1+s2] =	stream.linear.scatter [tilespmem:s5], [sflag:$0x4], $0x8000, $0x38;
	[tilespmem:$0x11C00] =	vst v63  }
0x199: {  	_ =	swait.ge [sflag:s7], $0x8000  }
0x19a: {  	[sflag:s7] =	ssyncset.done $0x0  }
0x19b: {  	s1 =	simm.s32 $0x1800;
	[sflag:s7] =	ssyncadd.s32 $0xFFFF8000  }
0x19c: {  	[tilespmem:s6], [sflag:$0x1] =	stream.indirect.gather [hbm4b:s3+s4], $0x80, s1, s4, $0xb8;
	[tilespmem:$0x11C00] =	vst v63  }
0x19d: {  	_ = 	snop  }
0x19e: {  	[tilespmem:s12], [sflag:$0x1] =	stream.indirect.gather [hbm4b:s3+s4], $0x80, s21, s4, $0xb8;
	[tilespmem:$0x11C00] =	vst v63  }
0x19f: {  	_ =	swait.ge [sflag:s10], $0x4000  }
0x1a0: {  	[sflag:s10] =	ssyncset.done $0x0  }
0x1a1: {  	[sflag:s10] =	ssyncadd.s32 $0xFFFFC000  }
0x1a2: {  	_ =	swait.ge [sflag:s10], $0x4000  }
0x1a3: {  	[sflag:s10] =	ssyncset.done $0x0  }
0x1a4: {  	s1 =	rddreg [dreg:$0x1a];
	[sflag:s10] =	ssyncadd.s32 $0xFFFFC000  }
0x1a5: {  	[hbm4b:s1+s2] =	stream.linear.scatter [tilespmem:s6], [sflag:$0x3], $0x8000, $0x38;
	[tilespmem:$0x11C00] =	vst v63  }
0x1a6: {  	_ =	swait.ge [sflag:s8], $0x8000  }
0x1a7: {  	[sflag:s8] =	ssyncset.done $0x0  }
0x1a8: {  	[sflag:s8] =	ssyncadd.s32 $0xFFFF8000  }
0x1a9: {  	[tilespmem:s5], [sflag:$0x2] =	stream.indirect.gather [hbm4b:s3+s4], $0x80, s18, s4, $0xb8;
	[tilespmem:$0x11C00] =	vst v63  }
0x1aa: {  	_ = 	snop  }
0x1ab: {  	[tilespmem:s11], [sflag:$0x2] =	stream.indirect.gather [hbm4b:s3+s4], $0x80, s19, s4, $0xb8;
	[tilespmem:$0x11C00] =	vst v63  }
0x1ac: {  	_ =	swait.ge [sflag:s9], $0x4000  }
0x1ad: {  	[sflag:s9] =	ssyncset.done $0x0  }
0x1ae: {  	[sflag:s9] =	ssyncadd.s32 $0xFFFFC000  }
0x1af: {  	_ =	swait.ge [sflag:s9], $0x4000  }
0x1b0: {  	[sflag:s9] =	ssyncset.done $0x0  }
0x1b1: {  	s1 =	rddreg [dreg:$0x1b];
	[sflag:s9] =	ssyncadd.s32 $0xFFFFC000  }
0x1b2: {  	[hbm4b:s1+s2] =	stream.linear.scatter [tilespmem:s5], [sflag:$0x4], $0x8000, $0x38;
	[tilespmem:$0x11C00] =	vst v63  }
0x1b3: {  	_ =	swait.ge [sflag:s7], $0x8000  }
0x1b4: {  	[sflag:s7] =	ssyncset.done $0x0  }
0x1b5: {  	[sflag:s7] =	ssyncadd.s32 $0xFFFF8000  }
0x1b6: {  	[tilespmem:s6], [sflag:$0x1] =	stream.indirect.gather [hbm4b:s3+s4], $0x80, s16, s4, $0xb8;
	[tilespmem:$0x11C00] =	vst v63  }
0x1b7: {  	_ = 	snop  }
0x1b8: {  	[tilespmem:s12], [sflag:$0x1] =	stream.indirect.gather [hbm4b:s3+s4], $0x80, s17, s4, $0xb8;
	[tilespmem:$0x11C00] =	vst v63  }
0x1b9: {  	_ =	swait.ge [sflag:s10], $0x4000  }
0x1ba: {  	[sflag:s10] =	ssyncset.done $0x0  }
0x1bb: {  	[sflag:s10] =	ssyncadd.s32 $0xFFFFC000  }
0x1bc: {  	_ =	swait.ge [sflag:s10], $0x4000  }
0x1bd: {  	[sflag:s10] =	ssyncset.done $0x0  }
0x1be: {  	s1 =	rddreg [dreg:$0x1c];
	[sflag:s10] =	ssyncadd.s32 $0xFFFFC000  }
0x1bf: {  	[hbm4b:s1+s2] =	stream.linear.scatter [tilespmem:s6], [sflag:$0x3], $0x8000, $0x38;
	[tilespmem:$0x11C00] =	vst v63  }
0x1c0: {  	_ =	swait.ge [sflag:s8], $0x8000  }
0x1c1: {  	[sflag:s8] =	ssyncset.done $0x0  }
0x1c2: {  	[sflag:s8] =	ssyncadd.s32 $0xFFFF8000  }
0x1c3: {  	[tilespmem:s5], [sflag:$0x2] =	stream.indirect.gather [hbm4b:s3+s4], $0x80, s14, s4, $0xb8;
	[tilespmem:$0x11C00] =	vst v63  }
0x1c4: {  	_ = 	snop  }
0x1c5: {  	[tilespmem:s11], [sflag:$0x2] =	stream.indirect.gather [hbm4b:s3+s4], $0x80, s15, s4, $0xb8;
	[tilespmem:$0x11C00] =	vst v63  }
0x1c6: {  	_ =	swait.ge [sflag:s9], $0x4000  }
0x1c7: {  	[sflag:s9] =	ssyncset.done $0x0  }
0x1c8: {  	[sflag:s9] =	ssyncadd.s32 $0xFFFFC000  }
0x1c9: {  	_ =	swait.ge [sflag:s9], $0x4000  }
0x1ca: {  	[sflag:s9] =	ssyncset.done $0x0  }
0x1cb: {  	p1 =	sne.s32 s13, $0x1;
	s1 =	rddreg [dreg:$0x1d];
	[sflag:s9] =	ssyncadd.s32 $0xFFFFC000  }
0x1cc: {  	[hbm4b:s1+s2] =	stream.linear.scatter [tilespmem:s5], [sflag:$0x4], $0x8000, $0x38;
	[tilespmem:$0x11C00] =	vst v63  }
.Ltmp1:
0x1cd: {  	_ =	swait.ge [sflag:s7], $0x8000;
	(pc) =	sbr.rel @!p1 .LBB2_3-.Ltmp1, $4  }
0x1ce: {  	[sflag:s7] =	ssyncset.done $0x0  }
0x1cf: {  	[sflag:s7] =	ssyncadd.s32 $0xFFFF8000  }
0x1d0: {  	p0 =	por $0x1, $0x1;
	_ =	swait.ge [sflag:s8], $0x8000  }
0x1d1: {  	s1 =	sadd.s32 $0xFFFFFFFF, s13;
	s0 =	rddreg [dreg:$0x2];
	[sflag:s8] =	ssyncset.done $0x0  }
.LBB2_4:
0x1d2: {  	[sflag:s8] =	ssyncadd.s32 $0xFFFF8000  }
0x1d3: {  	[tilespmem:s2], [sflag:$0x5] =	stream.linear.gather [hbm4b:s0+s2], $0x1C00, $0x38;
	[tilespmem:$0x11C00] =	vst v63  }
0x1d4: {  	_ =	swait.ge [sflag:s31], $0x1C00  }
0x1d5: {  	[sflag:s31] =	ssyncset.done $0x0  }
0x1d6: {  	[sflag:s31] =	ssyncadd.s32 $0xFFFFE400  }
0x1d7: {  	[tilespmem:s6], [sflag:$0x1] =	stream.indirect.gather [hbm4b:s3+s4], $0x80, s2, s4, $0xb8;
	[tilespmem:$0x11C00] =	vst v63  }
0x1d8: {  	_ = 	snop  }
0x1d9: {  	[tilespmem:s12], [sflag:$0x1] =	stream.indirect.gather [hbm4b:s3+s4], $0x80, s4, s4, $0xb8;
	[tilespmem:$0x11C00] =	vst v63  }
0x1da: {  	_ =	swait.ge [sflag:s10], $0x4000  }
0x1db: {  	[sflag:s10] =	ssyncset.done $0x0  }
0x1dc: {  	[sflag:s10] =	ssyncadd.s32 $0xFFFFC000  }
0x1dd: {  	_ =	swait.ge [sflag:s10], $0x4000  }
0x1de: {  	[sflag:s10] =	ssyncset.done $0x0  }
0x1df: {  	[sflag:s10] =	ssyncadd.s32 $0xFFFFC000  }
0x1e0: {  	[hbm4b:s30+s2] =	stream.linear.scatter [tilespmem:s6], [sflag:$0x3], $0x8000, $0x38;
	[tilespmem:$0x11C00] =	vst v63  }
0x1e1: {  	s0 =	rddreg [dreg:$0x1e]  }
0x1e2: {  	[tilespmem:s5], [sflag:$0x2] =	stream.indirect.gather [hbm4b:s3+s4], $0x80, s0, s4, $0xb8;
	[tilespmem:$0x11C00] =	vst v63  }
0x1e3: {  	s13 =	rddreg [dreg:$0x1f]  }
0x1e4: {  	[tilespmem:s11], [sflag:$0x2] =	stream.indirect.gather [hbm4b:s3+s4], $0x80, s13, s4, $0xb8;
	[tilespmem:$0x11C00] =	vst v63  }
0x1e5: {  	_ =	swait.ge [sflag:s9], $0x4000  }
0x1e6: {  	[sflag:s9] =	ssyncset.done $0x0  }
0x1e7: {  	[sflag:s9] =	ssyncadd.s32 $0xFFFFC000  }
0x1e8: {  	_ =	swait.ge [sflag:s9], $0x4000  }
0x1e9: {  	[sflag:s9] =	ssyncset.done $0x0  }
0x1ea: {  	s13 =	rddreg [dreg:$0x3];
	[sflag:s9] =	ssyncadd.s32 $0xFFFFC000  }
0x1eb: {  	[hbm4b:s13+s2] =	stream.linear.scatter [tilespmem:s5], [sflag:$0x4], $0x8000, $0x38;
	[tilespmem:$0x11C00] =	vst v63  }
0x1ec: {  	_ =	swait.ge [sflag:s7], $0x8000  }
0x1ed: {  	s0 =	sld [smem:$0x7DA]  }
0x1ee: {  	[sflag:s7] =	ssyncset.done $0x0  }
0x1ef: {  	s13 =	sld [smem:$0x7DB];
	[sflag:s7] =	ssyncadd.s32 $0xFFFF8000  }
0x1f0: {  	[tilespmem:s6], [sflag:$0x1] =	stream.indirect.gather [hbm4b:s3+s4], $0x80, s0, s4, $0xb8;
	[tilespmem:$0x11C00] =	vst v63  }
0x1f1: {  	_ = 	snop  }
0x1f2: {  	[tilespmem:s12], [sflag:$0x1] =	stream.indirect.gather [hbm4b:s3+s4], $0x80, s13, s4, $0xb8;
	[tilespmem:$0x11C00] =	vst v63  }
0x1f3: {  	_ =	swait.ge [sflag:s10], $0x4000  }
0x1f4: {  	[sflag:s10] =	ssyncset.done $0x0  }
0x1f5: {  	[sflag:s10] =	ssyncadd.s32 $0xFFFFC000  }
0x1f6: {  	_ =	swait.ge [sflag:s10], $0x4000  }
0x1f7: {  	[sflag:s10] =	ssyncset.done $0x0  }
0x1f8: {  	s13 =	rddreg [dreg:$0x4];
	[sflag:s10] =	ssyncadd.s32 $0xFFFFC000  }
0x1f9: {  	[hbm4b:s13+s2] =	stream.linear.scatter [tilespmem:s6], [sflag:$0x3], $0x8000, $0x38;
	[tilespmem:$0x11C00] =	vst v63  }
0x1fa: {  	_ =	swait.ge [sflag:s8], $0x8000  }
0x1fb: {  	s0 =	sld [smem:$0x7DC]  }
0x1fc: {  	[sflag:s8] =	ssyncset.done $0x0  }
0x1fd: {  	s13 =	sld [smem:$0x7DD];
	[sflag:s8] =	ssyncadd.s32 $0xFFFF8000  }
0x1fe: {  	[tilespmem:s5], [sflag:$0x2] =	stream.indirect.gather [hbm4b:s3+s4], $0x80, s0, s4, $0xb8;
	[tilespmem:$0x11C00] =	vst v63  }
0x1ff: {  	_ = 	snop  }
0x200: {  	[tilespmem:s11], [sflag:$0x2] =	stream.indirect.gather [hbm4b:s3+s4], $0x80, s13, s4, $0xb8;
	[tilespmem:$0x11C00] =	vst v63  }
0x201: {  	_ =	swait.ge [sflag:s9], $0x4000  }
0x202: {  	[sflag:s9] =	ssyncset.done $0x0  }
0x203: {  	[sflag:s9] =	ssyncadd.s32 $0xFFFFC000  }
0x204: {  	_ =	swait.ge [sflag:s9], $0x4000  }
0x205: {  	[sflag:s9] =	ssyncset.done $0x0  }
0x206: {  	s13 =	rddreg [dreg:$0x5];
	[sflag:s9] =	ssyncadd.s32 $0xFFFFC000  }
0x207: {  	[hbm4b:s13+s2] =	stream.linear.scatter [tilespmem:s5], [sflag:$0x4], $0x8000, $0x38;
	[tilespmem:$0x11C00] =	vst v63  }
0x208: {  	_ =	swait.ge [sflag:s7], $0x8000  }
0x209: {  	s0 =	sld [smem:$0x7DE]  }
0x20a: {  	[sflag:s7] =	ssyncset.done $0x0  }
0x20b: {  	s13 =	sld [smem:$0x7DF];
	[sflag:s7] =	ssyncadd.s32 $0xFFFF8000  }
0x20c: {  	[tilespmem:s6], [sflag:$0x1] =	stream.indirect.gather [hbm4b:s3+s4], $0x80, s0, s4, $0xb8;
	[tilespmem:$0x11C00] =	vst v63  }
0x20d: {  	_ = 	snop  }
0x20e: {  	[tilespmem:s12], [sflag:$0x1] =	stream.indirect.gather [hbm4b:s3+s4], $0x80, s13, s4, $0xb8;
	[tilespmem:$0x11C00] =	vst v63  }
0x20f: {  	_ =	swait.ge [sflag:s10], $0x4000  }
0x210: {  	[sflag:s10] =	ssyncset.done $0x0  }
0x211: {  	[sflag:s10] =	ssyncadd.s32 $0xFFFFC000  }
0x212: {  	_ =	swait.ge [sflag:s10], $0x4000  }
0x213: {  	[sflag:s10] =	ssyncset.done $0x0  }
0x214: {  	s13 =	rddreg [dreg:$0x6];
	[sflag:s10] =	ssyncadd.s32 $0xFFFFC000  }
0x215: {  	[hbm4b:s13+s2] =	stream.linear.scatter [tilespmem:s6], [sflag:$0x3], $0x8000, $0x38;
	[tilespmem:$0x11C00] =	vst v63  }
0x216: {  	_ =	swait.ge [sflag:s8], $0x8000  }
0x217: {  	s0 =	sld [smem:$0x7E0]  }
0x218: {  	[sflag:s8] =	ssyncset.done $0x0  }
0x219: {  	s13 =	sld [smem:$0x7E1];
	[sflag:s8] =	ssyncadd.s32 $0xFFFF8000  }
0x21a: {  	[tilespmem:s5], [sflag:$0x2] =	stream.indirect.gather [hbm4b:s3+s4], $0x80, s0, s4, $0xb8;
	[tilespmem:$0x11C00] =	vst v63  }
0x21b: {  	_ = 	snop  }
0x21c: {  	[tilespmem:s11], [sflag:$0x2] =	stream.indirect.gather [hbm4b:s3+s4], $0x80, s13, s4, $0xb8;
	[tilespmem:$0x11C00] =	vst v63  }
0x21d: {  	_ =	swait.ge [sflag:s9], $0x4000  }
0x21e: {  	[sflag:s9] =	ssyncset.done $0x0  }
0x21f: {  	[sflag:s9] =	ssyncadd.s32 $0xFFFFC000  }
0x220: {  	_ =	swait.ge [sflag:s9], $0x4000  }
0x221: {  	[sflag:s9] =	ssyncset.done $0x0  }
0x222: {  	s13 =	rddreg [dreg:$0x7];
	[sflag:s9] =	ssyncadd.s32 $0xFFFFC000  }
0x223: {  	[hbm4b:s13+s2] =	stream.linear.scatter [tilespmem:s5], [sflag:$0x4], $0x8000, $0x38;
	[tilespmem:$0x11C00] =	vst v63  }
0x224: {  	_ =	swait.ge [sflag:s7], $0x8000  }
0x225: {  	s0 =	sld [smem:$0x7E2]  }
0x226: {  	[sflag:s7] =	ssyncset.done $0x0  }
0x227: {  	s13 =	sld [smem:$0x7E3];
	[sflag:s7] =	ssyncadd.s32 $0xFFFF8000  }
0x228: {  	[tilespmem:s6], [sflag:$0x1] =	stream.indirect.gather [hbm4b:s3+s4], $0x80, s0, s4, $0xb8;
	[tilespmem:$0x11C00] =	vst v63  }
0x229: {  	_ = 	snop  }
0x22a: {  	[tilespmem:s12], [sflag:$0x1] =	stream.indirect.gather [hbm4b:s3+s4], $0x80, s13, s4, $0xb8;
	[tilespmem:$0x11C00] =	vst v63  }
0x22b: {  	_ =	swait.ge [sflag:s10], $0x4000  }
0x22c: {  	[sflag:s10] =	ssyncset.done $0x0  }
0x22d: {  	[sflag:s10] =	ssyncadd.s32 $0xFFFFC000  }
0x22e: {  	_ =	swait.ge [sflag:s10], $0x4000  }
0x22f: {  	[sflag:s10] =	ssyncset.done $0x0  }
0x230: {  	s13 =	rddreg [dreg:$0x8];
	[sflag:s10] =	ssyncadd.s32 $0xFFFFC000  }
0x231: {  	[hbm4b:s13+s2] =	stream.linear.scatter [tilespmem:s6], [sflag:$0x3], $0x8000, $0x38;
	[tilespmem:$0x11C00] =	vst v63  }
0x232: {  	_ =	swait.ge [sflag:s8], $0x8000  }
0x233: {  	s0 =	sld [smem:$0x7E4]  }
0x234: {  	[sflag:s8] =	ssyncset.done $0x0  }
0x235: {  	s13 =	sld [smem:$0x7E5];
	[sflag:s8] =	ssyncadd.s32 $0xFFFF8000  }
0x236: {  	[tilespmem:s5], [sflag:$0x2] =	stream.indirect.gather [hbm4b:s3+s4], $0x80, s0, s4, $0xb8;
	[tilespmem:$0x11C00] =	vst v63  }
0x237: {  	_ = 	snop  }
0x238: {  	[tilespmem:s11], [sflag:$0x2] =	stream.indirect.gather [hbm4b:s3+s4], $0x80, s13, s4, $0xb8;
	[tilespmem:$0x11C00] =	vst v63  }
0x239: {  	_ =	swait.ge [sflag:s9], $0x4000  }
0x23a: {  	[sflag:s9] =	ssyncset.done $0x0  }
0x23b: {  	[sflag:s9] =	ssyncadd.s32 $0xFFFFC000  }
0x23c: {  	_ =	swait.ge [sflag:s9], $0x4000  }
0x23d: {  	[sflag:s9] =	ssyncset.done $0x0  }
0x23e: {  	s13 =	rddreg [dreg:$0x9];
	[sflag:s9] =	ssyncadd.s32 $0xFFFFC000  }
0x23f: {  	[hbm4b:s13+s2] =	stream.linear.scatter [tilespmem:s5], [sflag:$0x4], $0x8000, $0x38;
	[tilespmem:$0x11C00] =	vst v63  }
0x240: {  	_ =	swait.ge [sflag:s7], $0x8000  }
0x241: {  	s0 =	sld [smem:$0x7E6]  }
0x242: {  	[sflag:s7] =	ssyncset.done $0x0  }
0x243: {  	s13 =	sld [smem:$0x7E7];
	[sflag:s7] =	ssyncadd.s32 $0xFFFF8000  }
0x244: {  	[tilespmem:s6], [sflag:$0x1] =	stream.indirect.gather [hbm4b:s3+s4], $0x80, s0, s4, $0xb8;
	[tilespmem:$0x11C00] =	vst v63  }
0x245: {  	_ = 	snop  }
0x246: {  	[tilespmem:s12], [sflag:$0x1] =	stream.indirect.gather [hbm4b:s3+s4], $0x80, s13, s4, $0xb8;
	[tilespmem:$0x11C00] =	vst v63  }
0x247: {  	_ =	swait.ge [sflag:s10], $0x4000  }
0x248: {  	[sflag:s10] =	ssyncset.done $0x0  }
0x249: {  	[sflag:s10] =	ssyncadd.s32 $0xFFFFC000  }
0x24a: {  	_ =	swait.ge [sflag:s10], $0x4000  }
0x24b: {  	[sflag:s10] =	ssyncset.done $0x0  }
0x24c: {  	s13 =	rddreg [dreg:$0xa];
	[sflag:s10] =	ssyncadd.s32 $0xFFFFC000  }
0x24d: {  	[hbm4b:s13+s2] =	stream.linear.scatter [tilespmem:s6], [sflag:$0x3], $0x8000, $0x38;
	[tilespmem:$0x11C00] =	vst v63  }
0x24e: {  	_ =	swait.ge [sflag:s8], $0x8000  }
0x24f: {  	s0 =	sld [smem:$0x7E8]  }
0x250: {  	[sflag:s8] =	ssyncset.done $0x0  }
0x251: {  	s13 =	sld [smem:$0x7E9];
	[sflag:s8] =	ssyncadd.s32 $0xFFFF8000  }
0x252: {  	[tilespmem:s5], [sflag:$0x2] =	stream.indirect.gather [hbm4b:s3+s4], $0x80, s0, s4, $0xb8;
	[tilespmem:$0x11C00] =	vst v63  }
0x253: {  	_ = 	snop  }
0x254: {  	[tilespmem:s11], [sflag:$0x2] =	stream.indirect.gather [hbm4b:s3+s4], $0x80, s13, s4, $0xb8;
	[tilespmem:$0x11C00] =	vst v63  }
0x255: {  	_ =	swait.ge [sflag:s9], $0x4000  }
0x256: {  	[sflag:s9] =	ssyncset.done $0x0  }
0x257: {  	[sflag:s9] =	ssyncadd.s32 $0xFFFFC000  }
0x258: {  	_ =	swait.ge [sflag:s9], $0x4000  }
0x259: {  	[sflag:s9] =	ssyncset.done $0x0  }
0x25a: {  	s13 =	rddreg [dreg:$0xb];
	[sflag:s9] =	ssyncadd.s32 $0xFFFFC000  }
0x25b: {  	[hbm4b:s13+s2] =	stream.linear.scatter [tilespmem:s5], [sflag:$0x4], $0x8000, $0x38;
	[tilespmem:$0x11C00] =	vst v63  }
0x25c: {  	_ =	swait.ge [sflag:s7], $0x8000  }
0x25d: {  	s0 =	sld [smem:$0x7EA]  }
0x25e: {  	[sflag:s7] =	ssyncset.done $0x0  }
0x25f: {  	s13 =	sld [smem:$0x7EB];
	[sflag:s7] =	ssyncadd.s32 $0xFFFF8000  }
0x260: {  	[tilespmem:s6], [sflag:$0x1] =	stream.indirect.gather [hbm4b:s3+s4], $0x80, s0, s4, $0xb8;
	[tilespmem:$0x11C00] =	vst v63  }
0x261: {  	_ = 	snop  }
0x262: {  	[tilespmem:s12], [sflag:$0x1] =	stream.indirect.gather [hbm4b:s3+s4], $0x80, s13, s4, $0xb8;
	[tilespmem:$0x11C00] =	vst v63  }
0x263: {  	_ =	swait.ge [sflag:s10], $0x4000  }
0x264: {  	[sflag:s10] =	ssyncset.done $0x0  }
0x265: {  	[sflag:s10] =	ssyncadd.s32 $0xFFFFC000  }
0x266: {  	_ =	swait.ge [sflag:s10], $0x4000  }
0x267: {  	[sflag:s10] =	ssyncset.done $0x0  }
0x268: {  	s13 =	rddreg [dreg:$0xc];
	[sflag:s10] =	ssyncadd.s32 $0xFFFFC000  }
0x269: {  	[hbm4b:s13+s2] =	stream.linear.scatter [tilespmem:s6], [sflag:$0x3], $0x8000, $0x38;
	[tilespmem:$0x11C00] =	vst v63  }
0x26a: {  	_ =	swait.ge [sflag:s8], $0x8000  }
0x26b: {  	s0 =	sld [smem:$0x7EC]  }
0x26c: {  	[sflag:s8] =	ssyncset.done $0x0  }
0x26d: {  	s13 =	sld [smem:$0x7ED];
	[sflag:s8] =	ssyncadd.s32 $0xFFFF8000  }
0x26e: {  	[tilespmem:s5], [sflag:$0x2] =	stream.indirect.gather [hbm4b:s3+s4], $0x80, s0, s4, $0xb8;
	[tilespmem:$0x11C00] =	vst v63  }
0x26f: {  	_ = 	snop  }
0x270: {  	[tilespmem:s11], [sflag:$0x2] =	stream.indirect.gather [hbm4b:s3+s4], $0x80, s13, s4, $0xb8;
	[tilespmem:$0x11C00] =	vst v63  }
0x271: {  	_ =	swait.ge [sflag:s9], $0x4000  }
0x272: {  	[sflag:s9] =	ssyncset.done $0x0  }
0x273: {  	[sflag:s9] =	ssyncadd.s32 $0xFFFFC000  }
0x274: {  	_ =	swait.ge [sflag:s9], $0x4000  }
0x275: {  	[sflag:s9] =	ssyncset.done $0x0  }
0x276: {  	s13 =	rddreg [dreg:$0xd];
	[sflag:s9] =	ssyncadd.s32 $0xFFFFC000  }
0x277: {  	[hbm4b:s13+s2] =	stream.linear.scatter [tilespmem:s5], [sflag:$0x4], $0x8000, $0x38;
	[tilespmem:$0x11C00] =	vst v63  }
0x278: {  	_ =	swait.ge [sflag:s7], $0x8000  }
0x279: {  	s0 =	sld [smem:$0x7EE]  }
0x27a: {  	[sflag:s7] =	ssyncset.done $0x0  }
0x27b: {  	s13 =	sld [smem:$0x7EF];
	[sflag:s7] =	ssyncadd.s32 $0xFFFF8000  }
0x27c: {  	[tilespmem:s6], [sflag:$0x1] =	stream.indirect.gather [hbm4b:s3+s4], $0x80, s0, s4, $0xb8;
	[tilespmem:$0x11C00] =	vst v63  }
0x27d: {  	_ = 	snop  }
0x27e: {  	[tilespmem:s12], [sflag:$0x1] =	stream.indirect.gather [hbm4b:s3+s4], $0x80, s13, s4, $0xb8;
	[tilespmem:$0x11C00] =	vst v63  }
0x27f: {  	_ =	swait.ge [sflag:s10], $0x4000  }
0x280: {  	[sflag:s10] =	ssyncset.done $0x0  }
0x281: {  	[sflag:s10] =	ssyncadd.s32 $0xFFFFC000  }
0x282: {  	_ =	swait.ge [sflag:s10], $0x4000  }
0x283: {  	[sflag:s10] =	ssyncset.done $0x0  }
0x284: {  	s13 =	rddreg [dreg:$0xe];
	[sflag:s10] =	ssyncadd.s32 $0xFFFFC000  }
0x285: {  	[hbm4b:s13+s2] =	stream.linear.scatter [tilespmem:s6], [sflag:$0x3], $0x8000, $0x38;
	[tilespmem:$0x11C00] =	vst v63  }
0x286: {  	_ =	swait.ge [sflag:s8], $0x8000  }
0x287: {  	s0 =	sld [smem:$0x7F0]  }
0x288: {  	[sflag:s8] =	ssyncset.done $0x0  }
0x289: {  	s13 =	sld [smem:$0x7F1];
	[sflag:s8] =	ssyncadd.s32 $0xFFFF8000  }
0x28a: {  	[tilespmem:s5], [sflag:$0x2] =	stream.indirect.gather [hbm4b:s3+s4], $0x80, s0, s4, $0xb8;
	[tilespmem:$0x11C00] =	vst v63  }
0x28b: {  	_ = 	snop  }
0x28c: {  	[tilespmem:s11], [sflag:$0x2] =	stream.indirect.gather [hbm4b:s3+s4], $0x80, s13, s4, $0xb8;
	[tilespmem:$0x11C00] =	vst v63  }
0x28d: {  	_ =	swait.ge [sflag:s9], $0x4000  }
0x28e: {  	[sflag:s9] =	ssyncset.done $0x0  }
0x28f: {  	[sflag:s9] =	ssyncadd.s32 $0xFFFFC000  }
0x290: {  	_ =	swait.ge [sflag:s9], $0x4000  }
0x291: {  	[sflag:s9] =	ssyncset.done $0x0  }
0x292: {  	s13 =	rddreg [dreg:$0xf];
	[sflag:s9] =	ssyncadd.s32 $0xFFFFC000  }
0x293: {  	[hbm4b:s13+s2] =	stream.linear.scatter [tilespmem:s5], [sflag:$0x4], $0x8000, $0x38;
	[tilespmem:$0x11C00] =	vst v63  }
0x294: {  	_ =	swait.ge [sflag:s7], $0x8000  }
0x295: {  	s0 =	sld [smem:$0x7F2]  }
0x296: {  	[sflag:s7] =	ssyncset.done $0x0  }
0x297: {  	s13 =	sld [smem:$0x7F3];
	[sflag:s7] =	ssyncadd.s32 $0xFFFF8000  }
0x298: {  	[tilespmem:s6], [sflag:$0x1] =	stream.indirect.gather [hbm4b:s3+s4], $0x80, s0, s4, $0xb8;
	[tilespmem:$0x11C00] =	vst v63  }
0x299: {  	_ = 	snop  }
0x29a: {  	[tilespmem:s12], [sflag:$0x1] =	stream.indirect.gather [hbm4b:s3+s4], $0x80, s13, s4, $0xb8;
	[tilespmem:$0x11C00] =	vst v63  }
0x29b: {  	_ =	swait.ge [sflag:s10], $0x4000  }
0x29c: {  	[sflag:s10] =	ssyncset.done $0x0  }
0x29d: {  	[sflag:s10] =	ssyncadd.s32 $0xFFFFC000  }
0x29e: {  	_ =	swait.ge [sflag:s10], $0x4000  }
0x29f: {  	[sflag:s10] =	ssyncset.done $0x0  }
0x2a0: {  	s13 =	rddreg [dreg:$0x10];
	[sflag:s10] =	ssyncadd.s32 $0xFFFFC000  }
0x2a1: {  	[hbm4b:s13+s2] =	stream.linear.scatter [tilespmem:s6], [sflag:$0x3], $0x8000, $0x38;
	[tilespmem:$0x11C00] =	vst v63  }
0x2a2: {  	_ =	swait.ge [sflag:s8], $0x8000  }
0x2a3: {  	s0 =	sld [smem:$0x7F4]  }
0x2a4: {  	[sflag:s8] =	ssyncset.done $0x0  }
0x2a5: {  	s13 =	sld [smem:$0x7F5];
	[sflag:s8] =	ssyncadd.s32 $0xFFFF8000  }
0x2a6: {  	[tilespmem:s5], [sflag:$0x2] =	stream.indirect.gather [hbm4b:s3+s4], $0x80, s0, s4, $0xb8;
	[tilespmem:$0x11C00] =	vst v63  }
0x2a7: {  	_ = 	snop  }
0x2a8: {  	[tilespmem:s11], [sflag:$0x2] =	stream.indirect.gather [hbm4b:s3+s4], $0x80, s13, s4, $0xb8;
	[tilespmem:$0x11C00] =	vst v63  }
0x2a9: {  	_ =	swait.ge [sflag:s9], $0x4000  }
0x2aa: {  	[sflag:s9] =	ssyncset.done $0x0  }
0x2ab: {  	[sflag:s9] =	ssyncadd.s32 $0xFFFFC000  }
0x2ac: {  	_ =	swait.ge [sflag:s9], $0x4000  }
0x2ad: {  	[sflag:s9] =	ssyncset.done $0x0  }
0x2ae: {  	s13 =	rddreg [dreg:$0x11];
	[sflag:s9] =	ssyncadd.s32 $0xFFFFC000  }
0x2af: {  	[hbm4b:s13+s2] =	stream.linear.scatter [tilespmem:s5], [sflag:$0x4], $0x8000, $0x38;
	[tilespmem:$0x11C00] =	vst v63  }
0x2b0: {  	_ =	swait.ge [sflag:s7], $0x8000  }
0x2b1: {  	s0 =	sld [smem:$0x7F6]  }
0x2b2: {  	[sflag:s7] =	ssyncset.done $0x0  }
0x2b3: {  	s13 =	sld [smem:$0x7F7];
	[sflag:s7] =	ssyncadd.s32 $0xFFFF8000  }
0x2b4: {  	[tilespmem:s6], [sflag:$0x1] =	stream.indirect.gather [hbm4b:s3+s4], $0x80, s0, s4, $0xb8;
	[tilespmem:$0x11C00] =	vst v63  }
0x2b5: {  	_ = 	snop  }
0x2b6: {  	[tilespmem:s12], [sflag:$0x1] =	stream.indirect.gather [hbm4b:s3+s4], $0x80, s13, s4, $0xb8;
	[tilespmem:$0x11C00] =	vst v63  }
0x2b7: {  	_ =	swait.ge [sflag:s10], $0x4000  }
0x2b8: {  	[sflag:s10] =	ssyncset.done $0x0  }
0x2b9: {  	[sflag:s10] =	ssyncadd.s32 $0xFFFFC000  }
0x2ba: {  	_ =	swait.ge [sflag:s10], $0x4000  }
0x2bb: {  	[sflag:s10] =	ssyncset.done $0x0  }
0x2bc: {  	s13 =	rddreg [dreg:$0x12];
	[sflag:s10] =	ssyncadd.s32 $0xFFFFC000  }
0x2bd: {  	[hbm4b:s13+s2] =	stream.linear.scatter [tilespmem:s6], [sflag:$0x3], $0x8000, $0x38;
	[tilespmem:$0x11C00] =	vst v63  }
0x2be: {  	_ =	swait.ge [sflag:s8], $0x8000  }
0x2bf: {  	s0 =	sld [smem:$0x7F8]  }
0x2c0: {  	[sflag:s8] =	ssyncset.done $0x0  }
0x2c1: {  	s13 =	sld [smem:$0x7F9];
	[sflag:s8] =	ssyncadd.s32 $0xFFFF8000  }
0x2c2: {  	[tilespmem:s5], [sflag:$0x2] =	stream.indirect.gather [hbm4b:s3+s4], $0x80, s0, s4, $0xb8;
	[tilespmem:$0x11C00] =	vst v63  }
0x2c3: {  	_ = 	snop  }
0x2c4: {  	[tilespmem:s11], [sflag:$0x2] =	stream.indirect.gather [hbm4b:s3+s4], $0x80, s13, s4, $0xb8;
	[tilespmem:$0x11C00] =	vst v63  }
0x2c5: {  	_ =	swait.ge [sflag:s9], $0x4000  }
0x2c6: {  	[sflag:s9] =	ssyncset.done $0x0  }
0x2c7: {  	[sflag:s9] =	ssyncadd.s32 $0xFFFFC000  }
0x2c8: {  	_ =	swait.ge [sflag:s9], $0x4000  }
0x2c9: {  	[sflag:s9] =	ssyncset.done $0x0  }
0x2ca: {  	s13 =	rddreg [dreg:$0x13];
	[sflag:s9] =	ssyncadd.s32 $0xFFFFC000  }
0x2cb: {  	[hbm4b:s13+s2] =	stream.linear.scatter [tilespmem:s5], [sflag:$0x4], $0x8000, $0x38;
	[tilespmem:$0x11C00] =	vst v63  }
0x2cc: {  	_ =	swait.ge [sflag:s7], $0x8000  }
0x2cd: {  	s0 =	sld [smem:$0x7FA]  }
0x2ce: {  	[sflag:s7] =	ssyncset.done $0x0  }
0x2cf: {  	s13 =	sld [smem:$0x7FB];
	[sflag:s7] =	ssyncadd.s32 $0xFFFF8000  }
0x2d0: {  	[tilespmem:s6], [sflag:$0x1] =	stream.indirect.gather [hbm4b:s3+s4], $0x80, s0, s4, $0xb8;
	[tilespmem:$0x11C00] =	vst v63  }
0x2d1: {  	_ = 	snop  }
0x2d2: {  	[tilespmem:s12], [sflag:$0x1] =	stream.indirect.gather [hbm4b:s3+s4], $0x80, s13, s4, $0xb8;
	[tilespmem:$0x11C00] =	vst v63  }
0x2d3: {  	_ =	swait.ge [sflag:s10], $0x4000  }
0x2d4: {  	[sflag:s10] =	ssyncset.done $0x0  }
0x2d5: {  	[sflag:s10] =	ssyncadd.s32 $0xFFFFC000  }
0x2d6: {  	_ =	swait.ge [sflag:s10], $0x4000  }
0x2d7: {  	[sflag:s10] =	ssyncset.done $0x0  }
0x2d8: {  	s13 =	rddreg [dreg:$0x14];
	[sflag:s10] =	ssyncadd.s32 $0xFFFFC000  }
0x2d9: {  	[hbm4b:s13+s2] =	stream.linear.scatter [tilespmem:s6], [sflag:$0x3], $0x8000, $0x38;
	[tilespmem:$0x11C00] =	vst v63  }
0x2da: {  	_ =	swait.ge [sflag:s8], $0x8000  }
0x2db: {  	s0 =	sld [smem:$0x7FC]  }
0x2dc: {  	[sflag:s8] =	ssyncset.done $0x0  }
0x2dd: {  	s13 =	sld [smem:$0x7FD];
	[sflag:s8] =	ssyncadd.s32 $0xFFFF8000  }
0x2de: {  	[tilespmem:s5], [sflag:$0x2] =	stream.indirect.gather [hbm4b:s3+s4], $0x80, s0, s4, $0xb8;
	[tilespmem:$0x11C00] =	vst v63  }
0x2df: {  	_ = 	snop  }
0x2e0: {  	[tilespmem:s11], [sflag:$0x2] =	stream.indirect.gather [hbm4b:s3+s4], $0x80, s13, s4, $0xb8;
	[tilespmem:$0x11C00] =	vst v63  }
0x2e1: {  	_ =	swait.ge [sflag:s9], $0x4000  }
0x2e2: {  	[sflag:s9] =	ssyncset.done $0x0  }
0x2e3: {  	[sflag:s9] =	ssyncadd.s32 $0xFFFFC000  }
0x2e4: {  	_ =	swait.ge [sflag:s9], $0x4000  }
0x2e5: {  	[sflag:s9] =	ssyncset.done $0x0  }
0x2e6: {  	s13 =	rddreg [dreg:$0x15];
	[sflag:s9] =	ssyncadd.s32 $0xFFFFC000  }
0x2e7: {  	[hbm4b:s13+s2] =	stream.linear.scatter [tilespmem:s5], [sflag:$0x4], $0x8000, $0x38;
	[tilespmem:$0x11C00] =	vst v63  }
0x2e8: {  	_ =	swait.ge [sflag:s7], $0x8000  }
0x2e9: {  	[sflag:s7] =	ssyncset.done $0x0  }
0x2ea: {  	[sflag:s7] =	ssyncadd.s32 $0xFFFF8000  }
0x2eb: {  	[tilespmem:s6], [sflag:$0x1] =	stream.indirect.gather [hbm4b:s3+s4], $0x80, s29, s4, $0xb8;
	[tilespmem:$0x11C00] =	vst v63  }
0x2ec: {  	_ = 	snop  }
0x2ed: {  	[tilespmem:s12], [sflag:$0x1] =	stream.indirect.gather [hbm4b:s3+s4], $0x80, s20, s4, $0xb8;
	[tilespmem:$0x11C00] =	vst v63  }
0x2ee: {  	_ =	swait.ge [sflag:s10], $0x4000  }
0x2ef: {  	[sflag:s10] =	ssyncset.done $0x0  }
0x2f0: {  	[sflag:s10] =	ssyncadd.s32 $0xFFFFC000  }
0x2f1: {  	_ =	swait.ge [sflag:s10], $0x4000  }
0x2f2: {  	[sflag:s10] =	ssyncset.done $0x0  }
0x2f3: {  	s13 =	rddreg [dreg:$0x16];
	[sflag:s10] =	ssyncadd.s32 $0xFFFFC000  }
0x2f4: {  	[hbm4b:s13+s2] =	stream.linear.scatter [tilespmem:s6], [sflag:$0x3], $0x8000, $0x38;
	[tilespmem:$0x11C00] =	vst v63  }
0x2f5: {  	_ =	swait.ge [sflag:s8], $0x8000  }
0x2f6: {  	[sflag:s8] =	ssyncset.done $0x0  }
0x2f7: {  	[sflag:s8] =	ssyncadd.s32 $0xFFFF8000  }
0x2f8: {  	[tilespmem:s5], [sflag:$0x2] =	stream.indirect.gather [hbm4b:s3+s4], $0x80, s26, s4, $0xb8;
	[tilespmem:$0x11C00] =	vst v63  }
0x2f9: {  	_ = 	snop  }
0x2fa: {  	[tilespmem:s11], [sflag:$0x2] =	stream.indirect.gather [hbm4b:s3+s4], $0x80, s28, s4, $0xb8;
	[tilespmem:$0x11C00] =	vst v63  }
0x2fb: {  	_ =	swait.ge [sflag:s9], $0x4000  }
0x2fc: {  	[sflag:s9] =	ssyncset.done $0x0  }
0x2fd: {  	[sflag:s9] =	ssyncadd.s32 $0xFFFFC000  }
0x2fe: {  	_ =	swait.ge [sflag:s9], $0x4000  }
0x2ff: {  	[sflag:s9] =	ssyncset.done $0x0  }
0x300: {  	s13 =	rddreg [dreg:$0x17];
	[sflag:s9] =	ssyncadd.s32 $0xFFFFC000  }
0x301: {  	[hbm4b:s13+s2] =	stream.linear.scatter [tilespmem:s5], [sflag:$0x4], $0x8000, $0x38;
	[tilespmem:$0x11C00] =	vst v63  }
0x302: {  	_ =	swait.ge [sflag:s7], $0x8000  }
0x303: {  	[sflag:s7] =	ssyncset.done $0x0  }
0x304: {  	[sflag:s7] =	ssyncadd.s32 $0xFFFF8000  }
0x305: {  	[tilespmem:s6], [sflag:$0x1] =	stream.indirect.gather [hbm4b:s3+s4], $0x80, s24, s4, $0xb8;
	[tilespmem:$0x11C00] =	vst v63  }
0x306: {  	_ = 	snop  }
0x307: {  	[tilespmem:s12], [sflag:$0x1] =	stream.indirect.gather [hbm4b:s3+s4], $0x80, s25, s4, $0xb8;
	[tilespmem:$0x11C00] =	vst v63  }
0x308: {  	_ =	swait.ge [sflag:s10], $0x4000  }
0x309: {  	[sflag:s10] =	ssyncset.done $0x0  }
0x30a: {  	[sflag:s10] =	ssyncadd.s32 $0xFFFFC000  }
0x30b: {  	_ =	swait.ge [sflag:s10], $0x4000  }
0x30c: {  	[sflag:s10] =	ssyncset.done $0x0  }
0x30d: {  	s13 =	rddreg [dreg:$0x18];
	[sflag:s10] =	ssyncadd.s32 $0xFFFFC000  }
0x30e: {  	[hbm4b:s13+s2] =	stream.linear.scatter [tilespmem:s6], [sflag:$0x3], $0x8000, $0x38;
	[tilespmem:$0x11C00] =	vst v63  }
0x30f: {  	_ =	swait.ge [sflag:s8], $0x8000  }
0x310: {  	[sflag:s8] =	ssyncset.done $0x0  }
0x311: {  	[sflag:s8] =	ssyncadd.s32 $0xFFFF8000  }
0x312: {  	[tilespmem:s5], [sflag:$0x2] =	stream.indirect.gather [hbm4b:s3+s4], $0x80, s22, s4, $0xb8;
	[tilespmem:$0x11C00] =	vst v63  }
0x313: {  	_ = 	snop  }
0x314: {  	[tilespmem:s11], [sflag:$0x2] =	stream.indirect.gather [hbm4b:s3+s4], $0x80, s23, s4, $0xb8;
	[tilespmem:$0x11C00] =	vst v63  }
0x315: {  	_ =	swait.ge [sflag:s9], $0x4000  }
0x316: {  	[sflag:s9] =	ssyncset.done $0x0  }
0x317: {  	[sflag:s9] =	ssyncadd.s32 $0xFFFFC000  }
0x318: {  	_ =	swait.ge [sflag:s9], $0x4000  }
0x319: {  	[sflag:s9] =	ssyncset.done $0x0  }
0x31a: {  	s13 =	rddreg [dreg:$0x19];
	[sflag:s9] =	ssyncadd.s32 $0xFFFFC000  }
0x31b: {  	[hbm4b:s13+s2] =	stream.linear.scatter [tilespmem:s5], [sflag:$0x4], $0x8000, $0x38;
	[tilespmem:$0x11C00] =	vst v63  }
0x31c: {  	_ =	swait.ge [sflag:s7], $0x8000  }
0x31d: {  	[sflag:s7] =	ssyncset.done $0x0  }
0x31e: {  	s13 =	simm.s32 $0x1800;
	[sflag:s7] =	ssyncadd.s32 $0xFFFF8000  }
0x31f: {  	[tilespmem:s6], [sflag:$0x1] =	stream.indirect.gather [hbm4b:s3+s4], $0x80, s13, s4, $0xb8;
	[tilespmem:$0x11C00] =	vst v63  }
0x320: {  	_ = 	snop  }
0x321: {  	[tilespmem:s12], [sflag:$0x1] =	stream.indirect.gather [hbm4b:s3+s4], $0x80, s21, s4, $0xb8;
	[tilespmem:$0x11C00] =	vst v63  }
0x322: {  	_ =	swait.ge [sflag:s10], $0x4000  }
0x323: {  	[sflag:s10] =	ssyncset.done $0x0  }
0x324: {  	[sflag:s10] =	ssyncadd.s32 $0xFFFFC000  }
0x325: {  	_ =	swait.ge [sflag:s10], $0x4000  }
0x326: {  	[sflag:s10] =	ssyncset.done $0x0  }
0x327: {  	s13 =	rddreg [dreg:$0x1a];
	[sflag:s10] =	ssyncadd.s32 $0xFFFFC000  }
0x328: {  	[hbm4b:s13+s2] =	stream.linear.scatter [tilespmem:s6], [sflag:$0x3], $0x8000, $0x38;
	[tilespmem:$0x11C00] =	vst v63  }
0x329: {  	_ =	swait.ge [sflag:s8], $0x8000  }
0x32a: {  	[sflag:s8] =	ssyncset.done $0x0  }
0x32b: {  	[sflag:s8] =	ssyncadd.s32 $0xFFFF8000  }
0x32c: {  	[tilespmem:s5], [sflag:$0x2] =	stream.indirect.gather [hbm4b:s3+s4], $0x80, s18, s4, $0xb8;
	[tilespmem:$0x11C00] =	vst v63  }
0x32d: {  	_ = 	snop  }
0x32e: {  	[tilespmem:s11], [sflag:$0x2] =	stream.indirect.gather [hbm4b:s3+s4], $0x80, s19, s4, $0xb8;
	[tilespmem:$0x11C00] =	vst v63  }
0x32f: {  	_ =	swait.ge [sflag:s9], $0x4000  }
0x330: {  	[sflag:s9] =	ssyncset.done $0x0  }
0x331: {  	[sflag:s9] =	ssyncadd.s32 $0xFFFFC000  }
0x332: {  	_ =	swait.ge [sflag:s9], $0x4000  }
0x333: {  	[sflag:s9] =	ssyncset.done $0x0  }
0x334: {  	s13 =	rddreg [dreg:$0x1b];
	[sflag:s9] =	ssyncadd.s32 $0xFFFFC000  }
0x335: {  	[hbm4b:s13+s2] =	stream.linear.scatter [tilespmem:s5], [sflag:$0x4], $0x8000, $0x38;
	[tilespmem:$0x11C00] =	vst v63  }
0x336: {  	_ =	swait.ge [sflag:s7], $0x8000  }
0x337: {  	[sflag:s7] =	ssyncset.done $0x0  }
0x338: {  	[sflag:s7] =	ssyncadd.s32 $0xFFFF8000  }
0x339: {  	[tilespmem:s6], [sflag:$0x1] =	stream.indirect.gather [hbm4b:s3+s4], $0x80, s16, s4, $0xb8;
	[tilespmem:$0x11C00] =	vst v63  }
0x33a: {  	_ = 	snop  }
0x33b: {  	[tilespmem:s12], [sflag:$0x1] =	stream.indirect.gather [hbm4b:s3+s4], $0x80, s17, s4, $0xb8;
	[tilespmem:$0x11C00] =	vst v63  }
0x33c: {  	_ =	swait.ge [sflag:s10], $0x4000  }
0x33d: {  	[sflag:s10] =	ssyncset.done $0x0  }
0x33e: {  	[sflag:s10] =	ssyncadd.s32 $0xFFFFC000  }
0x33f: {  	_ =	swait.ge [sflag:s10], $0x4000  }
0x340: {  	[sflag:s10] =	ssyncset.done $0x0  }
0x341: {  	s13 =	rddreg [dreg:$0x1c];
	[sflag:s10] =	ssyncadd.s32 $0xFFFFC000  }
0x342: {  	[hbm4b:s13+s2] =	stream.linear.scatter [tilespmem:s6], [sflag:$0x3], $0x8000, $0x38;
	[tilespmem:$0x11C00] =	vst v63  }
0x343: {  	_ =	swait.ge [sflag:s8], $0x8000  }
0x344: {  	[sflag:s8] =	ssyncset.done $0x0  }
0x345: {  	[sflag:s8] =	ssyncadd.s32 $0xFFFF8000  }
0x346: {  	[tilespmem:s5], [sflag:$0x2] =	stream.indirect.gather [hbm4b:s3+s4], $0x80, s14, s4, $0xb8;
	[tilespmem:$0x11C00] =	vst v63  }
0x347: {  	_ = 	snop  }
0x348: {  	[tilespmem:s11], [sflag:$0x2] =	stream.indirect.gather [hbm4b:s3+s4], $0x80, s15, s4, $0xb8;
	[tilespmem:$0x11C00] =	vst v63  }
0x349: {  	_ =	swait.ge [sflag:s9], $0x4000  }
0x34a: {  	[sflag:s9] =	ssyncset.done $0x0  }
0x34b: {  	[sflag:s9] =	ssyncadd.s32 $0xFFFFC000  }
0x34c: {  	_ =	swait.ge [sflag:s9], $0x4000  }
0x34d: {  	[sflag:s9] =	ssyncset.done $0x0  }
0x34e: {  	p1 =	sne.s32 s1, $0x1;
	s13 =	rddreg [dreg:$0x1d];
	[sflag:s9] =	ssyncadd.s32 $0xFFFFC000  }
0x34f: {  	[hbm4b:s13+s2] =	stream.linear.scatter [tilespmem:s5], [sflag:$0x4], $0x8000, $0x38;
	[tilespmem:$0x11C00] =	vst v63  }
.Ltmp2:
0x350: {  	_ =	swait.ge [sflag:s7], $0x8000;
	(pc) =	sbr.rel @p1 .LBB2_4-.Ltmp2, $4  }
0x351: {  	[sflag:s7] =	ssyncset.done $0x0  }
0x352: {  	[sflag:s7] =	ssyncadd.s32 $0xFFFF8000  }
0x353: {  	_ =	swait.ge [sflag:s8], $0x8000  }
0x354: {  	s1 =	sadd.s32 $0xFFFFFFFF, s1;
	s0 =	rddreg [dreg:$0x2];
	[sflag:s8] =	ssyncset.done $0x0  }
0x355: {  	s15 =	simm.s32 $0x1480  }
0x356: {  	s29 =	simm.s32 $0x1400;
	s28 =	simm.s32 $0x1580;
	s26 =	simm.s32 $0x1500  }
0x357: {  	s25 =	simm.s32 $0x1680;
	s24 =	simm.s32 $0x1600;
	s23 =	simm.s32 $0x1780  }
0x358: {  	s22 =	simm.s32 $0x1700;
	s21 =	simm.s32 $0x1880;
	s20 =	simm.s32 $0x1800  }
0x359: {  	s19 =	simm.s32 $0x1980;
	s18 =	simm.s32 $0x1900;
	s17 =	simm.s32 $0x1A80  }
0x35a: {  	s16 =	simm.s32 $0x1A00;
	s14 =	simm.s32 $0x1B00;
	s13 =	stileid.u32  }
.LBB2_6:
0x35b: {  	[sflag:s8] =	ssyncadd.s32 @p0 $0xFFFF8000  }
0x35c: {  	[tilespmem:s2], [sflag:$0x5] =	stream.linear.gather [hbm4b:s0+s2], $0x1C00, $0x38;
	[tilespmem:$0x11C00] =	vst v63  }
0x35d: {  	_ =	swait.ge [sflag:s31], $0x1C00  }
0x35e: {  	[sflag:s31] =	ssyncset.done $0x0  }
0x35f: {  	[sflag:s31] =	ssyncadd.s32 $0xFFFFE400  }
0x360: {  	[tilespmem:s6], [sflag:$0x1] =	stream.indirect.gather [hbm4b:s3+s4], $0x80, s2, s4, $0xb8;
	[tilespmem:$0x11C00] =	vst v63  }
0x361: {  	_ = 	snop  }
0x362: {  	[tilespmem:s12], [sflag:$0x1] =	stream.indirect.gather [hbm4b:s3+s4], $0x80, s4, s4, $0xb8;
	[tilespmem:$0x11C00] =	vst v63  }
0x363: {  	_ =	swait.ge [sflag:s10], $0x4000  }
0x364: {  	[sflag:s10] =	ssyncset.done $0x0  }
0x365: {  	[sflag:s10] =	ssyncadd.s32 $0xFFFFC000  }
0x366: {  	_ =	swait.ge [sflag:s10], $0x4000  }
0x367: {  	[sflag:s10] =	ssyncset.done $0x0  }
0x368: {  	[sflag:s10] =	ssyncadd.s32 $0xFFFFC000  }
0x369: {  	[hbm4b:s30+s2] =	stream.linear.scatter [tilespmem:s6], [sflag:$0x3], $0x8000, $0x38;
	[tilespmem:$0x11C00] =	vst v63  }
0x36a: {  	s31 =	rddreg [dreg:$0x1e]  }
0x36b: {  	[tilespmem:s5], [sflag:$0x2] =	stream.indirect.gather [hbm4b:s3+s4], $0x80, s31, s4, $0xb8;
	[tilespmem:$0x11C00] =	vst v63  }
0x36c: {  	s1 =	rddreg [dreg:$0x1f]  }
0x36d: {  	[tilespmem:s11], [sflag:$0x2] =	stream.indirect.gather [hbm4b:s3+s4], $0x80, s1, s4, $0xb8;
	[tilespmem:$0x11C00] =	vst v63  }
0x36e: {  	_ =	swait.ge [sflag:s9], $0x4000  }
0x36f: {  	[sflag:s9] =	ssyncset.done $0x0  }
0x370: {  	[sflag:s9] =	ssyncadd.s32 $0xFFFFC000  }
0x371: {  	_ =	swait.ge [sflag:s9], $0x4000  }
0x372: {  	[sflag:s9] =	ssyncset.done $0x0  }
0x373: {  	s31 =	rddreg [dreg:$0x3];
	[sflag:s9] =	ssyncadd.s32 $0xFFFFC000  }
0x374: {  	[hbm4b:s31+s2] =	stream.linear.scatter [tilespmem:s5], [sflag:$0x4], $0x8000, $0x38;
	[tilespmem:$0x11C00] =	vst v63  }
0x375: {  	_ =	swait.ge [sflag:s7], $0x8000  }
0x376: {  	s1 =	sld [smem:$0x7DA]  }
0x377: {  	[sflag:s7] =	ssyncset.done $0x0  }
0x378: {  	s30 =	sld [smem:$0x7DB];
	[sflag:s7] =	ssyncadd.s32 $0xFFFF8000  }
0x379: {  	[tilespmem:s6], [sflag:$0x1] =	stream.indirect.gather [hbm4b:s3+s4], $0x80, s1, s4, $0xb8;
	[tilespmem:$0x11C00] =	vst v63  }
0x37a: {  	_ = 	snop  }
0x37b: {  	[tilespmem:s12], [sflag:$0x1] =	stream.indirect.gather [hbm4b:s3+s4], $0x80, s30, s4, $0xb8;
	[tilespmem:$0x11C00] =	vst v63  }
0x37c: {  	_ =	swait.ge [sflag:s10], $0x4000  }
0x37d: {  	[sflag:s10] =	ssyncset.done $0x0  }
0x37e: {  	[sflag:s10] =	ssyncadd.s32 $0xFFFFC000  }
0x37f: {  	_ =	swait.ge [sflag:s10], $0x4000  }
0x380: {  	[sflag:s10] =	ssyncset.done $0x0  }
0x381: {  	s31 =	rddreg [dreg:$0x4];
	[sflag:s10] =	ssyncadd.s32 $0xFFFFC000  }
0x382: {  	[hbm4b:s31+s2] =	stream.linear.scatter [tilespmem:s6], [sflag:$0x3], $0x8000, $0x38;
	[tilespmem:$0x11C00] =	vst v63  }
0x383: {  	_ =	swait.ge [sflag:s8], $0x8000  }
0x384: {  	s1 =	sld [smem:$0x7DC]  }
0x385: {  	[sflag:s8] =	ssyncset.done $0x0  }
0x386: {  	s30 =	sld [smem:$0x7DD];
	[sflag:s8] =	ssyncadd.s32 $0xFFFF8000  }
0x387: {  	[tilespmem:s5], [sflag:$0x2] =	stream.indirect.gather [hbm4b:s3+s4], $0x80, s1, s4, $0xb8;
	[tilespmem:$0x11C00] =	vst v63  }
0x388: {  	_ = 	snop  }
0x389: {  	[tilespmem:s11], [sflag:$0x2] =	stream.indirect.gather [hbm4b:s3+s4], $0x80, s30, s4, $0xb8;
	[tilespmem:$0x11C00] =	vst v63  }
0x38a: {  	_ =	swait.ge [sflag:s9], $0x4000  }
0x38b: {  	[sflag:s9] =	ssyncset.done $0x0  }
0x38c: {  	[sflag:s9] =	ssyncadd.s32 $0xFFFFC000  }
0x38d: {  	_ =	swait.ge [sflag:s9], $0x4000  }
0x38e: {  	[sflag:s9] =	ssyncset.done $0x0  }
0x38f: {  	s31 =	rddreg [dreg:$0x5];
	[sflag:s9] =	ssyncadd.s32 $0xFFFFC000  }
0x390: {  	[hbm4b:s31+s2] =	stream.linear.scatter [tilespmem:s5], [sflag:$0x4], $0x8000, $0x38;
	[tilespmem:$0x11C00] =	vst v63  }
0x391: {  	_ =	swait.ge [sflag:s7], $0x8000  }
0x392: {  	s1 =	sld [smem:$0x7DE]  }
0x393: {  	[sflag:s7] =	ssyncset.done $0x0  }
0x394: {  	s30 =	sld [smem:$0x7DF];
	[sflag:s7] =	ssyncadd.s32 $0xFFFF8000  }
0x395: {  	[tilespmem:s6], [sflag:$0x1] =	stream.indirect.gather [hbm4b:s3+s4], $0x80, s1, s4, $0xb8;
	[tilespmem:$0x11C00] =	vst v63  }
0x396: {  	_ = 	snop  }
0x397: {  	[tilespmem:s12], [sflag:$0x1] =	stream.indirect.gather [hbm4b:s3+s4], $0x80, s30, s4, $0xb8;
	[tilespmem:$0x11C00] =	vst v63  }
0x398: {  	_ =	swait.ge [sflag:s10], $0x4000  }
0x399: {  	[sflag:s10] =	ssyncset.done $0x0  }
0x39a: {  	[sflag:s10] =	ssyncadd.s32 $0xFFFFC000  }
0x39b: {  	_ =	swait.ge [sflag:s10], $0x4000  }
0x39c: {  	[sflag:s10] =	ssyncset.done $0x0  }
0x39d: {  	s31 =	rddreg [dreg:$0x6];
	[sflag:s10] =	ssyncadd.s32 $0xFFFFC000  }
0x39e: {  	[hbm4b:s31+s2] =	stream.linear.scatter [tilespmem:s6], [sflag:$0x3], $0x8000, $0x38;
	[tilespmem:$0x11C00] =	vst v63  }
0x39f: {  	_ =	swait.ge [sflag:s8], $0x8000  }
0x3a0: {  	s1 =	sld [smem:$0x7E0]  }
0x3a1: {  	[sflag:s8] =	ssyncset.done $0x0  }
0x3a2: {  	s30 =	sld [smem:$0x7E1];
	[sflag:s8] =	ssyncadd.s32 $0xFFFF8000  }
0x3a3: {  	[tilespmem:s5], [sflag:$0x2] =	stream.indirect.gather [hbm4b:s3+s4], $0x80, s1, s4, $0xb8;
	[tilespmem:$0x11C00] =	vst v63  }
0x3a4: {  	_ = 	snop  }
0x3a5: {  	[tilespmem:s11], [sflag:$0x2] =	stream.indirect.gather [hbm4b:s3+s4], $0x80, s30, s4, $0xb8;
	[tilespmem:$0x11C00] =	vst v63  }
0x3a6: {  	_ =	swait.ge [sflag:s9], $0x4000  }
0x3a7: {  	[sflag:s9] =	ssyncset.done $0x0  }
0x3a8: {  	[sflag:s9] =	ssyncadd.s32 $0xFFFFC000  }
0x3a9: {  	_ =	swait.ge [sflag:s9], $0x4000  }
0x3aa: {  	[sflag:s9] =	ssyncset.done $0x0  }
0x3ab: {  	s31 =	rddreg [dreg:$0x7];
	[sflag:s9] =	ssyncadd.s32 $0xFFFFC000  }
0x3ac: {  	[hbm4b:s31+s2] =	stream.linear.scatter [tilespmem:s5], [sflag:$0x4], $0x8000, $0x38;
	[tilespmem:$0x11C00] =	vst v63  }
0x3ad: {  	_ =	swait.ge [sflag:s7], $0x8000  }
0x3ae: {  	s1 =	sld [smem:$0x7E2]  }
0x3af: {  	[sflag:s7] =	ssyncset.done $0x0  }
0x3b0: {  	s30 =	sld [smem:$0x7E3];
	[sflag:s7] =	ssyncadd.s32 $0xFFFF8000  }
0x3b1: {  	[tilespmem:s6], [sflag:$0x1] =	stream.indirect.gather [hbm4b:s3+s4], $0x80, s1, s4, $0xb8;
	[tilespmem:$0x11C00] =	vst v63  }
0x3b2: {  	_ = 	snop  }
0x3b3: {  	[tilespmem:s12], [sflag:$0x1] =	stream.indirect.gather [hbm4b:s3+s4], $0x80, s30, s4, $0xb8;
	[tilespmem:$0x11C00] =	vst v63  }
0x3b4: {  	_ =	swait.ge [sflag:s10], $0x4000  }
0x3b5: {  	[sflag:s10] =	ssyncset.done $0x0  }
0x3b6: {  	[sflag:s10] =	ssyncadd.s32 $0xFFFFC000  }
0x3b7: {  	_ =	swait.ge [sflag:s10], $0x4000  }
0x3b8: {  	[sflag:s10] =	ssyncset.done $0x0  }
0x3b9: {  	s31 =	rddreg [dreg:$0x8];
	[sflag:s10] =	ssyncadd.s32 $0xFFFFC000  }
0x3ba: {  	[hbm4b:s31+s2] =	stream.linear.scatter [tilespmem:s6], [sflag:$0x3], $0x8000, $0x38;
	[tilespmem:$0x11C00] =	vst v63  }
0x3bb: {  	_ =	swait.ge [sflag:s8], $0x8000  }
0x3bc: {  	s1 =	sld [smem:$0x7E4]  }
0x3bd: {  	[sflag:s8] =	ssyncset.done $0x0  }
0x3be: {  	s30 =	sld [smem:$0x7E5];
	[sflag:s8] =	ssyncadd.s32 $0xFFFF8000  }
0x3bf: {  	[tilespmem:s5], [sflag:$0x2] =	stream.indirect.gather [hbm4b:s3+s4], $0x80, s1, s4, $0xb8;
	[tilespmem:$0x11C00] =	vst v63  }
0x3c0: {  	_ = 	snop  }
0x3c1: {  	[tilespmem:s11], [sflag:$0x2] =	stream.indirect.gather [hbm4b:s3+s4], $0x80, s30, s4, $0xb8;
	[tilespmem:$0x11C00] =	vst v63  }
0x3c2: {  	_ =	swait.ge [sflag:s9], $0x4000  }
0x3c3: {  	[sflag:s9] =	ssyncset.done $0x0  }
0x3c4: {  	[sflag:s9] =	ssyncadd.s32 $0xFFFFC000  }
0x3c5: {  	_ =	swait.ge [sflag:s9], $0x4000  }
0x3c6: {  	[sflag:s9] =	ssyncset.done $0x0  }
0x3c7: {  	s31 =	rddreg [dreg:$0x9];
	[sflag:s9] =	ssyncadd.s32 $0xFFFFC000  }
0x3c8: {  	[hbm4b:s31+s2] =	stream.linear.scatter [tilespmem:s5], [sflag:$0x4], $0x8000, $0x38;
	[tilespmem:$0x11C00] =	vst v63  }
0x3c9: {  	_ =	swait.ge [sflag:s7], $0x8000  }
0x3ca: {  	s1 =	sld [smem:$0x7E6]  }
0x3cb: {  	[sflag:s7] =	ssyncset.done $0x0  }
0x3cc: {  	s30 =	sld [smem:$0x7E7];
	[sflag:s7] =	ssyncadd.s32 $0xFFFF8000  }
0x3cd: {  	[tilespmem:s6], [sflag:$0x1] =	stream.indirect.gather [hbm4b:s3+s4], $0x80, s1, s4, $0xb8;
	[tilespmem:$0x11C00] =	vst v63  }
0x3ce: {  	_ = 	snop  }
0x3cf: {  	[tilespmem:s12], [sflag:$0x1] =	stream.indirect.gather [hbm4b:s3+s4], $0x80, s30, s4, $0xb8;
	[tilespmem:$0x11C00] =	vst v63  }
0x3d0: {  	_ =	swait.ge [sflag:s10], $0x4000  }
0x3d1: {  	[sflag:s10] =	ssyncset.done $0x0  }
0x3d2: {  	[sflag:s10] =	ssyncadd.s32 $0xFFFFC000  }
0x3d3: {  	_ =	swait.ge [sflag:s10], $0x4000  }
0x3d4: {  	[sflag:s10] =	ssyncset.done $0x0  }
0x3d5: {  	s31 =	rddreg [dreg:$0xa];
	[sflag:s10] =	ssyncadd.s32 $0xFFFFC000  }
0x3d6: {  	[hbm4b:s31+s2] =	stream.linear.scatter [tilespmem:s6], [sflag:$0x3], $0x8000, $0x38;
	[tilespmem:$0x11C00] =	vst v63  }
0x3d7: {  	_ =	swait.ge [sflag:s8], $0x8000  }
0x3d8: {  	s1 =	sld [smem:$0x7E8]  }
0x3d9: {  	[sflag:s8] =	ssyncset.done $0x0  }
0x3da: {  	s30 =	sld [smem:$0x7E9];
	[sflag:s8] =	ssyncadd.s32 $0xFFFF8000  }
0x3db: {  	[tilespmem:s5], [sflag:$0x2] =	stream.indirect.gather [hbm4b:s3+s4], $0x80, s1, s4, $0xb8;
	[tilespmem:$0x11C00] =	vst v63  }
0x3dc: {  	_ = 	snop  }
0x3dd: {  	[tilespmem:s11], [sflag:$0x2] =	stream.indirect.gather [hbm4b:s3+s4], $0x80, s30, s4, $0xb8;
	[tilespmem:$0x11C00] =	vst v63  }
0x3de: {  	_ =	swait.ge [sflag:s9], $0x4000  }
0x3df: {  	[sflag:s9] =	ssyncset.done $0x0  }
0x3e0: {  	[sflag:s9] =	ssyncadd.s32 $0xFFFFC000  }
0x3e1: {  	_ =	swait.ge [sflag:s9], $0x4000  }
0x3e2: {  	[sflag:s9] =	ssyncset.done $0x0  }
0x3e3: {  	s31 =	rddreg [dreg:$0xb];
	[sflag:s9] =	ssyncadd.s32 $0xFFFFC000  }
0x3e4: {  	[hbm4b:s31+s2] =	stream.linear.scatter [tilespmem:s5], [sflag:$0x4], $0x8000, $0x38;
	[tilespmem:$0x11C00] =	vst v63  }
0x3e5: {  	_ =	swait.ge [sflag:s7], $0x8000  }
0x3e6: {  	s1 =	sld [smem:$0x7EA]  }
0x3e7: {  	[sflag:s7] =	ssyncset.done $0x0  }
0x3e8: {  	s30 =	sld [smem:$0x7EB];
	[sflag:s7] =	ssyncadd.s32 $0xFFFF8000  }
0x3e9: {  	[tilespmem:s6], [sflag:$0x1] =	stream.indirect.gather [hbm4b:s3+s4], $0x80, s1, s4, $0xb8;
	[tilespmem:$0x11C00] =	vst v63  }
0x3ea: {  	_ = 	snop  }
0x3eb: {  	[tilespmem:s12], [sflag:$0x1] =	stream.indirect.gather [hbm4b:s3+s4], $0x80, s30, s4, $0xb8;
	[tilespmem:$0x11C00] =	vst v63  }
0x3ec: {  	_ =	swait.ge [sflag:s10], $0x4000  }
0x3ed: {  	[sflag:s10] =	ssyncset.done $0x0  }
0x3ee: {  	[sflag:s10] =	ssyncadd.s32 $0xFFFFC000  }
0x3ef: {  	_ =	swait.ge [sflag:s10], $0x4000  }
0x3f0: {  	[sflag:s10] =	ssyncset.done $0x0  }
0x3f1: {  	s31 =	rddreg [dreg:$0xc];
	[sflag:s10] =	ssyncadd.s32 $0xFFFFC000  }
0x3f2: {  	[hbm4b:s31+s2] =	stream.linear.scatter [tilespmem:s6], [sflag:$0x3], $0x8000, $0x38;
	[tilespmem:$0x11C00] =	vst v63  }
0x3f3: {  	_ =	swait.ge [sflag:s8], $0x8000  }
0x3f4: {  	s1 =	sld [smem:$0x7EC]  }
0x3f5: {  	[sflag:s8] =	ssyncset.done $0x0  }
0x3f6: {  	s30 =	sld [smem:$0x7ED];
	[sflag:s8] =	ssyncadd.s32 $0xFFFF8000  }
0x3f7: {  	[tilespmem:s5], [sflag:$0x2] =	stream.indirect.gather [hbm4b:s3+s4], $0x80, s1, s4, $0xb8;
	[tilespmem:$0x11C00] =	vst v63  }
0x3f8: {  	_ = 	snop  }
0x3f9: {  	[tilespmem:s11], [sflag:$0x2] =	stream.indirect.gather [hbm4b:s3+s4], $0x80, s30, s4, $0xb8;
	[tilespmem:$0x11C00] =	vst v63  }
0x3fa: {  	_ =	swait.ge [sflag:s9], $0x4000  }
0x3fb: {  	[sflag:s9] =	ssyncset.done $0x0  }
0x3fc: {  	[sflag:s9] =	ssyncadd.s32 $0xFFFFC000  }
0x3fd: {  	_ =	swait.ge [sflag:s9], $0x4000  }
0x3fe: {  	[sflag:s9] =	ssyncset.done $0x0  }
0x3ff: {  	s31 =	rddreg [dreg:$0xd];
	[sflag:s9] =	ssyncadd.s32 $0xFFFFC000  }
0x400: {  	[hbm4b:s31+s2] =	stream.linear.scatter [tilespmem:s5], [sflag:$0x4], $0x8000, $0x38;
	[tilespmem:$0x11C00] =	vst v63  }
0x401: {  	_ =	swait.ge [sflag:s7], $0x8000  }
0x402: {  	s1 =	sld [smem:$0x7EE]  }
0x403: {  	[sflag:s7] =	ssyncset.done $0x0  }
0x404: {  	s30 =	sld [smem:$0x7EF];
	[sflag:s7] =	ssyncadd.s32 $0xFFFF8000  }
0x405: {  	[tilespmem:s6], [sflag:$0x1] =	stream.indirect.gather [hbm4b:s3+s4], $0x80, s1, s4, $0xb8;
	[tilespmem:$0x11C00] =	vst v63  }
0x406: {  	_ = 	snop  }
0x407: {  	[tilespmem:s12], [sflag:$0x1] =	stream.indirect.gather [hbm4b:s3+s4], $0x80, s30, s4, $0xb8;
	[tilespmem:$0x11C00] =	vst v63  }
0x408: {  	_ =	swait.ge [sflag:s10], $0x4000  }
0x409: {  	[sflag:s10] =	ssyncset.done $0x0  }
0x40a: {  	[sflag:s10] =	ssyncadd.s32 $0xFFFFC000  }
0x40b: {  	_ =	swait.ge [sflag:s10], $0x4000  }
0x40c: {  	[sflag:s10] =	ssyncset.done $0x0  }
0x40d: {  	s31 =	rddreg [dreg:$0xe];
	[sflag:s10] =	ssyncadd.s32 $0xFFFFC000  }
0x40e: {  	[hbm4b:s31+s2] =	stream.linear.scatter [tilespmem:s6], [sflag:$0x3], $0x8000, $0x38;
	[tilespmem:$0x11C00] =	vst v63  }
0x40f: {  	_ =	swait.ge [sflag:s8], $0x8000  }
0x410: {  	s1 =	sld [smem:$0x7F0]  }
0x411: {  	[sflag:s8] =	ssyncset.done $0x0  }
0x412: {  	s30 =	sld [smem:$0x7F1];
	[sflag:s8] =	ssyncadd.s32 $0xFFFF8000  }
0x413: {  	[tilespmem:s5], [sflag:$0x2] =	stream.indirect.gather [hbm4b:s3+s4], $0x80, s1, s4, $0xb8;
	[tilespmem:$0x11C00] =	vst v63  }
0x414: {  	_ = 	snop  }
0x415: {  	[tilespmem:s11], [sflag:$0x2] =	stream.indirect.gather [hbm4b:s3+s4], $0x80, s30, s4, $0xb8;
	[tilespmem:$0x11C00] =	vst v63  }
0x416: {  	_ =	swait.ge [sflag:s9], $0x4000  }
0x417: {  	[sflag:s9] =	ssyncset.done $0x0  }
0x418: {  	[sflag:s9] =	ssyncadd.s32 $0xFFFFC000  }
0x419: {  	_ =	swait.ge [sflag:s9], $0x4000  }
0x41a: {  	[sflag:s9] =	ssyncset.done $0x0  }
0x41b: {  	s31 =	rddreg [dreg:$0xf];
	[sflag:s9] =	ssyncadd.s32 $0xFFFFC000  }
0x41c: {  	[hbm4b:s31+s2] =	stream.linear.scatter [tilespmem:s5], [sflag:$0x4], $0x8000, $0x38;
	[tilespmem:$0x11C00] =	vst v63  }
0x41d: {  	_ =	swait.ge [sflag:s7], $0x8000  }
0x41e: {  	s1 =	sld [smem:$0x7F2]  }
0x41f: {  	[sflag:s7] =	ssyncset.done $0x0  }
0x420: {  	s30 =	sld [smem:$0x7F3];
	[sflag:s7] =	ssyncadd.s32 $0xFFFF8000  }
0x421: {  	[tilespmem:s6], [sflag:$0x1] =	stream.indirect.gather [hbm4b:s3+s4], $0x80, s1, s4, $0xb8;
	[tilespmem:$0x11C00] =	vst v63  }
0x422: {  	_ = 	snop  }
0x423: {  	[tilespmem:s12], [sflag:$0x1] =	stream.indirect.gather [hbm4b:s3+s4], $0x80, s30, s4, $0xb8;
	[tilespmem:$0x11C00] =	vst v63  }
0x424: {  	_ =	swait.ge [sflag:s10], $0x4000  }
0x425: {  	[sflag:s10] =	ssyncset.done $0x0  }
0x426: {  	[sflag:s10] =	ssyncadd.s32 $0xFFFFC000  }
0x427: {  	_ =	swait.ge [sflag:s10], $0x4000  }
0x428: {  	[sflag:s10] =	ssyncset.done $0x0  }
0x429: {  	s31 =	rddreg [dreg:$0x10];
	[sflag:s10] =	ssyncadd.s32 $0xFFFFC000  }
0x42a: {  	[hbm4b:s31+s2] =	stream.linear.scatter [tilespmem:s6], [sflag:$0x3], $0x8000, $0x38;
	[tilespmem:$0x11C00] =	vst v63  }
0x42b: {  	_ =	swait.ge [sflag:s8], $0x8000  }
0x42c: {  	s1 =	sld [smem:$0x7F4]  }
0x42d: {  	[sflag:s8] =	ssyncset.done $0x0  }
0x42e: {  	s30 =	sld [smem:$0x7F5];
	[sflag:s8] =	ssyncadd.s32 $0xFFFF8000  }
0x42f: {  	[tilespmem:s5], [sflag:$0x2] =	stream.indirect.gather [hbm4b:s3+s4], $0x80, s1, s4, $0xb8;
	[tilespmem:$0x11C00] =	vst v63  }
0x430: {  	_ = 	snop  }
0x431: {  	[tilespmem:s11], [sflag:$0x2] =	stream.indirect.gather [hbm4b:s3+s4], $0x80, s30, s4, $0xb8;
	[tilespmem:$0x11C00] =	vst v63  }
0x432: {  	_ =	swait.ge [sflag:s9], $0x4000  }
0x433: {  	[sflag:s9] =	ssyncset.done $0x0  }
0x434: {  	[sflag:s9] =	ssyncadd.s32 $0xFFFFC000  }
0x435: {  	_ =	swait.ge [sflag:s9], $0x4000  }
0x436: {  	[sflag:s9] =	ssyncset.done $0x0  }
0x437: {  	s31 =	rddreg [dreg:$0x11];
	[sflag:s9] =	ssyncadd.s32 $0xFFFFC000  }
0x438: {  	[hbm4b:s31+s2] =	stream.linear.scatter [tilespmem:s5], [sflag:$0x4], $0x8000, $0x38;
	[tilespmem:$0x11C00] =	vst v63  }
0x439: {  	_ =	swait.ge [sflag:s7], $0x8000  }
0x43a: {  	s1 =	sld [smem:$0x7F6]  }
0x43b: {  	[sflag:s7] =	ssyncset.done $0x0  }
0x43c: {  	s30 =	sld [smem:$0x7F7];
	[sflag:s7] =	ssyncadd.s32 $0xFFFF8000  }
0x43d: {  	[tilespmem:s6], [sflag:$0x1] =	stream.indirect.gather [hbm4b:s3+s4], $0x80, s1, s4, $0xb8;
	[tilespmem:$0x11C00] =	vst v63  }
0x43e: {  	_ = 	snop  }
0x43f: {  	[tilespmem:s12], [sflag:$0x1] =	stream.indirect.gather [hbm4b:s3+s4], $0x80, s30, s4, $0xb8;
	[tilespmem:$0x11C00] =	vst v63  }
0x440: {  	_ =	swait.ge [sflag:s10], $0x4000  }
0x441: {  	[sflag:s10] =	ssyncset.done $0x0  }
0x442: {  	[sflag:s10] =	ssyncadd.s32 $0xFFFFC000  }
0x443: {  	_ =	swait.ge [sflag:s10], $0x4000  }
0x444: {  	[sflag:s10] =	ssyncset.done $0x0  }
0x445: {  	s31 =	rddreg [dreg:$0x12];
	[sflag:s10] =	ssyncadd.s32 $0xFFFFC000  }
0x446: {  	[hbm4b:s31+s2] =	stream.linear.scatter [tilespmem:s6], [sflag:$0x3], $0x8000, $0x38;
	[tilespmem:$0x11C00] =	vst v63  }
0x447: {  	_ =	swait.ge [sflag:s8], $0x8000  }
0x448: {  	s1 =	sld [smem:$0x7F8]  }
0x449: {  	[sflag:s8] =	ssyncset.done $0x0  }
0x44a: {  	s30 =	sld [smem:$0x7F9];
	[sflag:s8] =	ssyncadd.s32 $0xFFFF8000  }
0x44b: {  	[tilespmem:s5], [sflag:$0x2] =	stream.indirect.gather [hbm4b:s3+s4], $0x80, s1, s4, $0xb8;
	[tilespmem:$0x11C00] =	vst v63  }
0x44c: {  	_ = 	snop  }
0x44d: {  	[tilespmem:s11], [sflag:$0x2] =	stream.indirect.gather [hbm4b:s3+s4], $0x80, s30, s4, $0xb8;
	[tilespmem:$0x11C00] =	vst v63  }
0x44e: {  	_ =	swait.ge [sflag:s9], $0x4000  }
0x44f: {  	[sflag:s9] =	ssyncset.done $0x0  }
0x450: {  	[sflag:s9] =	ssyncadd.s32 $0xFFFFC000  }
0x451: {  	_ =	swait.ge [sflag:s9], $0x4000  }
0x452: {  	[sflag:s9] =	ssyncset.done $0x0  }
0x453: {  	s31 =	rddreg [dreg:$0x13];
	[sflag:s9] =	ssyncadd.s32 $0xFFFFC000  }
0x454: {  	[hbm4b:s31+s2] =	stream.linear.scatter [tilespmem:s5], [sflag:$0x4], $0x8000, $0x38;
	[tilespmem:$0x11C00] =	vst v63  }
0x455: {  	_ =	swait.ge [sflag:s7], $0x8000  }
0x456: {  	s1 =	sld [smem:$0x7FA]  }
0x457: {  	[sflag:s7] =	ssyncset.done $0x0  }
0x458: {  	s30 =	sld [smem:$0x7FB];
	[sflag:s7] =	ssyncadd.s32 $0xFFFF8000  }
0x459: {  	[tilespmem:s6], [sflag:$0x1] =	stream.indirect.gather [hbm4b:s3+s4], $0x80, s1, s4, $0xb8;
	[tilespmem:$0x11C00] =	vst v63  }
0x45a: {  	_ = 	snop  }
0x45b: {  	[tilespmem:s12], [sflag:$0x1] =	stream.indirect.gather [hbm4b:s3+s4], $0x80, s30, s4, $0xb8;
	[tilespmem:$0x11C00] =	vst v63  }
0x45c: {  	_ =	swait.ge [sflag:s10], $0x4000  }
0x45d: {  	[sflag:s10] =	ssyncset.done $0x0  }
0x45e: {  	[sflag:s10] =	ssyncadd.s32 $0xFFFFC000  }
0x45f: {  	_ =	swait.ge [sflag:s10], $0x4000  }
0x460: {  	[sflag:s10] =	ssyncset.done $0x0  }
0x461: {  	s31 =	rddreg [dreg:$0x14];
	[sflag:s10] =	ssyncadd.s32 $0xFFFFC000  }
0x462: {  	[hbm4b:s31+s2] =	stream.linear.scatter [tilespmem:s6], [sflag:$0x3], $0x8000, $0x38;
	[tilespmem:$0x11C00] =	vst v63  }
0x463: {  	_ =	swait.ge [sflag:s8], $0x8000  }
0x464: {  	s1 =	sld [smem:$0x7FC]  }
0x465: {  	[sflag:s8] =	ssyncset.done $0x0  }
0x466: {  	s30 =	sld [smem:$0x7FD];
	[sflag:s8] =	ssyncadd.s32 $0xFFFF8000  }
0x467: {  	[tilespmem:s5], [sflag:$0x2] =	stream.indirect.gather [hbm4b:s3+s4], $0x80, s1, s4, $0xb8;
	[tilespmem:$0x11C00] =	vst v63  }
0x468: {  	_ = 	snop  }
0x469: {  	[tilespmem:s11], [sflag:$0x2] =	stream.indirect.gather [hbm4b:s3+s4], $0x80, s30, s4, $0xb8;
	[tilespmem:$0x11C00] =	vst v63  }
0x46a: {  	_ =	swait.ge [sflag:s9], $0x4000  }
0x46b: {  	[sflag:s9] =	ssyncset.done $0x0  }
0x46c: {  	[sflag:s9] =	ssyncadd.s32 $0xFFFFC000  }
0x46d: {  	_ =	swait.ge [sflag:s9], $0x4000  }
0x46e: {  	[sflag:s9] =	ssyncset.done $0x0  }
0x46f: {  	s31 =	rddreg [dreg:$0x15];
	[sflag:s9] =	ssyncadd.s32 $0xFFFFC000  }
0x470: {  	[hbm4b:s31+s2] =	stream.linear.scatter [tilespmem:s5], [sflag:$0x4], $0x8000, $0x38;
	[tilespmem:$0x11C00] =	vst v63  }
0x471: {  	_ =	swait.ge [sflag:s7], $0x8000  }
0x472: {  	[sflag:s7] =	ssyncset.done $0x0  }
0x473: {  	[sflag:s7] =	ssyncadd.s32 $0xFFFF8000  }
0x474: {  	[tilespmem:s6], [sflag:$0x1] =	stream.indirect.gather [hbm4b:s3+s4], $0x80, s29, s4, $0xb8;
	[tilespmem:$0x11C00] =	vst v63  }
0x475: {  	_ = 	snop  }
0x476: {  	[tilespmem:s12], [sflag:$0x1] =	stream.indirect.gather [hbm4b:s3+s4], $0x80, s15, s4, $0xb8;
	[tilespmem:$0x11C00] =	vst v63  }
0x477: {  	_ =	swait.ge [sflag:s10], $0x4000  }
0x478: {  	[sflag:s10] =	ssyncset.done $0x0  }
0x479: {  	[sflag:s10] =	ssyncadd.s32 $0xFFFFC000  }
0x47a: {  	_ =	swait.ge [sflag:s10], $0x4000  }
0x47b: {  	[sflag:s10] =	ssyncset.done $0x0  }
0x47c: {  	s1 =	rddreg [dreg:$0x16];
	[sflag:s10] =	ssyncadd.s32 $0xFFFFC000  }
0x47d: {  	[hbm4b:s1+s2] =	stream.linear.scatter [tilespmem:s6], [sflag:$0x3], $0x8000, $0x38;
	[tilespmem:$0x11C00] =	vst v63  }
0x47e: {  	_ =	swait.ge [sflag:s8], $0x8000  }
0x47f: {  	[sflag:s8] =	ssyncset.done $0x0  }
0x480: {  	[sflag:s8] =	ssyncadd.s32 $0xFFFF8000  }
0x481: {  	[tilespmem:s5], [sflag:$0x2] =	stream.indirect.gather [hbm4b:s3+s4], $0x80, s26, s4, $0xb8;
	[tilespmem:$0x11C00] =	vst v63  }
0x482: {  	_ = 	snop  }
0x483: {  	[tilespmem:s11], [sflag:$0x2] =	stream.indirect.gather [hbm4b:s3+s4], $0x80, s28, s4, $0xb8;
	[tilespmem:$0x11C00] =	vst v63  }
0x484: {  	_ =	swait.ge [sflag:s9], $0x4000  }
0x485: {  	[sflag:s9] =	ssyncset.done $0x0  }
0x486: {  	[sflag:s9] =	ssyncadd.s32 $0xFFFFC000  }
0x487: {  	_ =	swait.ge [sflag:s9], $0x4000  }
0x488: {  	[sflag:s9] =	ssyncset.done $0x0  }
0x489: {  	s15 =	rddreg [dreg:$0x17];
	[sflag:s9] =	ssyncadd.s32 $0xFFFFC000  }
0x48a: {  	[hbm4b:s15+s2] =	stream.linear.scatter [tilespmem:s5], [sflag:$0x4], $0x8000, $0x38;
	[tilespmem:$0x11C00] =	vst v63  }
0x48b: {  	_ =	swait.ge [sflag:s7], $0x8000  }
0x48c: {  	[sflag:s7] =	ssyncset.done $0x0  }
0x48d: {  	[sflag:s7] =	ssyncadd.s32 $0xFFFF8000  }
0x48e: {  	[tilespmem:s6], [sflag:$0x1] =	stream.indirect.gather [hbm4b:s3+s4], $0x80, s24, s4, $0xb8;
	[tilespmem:$0x11C00] =	vst v63  }
0x48f: {  	_ = 	snop  }
0x490: {  	[tilespmem:s12], [sflag:$0x1] =	stream.indirect.gather [hbm4b:s3+s4], $0x80, s25, s4, $0xb8;
	[tilespmem:$0x11C00] =	vst v63  }
0x491: {  	_ =	swait.ge [sflag:s10], $0x4000  }
0x492: {  	[sflag:s10] =	ssyncset.done $0x0  }
0x493: {  	[sflag:s10] =	ssyncadd.s32 $0xFFFFC000  }
0x494: {  	_ =	swait.ge [sflag:s10], $0x4000  }
0x495: {  	[sflag:s10] =	ssyncset.done $0x0  }
0x496: {  	s24 =	rddreg [dreg:$0x18];
	[sflag:s10] =	ssyncadd.s32 $0xFFFFC000  }
0x497: {  	[hbm4b:s24+s2] =	stream.linear.scatter [tilespmem:s6], [sflag:$0x3], $0x8000, $0x38;
	[tilespmem:$0x11C00] =	vst v63  }
0x498: {  	_ =	swait.ge [sflag:s8], $0x8000  }
0x499: {  	[sflag:s8] =	ssyncset.done $0x0  }
0x49a: {  	[sflag:s8] =	ssyncadd.s32 $0xFFFF8000  }
0x49b: {  	[tilespmem:s5], [sflag:$0x2] =	stream.indirect.gather [hbm4b:s3+s4], $0x80, s22, s4, $0xb8;
	[tilespmem:$0x11C00] =	vst v63  }
0x49c: {  	_ = 	snop  }
0x49d: {  	[tilespmem:s11], [sflag:$0x2] =	stream.indirect.gather [hbm4b:s3+s4], $0x80, s23, s4, $0xb8;
	[tilespmem:$0x11C00] =	vst v63  }
0x49e: {  	_ =	swait.ge [sflag:s9], $0x4000  }
0x49f: {  	[sflag:s9] =	ssyncset.done $0x0  }
0x4a0: {  	[sflag:s9] =	ssyncadd.s32 $0xFFFFC000  }
0x4a1: {  	_ =	swait.ge [sflag:s9], $0x4000  }
0x4a2: {  	[sflag:s9] =	ssyncset.done $0x0  }
0x4a3: {  	s25 =	rddreg [dreg:$0x19];
	[sflag:s9] =	ssyncadd.s32 $0xFFFFC000  }
0x4a4: {  	[hbm4b:s25+s2] =	stream.linear.scatter [tilespmem:s5], [sflag:$0x4], $0x8000, $0x38;
	[tilespmem:$0x11C00] =	vst v63  }
0x4a5: {  	_ =	swait.ge [sflag:s7], $0x8000  }
0x4a6: {  	[sflag:s7] =	ssyncset.done $0x0  }
0x4a7: {  	[sflag:s7] =	ssyncadd.s32 $0xFFFF8000  }
0x4a8: {  	[tilespmem:s6], [sflag:$0x1] =	stream.indirect.gather [hbm4b:s3+s4], $0x80, s20, s4, $0xb8;
	[tilespmem:$0x11C00] =	vst v63  }
0x4a9: {  	_ = 	snop  }
0x4aa: {  	[tilespmem:s12], [sflag:$0x1] =	stream.indirect.gather [hbm4b:s3+s4], $0x80, s21, s4, $0xb8;
	[tilespmem:$0x11C00] =	vst v63  }
0x4ab: {  	_ =	swait.ge [sflag:s10], $0x4000  }
0x4ac: {  	[sflag:s10] =	ssyncset.done $0x0  }
0x4ad: {  	[sflag:s10] =	ssyncadd.s32 $0xFFFFC000  }
0x4ae: {  	_ =	swait.ge [sflag:s10], $0x4000  }
0x4af: {  	[sflag:s10] =	ssyncset.done $0x0  }
0x4b0: {  	s26 =	rddreg [dreg:$0x1a];
	[sflag:s10] =	ssyncadd.s32 $0xFFFFC000  }
0x4b1: {  	[hbm4b:s26+s2] =	stream.linear.scatter [tilespmem:s6], [sflag:$0x3], $0x8000, $0x38;
	[tilespmem:$0x11C00] =	vst v63  }
0x4b2: {  	_ =	swait.ge [sflag:s8], $0x8000  }
0x4b3: {  	[sflag:s8] =	ssyncset.done $0x0  }
0x4b4: {  	[sflag:s8] =	ssyncadd.s32 $0xFFFF8000  }
0x4b5: {  	[tilespmem:s5], [sflag:$0x2] =	stream.indirect.gather [hbm4b:s3+s4], $0x80, s18, s4, $0xb8;
	[tilespmem:$0x11C00] =	vst v63  }
0x4b6: {  	_ = 	snop  }
0x4b7: {  	[tilespmem:s11], [sflag:$0x2] =	stream.indirect.gather [hbm4b:s3+s4], $0x80, s19, s4, $0xb8;
	[tilespmem:$0x11C00] =	vst v63  }
0x4b8: {  	_ =	swait.ge [sflag:s9], $0x4000  }
0x4b9: {  	[sflag:s9] =	ssyncset.done $0x0  }
0x4ba: {  	[sflag:s9] =	ssyncadd.s32 $0xFFFFC000  }
0x4bb: {  	_ =	swait.ge [sflag:s9], $0x4000  }
0x4bc: {  	[sflag:s9] =	ssyncset.done $0x0  }
0x4bd: {  	s28 =	rddreg [dreg:$0x1b];
	[sflag:s9] =	ssyncadd.s32 $0xFFFFC000  }
0x4be: {  	[hbm4b:s28+s2] =	stream.linear.scatter [tilespmem:s5], [sflag:$0x4], $0x8000, $0x38;
	[tilespmem:$0x11C00] =	vst v63  }
0x4bf: {  	_ =	swait.ge [sflag:s7], $0x8000  }
0x4c0: {  	[sflag:s7] =	ssyncset.done $0x0  }
0x4c1: {  	[sflag:s7] =	ssyncadd.s32 $0xFFFF8000  }
0x4c2: {  	[tilespmem:s6], [sflag:$0x1] =	stream.indirect.gather [hbm4b:s3+s4], $0x80, s16, s4, $0xb8;
	[tilespmem:$0x11C00] =	vst v63  }
0x4c3: {  	_ = 	snop  }
0x4c4: {  	[tilespmem:s12], [sflag:$0x1] =	stream.indirect.gather [hbm4b:s3+s4], $0x80, s17, s4, $0xb8;
	[tilespmem:$0x11C00] =	vst v63  }
0x4c5: {  	_ =	swait.ge [sflag:s10], $0x4000  }
0x4c6: {  	[sflag:s10] =	ssyncset.done $0x0  }
0x4c7: {  	[sflag:s10] =	ssyncadd.s32 $0xFFFFC000  }
0x4c8: {  	_ =	swait.ge [sflag:s10], $0x4000  }
0x4c9: {  	[sflag:s10] =	ssyncset.done $0x0  }
0x4ca: {  	s29 =	rddreg [dreg:$0x1c];
	[sflag:s10] =	ssyncadd.s32 $0xFFFFC000  }
0x4cb: {  	[hbm4b:s29+s2] =	stream.linear.scatter [tilespmem:s6], [sflag:$0x3], $0x8000, $0x38;
	[tilespmem:$0x11C00] =	vst v63  }
0x4cc: {  	_ =	swait.ge [sflag:s8], $0x8000  }
0x4cd: {  	[sflag:s8] =	ssyncset.done $0x0  }
0x4ce: {  	[sflag:s8] =	ssyncadd.s32 $0xFFFF8000  }
0x4cf: {  	[tilespmem:s5], [sflag:$0x2] =	stream.indirect.gather [hbm4b:s3+s4], $0x80, s14, s4, $0xb8;
	[tilespmem:$0x11C00] =	vst v63  }
0x4d0: {  	s30 =	simm.s32 $0x1B80  }
0x4d1: {  	[tilespmem:s11], [sflag:$0x2] =	stream.indirect.gather [hbm4b:s3+s4], $0x80, s30, s4, $0xb8;
	[tilespmem:$0x11C00] =	vst v63  }
0x4d2: {  	_ =	swait.ge [sflag:s9], $0x4000  }
0x4d3: {  	[sflag:s9] =	ssyncset.done $0x0  }
0x4d4: {  	[sflag:s9] =	ssyncadd.s32 $0xFFFFC000  }
0x4d5: {  	_ =	swait.ge [sflag:s9], $0x4000  }
0x4d6: {  	[sflag:s9] =	ssyncset.done $0x0  }
0x4d7: {  	s31 =	rddreg [dreg:$0x1d];
	[sflag:s9] =	ssyncadd.s32 $0xFFFFC000  }
0x4d8: {  	[hbm4b:s31+s2] =	stream.linear.scatter [tilespmem:s5], [sflag:$0x4], $0x8000, $0x38;
	[tilespmem:$0x11C00] =	vst v63  }
0x4d9: {  	_ =	swait.ge [sflag:s7], $0x8000  }
0x4da: {  	[sflag:s7] =	ssyncset.done $0x0  }
0x4db: {  	[sflag:s7] =	ssyncadd.s32 $0xFFFF8000  }
0x4dc: {  	_ =	swait.ge [sflag:s8], $0x8000  }
0x4dd: {  	[sflag:s8] =	ssyncset.done $0x0  }
0x4de: {  	[sflag:s8] =	ssyncadd.s32 $0xFFFF8000  }
0x4df: {  	_ =	sfence.sel $0x180000  }
0x4e0: {  	[bflag:$0x0] =	sbarrier.arrive $0xFFFF  }
0x4e1: {  	_ =	strace $0x90000047  }
0x4e2: {  	[bflag:$0x2] =	sbarrier.arrive $0xFFFF  }
0x4e3: {  	p0 =	sne.s32 s13, $0x0;
	s0 =	rddreg [dreg:$0x1]  }
0x4e4: {  	s0 =	sadd.s32 @!p0 $0x100000, s0  }
0x4e5: {  	[sflag:s0] =	ssyncadd.tile.s32 @!p0 $0x1;
	_ =	shalt  }
.LBB2_1:
0x4e6: {  	s15 =	simm.s32 $0x1480  }
.Ltmp3:
0x4e7: {  	s29 =	simm.s32 $0x1400;
	s28 =	simm.s32 $0x1580;
	(pc) =	sbr.rel .LBB2_6-.Ltmp3, $4  }
0x4e8: {  	s26 =	simm.s32 $0x1500;
	s25 =	simm.s32 $0x1680;
	s24 =	simm.s32 $0x1600  }
0x4e9: {  	s23 =	simm.s32 $0x1780;
	s22 =	simm.s32 $0x1700;
	s21 =	simm.s32 $0x1880  }
0x4ea: {  	s20 =	simm.s32 $0x1800;
	s19 =	simm.s32 $0x1980;
	s18 =	simm.s32 $0x1900  }
0x4eb: {  	s17 =	simm.s32 $0x1A80;
	s16 =	simm.s32 $0x1A00;
	s14 =	simm.s32 $0x1B00  }
.LBB2_3:
0x4ec: {  	s15 =	simm.s32 $0x1480;
	s29 =	simm.s32 $0x1400  }
.Ltmp4:
0x4ed: {  	s28 =	simm.s32 $0x1580;
	s26 =	simm.s32 $0x1500;
	(pc) =	sbr.rel .LBB2_6-.Ltmp4, $4  }
0x4ee: {  	s25 =	simm.s32 $0x1680;
	s24 =	simm.s32 $0x1600;
	s23 =	simm.s32 $0x1780  }
0x4ef: {  	s22 =	simm.s32 $0x1700;
	s21 =	simm.s32 $0x1880;
	s20 =	simm.s32 $0x1800  }
0x4f0: {  	s19 =	simm.s32 $0x1980;
	s18 =	simm.s32 $0x1900;
	s17 =	simm.s32 $0x1A80  }
0x4f1: {  	s16 =	simm.s32 $0x1A00;
	s14 =	simm.s32 $0x1B00;
	s13 =	stileid.u32  }
.Lfunc_end2:
_tile_overlayer_lowered:
.L_overlay_start_2:
0x4f2: {  	(tag) =	ssettag $0x2  }
0x4f3: {  	s0 =	rddreg [dreg:$0x0];
	s2 =	stileid.u32  }
0x4f4: {  	s1 =	rddreg [dreg:$0x1];
	p0 =	sne.s32 s2, $0x0  }
0x4f5: {  	s3 =	rddreg [dreg:$0x2];
	[bflag:$0x3] =	sbarrier.arrive $0xFFFF;
	s2 =	simm.s32 @!p0 $0x1C05  }
0x4f6: {  	[timem:s3], [sflag:s2] =	dma.local @!p0 [hbm:s0], s1  }
0x4f7: {  	s0 =	simm.s32 @!p0 $0x5  }
0x4f8: {  	_ =	swait.ge @!p0 [sflag:s0], s1  }
0x4f9: {  	s1 =	ssub.s32 @!p0 $0x0, s1;
	[sflag:s0] =	ssyncset.done @!p0 $0x0  }
0x4fa: {  	[sflag:s0] =	ssyncadd.s32 @!p0 s1  }
0x4fb: {  	[bflag:$0x3] =	sbarrier.arrive $0xFFFF  }
0x4fc: {  	_ =	shalt  }

// kernel: sparse-core-data-format-call.cloned.1.call-start
scs
called_computation_lowered:
.L_overlay_start_0:
0x0: {  	s2 =	sld [smem:$0x3FD9]  }
0x1: {  	s3 =	sld [smem:$0x3FFE];
	_ =	sdelay $0x1  }
0x2: {  	s1 =	srdreg.scid  }
0x3: {  	s0 =	sand.u32 $0x1, s1  }
0x4: {  	s18 =	sshll.u32 s0, $0xA;
	s2 =	sadd.s32 s3, s2  }
0x5: {  	s2 =	sadd.s32 s2, s18  }
0x6: {  	[smem:$0x3FC6] =	sst s2  }
0x7: {  	_ = 	snop  }
0x8: {  	s2 =	sld [smem:$0x3FD0];
	(tm) =	ssettm $0x1  }
0x9: {  	s19 =	sld [smem:$0x3FFB];
	_ =	sdelay $0x3  }
0xa: {  	_ =	strace s19  }
0xb: {  	s3 =	sld [smem:$0x3FFC];
	_ =	sdelay $0x3  }
0xc: {  	_ =	strace s3  }
0xd: {  	s3 =	sld [smem:$0x3FFD];
	_ =	sdelay $0x3  }
0xe: {  	_ =	strace s3  }
0xf: {  	_ =	strace $0x8FFFFFFF  }
0x10: {  	s20 =	sld [smem:$0x3FDB];
	_ =	sdelay $0x1  }
0x11: {  	s4 =	simm.s32 $_scs_section_size  }
0x12: {  	s5 =	simm.s32 $_size__tile_overlayer_lowered;
	s6 =	simm.s32 $_tile_overlayer_lowered  }
0x13: {  	s23 =	simm.s32 $0x1BFF;
	s22 =	sshll.u32 s6, $0x1;
	s3 =	sadd.s32 s4, s20  }
0x14: {  	s7 =	simm.s32 $0x0;
	s21 =	sshll.u32 s5, $0x1;
	s5 =	sadd.s32 s22, s3  }
0x15: {  	[timem:s7], [sflag:s23] =	dma.local [hbm:s5], s21  }
0x16: {  	_ =	swait.ge [sflag:s23], s21  }
0x17: {  	s4 =	ssub.s32 $0x0, s21;
	[sflag:s23] =	ssyncset.done $0x0  }
0x18: {  	[sflag:s23] =	ssyncadd.s32 s4;
	_ =	sdelay $0x1  }
0x19: {  	s24 =	simm.s32 $0x1B8B  }
0x1a: {  	_ =	swait.ge [sflag:s24], $0x1  }
0x1b: {  	[sflag:s24] =	ssyncset.done $0x0  }
0x1c: {  	s26 =	simm.s32 $0x1B8E;
	s25 =	sld [smem:$0x3FFE];
	[sflag:s24] =	ssyncadd.s32 $0xFFFFFFFF  }
0x1d: {  	s27 =	simm.s32 $execute0_lowered;
	[smem:$0x3FD2] =	sst s26  }
0x1e: {  	s5 =	sshll.u32 s27, $0x1;
	_ =	strace $0x80000049;
	[dreg:$0x1] =	wrdreg $0xFFFFFFFF  }
0x1f: {  	s28 =	simm.s32 $_size_execute0_lowered;
	s3 =	sadd.s32 s3, s5;
	[dreg:$0x0] =	wrdreg $0x0  }
0x20: {  	s5 =	sshll.u32 s28, $0x1;
	[dreg:$0x2] =	wrdreg s3  }
0x21: {  	[dreg:$0x3] =	wrdreg s5  }
0x22: {  	[dreg:$0x4] =	wrdreg $0xC0  }
0x23: {  	_ =	task [dreg:s7], $0x5FFFF  }
0x24: {  	[dreg:$0x1] =	wrdreg $0xFFFFFFFF  }
0x25: {  	[dreg:$0x0] =	wrdreg $0x60  }
0x26: {  	[dreg:$0x2] =	wrdreg s25  }
0x27: {  	[dreg:$0x3] =	wrdreg s2  }
0x28: {  	[dreg:$0x4] =	wrdreg $0x9  }
0x29: {  	_ =	task.clear_ibuf [dreg:s7], $0x5FFFF;
	_ =	strace $0x90000049  }
0x2a: {  	s29 =	simm.s32 $0x9;
	_ =	strace $0x8000004B  }
0x2b: {  	_ =	swait.ge [sflag:s29], $0x1  }
0x2c: {  	[sflag:s29] =	ssyncadd.s32 $0xFFFFFFFF  }
0x2d: {  	_ =	strace $0x9000004B  }
0x2e: {  	_ =	sfence  }
0x2f: {  	s30 =	sld [smem:$0x0];
	_ =	sdelay $0x2  }
0x30: {  	s31 =	sshll.u32 s1, $0xD;
	s1 =	sshrl.u32 s1, $0x2  }
0x31: {  	s3 =	sand.u32 $0x4000, s31;
	s1 =	sadd.s32 s1, s30  }
0x32: {  	s0 =	sor.u32 s3, s0;
	s1 =	sshll.u32 s1, $0x11  }
0x33: {  	s0 =	sor.u32 s1, s0  }
0x34: {  	s0 =	sadd.s32 $0x8F2B, s0  }
0x35: {  	[sflag:s0] =	ssyncadd.remote.s32 $0x1  }
0x36: {  	_ =	sfence.sel $0xFFFF  }
0x37: {  	[dreg:$0x0] =	wrdreg $0xFFFFFFFF;
	(pc) =	sbr.abs _section_cstart, $3  }
0x38: {  	[dreg:$0x1] =	wrdreg $0xFFFFFFFF  }
0x39: {  	_ =	task.clear_ibuf [dreg:s7], $0x2FFFF;
	_ =	strace $0x9FFFFFFF  }
0x3a: {  	(tm) =	ssettm $0x7FFFFFFF  }
0x3b: {  	_ =	shalt  }
tec
execute0_lowered:
.L_overlay_start_1:
0x0: {  	(tag) =	ssettag $0x1  }
0x1: {  	s0 =	srdreg.scid  }
0x2: {  	s1 =	sshll.u32 s0, $0x4  }
0x3: {  	s0 =	stileid.u32;
	s1 =	sand.u32 $0x10, s1  }
0x4: {  	s1 =	sor.u32 s0, s1  }
0x5: {  	s6 =	rddreg [dreg:$0x0];
	s4 =	simm.s32 $0x1;
	s2 =	sshll.u32 s1, $0x7  }
0x6: {  	s7 =	simm.s32 $0x2;
	s12 =	simm.s32 $0x0;
	s1 =	ssub.s32 $0x1000, s2  }
0x7: {  	s8 =	simm.s32 $0x8000;
	s13 =	simm.s32 $0x0;
	s3 =	sand.u32 $0xF80, s1  }
0x8: {  	s9 =	simm.s32 $0x0;
	s5 =	sshrl.u32 s1, $0xC;
	p0 =	sne.s32 s3, $0x0  }
.Ltmp0:
0x9: {  	s1 =	rddreg [dreg:$0x2];
	s4 =	simm.s32 @!p0 $0x0;
	(pc) =	sbr.rel .LBB1_1-.Ltmp0, $4  }
0xa: {  	s11 =	simm.s32 $0x0;
	s3 =	rddreg [dreg:$0x1];
	s5 =	sadd.s32 s4, s5  }
0xb: {  	_ =	strace $0x8000004A;
	s4 =	simm.s32 $0x1;
	s5 =	smul.u32 $0x32, s5  }
0xc: {  	s6 =	sadd.s32 $0x18E400, s6;
	s10 =	smov.u32 s2;
	[sflag:s4] =	ssyncpa.u1 $0x0  }
0xd: {  	p0 =	por $0x0, $0x0;
	[sflag:s7] =	ssyncpa.u1 $0x0;
	s7 =	sor.u32 $0x1, s5  }
.LBB1_4:
0xe: {  	s16 =	sshll.u32 s13, $0x3;
	s17 =	sand.u32 $0x78, s13  }
0xf: {  	s30 =	sand.u32 $0x7E00, s13;
	s12 =	sshll.u32 s12, $0xF;
	s16 =	sand.u32 $0xC00, s16  }
0x10: {  	[tilespmem:s15+$0x810 ss:$0x81] =	vst.msk $0xffff, v2;
	s31 =	sand.u32 $0x7, s13;
	s16 =	sor.u32 s17, s16;
	s17 =	sadd.s32 s3, s30  }
0x11: {  	[tilespmem:s15+$0x1020 ss:$0x81] =	vst.msk $0xffff, v0;
	s13 =	sshll.u32 s31, $0x12;
	s12 =	sadd.s32 s12, s17;
	s16 =	sshrl.u32 s16, $0x3  }
0x12: {  	[tilespmem:s15+$0x0 ss:$0x81] =	vst.msk $0xffff, v1;
	s13 =	sor.u32 $0x400, s13;
	s12 =	sadd.s32 s16, s12  }
0x13: {  	[hbm4b:s12+s13] =	stream.strided.scatter [tilespmem:s14], [sflag:$0x2], $0x2000, s8, s13, $0x20;
	[tilespmem:$0x8080] =	vst v63  }
.LBB1_5:
0x14: {  	s14 =	sadd.s32 $0x1, s9  }
0x15: {  	s12 =	sadd.s32 $0x1000, s10;
	s16 =	smov.u32 s10;
	p2 =	sgt.s32 s14, $0x31  }
0x16: {  	s16 =	smov.u32 @p2 s12  }
0x17: {  	s14 =	simm.s32 @p2 $0x0;
	p2 =	sgt.s32 s16, $0xFFF  }
0x18: {  	s16 =	smov.u32 @p2 s2;
	p2 =	sne.s32 s11, s7  }
.Ltmp1:
0x19: {  	p1 =	slt.u32 s11, $0x2;
	(pc) =	sbr.rel @!p2 .LBB1_6-.Ltmp1, $4  }
0x1a: {  	s15 =	simm.s32 @!p1 $0x2  }
0x1b: {  	s13 =	smov.u32 s10;
	p0 =	por !p0, !p0;
	_ =	swait.ge @!p1 [sflag:s15], $0x2000  }
0x1c: {  	s12 =	smov.u32 s9;
	[sflag:s15] =	ssyncset.done @!p1 $0x0;
	s9 =	smov.u32 s14  }
0x1d: {  	s11 =	sadd.s32 $0x1, s11;
	[sflag:s15] =	ssyncadd.s32 @!p1 $0xFFFFE000;
	s10 =	smov.u32 s16  }
.LBB1_1:
0x1e: {  	p1 =	sge.u32 s11, s5  }
0x1f: {  	s14 =	sand.u32 @!p1 $0x1FFFFFF, s9  }
0x20: {  	s15 =	smulhi.u32 @!p1 $0x4924925, s14;
	_ =	sdelay $0x1  }
0x21: {  	s15 =	smul.u32 @!p1 $0x38, s15  }
0x22: {  	s16 =	sxor.u32 @!p1 $0xFFFFFFFF, s11;
	s17 =	smul.u32 @!p1 $0x380, s10  }
0x23: {  	s31 =	sadd.s32 $0xFFFFFFFF, s11;
	s16 =	sshll.u32 @!p1 s16, $0xD;
	s14 =	ssub.s32 @!p1 s14, s15  }
0x24: {  	s15 =	sand.u32 @!p1 $0x2000, s16;
	s16 =	sadd.s32 @!p1 s6, s17;
	s14 =	sshll.u32 @!p1 s14, $0x4  }
0x25: {  	s17 =	simm.s32 @!p1 $0x1C00;
	s14 =	sadd.s32 @!p1 s14, s16;
	s16 =	simm.s32 @!p1 $0x40  }
0x26: {  	[tilespmem:s15], [sflag:$0x1] =	stream.strided.gather @!p1 [hbm4b:s14+s16], $0x2000, s17, s16, $0x38;
	[tilespmem:$0x8080] =	vst v63  }
0x27: {  	p1 =	sge.u32 s31, s5  }
.Ltmp2:
0x28: {  	_ = 	snop;
	(pc) =	sbr.rel @p1 .LBB1_5-.Ltmp2, $1  }
0x29: {  	_ =	sdelay $0x3  }
0x2a: {  	s14 =	simm.s32 $0x1  }
0x2b: {  	_ =	swait.ge [sflag:s4], $0x2000;
	s14 =	simm.s32 @!p0 $0x0  }
0x2c: {  	[sflag:s4] =	ssyncset.done $0x0;
	s15 =	sshll.u32 s14, $0xD  }
0x2d: {  	[sflag:s4] =	ssyncadd.s32 $0xFFFFE000;
	s18 =	sor.u32 $0x20, s15  }
0x2e: {  	s14 =	smul.u32 $0x8100, s14;
	v3 =	vld [tilespmem:s18+$0x10]  }
0x2f: {  	s30 =	sand.u32 $0x1, s11;
	v2 =	vld [tilespmem:s18+$0xFFFFFFF0]  }
0x30: {  	s15 =	smul.u32 $0x8100, s30;
	s14 =	sshrl.u32 s14, $0x2;
	v0 =	vld [tilespmem:s18+$0x0]  }
0x31: {  	v1 =	vld [tilespmem:s18+$0xFFFFFFE0];
	s16 =	sor.u32 $0x4000, s14  }
0x32: {  	s31 =	sshrl.u32 s15, $0x2;
	s15 =	sadd.s32 $0x0, s16  }
0x33: {  	s17 =	simm.s32 $0x4;
	s18 =	sadd.s32 $0x40, s18;
	s14 =	sor.u32 $0x4000, s31;
	[tilespmem:s15+$0x1830 ss:$0x81] =	vst.msk $0xffff, v3  }
.LBB1_3:
0x34: {  	v3 =	vld [tilespmem:s18+$0x10];
	p1 =	sne.s32 s17, $0x1FC;
	[tilespmem:s15+$0x810 ss:$0x81] =	vst.msk $0xffff, v2;
	s19 =	smov.u32 s17;
	s17 =	sadd.s32 $0x4, s17  }
.Ltmp3:
0x35: {  	v2 =	vld [tilespmem:s18+$0xFFFFFFF0];
	[tilespmem:s15+$0x1020 ss:$0x81] =	vst.msk $0xffff, v0;
	(pc) =	sbr.rel @p1 .LBB1_3-.Ltmp3, $4  }
0x36: {  	v0 =	vld [tilespmem:s18+$0x0];
	[tilespmem:s15+$0x0 ss:$0x81] =	vst.msk $0xffff, v1  }
0x37: {  	s15 =	sshra.s32 s19, $0x2;
	v1 =	vld [tilespmem:s18+$0xFFFFFFE0]  }
0x38: {  	s15 =	sadd.s32 s15, s16  }
0x39: {  	s18 =	sadd.s32 $0x40, s18;
	[tilespmem:s15+$0x1830 ss:$0x81] =	vst.msk $0xffff, v3  }
.Ltmp4:
0x3a: {  	_ = 	snop;
	(pc) =	sbr.rel .LBB1_4-.Ltmp4, $1  }
0x3b: {  	_ =	sdelay $0x3  }
.LBB1_6:
0x3c: {  	_ =	sfence.sel $0x180000  }
0x3d: {  	s2 =	simm.s32 $0x1;
	[bflag:$0x0] =	sbarrier.arrive $0xFFFF  }
0x3e: {  	s31 =	simm.s32 $0x2;
	[sflag:s2] =	ssyncpa.u1 $0x1  }
0x3f: {  	[sflag:s31] =	ssyncpa.u1 $0x1  }
0x40: {  	p0 =	sne.s32 s0, $0x0;
	_ =	strace $0x9000004A  }
0x41: {  	s0 =	sadd.s32 @!p0 $0x100000, s1;
	[bflag:$0x2] =	sbarrier.arrive $0xFFFF  }
0x42: {  	[sflag:s0] =	ssyncadd.tile.s32 @!p0 $0x1;
	_ =	shalt  }
.Lfunc_end1:
_tile_overlayer_lowered:
.L_overlay_start_2:
0x43: {  	(tag) =	ssettag $0x2  }
0x44: {  	s0 =	rddreg [dreg:$0x0];
	s2 =	stileid.u32  }
0x45: {  	s1 =	rddreg [dreg:$0x1];
	p0 =	sne.s32 s2, $0x0  }
0x46: {  	s3 =	rddreg [dreg:$0x2];
	[bflag:$0x3] =	sbarrier.arrive $0xFFFF;
	s2 =	simm.s32 @!p0 $0x1C01  }
0x47: {  	[timem:s3], [sflag:s2] =	dma.local @!p0 [hbm:s0], s1  }
0x48: {  	s0 =	simm.s32 @!p0 $0x1  }
0x49: {  	_ =	swait.ge @!p0 [sflag:s0], s1  }
0x4a: {  	s1 =	ssub.s32 @!p0 $0x0, s1;
	[sflag:s0] =	ssyncset.done @!p0 $0x0  }
0x4b: {  	[sflag:s0] =	ssyncadd.s32 @!p0 s1  }
0x4c: {  	[bflag:$0x3] =	sbarrier.arrive $0xFFFF  }
0x4d: {  	_ =	shalt  }

</sc_bundles>
